<compile_context>
chip_gen: v7x
topology: tpu7x:2x2x1
jax: 0.10.2.dev20260603
libtpu: 0.0.44.dev20260713+nightly
codegen_flags: <defaults>
</compile_context>

<pallas_src>
import functools

import jax
import jax.numpy as jnp
from jax import lax
from jax.experimental import pallas as pl
from jax.experimental.pallas import tpu as pltpu
from jax.experimental.pallas import tpu_sc as plsc

_N = 10000
_E = 320000
_D = 128
_H = 256
_OUT = 512
_NB = 25
_NPAD = 10240
_NT = 16
_NC = 2
_CH = 80
_CPT = 126
_EPT = _CPT * _CH
_EPC = _EPT * _NT
_GC1 = 42
_CPT2 = 99
_FPT = _CPT2 * _CH
_FPC = _FPT * _NT
_GC2 = 33
_NF = _N * _NB
_GE = _GC1 * _CH
_NS = 3
_RPT = _NPAD // _NT
_ZR = 32


def _mm2(agg, nbsum, deg, w1, w2):
  def body(a0_ref, a1_ref, n0_ref, n1_ref, d0_ref, d1_ref,
           w1_ref, w2_ref, o_ref):
    r = 1.0 / jnp.maximum(d0_ref[...] + d1_ref[...], 1.0)
    u = (a0_ref[...] + a1_ref[...]) * r \
        + (n0_ref[...] + n1_ref[...]) * (1.0 / _NB)
    h2 = jnp.maximum(
        jnp.dot(u, w1_ref[...], preferred_element_type=jnp.float32), 0.0)
    o_ref[...] = jnp.dot(h2, w2_ref[...], preferred_element_type=jnp.float32)
  nblk = _NPAD // 512
  return pl.pallas_call(
      body,
      grid=(nblk,),
      in_specs=[
          pl.BlockSpec((512, _D), lambda i: (i, 0)),
          pl.BlockSpec((512, _D), lambda i: (i + nblk, 0)),
          pl.BlockSpec((512, _D), lambda i: (i, 0)),
          pl.BlockSpec((512, _D), lambda i: (i + nblk, 0)),
          pl.BlockSpec((512, 1), lambda i: (i, 0)),
          pl.BlockSpec((512, 1), lambda i: (i + nblk, 0)),
          pl.BlockSpec((_D, _H), lambda i: (0, 0)),
          pl.BlockSpec((_H, _OUT), lambda i: (0, 0)),
      ],
      out_specs=pl.BlockSpec((512, _OUT), lambda i: (i, 0)),
      out_shape=jax.ShapeDtypeStruct((_N, _OUT), jnp.float32),
  )(agg, agg, nbsum, nbsum, deg, deg, w1, w2)


def _sc_aggregate(x, srcp, dstp, nbp, nbdst):
  mesh = plsc.VectorSubcoreMesh(core_axis_name="c", subcore_axis_name="s")
  out_type = (
      jax.ShapeDtypeStruct((_NC * _NPAD, _D), jnp.float32),
      jax.ShapeDtypeStruct((_NC * _NPAD, _D), jnp.float32),
      jax.ShapeDtypeStruct((_NC * _NPAD,), jnp.float32),
  )
  scratch = [
      pltpu.VMEM_SHARED((_NPAD, _D), jnp.float32),
      pltpu.VMEM_SHARED((_NPAD,), jnp.float32),
      pltpu.VMEM((_GE,), jnp.int32),
      pltpu.VMEM((_GE,), jnp.int32),
      pltpu.VMEM((_CH, _D), jnp.float32),
      pltpu.VMEM((_CH, _D), jnp.float32),
      pltpu.VMEM((_CH, _D), jnp.float32),
      pltpu.VMEM((_ZR, _D), jnp.float32),
      pltpu.VMEM((_RPT,), jnp.float32),
      pltpu.VMEM((_CH,), jnp.float32),
      pltpu.SemaphoreType.DMA,
      pltpu.SemaphoreType.DMA,
      pltpu.SemaphoreType.DMA,
      pltpu.SemaphoreType.DMA,
      pltpu.SemaphoreType.DMA,
      pltpu.SemaphoreType.DMA,
      pltpu.SemaphoreType.DMA,
  ]

  @functools.partial(pl.kernel, out_type=out_type, mesh=mesh,
                     scratch_types=scratch)
  def body(x_r, src_r, dst_r, nbp_r, nbdst_r, agg_o, nb_o, deg_o,
           acc_sh, deg_sh, gbuf_v, sbuf_v,
           rows0_v, rows1_v, rows2_v, zs_v, dstage_v, ones_v,
           g0, g1, g2, s0, s1, s2, dsem):
    rows = (rows0_v, rows1_v, rows2_v)
    gsem = (g0, g1, g2)
    ssem = (s0, s1, s2)
    c = lax.axis_index("c")
    s = lax.axis_index("s")
    rbase = s * _RPT
    zvec = jnp.zeros((16,), jnp.float32)

    def fill_zs(i, carry):
      for j in range(_D // 16):
        zs_v[i, pl.ds(j * 16, 16)] = zvec
      return carry

    lax.fori_loop(0, _ZR, fill_zs, 0)
    def zdrow(i, carry):
      dstage_v[pl.ds(i * 16, 16)] = zvec
      return carry
    lax.fori_loop(0, _RPT // 16, zdrow, 0)
    ovec = jnp.ones((16,), jnp.float32)
    def orow(i, carry):
      ones_v[pl.ds(i * 16, 16)] = ovec
      return carry
    lax.fori_loop(0, _CH // 16, orow, 0)

    for k in range(_RPT // _ZR):
      pltpu.sync_copy(zs_v, acc_sh.at[pl.ds(rbase + k * _ZR, _ZR)])
    pltpu.sync_copy(dstage_v, deg_sh.at[pl.ds(rbase, _RPT)])
    plsc.subcore_barrier()

    def run_phase(idx_r, idx_base, dst_r_, dst_base, gc, ngroups, do_deg):
      ge = gc * _CH
      def gslice(j):
        return gbuf_v.at[pl.ds(pl.multiple_of(j * _CH, 8), _CH)]
      def sslice(j):
        return sbuf_v.at[pl.ds(pl.multiple_of(j * _CH, 8), _CH)]
      def start(slot, j):
        pltpu.async_copy(x_r.at[gslice(j)], rows[slot], gsem[slot])
      def wait_scatter(slot, j):
        pltpu.make_async_copy(rows[slot], acc_sh.at[sslice(j)],
                              ssem[slot]).wait()
      def wait_deg(j):
        pltpu.make_async_copy(ones_v, deg_sh.at[sslice(j)], dsem).wait()
      def step(slot, slot2, j):
        t = j + 2
        @pl.when(t < gc)
        def _():
          @pl.when(t >= _NS)
          def _():
            wait_scatter(slot2, j - 1)
          start(slot2, t)
        pltpu.make_async_copy(x_r.at[gslice(j)], rows[slot],
                              gsem[slot]).wait()
        pltpu.async_copy(rows[slot], acc_sh.at[sslice(j)], ssem[slot],
                         add=True)
        if do_deg:
          pltpu.async_copy(ones_v, deg_sh.at[sslice(j)], dsem, add=True)
      def group(g, carry):
        o1 = pl.multiple_of(idx_base + g * ge, 8)
        o2 = pl.multiple_of(dst_base + g * ge, 8)
        pltpu.sync_copy(idx_r.at[pl.ds(o1, ge)], gbuf_v.at[pl.ds(0, ge)])
        pltpu.sync_copy(dst_r_.at[pl.ds(o2, ge)], sbuf_v.at[pl.ds(0, ge)])
        start(0, 0)
        start(1, 1)
        def triple(k, carry2):
          j0 = 3 * k
          step(0, 2, j0)
          step(1, 0, j0 + 1)
          step(2, 1, j0 + 2)
          return carry2
        lax.fori_loop(0, gc // _NS, triple, 0)
        for slot, j in ((0, gc - 3), (1, gc - 2), (2, gc - 1)):
          wait_scatter(slot, j)
        if do_deg:
          def dw(i, carry3):
            wait_deg(0)
            return carry3
          lax.fori_loop(0, gc, dw, 0)
        return carry
      lax.fori_loop(0, ngroups, group, 0)

    run_phase(src_r, c * _EPC + s * _EPT, dst_r, c * _EPC + s * _EPT,
              _GC1, _CPT // _GC1, True)
    plsc.subcore_barrier()

    obase = c * _NPAD + rbase
    for k in range(_RPT // _ZR):
      pltpu.sync_copy(acc_sh.at[pl.ds(rbase + k * _ZR, _ZR)], zs_v)
      pltpu.sync_copy(zs_v, agg_o.at[pl.ds(obase + k * _ZR, _ZR)])
    pltpu.sync_copy(deg_sh.at[pl.ds(rbase, _RPT)], dstage_v)
    pltpu.sync_copy(dstage_v, deg_o.at[pl.ds(obase, _RPT)])
    lax.fori_loop(0, _ZR, fill_zs, 0)
    for k in range(_RPT // _ZR):
      pltpu.sync_copy(zs_v, acc_sh.at[pl.ds(rbase + k * _ZR, _ZR)])
    plsc.subcore_barrier()

    run_phase(nbp_r, c * _FPC + s * _FPT, nbdst_r, c * _FPC + s * _FPT,
              _GC2, _CPT2 // _GC2, False)
    plsc.subcore_barrier()

    for k in range(_RPT // _ZR):
      pltpu.sync_copy(acc_sh.at[pl.ds(rbase + k * _ZR, _ZR)], zs_v)
      pltpu.sync_copy(zs_v, nb_o.at[pl.ds(obase + k * _ZR, _ZR)])

  return body(x, srcp, dstp, nbp, nbdst)


def kernel(x, edge_index, neighbors, W1, W2):
  src = edge_index[0]
  dst = edge_index[1]

  npe = _NC * _EPC - _E
  padg = jnp.arange(npe, dtype=jnp.int32) % _N
  pads = _N + (jnp.arange(npe, dtype=jnp.int32) % (_NPAD - _N))
  srcp = jnp.concatenate([src, padg])
  dstp = jnp.concatenate([dst, pads])
  npf = _NC * _FPC - _NF
  padgf = jnp.arange(npf, dtype=jnp.int32) % _N
  padsf = _N + (jnp.arange(npf, dtype=jnp.int32) % (_NPAD - _N))
  nbp = jnp.concatenate([neighbors.T.reshape(-1), padgf])
  nbd = jnp.tile(jnp.arange(_N, dtype=jnp.int32), _NB)
  nbdst = jnp.concatenate([nbd, padsf])

  agg, nbsum, deg = _sc_aggregate(x, srcp, dstp, nbp, nbdst)
  return _mm2(agg, nbsum, deg.reshape(_NC * _NPAD, 1), W1, W2)

# --- scband reference (transcript-rebuilt; emitter-appended) ---
"""Pipeline reference for scband-mask-gae-42941083025729 (READ-ONLY COPY).

The authoritative reference and input builder live on the scoring server;
editing this copy changes nothing except your own understanding.
"""

import jax, jax.numpy as jnp
import numpy as np

N = 10000
E = 320000
D = 128
H = 256
OUT = 512
NB = 25


def setup_inputs(seed: int = 0) -> dict:
    key = jax.random.key(seed)
    k1, k2, k3, k4, k5 = jax.random.split(key, 5)
    x = jax.random.normal(k1, (N, D), dtype=jnp.float32)
    edge_index = jax.random.randint(k2, (2, E), 0, N, dtype=jnp.int32)
    neighbors = jax.random.randint(k3, (N, NB), 0, N, dtype=jnp.int32)
    W1 = jax.random.normal(k4, (D, H), dtype=jnp.float32) * 0.05
    W2 = jax.random.normal(k5, (H, OUT), dtype=jnp.float32) * 0.05
    return {"x": x, "edge_index": edge_index, "neighbors": neighbors, "W1": W1, "W2": W2}


def reference(x, edge_index, neighbors, W1, W2):
    # MaskGAE.forward delegates to the injected GNN encoder and returns the
    # node embedding z of shape [N, 512] (the dimension consumed by
    # ClusterAssignment). Encoder modeled as a message-passing GCN layer with
    # neighbor-sample aggregation, followed by a projection to 512.
    src = edge_index[0]
    dst = edge_index[1]
    h = x @ W1                                   # [N, H]
    msgs = jnp.take(h, src, axis=0)              # gather   [E, H]
    agg = jax.ops.segment_sum(msgs, dst, num_segments=N)   # scatter-add [N, H]
    deg = jax.ops.segment_sum(jnp.ones((E,), dtype=h.dtype), dst, num_segments=N)
    agg = agg / jnp.maximum(deg, 1.0)[:, None]   # mean aggregation
    nb = jnp.take(h, neighbors.reshape(-1), axis=0).reshape(N, NB, H).mean(axis=1)
    h2 = jax.nn.relu(agg + nb)
    z = h2 @ W2                                  # [N, 512] embedding
    return z

if __name__ == "__main__":
    import jax
    _d = setup_inputs()
    print(jax.jit(kernel)(*tuple(_d.values())))

</pallas_src>

<mosaic_0001>
#map = affine_map<(d0, d1) -> (0, 0)>
#map1 = affine_map<(d0, d1) -> (0)>
module attributes {stable_mosaic.version = 14 : i64} {
  func.func @body(%arg0: i32, %arg1: i32, %arg2: memref<10000x128xf32, #tpu.memory_space<hbm>>, %arg3: memref<322560xi32, #tpu.memory_space<hbm>>, %arg4: memref<322560xi32, #tpu.memory_space<hbm>>, %arg5: memref<253440xi32, #tpu.memory_space<hbm>>, %arg6: memref<253440xi32, #tpu.memory_space<hbm>>, %arg7: memref<20480x128xf32, #tpu.memory_space<hbm>>, %arg8: memref<20480x128xf32, #tpu.memory_space<hbm>>, %arg9: memref<20480xf32, #tpu.memory_space<hbm>>, %arg10: memref<10240x128xf32, #tpu.memory_space<vmem_shared>>, %arg11: memref<10240xf32, #tpu.memory_space<vmem_shared>>, %arg12: memref<3360xi32, #tpu.memory_space<vmem>>, %arg13: memref<3360xi32, #tpu.memory_space<vmem>>, %arg14: memref<80x128xf32, #tpu.memory_space<vmem>>, %arg15: memref<80x128xf32, #tpu.memory_space<vmem>>, %arg16: memref<80x128xf32, #tpu.memory_space<vmem>>, %arg17: memref<32x128xf32, #tpu.memory_space<vmem>>, %arg18: memref<640xf32, #tpu.memory_space<vmem>>, %arg19: memref<80xf32, #tpu.memory_space<vmem>>, %arg20: memref<!tpu.dma_semaphore, #tpu.memory_space<semaphore_mem>>, %arg21: memref<!tpu.dma_semaphore, #tpu.memory_space<semaphore_mem>>, %arg22: memref<!tpu.dma_semaphore, #tpu.memory_space<semaphore_mem>>, %arg23: memref<!tpu.dma_semaphore, #tpu.memory_space<semaphore_mem>>, %arg24: memref<!tpu.dma_semaphore, #tpu.memory_space<semaphore_mem>>, %arg25: memref<!tpu.dma_semaphore, #tpu.memory_space<semaphore_mem>>, %arg26: memref<!tpu.dma_semaphore, #tpu.memory_space<semaphore_mem>>) attributes {dimension_semantics = [#tpu.dimension_semantics<core_parallel>, #tpu.dimension_semantics<subcore_parallel>], iteration_bounds = array<i64: 2, 16>, scalar_prefetch = 0 : i64, scratch_operands = 17 : i64, tpu.core_type = #tpu.core_type<sc_vector_subcore>, window_params = [{transform_indices = #map}, {transform_indices = #map1}, {transform_indices = #map1}, {transform_indices = #map1}, {transform_indices = #map1}, {transform_indices = #map}, {transform_indices = #map}, {transform_indices = #map1}]} {
    %mul3A = arith.constant 640 : i32
    %mul3A_0 = arith.muli %arg1, %mul3A : i32
    %broadcast_in_dim3A = arith.constant 0.000000e+00 : f32
    %broadcast_in_dim3A_1 = vector.broadcast %broadcast_in_dim3A : f32 to vector<16xf32>
    %scan3A = arith.constant 0 : i32
    %scan3A_2 = arith.constant 0 : i32
    %scan3A_3 = arith.constant 32 : i32
    %scan3A_4 = arith.addi %scan3A_2, %scan3A_3 : i32
    %scan3A_5 = arith.constant 1 : i32
    scf.for %scan3A_304 = %scan3A_2 to %scan3A_4 step %scan3A_5  : i32 {
      %swap3A = arith.index_cast %scan3A_304 : i32 to index
      %swap3A_305 = arith.constant 0 : index
      %swap3A_306 = tpu.vector_load %arg17[%swap3A, %swap3A_305] {strides = array<i32>} : memref<32x128xf32, #tpu.memory_space<vmem>>, vector<1x16xf32>,
      %swap3A_307 = vector.shape_cast %swap3A_306 : vector<1x16xf32> to vector<16xf32>
      %swap3A_308 = vector.shape_cast %broadcast_in_dim3A_1 : vector<16xf32> to vector<1x16xf32>
      tpu.vector_store %arg17[%swap3A, %swap3A_305], %swap3A_308 {strides = array<i32>} : memref<32x128xf32, #tpu.memory_space<vmem>>, vector<1x16xf32>,
      %swap3A_309 = arith.index_cast %scan3A_304 : i32 to index
      %swap3A_310 = arith.constant 16 : index
      %swap3A_311 = tpu.vector_load %arg17[%swap3A_309, %swap3A_310] {strides = array<i32>} : memref<32x128xf32, #tpu.memory_space<vmem>>, vector<1x16xf32>,
      %swap3A_312 = vector.shape_cast %swap3A_311 : vector<1x16xf32> to vector<16xf32>
      %swap3A_313 = vector.shape_cast %broadcast_in_dim3A_1 : vector<16xf32> to vector<1x16xf32>
      tpu.vector_store %arg17[%swap3A_309, %swap3A_310], %swap3A_313 {strides = array<i32>} : memref<32x128xf32, #tpu.memory_space<vmem>>, vector<1x16xf32>,
      %swap3A_314 = arith.index_cast %scan3A_304 : i32 to index
      %swap3A_315 = arith.constant 32 : index
      %swap3A_316 = tpu.vector_load %arg17[%swap3A_314, %swap3A_315] {strides = array<i32>} : memref<32x128xf32, #tpu.memory_space<vmem>>, vector<1x16xf32>,
      %swap3A_317 = vector.shape_cast %swap3A_316 : vector<1x16xf32> to vector<16xf32>
      %swap3A_318 = vector.shape_cast %broadcast_in_dim3A_1 : vector<16xf32> to vector<1x16xf32>
      tpu.vector_store %arg17[%swap3A_314, %swap3A_315], %swap3A_318 {strides = array<i32>} : memref<32x128xf32, #tpu.memory_space<vmem>>, vector<1x16xf32>,
      %swap3A_319 = arith.index_cast %scan3A_304 : i32 to index
      %swap3A_320 = arith.constant 48 : index
      %swap3A_321 = tpu.vector_load %arg17[%swap3A_319, %swap3A_320] {strides = array<i32>} : memref<32x128xf32, #tpu.memory_space<vmem>>, vector<1x16xf32>,
      %swap3A_322 = vector.shape_cast %swap3A_321 : vector<1x16xf32> to vector<16xf32>
      %swap3A_323 = vector.shape_cast %broadcast_in_dim3A_1 : vector<16xf32> to vector<1x16xf32>
      tpu.vector_store %arg17[%swap3A_319, %swap3A_320], %swap3A_323 {strides = array<i32>} : memref<32x128xf32, #tpu.memory_space<vmem>>, vector<1x16xf32>,
      %swap3A_324 = arith.index_cast %scan3A_304 : i32 to index
      %swap3A_325 = arith.constant 64 : index
      %swap3A_326 = tpu.vector_load %arg17[%swap3A_324, %swap3A_325] {strides = array<i32>} : memref<32x128xf32, #tpu.memory_space<vmem>>, vector<1x16xf32>,
      %swap3A_327 = vector.shape_cast %swap3A_326 : vector<1x16xf32> to vector<16xf32>
      %swap3A_328 = vector.shape_cast %broadcast_in_dim3A_1 : vector<16xf32> to vector<1x16xf32>
      tpu.vector_store %arg17[%swap3A_324, %swap3A_325], %swap3A_328 {strides = array<i32>} : memref<32x128xf32, #tpu.memory_space<vmem>>, vector<1x16xf32>,
      %swap3A_329 = arith.index_cast %scan3A_304 : i32 to index
      %swap3A_330 = arith.constant 80 : index
      %swap3A_331 = tpu.vector_load %arg17[%swap3A_329, %swap3A_330] {strides = array<i32>} : memref<32x128xf32, #tpu.memory_space<vmem>>, vector<1x16xf32>,
      %swap3A_332 = vector.shape_cast %swap3A_331 : vector<1x16xf32> to vector<16xf32>
      %swap3A_333 = vector.shape_cast %broadcast_in_dim3A_1 : vector<16xf32> to vector<1x16xf32>
      tpu.vector_store %arg17[%swap3A_329, %swap3A_330], %swap3A_333 {strides = array<i32>} : memref<32x128xf32, #tpu.memory_space<vmem>>, vector<1x16xf32>,
      %swap3A_334 = arith.index_cast %scan3A_304 : i32 to index
      %swap3A_335 = arith.constant 96 : index
      %swap3A_336 = tpu.vector_load %arg17[%swap3A_334, %swap3A_335] {strides = array<i32>} : memref<32x128xf32, #tpu.memory_space<vmem>>, vector<1x16xf32>,
      %swap3A_337 = vector.shape_cast %swap3A_336 : vector<1x16xf32> to vector<16xf32>
      %swap3A_338 = vector.shape_cast %broadcast_in_dim3A_1 : vector<16xf32> to vector<1x16xf32>
      tpu.vector_store %arg17[%swap3A_334, %swap3A_335], %swap3A_338 {strides = array<i32>} : memref<32x128xf32, #tpu.memory_space<vmem>>, vector<1x16xf32>,
      %swap3A_339 = arith.index_cast %scan3A_304 : i32 to index
      %swap3A_340 = arith.constant 112 : index
      %swap3A_341 = tpu.vector_load %arg17[%swap3A_339, %swap3A_340] {strides = array<i32>} : memref<32x128xf32, #tpu.memory_space<vmem>>, vector<1x16xf32>,
      %swap3A_342 = vector.shape_cast %swap3A_341 : vector<1x16xf32> to vector<16xf32>
      %swap3A_343 = vector.shape_cast %broadcast_in_dim3A_1 : vector<16xf32> to vector<1x16xf32>
      tpu.vector_store %arg17[%swap3A_339, %swap3A_340], %swap3A_343 {strides = array<i32>} : memref<32x128xf32, #tpu.memory_space<vmem>>, vector<1x16xf32>,
    }
    %scan3A_6 = arith.constant 32 : i32
    %scan3A_7 = arith.constant 0 : i32
    %scan3A_8 = arith.constant 0 : i32
    %scan3A_9 = arith.constant 40 : i32
    %scan3A_10 = arith.addi %scan3A_8, %scan3A_9 : i32
    %scan3A_11 = arith.constant 1 : i32
    scf.for %scan3A_304 = %scan3A_8 to %scan3A_10 step %scan3A_11  : i32 {
      %mul3A_305 = arith.constant 16 : i32
      %mul3A_306 = arith.muli %scan3A_304, %mul3A_305 : i32
      %swap3A = arith.index_cast %mul3A_306 : i32 to index
      %swap3A_307 = tpu.vector_load %arg18[%swap3A] {strides = array<i32>} : memref<640xf32, #tpu.memory_space<vmem>>, vector<16xf32>,
      %swap3A_308 = vector.shape_cast %swap3A_307 : vector<16xf32> to vector<16xf32>
      %swap3A_309 = vector.shape_cast %broadcast_in_dim3A_1 : vector<16xf32> to vector<16xf32>
      tpu.vector_store %arg18[%swap3A], %swap3A_309 {strides = array<i32>} : memref<640xf32, #tpu.memory_space<vmem>>, vector<16xf32>,
    }
    %scan3A_12 = arith.constant 40 : i32
    %broadcast_in_dim3A_13 = arith.constant 1.000000e+00 : f32
    %broadcast_in_dim3A_14 = vector.broadcast %broadcast_in_dim3A_13 : f32 to vector<16xf32>
    %scan3A_15 = arith.constant 0 : i32
    %scan3A_16 = arith.constant 0 : i32
    %scan3A_17 = arith.constant 5 : i32
    %scan3A_18 = arith.addi %scan3A_16, %scan3A_17 : i32
    %scan3A_19 = arith.constant 1 : i32
    scf.for %scan3A_304 = %scan3A_16 to %scan3A_18 step %scan3A_19  : i32 {
      %mul3A_305 = arith.constant 16 : i32
      %mul3A_306 = arith.muli %scan3A_304, %mul3A_305 : i32
      %swap3A = arith.index_cast %mul3A_306 : i32 to index
      %swap3A_307 = tpu.vector_load %arg19[%swap3A] {strides = array<i32>} : memref<80xf32, #tpu.memory_space<vmem>>, vector<16xf32>,
      %swap3A_308 = vector.shape_cast %swap3A_307 : vector<16xf32> to vector<16xf32>
      %swap3A_309 = vector.shape_cast %broadcast_in_dim3A_14 : vector<16xf32> to vector<16xf32>
      tpu.vector_store %arg19[%swap3A], %swap3A_309 {strides = array<i32>} : memref<80xf32, #tpu.memory_space<vmem>>, vector<16xf32>,
    }
    %scan3A_20 = arith.constant 5 : i32
    %add3A = arith.constant 0 : i32
    %add3A_21 = arith.addi %mul3A_0, %add3A : i32
    "tpu.region"() ({
      %run_scoped3A = tpu.sem_alloc : memref<!tpu.dma_semaphore, #tpu.memory_space<semaphore_mem>>
      %dma_start3A = arith.constant 0 : i32
      %dma_start3A_304 = tpu.memref_slice %arg10[%add3A_21, %dma_start3A] : memref<10240x128xf32, #tpu.memory_space<vmem_shared>> -> memref<32x128xf32, #tpu.memory_space<vmem_shared>>
      %dma_start3A_305 = arith.constant 0 : i32
      %dma_start3A_306 = tpu.memref_slice %arg10[%add3A_21, %dma_start3A_305] : memref<10240x128xf32, #tpu.memory_space<vmem_shared>> -> memref<32x128xf32, #tpu.memory_space<vmem_shared>>
      tpu.enqueue_dma source(%arg17 : memref<32x128xf32, #tpu.memory_space<vmem>>) target(%dma_start3A_306 : memref<32x128xf32, #tpu.memory_space<vmem_shared>>) target_semaphore(%run_scoped3A : memref<!tpu.dma_semaphore, #tpu.memory_space<semaphore_mem>>)
      %dma_wait3A = arith.constant 0 : i32
      %dma_wait3A_307 = tpu.memref_slice %arg10[%add3A_21, %dma_wait3A] : memref<10240x128xf32, #tpu.memory_space<vmem_shared>> -> memref<32x128xf32, #tpu.memory_space<vmem_shared>>
      %dma_wait3A_308 = arith.constant 0 : i32
      %dma_wait3A_309 = tpu.memref_slice %arg10[%add3A_21, %dma_wait3A_308] : memref<10240x128xf32, #tpu.memory_space<vmem_shared>> -> memref<32x128xf32, #tpu.memory_space<vmem_shared>>
      tpu.wait_dma2 semaphore(%run_scoped3A : memref<!tpu.dma_semaphore, #tpu.memory_space<semaphore_mem>>) src(%arg17 : memref<32x128xf32, #tpu.memory_space<vmem>>) dst(%dma_wait3A_309 : memref<32x128xf32, #tpu.memory_space<vmem_shared>>)
      tpu.yield
    }) : () -> ()
    %add3A_22 = arith.constant 32 : i32
    %add3A_23 = arith.addi %mul3A_0, %add3A_22 : i32
    "tpu.region"() ({
      %run_scoped3A = tpu.sem_alloc : memref<!tpu.dma_semaphore, #tpu.memory_space<semaphore_mem>>
      %dma_start3A = arith.constant 0 : i32
      %dma_start3A_304 = tpu.memref_slice %arg10[%add3A_23, %dma_start3A] : memref<10240x128xf32, #tpu.memory_space<vmem_shared>> -> memref<32x128xf32, #tpu.memory_space<vmem_shared>>
      %dma_start3A_305 = arith.constant 0 : i32
      %dma_start3A_306 = tpu.memref_slice %arg10[%add3A_23, %dma_start3A_305] : memref<10240x128xf32, #tpu.memory_space<vmem_shared>> -> memref<32x128xf32, #tpu.memory_space<vmem_shared>>
      tpu.enqueue_dma source(%arg17 : memref<32x128xf32, #tpu.memory_space<vmem>>) target(%dma_start3A_306 : memref<32x128xf32, #tpu.memory_space<vmem_shared>>) target_semaphore(%run_scoped3A : memref<!tpu.dma_semaphore, #tpu.memory_space<semaphore_mem>>)
      %dma_wait3A = arith.constant 0 : i32
      %dma_wait3A_307 = tpu.memref_slice %arg10[%add3A_23, %dma_wait3A] : memref<10240x128xf32, #tpu.memory_space<vmem_shared>> -> memref<32x128xf32, #tpu.memory_space<vmem_shared>>
      %dma_wait3A_308 = arith.constant 0 : i32
      %dma_wait3A_309 = tpu.memref_slice %arg10[%add3A_23, %dma_wait3A_308] : memref<10240x128xf32, #tpu.memory_space<vmem_shared>> -> memref<32x128xf32, #tpu.memory_space<vmem_shared>>
      tpu.wait_dma2 semaphore(%run_scoped3A : memref<!tpu.dma_semaphore, #tpu.memory_space<semaphore_mem>>) src(%arg17 : memref<32x128xf32, #tpu.memory_space<vmem>>) dst(%dma_wait3A_309 : memref<32x128xf32, #tpu.memory_space<vmem_shared>>)
      tpu.yield
    }) : () -> ()
    %add3A_24 = arith.constant 64 : i32
    %add3A_25 = arith.addi %mul3A_0, %add3A_24 : i32
    "tpu.region"() ({
      %run_scoped3A = tpu.sem_alloc : memref<!tpu.dma_semaphore, #tpu.memory_space<semaphore_mem>>
      %dma_start3A = arith.constant 0 : i32
      %dma_start3A_304 = tpu.memref_slice %arg10[%add3A_25, %dma_start3A] : memref<10240x128xf32, #tpu.memory_space<vmem_shared>> -> memref<32x128xf32, #tpu.memory_space<vmem_shared>>
      %dma_start3A_305 = arith.constant 0 : i32
      %dma_start3A_306 = tpu.memref_slice %arg10[%add3A_25, %dma_start3A_305] : memref<10240x128xf32, #tpu.memory_space<vmem_shared>> -> memref<32x128xf32, #tpu.memory_space<vmem_shared>>
      tpu.enqueue_dma source(%arg17 : memref<32x128xf32, #tpu.memory_space<vmem>>) target(%dma_start3A_306 : memref<32x128xf32, #tpu.memory_space<vmem_shared>>) target_semaphore(%run_scoped3A : memref<!tpu.dma_semaphore, #tpu.memory_space<semaphore_mem>>)
      %dma_wait3A = arith.constant 0 : i32
      %dma_wait3A_307 = tpu.memref_slice %arg10[%add3A_25, %dma_wait3A] : memref<10240x128xf32, #tpu.memory_space<vmem_shared>> -> memref<32x128xf32, #tpu.memory_space<vmem_shared>>
      %dma_wait3A_308 = arith.constant 0 : i32
      %dma_wait3A_309 = tpu.memref_slice %arg10[%add3A_25, %dma_wait3A_308] : memref<10240x128xf32, #tpu.memory_space<vmem_shared>> -> memref<32x128xf32, #tpu.memory_space<vmem_shared>>
      tpu.wait_dma2 semaphore(%run_scoped3A : memref<!tpu.dma_semaphore, #tpu.memory_space<semaphore_mem>>) src(%arg17 : memref<32x128xf32, #tpu.memory_space<vmem>>) dst(%dma_wait3A_309 : memref<32x128xf32, #tpu.memory_space<vmem_shared>>)
      tpu.yield
    }) : () -> ()
    %add3A_26 = arith.constant 96 : i32
    %add3A_27 = arith.addi %mul3A_0, %add3A_26 : i32
    "tpu.region"() ({
      %run_scoped3A = tpu.sem_alloc : memref<!tpu.dma_semaphore, #tpu.memory_space<semaphore_mem>>
      %dma_start3A = arith.constant 0 : i32
      %dma_start3A_304 = tpu.memref_slice %arg10[%add3A_27, %dma_start3A] : memref<10240x128xf32, #tpu.memory_space<vmem_shared>> -> memref<32x128xf32, #tpu.memory_space<vmem_shared>>
      %dma_start3A_305 = arith.constant 0 : i32
      %dma_start3A_306 = tpu.memref_slice %arg10[%add3A_27, %dma_start3A_305] : memref<10240x128xf32, #tpu.memory_space<vmem_shared>> -> memref<32x128xf32, #tpu.memory_space<vmem_shared>>
      tpu.enqueue_dma source(%arg17 : memref<32x128xf32, #tpu.memory_space<vmem>>) target(%dma_start3A_306 : memref<32x128xf32, #tpu.memory_space<vmem_shared>>) target_semaphore(%run_scoped3A : memref<!tpu.dma_semaphore, #tpu.memory_space<semaphore_mem>>)
      %dma_wait3A = arith.constant 0 : i32
      %dma_wait3A_307 = tpu.memref_slice %arg10[%add3A_27, %dma_wait3A] : memref<10240x128xf32, #tpu.memory_space<vmem_shared>> -> memref<32x128xf32, #tpu.memory_space<vmem_shared>>
      %dma_wait3A_308 = arith.constant 0 : i32
      %dma_wait3A_309 = tpu.memref_slice %arg10[%add3A_27, %dma_wait3A_308] : memref<10240x128xf32, #tpu.memory_space<vmem_shared>> -> memref<32x128xf32, #tpu.memory_space<vmem_shared>>
      tpu.wait_dma2 semaphore(%run_scoped3A : memref<!tpu.dma_semaphore, #tpu.memory_space<semaphore_mem>>) src(%arg17 : memref<32x128xf32, #tpu.memory_space<vmem>>) dst(%dma_wait3A_309 : memref<32x128xf32, #tpu.memory_space<vmem_shared>>)
      tpu.yield
    }) : () -> ()
    %add3A_28 = arith.constant 128 : i32
    %add3A_29 = arith.addi %mul3A_0, %add3A_28 : i32
    "tpu.region"() ({
      %run_scoped3A = tpu.sem_alloc : memref<!tpu.dma_semaphore, #tpu.memory_space<semaphore_mem>>
      %dma_start3A = arith.constant 0 : i32
      %dma_start3A_304 = tpu.memref_slice %arg10[%add3A_29, %dma_start3A] : memref<10240x128xf32, #tpu.memory_space<vmem_shared>> -> memref<32x128xf32, #tpu.memory_space<vmem_shared>>
      %dma_start3A_305 = arith.constant 0 : i32
      %dma_start3A_306 = tpu.memref_slice %arg10[%add3A_29, %dma_start3A_305] : memref<10240x128xf32, #tpu.memory_space<vmem_shared>> -> memref<32x128xf32, #tpu.memory_space<vmem_shared>>
      tpu.enqueue_dma source(%arg17 : memref<32x128xf32, #tpu.memory_space<vmem>>) target(%dma_start3A_306 : memref<32x128xf32, #tpu.memory_space<vmem_shared>>) target_semaphore(%run_scoped3A : memref<!tpu.dma_semaphore, #tpu.memory_space<semaphore_mem>>)
      %dma_wait3A = arith.constant 0 : i32
      %dma_wait3A_307 = tpu.memref_slice %arg10[%add3A_29, %dma_wait3A] : memref<10240x128xf32, #tpu.memory_space<vmem_shared>> -> memref<32x128xf32, #tpu.memory_space<vmem_shared>>
      %dma_wait3A_308 = arith.constant 0 : i32
      %dma_wait3A_309 = tpu.memref_slice %arg10[%add3A_29, %dma_wait3A_308] : memref<10240x128xf32, #tpu.memory_space<vmem_shared>> -> memref<32x128xf32, #tpu.memory_space<vmem_shared>>
      tpu.wait_dma2 semaphore(%run_scoped3A : memref<!tpu.dma_semaphore, #tpu.memory_space<semaphore_mem>>) src(%arg17 : memref<32x128xf32, #tpu.memory_space<vmem>>) dst(%dma_wait3A_309 : memref<32x128xf32, #tpu.memory_space<vmem_shared>>)
      tpu.yield
    }) : () -> ()
    %add3A_30 = arith.constant 160 : i32
    %add3A_31 = arith.addi %mul3A_0, %add3A_30 : i32
    "tpu.region"() ({
      %run_scoped3A = tpu.sem_alloc : memref<!tpu.dma_semaphore, #tpu.memory_space<semaphore_mem>>
      %dma_start3A = arith.constant 0 : i32
      %dma_start3A_304 = tpu.memref_slice %arg10[%add3A_31, %dma_start3A] : memref<10240x128xf32, #tpu.memory_space<vmem_shared>> -> memref<32x128xf32, #tpu.memory_space<vmem_shared>>
      %dma_start3A_305 = arith.constant 0 : i32
      %dma_start3A_306 = tpu.memref_slice %arg10[%add3A_31, %dma_start3A_305] : memref<10240x128xf32, #tpu.memory_space<vmem_shared>> -> memref<32x128xf32, #tpu.memory_space<vmem_shared>>
      tpu.enqueue_dma source(%arg17 : memref<32x128xf32, #tpu.memory_space<vmem>>) target(%dma_start3A_306 : memref<32x128xf32, #tpu.memory_space<vmem_shared>>) target_semaphore(%run_scoped3A : memref<!tpu.dma_semaphore, #tpu.memory_space<semaphore_mem>>)
      %dma_wait3A = arith.constant 0 : i32
      %dma_wait3A_307 = tpu.memref_slice %arg10[%add3A_31, %dma_wait3A] : memref<10240x128xf32, #tpu.memory_space<vmem_shared>> -> memref<32x128xf32, #tpu.memory_space<vmem_shared>>
      %dma_wait3A_308 = arith.constant 0 : i32
      %dma_wait3A_309 = tpu.memref_slice %arg10[%add3A_31, %dma_wait3A_308] : memref<10240x128xf32, #tpu.memory_space<vmem_shared>> -> memref<32x128xf32, #tpu.memory_space<vmem_shared>>
      tpu.wait_dma2 semaphore(%run_scoped3A : memref<!tpu.dma_semaphore, #tpu.memory_space<semaphore_mem>>) src(%arg17 : memref<32x128xf32, #tpu.memory_space<vmem>>) dst(%dma_wait3A_309 : memref<32x128xf32, #tpu.memory_space<vmem_shared>>)
      tpu.yield
    }) : () -> ()
    %add3A_32 = arith.constant 192 : i32
    %add3A_33 = arith.addi %mul3A_0, %add3A_32 : i32
    "tpu.region"() ({
      %run_scoped3A = tpu.sem_alloc : memref<!tpu.dma_semaphore, #tpu.memory_space<semaphore_mem>>
      %dma_start3A = arith.constant 0 : i32
      %dma_start3A_304 = tpu.memref_slice %arg10[%add3A_33, %dma_start3A] : memref<10240x128xf32, #tpu.memory_space<vmem_shared>> -> memref<32x128xf32, #tpu.memory_space<vmem_shared>>
      %dma_start3A_305 = arith.constant 0 : i32
      %dma_start3A_306 = tpu.memref_slice %arg10[%add3A_33, %dma_start3A_305] : memref<10240x128xf32, #tpu.memory_space<vmem_shared>> -> memref<32x128xf32, #tpu.memory_space<vmem_shared>>
      tpu.enqueue_dma source(%arg17 : memref<32x128xf32, #tpu.memory_space<vmem>>) target(%dma_start3A_306 : memref<32x128xf32, #tpu.memory_space<vmem_shared>>) target_semaphore(%run_scoped3A : memref<!tpu.dma_semaphore, #tpu.memory_space<semaphore_mem>>)
      %dma_wait3A = arith.constant 0 : i32
      %dma_wait3A_307 = tpu.memref_slice %arg10[%add3A_33, %dma_wait3A] : memref<10240x128xf32, #tpu.memory_space<vmem_shared>> -> memref<32x128xf32, #tpu.memory_space<vmem_shared>>
      %dma_wait3A_308 = arith.constant 0 : i32
      %dma_wait3A_309 = tpu.memref_slice %arg10[%add3A_33, %dma_wait3A_308] : memref<10240x128xf32, #tpu.memory_space<vmem_shared>> -> memref<32x128xf32, #tpu.memory_space<vmem_shared>>
      tpu.wait_dma2 semaphore(%run_scoped3A : memref<!tpu.dma_semaphore, #tpu.memory_space<semaphore_mem>>) src(%arg17 : memref<32x128xf32, #tpu.memory_space<vmem>>) dst(%dma_wait3A_309 : memref<32x128xf32, #tpu.memory_space<vmem_shared>>)
      tpu.yield
    }) : () -> ()
    %add3A_34 = arith.constant 224 : i32
    %add3A_35 = arith.addi %mul3A_0, %add3A_34 : i32
    "tpu.region"() ({
      %run_scoped3A = tpu.sem_alloc : memref<!tpu.dma_semaphore, #tpu.memory_space<semaphore_mem>>
      %dma_start3A = arith.constant 0 : i32
      %dma_start3A_304 = tpu.memref_slice %arg10[%add3A_35, %dma_start3A] : memref<10240x128xf32, #tpu.memory_space<vmem_shared>> -> memref<32x128xf32, #tpu.memory_space<vmem_shared>>
      %dma_start3A_305 = arith.constant 0 : i32
      %dma_start3A_306 = tpu.memref_slice %arg10[%add3A_35, %dma_start3A_305] : memref<10240x128xf32, #tpu.memory_space<vmem_shared>> -> memref<32x128xf32, #tpu.memory_space<vmem_shared>>
      tpu.enqueue_dma source(%arg17 : memref<32x128xf32, #tpu.memory_space<vmem>>) target(%dma_start3A_306 : memref<32x128xf32, #tpu.memory_space<vmem_shared>>) target_semaphore(%run_scoped3A : memref<!tpu.dma_semaphore, #tpu.memory_space<semaphore_mem>>)
      %dma_wait3A = arith.constant 0 : i32
      %dma_wait3A_307 = tpu.memref_slice %arg10[%add3A_35, %dma_wait3A] : memref<10240x128xf32, #tpu.memory_space<vmem_shared>> -> memref<32x128xf32, #tpu.memory_space<vmem_shared>>
      %dma_wait3A_308 = arith.constant 0 : i32
      %dma_wait3A_309 = tpu.memref_slice %arg10[%add3A_35, %dma_wait3A_308] : memref<10240x128xf32, #tpu.memory_space<vmem_shared>> -> memref<32x128xf32, #tpu.memory_space<vmem_shared>>
      tpu.wait_dma2 semaphore(%run_scoped3A : memref<!tpu.dma_semaphore, #tpu.memory_space<semaphore_mem>>) src(%arg17 : memref<32x128xf32, #tpu.memory_space<vmem>>) dst(%dma_wait3A_309 : memref<32x128xf32, #tpu.memory_space<vmem_shared>>)
      tpu.yield
    }) : () -> ()
    %add3A_36 = arith.constant 256 : i32
    %add3A_37 = arith.addi %mul3A_0, %add3A_36 : i32
    "tpu.region"() ({
      %run_scoped3A = tpu.sem_alloc : memref<!tpu.dma_semaphore, #tpu.memory_space<semaphore_mem>>
      %dma_start3A = arith.constant 0 : i32
      %dma_start3A_304 = tpu.memref_slice %arg10[%add3A_37, %dma_start3A] : memref<10240x128xf32, #tpu.memory_space<vmem_shared>> -> memref<32x128xf32, #tpu.memory_space<vmem_shared>>
      %dma_start3A_305 = arith.constant 0 : i32
      %dma_start3A_306 = tpu.memref_slice %arg10[%add3A_37, %dma_start3A_305] : memref<10240x128xf32, #tpu.memory_space<vmem_shared>> -> memref<32x128xf32, #tpu.memory_space<vmem_shared>>
      tpu.enqueue_dma source(%arg17 : memref<32x128xf32, #tpu.memory_space<vmem>>) target(%dma_start3A_306 : memref<32x128xf32, #tpu.memory_space<vmem_shared>>) target_semaphore(%run_scoped3A : memref<!tpu.dma_semaphore, #tpu.memory_space<semaphore_mem>>)
      %dma_wait3A = arith.constant 0 : i32
      %dma_wait3A_307 = tpu.memref_slice %arg10[%add3A_37, %dma_wait3A] : memref<10240x128xf32, #tpu.memory_space<vmem_shared>> -> memref<32x128xf32, #tpu.memory_space<vmem_shared>>
      %dma_wait3A_308 = arith.constant 0 : i32
      %dma_wait3A_309 = tpu.memref_slice %arg10[%add3A_37, %dma_wait3A_308] : memref<10240x128xf32, #tpu.memory_space<vmem_shared>> -> memref<32x128xf32, #tpu.memory_space<vmem_shared>>
      tpu.wait_dma2 semaphore(%run_scoped3A : memref<!tpu.dma_semaphore, #tpu.memory_space<semaphore_mem>>) src(%arg17 : memref<32x128xf32, #tpu.memory_space<vmem>>) dst(%dma_wait3A_309 : memref<32x128xf32, #tpu.memory_space<vmem_shared>>)
      tpu.yield
    }) : () -> ()
    %add3A_38 = arith.constant 288 : i32
    %add3A_39 = arith.addi %mul3A_0, %add3A_38 : i32
    "tpu.region"() ({
      %run_scoped3A = tpu.sem_alloc : memref<!tpu.dma_semaphore, #tpu.memory_space<semaphore_mem>>
      %dma_start3A = arith.constant 0 : i32
      %dma_start3A_304 = tpu.memref_slice %arg10[%add3A_39, %dma_start3A] : memref<10240x128xf32, #tpu.memory_space<vmem_shared>> -> memref<32x128xf32, #tpu.memory_space<vmem_shared>>
      %dma_start3A_305 = arith.constant 0 : i32
      %dma_start3A_306 = tpu.memref_slice %arg10[%add3A_39, %dma_start3A_305] : memref<10240x128xf32, #tpu.memory_space<vmem_shared>> -> memref<32x128xf32, #tpu.memory_space<vmem_shared>>
      tpu.enqueue_dma source(%arg17 : memref<32x128xf32, #tpu.memory_space<vmem>>) target(%dma_start3A_306 : memref<32x128xf32, #tpu.memory_space<vmem_shared>>) target_semaphore(%run_scoped3A : memref<!tpu.dma_semaphore, #tpu.memory_space<semaphore_mem>>)
      %dma_wait3A = arith.constant 0 : i32
      %dma_wait3A_307 = tpu.memref_slice %arg10[%add3A_39, %dma_wait3A] : memref<10240x128xf32, #tpu.memory_space<vmem_shared>> -> memref<32x128xf32, #tpu.memory_space<vmem_shared>>
      %dma_wait3A_308 = arith.constant 0 : i32
      %dma_wait3A_309 = tpu.memref_slice %arg10[%add3A_39, %dma_wait3A_308] : memref<10240x128xf32, #tpu.memory_space<vmem_shared>> -> memref<32x128xf32, #tpu.memory_space<vmem_shared>>
      tpu.wait_dma2 semaphore(%run_scoped3A : memref<!tpu.dma_semaphore, #tpu.memory_space<semaphore_mem>>) src(%arg17 : memref<32x128xf32, #tpu.memory_space<vmem>>) dst(%dma_wait3A_309 : memref<32x128xf32, #tpu.memory_space<vmem_shared>>)
      tpu.yield
    }) : () -> ()
    %add3A_40 = arith.constant 320 : i32
    %add3A_41 = arith.addi %mul3A_0, %add3A_40 : i32
    "tpu.region"() ({
      %run_scoped3A = tpu.sem_alloc : memref<!tpu.dma_semaphore, #tpu.memory_space<semaphore_mem>>
      %dma_start3A = arith.constant 0 : i32
      %dma_start3A_304 = tpu.memref_slice %arg10[%add3A_41, %dma_start3A] : memref<10240x128xf32, #tpu.memory_space<vmem_shared>> -> memref<32x128xf32, #tpu.memory_space<vmem_shared>>
      %dma_start3A_305 = arith.constant 0 : i32
      %dma_start3A_306 = tpu.memref_slice %arg10[%add3A_41, %dma_start3A_305] : memref<10240x128xf32, #tpu.memory_space<vmem_shared>> -> memref<32x128xf32, #tpu.memory_space<vmem_shared>>
      tpu.enqueue_dma source(%arg17 : memref<32x128xf32, #tpu.memory_space<vmem>>) target(%dma_start3A_306 : memref<32x128xf32, #tpu.memory_space<vmem_shared>>) target_semaphore(%run_scoped3A : memref<!tpu.dma_semaphore, #tpu.memory_space<semaphore_mem>>)
      %dma_wait3A = arith.constant 0 : i32
      %dma_wait3A_307 = tpu.memref_slice %arg10[%add3A_41, %dma_wait3A] : memref<10240x128xf32, #tpu.memory_space<vmem_shared>> -> memref<32x128xf32, #tpu.memory_space<vmem_shared>>
      %dma_wait3A_308 = arith.constant 0 : i32
      %dma_wait3A_309 = tpu.memref_slice %arg10[%add3A_41, %dma_wait3A_308] : memref<10240x128xf32, #tpu.memory_space<vmem_shared>> -> memref<32x128xf32, #tpu.memory_space<vmem_shared>>
      tpu.wait_dma2 semaphore(%run_scoped3A : memref<!tpu.dma_semaphore, #tpu.memory_space<semaphore_mem>>) src(%arg17 : memref<32x128xf32, #tpu.memory_space<vmem>>) dst(%dma_wait3A_309 : memref<32x128xf32, #tpu.memory_space<vmem_shared>>)
      tpu.yield
    }) : () -> ()
    %add3A_42 = arith.constant 352 : i32
    %add3A_43 = arith.addi %mul3A_0, %add3A_42 : i32
    "tpu.region"() ({
      %run_scoped3A = tpu.sem_alloc : memref<!tpu.dma_semaphore, #tpu.memory_space<semaphore_mem>>
      %dma_start3A = arith.constant 0 : i32
      %dma_start3A_304 = tpu.memref_slice %arg10[%add3A_43, %dma_start3A] : memref<10240x128xf32, #tpu.memory_space<vmem_shared>> -> memref<32x128xf32, #tpu.memory_space<vmem_shared>>
      %dma_start3A_305 = arith.constant 0 : i32
      %dma_start3A_306 = tpu.memref_slice %arg10[%add3A_43, %dma_start3A_305] : memref<10240x128xf32, #tpu.memory_space<vmem_shared>> -> memref<32x128xf32, #tpu.memory_space<vmem_shared>>
      tpu.enqueue_dma source(%arg17 : memref<32x128xf32, #tpu.memory_space<vmem>>) target(%dma_start3A_306 : memref<32x128xf32, #tpu.memory_space<vmem_shared>>) target_semaphore(%run_scoped3A : memref<!tpu.dma_semaphore, #tpu.memory_space<semaphore_mem>>)
      %dma_wait3A = arith.constant 0 : i32
      %dma_wait3A_307 = tpu.memref_slice %arg10[%add3A_43, %dma_wait3A] : memref<10240x128xf32, #tpu.memory_space<vmem_shared>> -> memref<32x128xf32, #tpu.memory_space<vmem_shared>>
      %dma_wait3A_308 = arith.constant 0 : i32
      %dma_wait3A_309 = tpu.memref_slice %arg10[%add3A_43, %dma_wait3A_308] : memref<10240x128xf32, #tpu.memory_space<vmem_shared>> -> memref<32x128xf32, #tpu.memory_space<vmem_shared>>
      tpu.wait_dma2 semaphore(%run_scoped3A : memref<!tpu.dma_semaphore, #tpu.memory_space<semaphore_mem>>) src(%arg17 : memref<32x128xf32, #tpu.memory_space<vmem>>) dst(%dma_wait3A_309 : memref<32x128xf32, #tpu.memory_space<vmem_shared>>)
      tpu.yield
    }) : () -> ()
    %add3A_44 = arith.constant 384 : i32
    %add3A_45 = arith.addi %mul3A_0, %add3A_44 : i32
    "tpu.region"() ({
      %run_scoped3A = tpu.sem_alloc : memref<!tpu.dma_semaphore, #tpu.memory_space<semaphore_mem>>
      %dma_start3A = arith.constant 0 : i32
      %dma_start3A_304 = tpu.memref_slice %arg10[%add3A_45, %dma_start3A] : memref<10240x128xf32, #tpu.memory_space<vmem_shared>> -> memref<32x128xf32, #tpu.memory_space<vmem_shared>>
      %dma_start3A_305 = arith.constant 0 : i32
      %dma_start3A_306 = tpu.memref_slice %arg10[%add3A_45, %dma_start3A_305] : memref<10240x128xf32, #tpu.memory_space<vmem_shared>> -> memref<32x128xf32, #tpu.memory_space<vmem_shared>>
      tpu.enqueue_dma source(%arg17 : memref<32x128xf32, #tpu.memory_space<vmem>>) target(%dma_start3A_306 : memref<32x128xf32, #tpu.memory_space<vmem_shared>>) target_semaphore(%run_scoped3A : memref<!tpu.dma_semaphore, #tpu.memory_space<semaphore_mem>>)
      %dma_wait3A = arith.constant 0 : i32
      %dma_wait3A_307 = tpu.memref_slice %arg10[%add3A_45, %dma_wait3A] : memref<10240x128xf32, #tpu.memory_space<vmem_shared>> -> memref<32x128xf32, #tpu.memory_space<vmem_shared>>
      %dma_wait3A_308 = arith.constant 0 : i32
      %dma_wait3A_309 = tpu.memref_slice %arg10[%add3A_45, %dma_wait3A_308] : memref<10240x128xf32, #tpu.memory_space<vmem_shared>> -> memref<32x128xf32, #tpu.memory_space<vmem_shared>>
      tpu.wait_dma2 semaphore(%run_scoped3A : memref<!tpu.dma_semaphore, #tpu.memory_space<semaphore_mem>>) src(%arg17 : memref<32x128xf32, #tpu.memory_space<vmem>>) dst(%dma_wait3A_309 : memref<32x128xf32, #tpu.memory_space<vmem_shared>>)
      tpu.yield
    }) : () -> ()
    %add3A_46 = arith.constant 416 : i32
    %add3A_47 = arith.addi %mul3A_0, %add3A_46 : i32
    "tpu.region"() ({
      %run_scoped3A = tpu.sem_alloc : memref<!tpu.dma_semaphore, #tpu.memory_space<semaphore_mem>>
      %dma_start3A = arith.constant 0 : i32
      %dma_start3A_304 = tpu.memref_slice %arg10[%add3A_47, %dma_start3A] : memref<10240x128xf32, #tpu.memory_space<vmem_shared>> -> memref<32x128xf32, #tpu.memory_space<vmem_shared>>
      %dma_start3A_305 = arith.constant 0 : i32
      %dma_start3A_306 = tpu.memref_slice %arg10[%add3A_47, %dma_start3A_305] : memref<10240x128xf32, #tpu.memory_space<vmem_shared>> -> memref<32x128xf32, #tpu.memory_space<vmem_shared>>
      tpu.enqueue_dma source(%arg17 : memref<32x128xf32, #tpu.memory_space<vmem>>) target(%dma_start3A_306 : memref<32x128xf32, #tpu.memory_space<vmem_shared>>) target_semaphore(%run_scoped3A : memref<!tpu.dma_semaphore, #tpu.memory_space<semaphore_mem>>)
      %dma_wait3A = arith.constant 0 : i32
      %dma_wait3A_307 = tpu.memref_slice %arg10[%add3A_47, %dma_wait3A] : memref<10240x128xf32, #tpu.memory_space<vmem_shared>> -> memref<32x128xf32, #tpu.memory_space<vmem_shared>>
      %dma_wait3A_308 = arith.constant 0 : i32
      %dma_wait3A_309 = tpu.memref_slice %arg10[%add3A_47, %dma_wait3A_308] : memref<10240x128xf32, #tpu.memory_space<vmem_shared>> -> memref<32x128xf32, #tpu.memory_space<vmem_shared>>
      tpu.wait_dma2 semaphore(%run_scoped3A : memref<!tpu.dma_semaphore, #tpu.memory_space<semaphore_mem>>) src(%arg17 : memref<32x128xf32, #tpu.memory_space<vmem>>) dst(%dma_wait3A_309 : memref<32x128xf32, #tpu.memory_space<vmem_shared>>)
      tpu.yield
    }) : () -> ()
    %add3A_48 = arith.constant 448 : i32
    %add3A_49 = arith.addi %mul3A_0, %add3A_48 : i32
    "tpu.region"() ({
      %run_scoped3A = tpu.sem_alloc : memref<!tpu.dma_semaphore, #tpu.memory_space<semaphore_mem>>
      %dma_start3A = arith.constant 0 : i32
      %dma_start3A_304 = tpu.memref_slice %arg10[%add3A_49, %dma_start3A] : memref<10240x128xf32, #tpu.memory_space<vmem_shared>> -> memref<32x128xf32, #tpu.memory_space<vmem_shared>>
      %dma_start3A_305 = arith.constant 0 : i32
      %dma_start3A_306 = tpu.memref_slice %arg10[%add3A_49, %dma_start3A_305] : memref<10240x128xf32, #tpu.memory_space<vmem_shared>> -> memref<32x128xf32, #tpu.memory_space<vmem_shared>>
      tpu.enqueue_dma source(%arg17 : memref<32x128xf32, #tpu.memory_space<vmem>>) target(%dma_start3A_306 : memref<32x128xf32, #tpu.memory_space<vmem_shared>>) target_semaphore(%run_scoped3A : memref<!tpu.dma_semaphore, #tpu.memory_space<semaphore_mem>>)
      %dma_wait3A = arith.constant 0 : i32
      %dma_wait3A_307 = tpu.memref_slice %arg10[%add3A_49, %dma_wait3A] : memref<10240x128xf32, #tpu.memory_space<vmem_shared>> -> memref<32x128xf32, #tpu.memory_space<vmem_shared>>
      %dma_wait3A_308 = arith.constant 0 : i32
      %dma_wait3A_309 = tpu.memref_slice %arg10[%add3A_49, %dma_wait3A_308] : memref<10240x128xf32, #tpu.memory_space<vmem_shared>> -> memref<32x128xf32, #tpu.memory_space<vmem_shared>>
      tpu.wait_dma2 semaphore(%run_scoped3A : memref<!tpu.dma_semaphore, #tpu.memory_space<semaphore_mem>>) src(%arg17 : memref<32x128xf32, #tpu.memory_space<vmem>>) dst(%dma_wait3A_309 : memref<32x128xf32, #tpu.memory_space<vmem_shared>>)
      tpu.yield
    }) : () -> ()
    %add3A_50 = arith.constant 480 : i32
    %add3A_51 = arith.addi %mul3A_0, %add3A_50 : i32
    "tpu.region"() ({
      %run_scoped3A = tpu.sem_alloc : memref<!tpu.dma_semaphore, #tpu.memory_space<semaphore_mem>>
      %dma_start3A = arith.constant 0 : i32
      %dma_start3A_304 = tpu.memref_slice %arg10[%add3A_51, %dma_start3A] : memref<10240x128xf32, #tpu.memory_space<vmem_shared>> -> memref<32x128xf32, #tpu.memory_space<vmem_shared>>
      %dma_start3A_305 = arith.constant 0 : i32
      %dma_start3A_306 = tpu.memref_slice %arg10[%add3A_51, %dma_start3A_305] : memref<10240x128xf32, #tpu.memory_space<vmem_shared>> -> memref<32x128xf32, #tpu.memory_space<vmem_shared>>
      tpu.enqueue_dma source(%arg17 : memref<32x128xf32, #tpu.memory_space<vmem>>) target(%dma_start3A_306 : memref<32x128xf32, #tpu.memory_space<vmem_shared>>) target_semaphore(%run_scoped3A : memref<!tpu.dma_semaphore, #tpu.memory_space<semaphore_mem>>)
      %dma_wait3A = arith.constant 0 : i32
      %dma_wait3A_307 = tpu.memref_slice %arg10[%add3A_51, %dma_wait3A] : memref<10240x128xf32, #tpu.memory_space<vmem_shared>> -> memref<32x128xf32, #tpu.memory_space<vmem_shared>>
      %dma_wait3A_308 = arith.constant 0 : i32
      %dma_wait3A_309 = tpu.memref_slice %arg10[%add3A_51, %dma_wait3A_308] : memref<10240x128xf32, #tpu.memory_space<vmem_shared>> -> memref<32x128xf32, #tpu.memory_space<vmem_shared>>
      tpu.wait_dma2 semaphore(%run_scoped3A : memref<!tpu.dma_semaphore, #tpu.memory_space<semaphore_mem>>) src(%arg17 : memref<32x128xf32, #tpu.memory_space<vmem>>) dst(%dma_wait3A_309 : memref<32x128xf32, #tpu.memory_space<vmem_shared>>)
      tpu.yield
    }) : () -> ()
    %add3A_52 = arith.constant 512 : i32
    %add3A_53 = arith.addi %mul3A_0, %add3A_52 : i32
    "tpu.region"() ({
      %run_scoped3A = tpu.sem_alloc : memref<!tpu.dma_semaphore, #tpu.memory_space<semaphore_mem>>
      %dma_start3A = arith.constant 0 : i32
      %dma_start3A_304 = tpu.memref_slice %arg10[%add3A_53, %dma_start3A] : memref<10240x128xf32, #tpu.memory_space<vmem_shared>> -> memref<32x128xf32, #tpu.memory_space<vmem_shared>>
      %dma_start3A_305 = arith.constant 0 : i32
      %dma_start3A_306 = tpu.memref_slice %arg10[%add3A_53, %dma_start3A_305] : memref<10240x128xf32, #tpu.memory_space<vmem_shared>> -> memref<32x128xf32, #tpu.memory_space<vmem_shared>>
      tpu.enqueue_dma source(%arg17 : memref<32x128xf32, #tpu.memory_space<vmem>>) target(%dma_start3A_306 : memref<32x128xf32, #tpu.memory_space<vmem_shared>>) target_semaphore(%run_scoped3A : memref<!tpu.dma_semaphore, #tpu.memory_space<semaphore_mem>>)
      %dma_wait3A = arith.constant 0 : i32
      %dma_wait3A_307 = tpu.memref_slice %arg10[%add3A_53, %dma_wait3A] : memref<10240x128xf32, #tpu.memory_space<vmem_shared>> -> memref<32x128xf32, #tpu.memory_space<vmem_shared>>
      %dma_wait3A_308 = arith.constant 0 : i32
      %dma_wait3A_309 = tpu.memref_slice %arg10[%add3A_53, %dma_wait3A_308] : memref<10240x128xf32, #tpu.memory_space<vmem_shared>> -> memref<32x128xf32, #tpu.memory_space<vmem_shared>>
      tpu.wait_dma2 semaphore(%run_scoped3A : memref<!tpu.dma_semaphore, #tpu.memory_space<semaphore_mem>>) src(%arg17 : memref<32x128xf32, #tpu.memory_space<vmem>>) dst(%dma_wait3A_309 : memref<32x128xf32, #tpu.memory_space<vmem_shared>>)
      tpu.yield
    }) : () -> ()
    %add3A_54 = arith.constant 544 : i32
    %add3A_55 = arith.addi %mul3A_0, %add3A_54 : i32
    "tpu.region"() ({
      %run_scoped3A = tpu.sem_alloc : memref<!tpu.dma_semaphore, #tpu.memory_space<semaphore_mem>>
      %dma_start3A = arith.constant 0 : i32
      %dma_start3A_304 = tpu.memref_slice %arg10[%add3A_55, %dma_start3A] : memref<10240x128xf32, #tpu.memory_space<vmem_shared>> -> memref<32x128xf32, #tpu.memory_space<vmem_shared>>
      %dma_start3A_305 = arith.constant 0 : i32
      %dma_start3A_306 = tpu.memref_slice %arg10[%add3A_55, %dma_start3A_305] : memref<10240x128xf32, #tpu.memory_space<vmem_shared>> -> memref<32x128xf32, #tpu.memory_space<vmem_shared>>
      tpu.enqueue_dma source(%arg17 : memref<32x128xf32, #tpu.memory_space<vmem>>) target(%dma_start3A_306 : memref<32x128xf32, #tpu.memory_space<vmem_shared>>) target_semaphore(%run_scoped3A : memref<!tpu.dma_semaphore, #tpu.memory_space<semaphore_mem>>)
      %dma_wait3A = arith.constant 0 : i32
      %dma_wait3A_307 = tpu.memref_slice %arg10[%add3A_55, %dma_wait3A] : memref<10240x128xf32, #tpu.memory_space<vmem_shared>> -> memref<32x128xf32, #tpu.memory_space<vmem_shared>>
      %dma_wait3A_308 = arith.constant 0 : i32
      %dma_wait3A_309 = tpu.memref_slice %arg10[%add3A_55, %dma_wait3A_308] : memref<10240x128xf32, #tpu.memory_space<vmem_shared>> -> memref<32x128xf32, #tpu.memory_space<vmem_shared>>
      tpu.wait_dma2 semaphore(%run_scoped3A : memref<!tpu.dma_semaphore, #tpu.memory_space<semaphore_mem>>) src(%arg17 : memref<32x128xf32, #tpu.memory_space<vmem>>) dst(%dma_wait3A_309 : memref<32x128xf32, #tpu.memory_space<vmem_shared>>)
      tpu.yield
    }) : () -> ()
    %add3A_56 = arith.constant 576 : i32
    %add3A_57 = arith.addi %mul3A_0, %add3A_56 : i32
    "tpu.region"() ({
      %run_scoped3A = tpu.sem_alloc : memref<!tpu.dma_semaphore, #tpu.memory_space<semaphore_mem>>
      %dma_start3A = arith.constant 0 : i32
      %dma_start3A_304 = tpu.memref_slice %arg10[%add3A_57, %dma_start3A] : memref<10240x128xf32, #tpu.memory_space<vmem_shared>> -> memref<32x128xf32, #tpu.memory_space<vmem_shared>>
      %dma_start3A_305 = arith.constant 0 : i32
      %dma_start3A_306 = tpu.memref_slice %arg10[%add3A_57, %dma_start3A_305] : memref<10240x128xf32, #tpu.memory_space<vmem_shared>> -> memref<32x128xf32, #tpu.memory_space<vmem_shared>>
      tpu.enqueue_dma source(%arg17 : memref<32x128xf32, #tpu.memory_space<vmem>>) target(%dma_start3A_306 : memref<32x128xf32, #tpu.memory_space<vmem_shared>>) target_semaphore(%run_scoped3A : memref<!tpu.dma_semaphore, #tpu.memory_space<semaphore_mem>>)
      %dma_wait3A = arith.constant 0 : i32
      %dma_wait3A_307 = tpu.memref_slice %arg10[%add3A_57, %dma_wait3A] : memref<10240x128xf32, #tpu.memory_space<vmem_shared>> -> memref<32x128xf32, #tpu.memory_space<vmem_shared>>
      %dma_wait3A_308 = arith.constant 0 : i32
      %dma_wait3A_309 = tpu.memref_slice %arg10[%add3A_57, %dma_wait3A_308] : memref<10240x128xf32, #tpu.memory_space<vmem_shared>> -> memref<32x128xf32, #tpu.memory_space<vmem_shared>>
      tpu.wait_dma2 semaphore(%run_scoped3A : memref<!tpu.dma_semaphore, #tpu.memory_space<semaphore_mem>>) src(%arg17 : memref<32x128xf32, #tpu.memory_space<vmem>>) dst(%dma_wait3A_309 : memref<32x128xf32, #tpu.memory_space<vmem_shared>>)
      tpu.yield
    }) : () -> ()
    %add3A_58 = arith.constant 608 : i32
    %add3A_59 = arith.addi %mul3A_0, %add3A_58 : i32
    "tpu.region"() ({
      %run_scoped3A = tpu.sem_alloc : memref<!tpu.dma_semaphore, #tpu.memory_space<semaphore_mem>>
      %dma_start3A = arith.constant 0 : i32
      %dma_start3A_304 = tpu.memref_slice %arg10[%add3A_59, %dma_start3A] : memref<10240x128xf32, #tpu.memory_space<vmem_shared>> -> memref<32x128xf32, #tpu.memory_space<vmem_shared>>
      %dma_start3A_305 = arith.constant 0 : i32
      %dma_start3A_306 = tpu.memref_slice %arg10[%add3A_59, %dma_start3A_305] : memref<10240x128xf32, #tpu.memory_space<vmem_shared>> -> memref<32x128xf32, #tpu.memory_space<vmem_shared>>
      tpu.enqueue_dma source(%arg17 : memref<32x128xf32, #tpu.memory_space<vmem>>) target(%dma_start3A_306 : memref<32x128xf32, #tpu.memory_space<vmem_shared>>) target_semaphore(%run_scoped3A : memref<!tpu.dma_semaphore, #tpu.memory_space<semaphore_mem>>)
      %dma_wait3A = arith.constant 0 : i32
      %dma_wait3A_307 = tpu.memref_slice %arg10[%add3A_59, %dma_wait3A] : memref<10240x128xf32, #tpu.memory_space<vmem_shared>> -> memref<32x128xf32, #tpu.memory_space<vmem_shared>>
      %dma_wait3A_308 = arith.constant 0 : i32
      %dma_wait3A_309 = tpu.memref_slice %arg10[%add3A_59, %dma_wait3A_308] : memref<10240x128xf32, #tpu.memory_space<vmem_shared>> -> memref<32x128xf32, #tpu.memory_space<vmem_shared>>
      tpu.wait_dma2 semaphore(%run_scoped3A : memref<!tpu.dma_semaphore, #tpu.memory_space<semaphore_mem>>) src(%arg17 : memref<32x128xf32, #tpu.memory_space<vmem>>) dst(%dma_wait3A_309 : memref<32x128xf32, #tpu.memory_space<vmem_shared>>)
      tpu.yield
    }) : () -> ()
    "tpu.region"() ({
      %run_scoped3A = tpu.sem_alloc : memref<!tpu.dma_semaphore, #tpu.memory_space<semaphore_mem>>
      %dma_start3A = tpu.memref_slice %arg11[%mul3A_0] : memref<10240xf32, #tpu.memory_space<vmem_shared>> -> memref<640xf32, #tpu.memory_space<vmem_shared>>
      %dma_start3A_304 = tpu.memref_slice %arg11[%mul3A_0] : memref<10240xf32, #tpu.memory_space<vmem_shared>> -> memref<640xf32, #tpu.memory_space<vmem_shared>>
      tpu.enqueue_dma source(%arg18 : memref<640xf32, #tpu.memory_space<vmem>>) target(%dma_start3A_304 : memref<640xf32, #tpu.memory_space<vmem_shared>>) target_semaphore(%run_scoped3A : memref<!tpu.dma_semaphore, #tpu.memory_space<semaphore_mem>>)
      %dma_wait3A = tpu.memref_slice %arg11[%mul3A_0] : memref<10240xf32, #tpu.memory_space<vmem_shared>> -> memref<640xf32, #tpu.memory_space<vmem_shared>>
      %dma_wait3A_305 = tpu.memref_slice %arg11[%mul3A_0] : memref<10240xf32, #tpu.memory_space<vmem_shared>> -> memref<640xf32, #tpu.memory_space<vmem_shared>>
      tpu.wait_dma2 semaphore(%run_scoped3A : memref<!tpu.dma_semaphore, #tpu.memory_space<semaphore_mem>>) src(%arg18 : memref<640xf32, #tpu.memory_space<vmem>>) dst(%dma_wait3A_305 : memref<640xf32, #tpu.memory_space<vmem_shared>>)
      tpu.yield
    }) : () -> ()
    %barrier3A = arith.constant 0 : index
    tpu.barrier barrier_id(%barrier3A)
    %mul3A_60 = arith.constant 161280 : i32
    %mul3A_61 = arith.muli %arg0, %mul3A_60 : i32
    %mul3A_62 = arith.constant 10080 : i32
    %mul3A_63 = arith.muli %arg1, %mul3A_62 : i32
    %add3A_64 = arith.addi %mul3A_61, %mul3A_63 : i32
    %mul3A_65 = arith.constant 161280 : i32
    %mul3A_66 = arith.muli %arg0, %mul3A_65 : i32
    %mul3A_67 = arith.constant 10080 : i32
    %mul3A_68 = arith.muli %arg1, %mul3A_67 : i32
    %add3A_69 = arith.addi %mul3A_66, %mul3A_68 : i32
    %scan3A_70 = arith.constant 0 : i32
    %scan3A_71 = arith.constant 0 : i32
    %scan3A_72 = arith.constant 3 : i32
    %scan3A_73 = arith.addi %scan3A_71, %scan3A_72 : i32
    %scan3A_74 = arith.constant 1 : i32
    scf.for %scan3A_304 = %scan3A_71 to %scan3A_73 step %scan3A_74  : i32 {
      %mul3A_305 = arith.constant 3360 : i32
      %mul3A_306 = arith.muli %scan3A_304, %mul3A_305 : i32
      %add3A_307 = arith.addi %add3A_64, %mul3A_306 : i32
      %multiple_of3A = tpu.assume_multiple %add3A_307, 8 : i32
      %mul3A_308 = arith.constant 3360 : i32
      %mul3A_309 = arith.muli %scan3A_304, %mul3A_308 : i32
      %add3A_310 = arith.addi %add3A_69, %mul3A_309 : i32
      %multiple_of3A_311 = tpu.assume_multiple %add3A_310, 8 : i32
      "tpu.region"() ({
        %run_scoped3A = tpu.sem_alloc : memref<!tpu.dma_semaphore, #tpu.memory_space<semaphore_mem>>
        %dma_start3A_352 = arith.constant 0 : i32
        %dma_start3A_353 = tpu.memref_slice %arg12[%dma_start3A_352] : memref<3360xi32, #tpu.memory_space<vmem>> -> memref<3360xi32, #tpu.memory_space<vmem>>
        %dma_start3A_354 = tpu.memref_slice %arg3[%multiple_of3A] : memref<322560xi32, #tpu.memory_space<hbm>> -> memref<3360xi32, #tpu.memory_space<hbm>>
        %dma_start3A_355 = arith.constant 0 : i32
        %dma_start3A_356 = tpu.memref_slice %arg12[%dma_start3A_355] : memref<3360xi32, #tpu.memory_space<vmem>> -> memref<3360xi32, #tpu.memory_space<vmem>>
        %dma_start3A_357 = tpu.memref_slice %arg3[%multiple_of3A] : memref<322560xi32, #tpu.memory_space<hbm>> -> memref<3360xi32, #tpu.memory_space<hbm>>
        tpu.enqueue_dma source(%dma_start3A_357 : memref<3360xi32, #tpu.memory_space<hbm>>) target(%dma_start3A_356 : memref<3360xi32, #tpu.memory_space<vmem>>) target_semaphore(%run_scoped3A : memref<!tpu.dma_semaphore, #tpu.memory_space<semaphore_mem>>)
        %dma_wait3A_358 = arith.constant 0 : i32
        %dma_wait3A_359 = tpu.memref_slice %arg12[%dma_wait3A_358] : memref<3360xi32, #tpu.memory_space<vmem>> -> memref<3360xi32, #tpu.memory_space<vmem>>
        %dma_wait3A_360 = tpu.memref_slice %arg3[%multiple_of3A] : memref<322560xi32, #tpu.memory_space<hbm>> -> memref<3360xi32, #tpu.memory_space<hbm>>
        %dma_wait3A_361 = arith.constant 0 : i32
        %dma_wait3A_362 = tpu.memref_slice %arg12[%dma_wait3A_361] : memref<3360xi32, #tpu.memory_space<vmem>> -> memref<3360xi32, #tpu.memory_space<vmem>>
        %dma_wait3A_363 = tpu.memref_slice %arg3[%multiple_of3A] : memref<322560xi32, #tpu.memory_space<hbm>> -> memref<3360xi32, #tpu.memory_space<hbm>>
        tpu.wait_dma2 semaphore(%run_scoped3A : memref<!tpu.dma_semaphore, #tpu.memory_space<semaphore_mem>>) src(%dma_wait3A_363 : memref<3360xi32, #tpu.memory_space<hbm>>) dst(%dma_wait3A_362 : memref<3360xi32, #tpu.memory_space<vmem>>)
        tpu.yield
      }) : () -> ()
      "tpu.region"() ({
        %run_scoped3A = tpu.sem_alloc : memref<!tpu.dma_semaphore, #tpu.memory_space<semaphore_mem>>
        %dma_start3A_352 = arith.constant 0 : i32
        %dma_start3A_353 = tpu.memref_slice %arg13[%dma_start3A_352] : memref<3360xi32, #tpu.memory_space<vmem>> -> memref<3360xi32, #tpu.memory_space<vmem>>
        %dma_start3A_354 = tpu.memref_slice %arg4[%multiple_of3A_311] : memref<322560xi32, #tpu.memory_space<hbm>> -> memref<3360xi32, #tpu.memory_space<hbm>>
        %dma_start3A_355 = arith.constant 0 : i32
        %dma_start3A_356 = tpu.memref_slice %arg13[%dma_start3A_355] : memref<3360xi32, #tpu.memory_space<vmem>> -> memref<3360xi32, #tpu.memory_space<vmem>>
        %dma_start3A_357 = tpu.memref_slice %arg4[%multiple_of3A_311] : memref<322560xi32, #tpu.memory_space<hbm>> -> memref<3360xi32, #tpu.memory_space<hbm>>
        tpu.enqueue_dma source(%dma_start3A_357 : memref<3360xi32, #tpu.memory_space<hbm>>) target(%dma_start3A_356 : memref<3360xi32, #tpu.memory_space<vmem>>) target_semaphore(%run_scoped3A : memref<!tpu.dma_semaphore, #tpu.memory_space<semaphore_mem>>)
        %dma_wait3A_358 = arith.constant 0 : i32
        %dma_wait3A_359 = tpu.memref_slice %arg13[%dma_wait3A_358] : memref<3360xi32, #tpu.memory_space<vmem>> -> memref<3360xi32, #tpu.memory_space<vmem>>
        %dma_wait3A_360 = tpu.memref_slice %arg4[%multiple_of3A_311] : memref<322560xi32, #tpu.memory_space<hbm>> -> memref<3360xi32, #tpu.memory_space<hbm>>
        %dma_wait3A_361 = arith.constant 0 : i32
        %dma_wait3A_362 = tpu.memref_slice %arg13[%dma_wait3A_361] : memref<3360xi32, #tpu.memory_space<vmem>> -> memref<3360xi32, #tpu.memory_space<vmem>>
        %dma_wait3A_363 = tpu.memref_slice %arg4[%multiple_of3A_311] : memref<322560xi32, #tpu.memory_space<hbm>> -> memref<3360xi32, #tpu.memory_space<hbm>>
        tpu.wait_dma2 semaphore(%run_scoped3A : memref<!tpu.dma_semaphore, #tpu.memory_space<semaphore_mem>>) src(%dma_wait3A_363 : memref<3360xi32, #tpu.memory_space<hbm>>) dst(%dma_wait3A_362 : memref<3360xi32, #tpu.memory_space<vmem>>)
        tpu.yield
      }) : () -> ()
      %multiple_of3A_312 = arith.constant 0 : i32
      %multiple_of3A_313 = tpu.assume_multiple %multiple_of3A_312, 8 : i32
      %dma_start3A = tpu.memref_slice %arg12[%multiple_of3A_313] : memref<3360xi32, #tpu.memory_space<vmem>> -> memref<80xi32, #tpu.memory_space<vmem>>
      %dma_start3A_314 = arith.constant 0 : i32
      %dma_start3A_315 = arith.constant 0 : i32
      %dma_start3A_316 = tpu.memref_slice %arg2[%dma_start3A_314, %dma_start3A_315] : memref<10000x128xf32, #tpu.memory_space<hbm>> -> memref<10000x128xf32, #tpu.memory_space<hbm>>
      tpu.enqueue_indirect_dma source(%dma_start3A_316 : memref<10000x128xf32, #tpu.memory_space<hbm>>) target(%arg14 : memref<80x128xf32, #tpu.memory_space<vmem>>) offsets(%dma_start3A : memref<80xi32, #tpu.memory_space<vmem>>) semaphore(%arg20 : memref<!tpu.dma_semaphore, #tpu.memory_space<semaphore_mem>>)
      %multiple_of3A_317 = arith.constant 80 : i32
      %multiple_of3A_318 = tpu.assume_multiple %multiple_of3A_317, 8 : i32
      %dma_start3A_319 = tpu.memref_slice %arg12[%multiple_of3A_318] : memref<3360xi32, #tpu.memory_space<vmem>> -> memref<80xi32, #tpu.memory_space<vmem>>
      %dma_start3A_320 = arith.constant 0 : i32
      %dma_start3A_321 = arith.constant 0 : i32
      %dma_start3A_322 = tpu.memref_slice %arg2[%dma_start3A_320, %dma_start3A_321] : memref<10000x128xf32, #tpu.memory_space<hbm>> -> memref<10000x128xf32, #tpu.memory_space<hbm>>
      tpu.enqueue_indirect_dma source(%dma_start3A_322 : memref<10000x128xf32, #tpu.memory_space<hbm>>) target(%arg15 : memref<80x128xf32, #tpu.memory_space<vmem>>) offsets(%dma_start3A_319 : memref<80xi32, #tpu.memory_space<vmem>>) semaphore(%arg21 : memref<!tpu.dma_semaphore, #tpu.memory_space<semaphore_mem>>)
      %scan3A_323 = arith.constant 0 : i32
      %scan3A_324 = arith.constant 0 : i32
      %scan3A_325 = arith.constant 14 : i32
      %scan3A_326 = arith.addi %scan3A_324, %scan3A_325 : i32
      %scan3A_327 = arith.constant 1 : i32
      scf.for %scan3A_352 = %scan3A_324 to %scan3A_326 step %scan3A_327  : i32 {
        %mul3A_353 = arith.constant 3 : i32
        %mul3A_354 = arith.muli %mul3A_353, %scan3A_352 : i32
        %add3A_355 = arith.constant 2 : i32
        %add3A_356 = arith.addi %mul3A_354, %add3A_355 : i32
        %lt3A = arith.constant 42 : i32
        %lt3A_357 = arith.cmpi slt, %add3A_356, %lt3A : i32
        %convert_element_type3A = arith.extui %lt3A_357 : i1 to i32
        %cond3A = arith.constant 0 : i32
        %cond3A_358 = arith.cmpi ne, %convert_element_type3A, %cond3A : i32
        scf.if %cond3A_358 {
          %ge3A = arith.constant 3 : i32
          %ge3A_437 = arith.cmpi sge, %add3A_356, %ge3A : i32
          %convert_element_type3A_438 = arith.extui %ge3A_437 : i1 to i32
          %cond3A_439 = arith.constant 0 : i32
          %cond3A_440 = arith.cmpi ne, %convert_element_type3A_438, %cond3A_439 : i32
          scf.if %cond3A_440 {
            %sub3A = arith.constant 1 : i32
            %sub3A_448 = arith.subi %mul3A_354, %sub3A : i32
            %mul3A_449 = arith.constant 80 : i32
            %mul3A_450 = arith.muli %sub3A_448, %mul3A_449 : i32
            %multiple_of3A_451 = tpu.assume_multiple %mul3A_450, 8 : i32
            %dma_wait3A_452 = tpu.memref_slice %arg13[%multiple_of3A_451] : memref<3360xi32, #tpu.memory_space<vmem>> -> memref<80xi32, #tpu.memory_space<vmem>>
            %dma_wait3A_453 = arith.constant 0 : i32
            %dma_wait3A_454 = arith.constant 0 : i32
            %dma_wait3A_455 = tpu.memref_slice %arg10[%dma_wait3A_453, %dma_wait3A_454] : memref<10240x128xf32, #tpu.memory_space<vmem_shared>> -> memref<10240x128xf32, #tpu.memory_space<vmem_shared>>
            tpu.wait_indirect_dma semaphore(%arg25 : memref<!tpu.dma_semaphore, #tpu.memory_space<semaphore_mem>>) src(%arg16 : memref<80x128xf32, #tpu.memory_space<vmem>>) dst(%dma_wait3A_455 : memref<10240x128xf32, #tpu.memory_space<vmem_shared>>)
          } else {
          }
          %mul3A_441 = arith.constant 80 : i32
          %mul3A_442 = arith.muli %add3A_356, %mul3A_441 : i32
          %multiple_of3A_443 = tpu.assume_multiple %mul3A_442, 8 : i32
          %dma_start3A_444 = tpu.memref_slice %arg12[%multiple_of3A_443] : memref<3360xi32, #tpu.memory_space<vmem>> -> memref<80xi32, #tpu.memory_space<vmem>>
          %dma_start3A_445 = arith.constant 0 : i32
          %dma_start3A_446 = arith.constant 0 : i32
          %dma_start3A_447 = tpu.memref_slice %arg2[%dma_start3A_445, %dma_start3A_446] : memref<10000x128xf32, #tpu.memory_space<hbm>> -> memref<10000x128xf32, #tpu.memory_space<hbm>>
          tpu.enqueue_indirect_dma source(%dma_start3A_447 : memref<10000x128xf32, #tpu.memory_space<hbm>>) target(%arg16 : memref<80x128xf32, #tpu.memory_space<vmem>>) offsets(%dma_start3A_444 : memref<80xi32, #tpu.memory_space<vmem>>) semaphore(%arg22 : memref<!tpu.dma_semaphore, #tpu.memory_space<semaphore_mem>>)
        } else {
        }
        %mul3A_359 = arith.constant 80 : i32
        %mul3A_360 = arith.muli %mul3A_354, %mul3A_359 : i32
        %multiple_of3A_361 = tpu.assume_multiple %mul3A_360, 8 : i32
        %dma_wait3A_362 = tpu.memref_slice %arg12[%multiple_of3A_361] : memref<3360xi32, #tpu.memory_space<vmem>> -> memref<80xi32, #tpu.memory_space<vmem>>
        %dma_wait3A_363 = arith.constant 0 : i32
        %dma_wait3A_364 = arith.constant 0 : i32
        %dma_wait3A_365 = tpu.memref_slice %arg2[%dma_wait3A_363, %dma_wait3A_364] : memref<10000x128xf32, #tpu.memory_space<hbm>> -> memref<10000x128xf32, #tpu.memory_space<hbm>>
        tpu.wait_indirect_dma semaphore(%arg20 : memref<!tpu.dma_semaphore, #tpu.memory_space<semaphore_mem>>) src(%dma_wait3A_365 : memref<10000x128xf32, #tpu.memory_space<hbm>>) dst(%arg14 : memref<80x128xf32, #tpu.memory_space<vmem>>)
        %mul3A_366 = arith.constant 80 : i32
        %mul3A_367 = arith.muli %mul3A_354, %mul3A_366 : i32
        %multiple_of3A_368 = tpu.assume_multiple %mul3A_367, 8 : i32
        %dma_start3A_369 = tpu.memref_slice %arg13[%multiple_of3A_368] : memref<3360xi32, #tpu.memory_space<vmem>> -> memref<80xi32, #tpu.memory_space<vmem>>
        %dma_start3A_370 = arith.constant 0 : i32
        %dma_start3A_371 = arith.constant 0 : i32
        %dma_start3A_372 = tpu.memref_slice %arg10[%dma_start3A_370, %dma_start3A_371] : memref<10240x128xf32, #tpu.memory_space<vmem_shared>> -> memref<10240x128xf32, #tpu.memory_space<vmem_shared>>
        tpu.enqueue_indirect_dma source(%arg14 : memref<80x128xf32, #tpu.memory_space<vmem>>) target(%dma_start3A_372 : memref<10240x128xf32, #tpu.memory_space<vmem_shared>>) offsets(%dma_start3A_369 : memref<80xi32, #tpu.memory_space<vmem>>) semaphore(%arg23 : memref<!tpu.dma_semaphore, #tpu.memory_space<semaphore_mem>>) {add = true}
        %mul3A_373 = arith.constant 80 : i32
        %mul3A_374 = arith.muli %mul3A_354, %mul3A_373 : i32
        %multiple_of3A_375 = tpu.assume_multiple %mul3A_374, 8 : i32
        %dma_start3A_376 = tpu.memref_slice %arg13[%multiple_of3A_375] : memref<3360xi32, #tpu.memory_space<vmem>> -> memref<80xi32, #tpu.memory_space<vmem>>
        %dma_start3A_377 = arith.constant 0 : i32
        %dma_start3A_378 = tpu.memref_slice %arg11[%dma_start3A_377] : memref<10240xf32, #tpu.memory_space<vmem_shared>> -> memref<10240xf32, #tpu.memory_space<vmem_shared>>
        tpu.enqueue_indirect_dma source(%arg19 : memref<80xf32, #tpu.memory_space<vmem>>) target(%dma_start3A_378 : memref<10240xf32, #tpu.memory_space<vmem_shared>>) offsets(%dma_start3A_376 : memref<80xi32, #tpu.memory_space<vmem>>) semaphore(%arg26 : memref<!tpu.dma_semaphore, #tpu.memory_space<semaphore_mem>>) {add = true}
        %add3A_379 = arith.constant 1 : i32
        %add3A_380 = arith.addi %mul3A_354, %add3A_379 : i32
        %add3A_381 = arith.constant 2 : i32
        %add3A_382 = arith.addi %add3A_380, %add3A_381 : i32
        %lt3A_383 = arith.constant 42 : i32
        %lt3A_384 = arith.cmpi slt, %add3A_382, %lt3A_383 : i32
        %convert_element_type3A_385 = arith.extui %lt3A_384 : i1 to i32
        %cond3A_386 = arith.constant 0 : i32
        %cond3A_387 = arith.cmpi ne, %convert_element_type3A_385, %cond3A_386 : i32
        scf.if %cond3A_387 {
          %ge3A = arith.constant 3 : i32
          %ge3A_437 = arith.cmpi sge, %add3A_382, %ge3A : i32
          %convert_element_type3A_438 = arith.extui %ge3A_437 : i1 to i32
          %cond3A_439 = arith.constant 0 : i32
          %cond3A_440 = arith.cmpi ne, %convert_element_type3A_438, %cond3A_439 : i32
          scf.if %cond3A_440 {
            %sub3A = arith.constant 1 : i32
            %sub3A_448 = arith.subi %add3A_380, %sub3A : i32
            %mul3A_449 = arith.constant 80 : i32
            %mul3A_450 = arith.muli %sub3A_448, %mul3A_449 : i32
            %multiple_of3A_451 = tpu.assume_multiple %mul3A_450, 8 : i32
            %dma_wait3A_452 = tpu.memref_slice %arg13[%multiple_of3A_451] : memref<3360xi32, #tpu.memory_space<vmem>> -> memref<80xi32, #tpu.memory_space<vmem>>
            %dma_wait3A_453 = arith.constant 0 : i32
            %dma_wait3A_454 = arith.constant 0 : i32
            %dma_wait3A_455 = tpu.memref_slice %arg10[%dma_wait3A_453, %dma_wait3A_454] : memref<10240x128xf32, #tpu.memory_space<vmem_shared>> -> memref<10240x128xf32, #tpu.memory_space<vmem_shared>>
            tpu.wait_indirect_dma semaphore(%arg23 : memref<!tpu.dma_semaphore, #tpu.memory_space<semaphore_mem>>) src(%arg14 : memref<80x128xf32, #tpu.memory_space<vmem>>) dst(%dma_wait3A_455 : memref<10240x128xf32, #tpu.memory_space<vmem_shared>>)
          } else {
          }
          %mul3A_441 = arith.constant 80 : i32
          %mul3A_442 = arith.muli %add3A_382, %mul3A_441 : i32
          %multiple_of3A_443 = tpu.assume_multiple %mul3A_442, 8 : i32
          %dma_start3A_444 = tpu.memref_slice %arg12[%multiple_of3A_443] : memref<3360xi32, #tpu.memory_space<vmem>> -> memref<80xi32, #tpu.memory_space<vmem>>
          %dma_start3A_445 = arith.constant 0 : i32
          %dma_start3A_446 = arith.constant 0 : i32
          %dma_start3A_447 = tpu.memref_slice %arg2[%dma_start3A_445, %dma_start3A_446] : memref<10000x128xf32, #tpu.memory_space<hbm>> -> memref<10000x128xf32, #tpu.memory_space<hbm>>
          tpu.enqueue_indirect_dma source(%dma_start3A_447 : memref<10000x128xf32, #tpu.memory_space<hbm>>) target(%arg14 : memref<80x128xf32, #tpu.memory_space<vmem>>) offsets(%dma_start3A_444 : memref<80xi32, #tpu.memory_space<vmem>>) semaphore(%arg20 : memref<!tpu.dma_semaphore, #tpu.memory_space<semaphore_mem>>)
        } else {
        }
        %mul3A_388 = arith.constant 80 : i32
        %mul3A_389 = arith.muli %add3A_380, %mul3A_388 : i32
        %multiple_of3A_390 = tpu.assume_multiple %mul3A_389, 8 : i32
        %dma_wait3A_391 = tpu.memref_slice %arg12[%multiple_of3A_390] : memref<3360xi32, #tpu.memory_space<vmem>> -> memref<80xi32, #tpu.memory_space<vmem>>
        %dma_wait3A_392 = arith.constant 0 : i32
        %dma_wait3A_393 = arith.constant 0 : i32
        %dma_wait3A_394 = tpu.memref_slice %arg2[%dma_wait3A_392, %dma_wait3A_393] : memref<10000x128xf32, #tpu.memory_space<hbm>> -> memref<10000x128xf32, #tpu.memory_space<hbm>>
        tpu.wait_indirect_dma semaphore(%arg21 : memref<!tpu.dma_semaphore, #tpu.memory_space<semaphore_mem>>) src(%dma_wait3A_394 : memref<10000x128xf32, #tpu.memory_space<hbm>>) dst(%arg15 : memref<80x128xf32, #tpu.memory_space<vmem>>)
        %mul3A_395 = arith.constant 80 : i32
        %mul3A_396 = arith.muli %add3A_380, %mul3A_395 : i32
        %multiple_of3A_397 = tpu.assume_multiple %mul3A_396, 8 : i32
        %dma_start3A_398 = tpu.memref_slice %arg13[%multiple_of3A_397] : memref<3360xi32, #tpu.memory_space<vmem>> -> memref<80xi32, #tpu.memory_space<vmem>>
        %dma_start3A_399 = arith.constant 0 : i32
        %dma_start3A_400 = arith.constant 0 : i32
        %dma_start3A_401 = tpu.memref_slice %arg10[%dma_start3A_399, %dma_start3A_400] : memref<10240x128xf32, #tpu.memory_space<vmem_shared>> -> memref<10240x128xf32, #tpu.memory_space<vmem_shared>>
        tpu.enqueue_indirect_dma source(%arg15 : memref<80x128xf32, #tpu.memory_space<vmem>>) target(%dma_start3A_401 : memref<10240x128xf32, #tpu.memory_space<vmem_shared>>) offsets(%dma_start3A_398 : memref<80xi32, #tpu.memory_space<vmem>>) semaphore(%arg24 : memref<!tpu.dma_semaphore, #tpu.memory_space<semaphore_mem>>) {add = true}
        %mul3A_402 = arith.constant 80 : i32
        %mul3A_403 = arith.muli %add3A_380, %mul3A_402 : i32
        %multiple_of3A_404 = tpu.assume_multiple %mul3A_403, 8 : i32
        %dma_start3A_405 = tpu.memref_slice %arg13[%multiple_of3A_404] : memref<3360xi32, #tpu.memory_space<vmem>> -> memref<80xi32, #tpu.memory_space<vmem>>
        %dma_start3A_406 = arith.constant 0 : i32
        %dma_start3A_407 = tpu.memref_slice %arg11[%dma_start3A_406] : memref<10240xf32, #tpu.memory_space<vmem_shared>> -> memref<10240xf32, #tpu.memory_space<vmem_shared>>
        tpu.enqueue_indirect_dma source(%arg19 : memref<80xf32, #tpu.memory_space<vmem>>) target(%dma_start3A_407 : memref<10240xf32, #tpu.memory_space<vmem_shared>>) offsets(%dma_start3A_405 : memref<80xi32, #tpu.memory_space<vmem>>) semaphore(%arg26 : memref<!tpu.dma_semaphore, #tpu.memory_space<semaphore_mem>>) {add = true}
        %add3A_408 = arith.constant 2 : i32
        %add3A_409 = arith.addi %mul3A_354, %add3A_408 : i32
        %add3A_410 = arith.constant 2 : i32
        %add3A_411 = arith.addi %add3A_409, %add3A_410 : i32
        %lt3A_412 = arith.constant 42 : i32
        %lt3A_413 = arith.cmpi slt, %add3A_411, %lt3A_412 : i32
        %convert_element_type3A_414 = arith.extui %lt3A_413 : i1 to i32
        %cond3A_415 = arith.constant 0 : i32
        %cond3A_416 = arith.cmpi ne, %convert_element_type3A_414, %cond3A_415 : i32
        scf.if %cond3A_416 {
          %ge3A = arith.constant 3 : i32
          %ge3A_437 = arith.cmpi sge, %add3A_411, %ge3A : i32
          %convert_element_type3A_438 = arith.extui %ge3A_437 : i1 to i32
          %cond3A_439 = arith.constant 0 : i32
          %cond3A_440 = arith.cmpi ne, %convert_element_type3A_438, %cond3A_439 : i32
          scf.if %cond3A_440 {
            %sub3A = arith.constant 1 : i32
            %sub3A_448 = arith.subi %add3A_409, %sub3A : i32
            %mul3A_449 = arith.constant 80 : i32
            %mul3A_450 = arith.muli %sub3A_448, %mul3A_449 : i32
            %multiple_of3A_451 = tpu.assume_multiple %mul3A_450, 8 : i32
            %dma_wait3A_452 = tpu.memref_slice %arg13[%multiple_of3A_451] : memref<3360xi32, #tpu.memory_space<vmem>> -> memref<80xi32, #tpu.memory_space<vmem>>
            %dma_wait3A_453 = arith.constant 0 : i32
            %dma_wait3A_454 = arith.constant 0 : i32
            %dma_wait3A_455 = tpu.memref_slice %arg10[%dma_wait3A_453, %dma_wait3A_454] : memref<10240x128xf32, #tpu.memory_space<vmem_shared>> -> memref<10240x128xf32, #tpu.memory_space<vmem_shared>>
            tpu.wait_indirect_dma semaphore(%arg24 : memref<!tpu.dma_semaphore, #tpu.memory_space<semaphore_mem>>) src(%arg15 : memref<80x128xf32, #tpu.memory_space<vmem>>) dst(%dma_wait3A_455 : memref<10240x128xf32, #tpu.memory_space<vmem_shared>>)
          } else {
          }
          %mul3A_441 = arith.constant 80 : i32
          %mul3A_442 = arith.muli %add3A_411, %mul3A_441 : i32
          %multiple_of3A_443 = tpu.assume_multiple %mul3A_442, 8 : i32
          %dma_start3A_444 = tpu.memref_slice %arg12[%multiple_of3A_443] : memref<3360xi32, #tpu.memory_space<vmem>> -> memref<80xi32, #tpu.memory_space<vmem>>
          %dma_start3A_445 = arith.constant 0 : i32
          %dma_start3A_446 = arith.constant 0 : i32
          %dma_start3A_447 = tpu.memref_slice %arg2[%dma_start3A_445, %dma_start3A_446] : memref<10000x128xf32, #tpu.memory_space<hbm>> -> memref<10000x128xf32, #tpu.memory_space<hbm>>
          tpu.enqueue_indirect_dma source(%dma_start3A_447 : memref<10000x128xf32, #tpu.memory_space<hbm>>) target(%arg15 : memref<80x128xf32, #tpu.memory_space<vmem>>) offsets(%dma_start3A_444 : memref<80xi32, #tpu.memory_space<vmem>>) semaphore(%arg21 : memref<!tpu.dma_semaphore, #tpu.memory_space<semaphore_mem>>)
        } else {
        }
        %mul3A_417 = arith.constant 80 : i32
        %mul3A_418 = arith.muli %add3A_409, %mul3A_417 : i32
        %multiple_of3A_419 = tpu.assume_multiple %mul3A_418, 8 : i32
        %dma_wait3A_420 = tpu.memref_slice %arg12[%multiple_of3A_419] : memref<3360xi32, #tpu.memory_space<vmem>> -> memref<80xi32, #tpu.memory_space<vmem>>
        %dma_wait3A_421 = arith.constant 0 : i32
        %dma_wait3A_422 = arith.constant 0 : i32
        %dma_wait3A_423 = tpu.memref_slice %arg2[%dma_wait3A_421, %dma_wait3A_422] : memref<10000x128xf32, #tpu.memory_space<hbm>> -> memref<10000x128xf32, #tpu.memory_space<hbm>>
        tpu.wait_indirect_dma semaphore(%arg22 : memref<!tpu.dma_semaphore, #tpu.memory_space<semaphore_mem>>) src(%dma_wait3A_423 : memref<10000x128xf32, #tpu.memory_space<hbm>>) dst(%arg16 : memref<80x128xf32, #tpu.memory_space<vmem>>)
        %mul3A_424 = arith.constant 80 : i32
        %mul3A_425 = arith.muli %add3A_409, %mul3A_424 : i32
        %multiple_of3A_426 = tpu.assume_multiple %mul3A_425, 8 : i32
        %dma_start3A_427 = tpu.memref_slice %arg13[%multiple_of3A_426] : memref<3360xi32, #tpu.memory_space<vmem>> -> memref<80xi32, #tpu.memory_space<vmem>>
        %dma_start3A_428 = arith.constant 0 : i32
        %dma_start3A_429 = arith.constant 0 : i32
        %dma_start3A_430 = tpu.memref_slice %arg10[%dma_start3A_428, %dma_start3A_429] : memref<10240x128xf32, #tpu.memory_space<vmem_shared>> -> memref<10240x128xf32, #tpu.memory_space<vmem_shared>>
        tpu.enqueue_indirect_dma source(%arg16 : memref<80x128xf32, #tpu.memory_space<vmem>>) target(%dma_start3A_430 : memref<10240x128xf32, #tpu.memory_space<vmem_shared>>) offsets(%dma_start3A_427 : memref<80xi32, #tpu.memory_space<vmem>>) semaphore(%arg25 : memref<!tpu.dma_semaphore, #tpu.memory_space<semaphore_mem>>) {add = true}
        %mul3A_431 = arith.constant 80 : i32
        %mul3A_432 = arith.muli %add3A_409, %mul3A_431 : i32
        %multiple_of3A_433 = tpu.assume_multiple %mul3A_432, 8 : i32
        %dma_start3A_434 = tpu.memref_slice %arg13[%multiple_of3A_433] : memref<3360xi32, #tpu.memory_space<vmem>> -> memref<80xi32, #tpu.memory_space<vmem>>
        %dma_start3A_435 = arith.constant 0 : i32
        %dma_start3A_436 = tpu.memref_slice %arg11[%dma_start3A_435] : memref<10240xf32, #tpu.memory_space<vmem_shared>> -> memref<10240xf32, #tpu.memory_space<vmem_shared>>
        tpu.enqueue_indirect_dma source(%arg19 : memref<80xf32, #tpu.memory_space<vmem>>) target(%dma_start3A_436 : memref<10240xf32, #tpu.memory_space<vmem_shared>>) offsets(%dma_start3A_434 : memref<80xi32, #tpu.memory_space<vmem>>) semaphore(%arg26 : memref<!tpu.dma_semaphore, #tpu.memory_space<semaphore_mem>>) {add = true}
      }
      %scan3A_328 = arith.constant 14 : i32
      %multiple_of3A_329 = arith.constant 3120 : i32
      %multiple_of3A_330 = tpu.assume_multiple %multiple_of3A_329, 8 : i32
      %dma_wait3A = tpu.memref_slice %arg13[%multiple_of3A_330] : memref<3360xi32, #tpu.memory_space<vmem>> -> memref<80xi32, #tpu.memory_space<vmem>>
      %dma_wait3A_331 = arith.constant 0 : i32
      %dma_wait3A_332 = arith.constant 0 : i32
      %dma_wait3A_333 = tpu.memref_slice %arg10[%dma_wait3A_331, %dma_wait3A_332] : memref<10240x128xf32, #tpu.memory_space<vmem_shared>> -> memref<10240x128xf32, #tpu.memory_space<vmem_shared>>
      tpu.wait_indirect_dma semaphore(%arg23 : memref<!tpu.dma_semaphore, #tpu.memory_space<semaphore_mem>>) src(%arg14 : memref<80x128xf32, #tpu.memory_space<vmem>>) dst(%dma_wait3A_333 : memref<10240x128xf32, #tpu.memory_space<vmem_shared>>)
      %multiple_of3A_334 = arith.constant 3200 : i32
      %multiple_of3A_335 = tpu.assume_multiple %multiple_of3A_334, 8 : i32
      %dma_wait3A_336 = tpu.memref_slice %arg13[%multiple_of3A_335] : memref<3360xi32, #tpu.memory_space<vmem>> -> memref<80xi32, #tpu.memory_space<vmem>>
      %dma_wait3A_337 = arith.constant 0 : i32
      %dma_wait3A_338 = arith.constant 0 : i32
      %dma_wait3A_339 = tpu.memref_slice %arg10[%dma_wait3A_337, %dma_wait3A_338] : memref<10240x128xf32, #tpu.memory_space<vmem_shared>> -> memref<10240x128xf32, #tpu.memory_space<vmem_shared>>
      tpu.wait_indirect_dma semaphore(%arg24 : memref<!tpu.dma_semaphore, #tpu.memory_space<semaphore_mem>>) src(%arg15 : memref<80x128xf32, #tpu.memory_space<vmem>>) dst(%dma_wait3A_339 : memref<10240x128xf32, #tpu.memory_space<vmem_shared>>)
      %multiple_of3A_340 = arith.constant 3280 : i32
      %multiple_of3A_341 = tpu.assume_multiple %multiple_of3A_340, 8 : i32
      %dma_wait3A_342 = tpu.memref_slice %arg13[%multiple_of3A_341] : memref<3360xi32, #tpu.memory_space<vmem>> -> memref<80xi32, #tpu.memory_space<vmem>>
      %dma_wait3A_343 = arith.constant 0 : i32
      %dma_wait3A_344 = arith.constant 0 : i32
      %dma_wait3A_345 = tpu.memref_slice %arg10[%dma_wait3A_343, %dma_wait3A_344] : memref<10240x128xf32, #tpu.memory_space<vmem_shared>> -> memref<10240x128xf32, #tpu.memory_space<vmem_shared>>
      tpu.wait_indirect_dma semaphore(%arg25 : memref<!tpu.dma_semaphore, #tpu.memory_space<semaphore_mem>>) src(%arg16 : memref<80x128xf32, #tpu.memory_space<vmem>>) dst(%dma_wait3A_345 : memref<10240x128xf32, #tpu.memory_space<vmem_shared>>)
      %scan3A_346 = arith.constant 0 : i32
      %scan3A_347 = arith.constant 0 : i32
      %scan3A_348 = arith.constant 42 : i32
      %scan3A_349 = arith.addi %scan3A_347, %scan3A_348 : i32
      %scan3A_350 = arith.constant 1 : i32
      scf.for %scan3A_352 = %scan3A_347 to %scan3A_349 step %scan3A_350  : i32 {
        %multiple_of3A_353 = arith.constant 0 : i32
        %multiple_of3A_354 = tpu.assume_multiple %multiple_of3A_353, 8 : i32
        %dma_wait3A_355 = tpu.memref_slice %arg13[%multiple_of3A_354] : memref<3360xi32, #tpu.memory_space<vmem>> -> memref<80xi32, #tpu.memory_space<vmem>>
        %dma_wait3A_356 = arith.constant 0 : i32
        %dma_wait3A_357 = tpu.memref_slice %arg11[%dma_wait3A_356] : memref<10240xf32, #tpu.memory_space<vmem_shared>> -> memref<10240xf32, #tpu.memory_space<vmem_shared>>
        tpu.wait_indirect_dma semaphore(%arg26 : memref<!tpu.dma_semaphore, #tpu.memory_space<semaphore_mem>>) src(%arg19 : memref<80xf32, #tpu.memory_space<vmem>>) dst(%dma_wait3A_357 : memref<10240xf32, #tpu.memory_space<vmem_shared>>)
      }
      %scan3A_351 = arith.constant 42 : i32
    }
    %scan3A_75 = arith.constant 3 : i32
    %barrier3A_76 = arith.constant 0 : index
    tpu.barrier barrier_id(%barrier3A_76)
    %mul3A_77 = arith.constant 10240 : i32
    %mul3A_78 = arith.muli %arg0, %mul3A_77 : i32
    %add3A_79 = arith.addi %mul3A_78, %mul3A_0 : i32
    %add3A_80 = arith.constant 0 : i32
    %add3A_81 = arith.addi %mul3A_0, %add3A_80 : i32
    "tpu.region"() ({
      %run_scoped3A = tpu.sem_alloc : memref<!tpu.dma_semaphore, #tpu.memory_space<semaphore_mem>>
      %dma_start3A = arith.constant 0 : i32
      %dma_start3A_304 = tpu.memref_slice %arg10[%add3A_81, %dma_start3A] : memref<10240x128xf32, #tpu.memory_space<vmem_shared>> -> memref<32x128xf32, #tpu.memory_space<vmem_shared>>
      %dma_start3A_305 = arith.constant 0 : i32
      %dma_start3A_306 = tpu.memref_slice %arg10[%add3A_81, %dma_start3A_305] : memref<10240x128xf32, #tpu.memory_space<vmem_shared>> -> memref<32x128xf32, #tpu.memory_space<vmem_shared>>
      tpu.enqueue_dma source(%dma_start3A_306 : memref<32x128xf32, #tpu.memory_space<vmem_shared>>) target(%arg17 : memref<32x128xf32, #tpu.memory_space<vmem>>) target_semaphore(%run_scoped3A : memref<!tpu.dma_semaphore, #tpu.memory_space<semaphore_mem>>)
      %dma_wait3A = arith.constant 0 : i32
      %dma_wait3A_307 = tpu.memref_slice %arg10[%add3A_81, %dma_wait3A] : memref<10240x128xf32, #tpu.memory_space<vmem_shared>> -> memref<32x128xf32, #tpu.memory_space<vmem_shared>>
      %dma_wait3A_308 = arith.constant 0 : i32
      %dma_wait3A_309 = tpu.memref_slice %arg10[%add3A_81, %dma_wait3A_308] : memref<10240x128xf32, #tpu.memory_space<vmem_shared>> -> memref<32x128xf32, #tpu.memory_space<vmem_shared>>
      tpu.wait_dma2 semaphore(%run_scoped3A : memref<!tpu.dma_semaphore, #tpu.memory_space<semaphore_mem>>) src(%dma_wait3A_309 : memref<32x128xf32, #tpu.memory_space<vmem_shared>>) dst(%arg17 : memref<32x128xf32, #tpu.memory_space<vmem>>)
      tpu.yield
    }) : () -> ()
    %add3A_82 = arith.constant 0 : i32
    %add3A_83 = arith.addi %add3A_79, %add3A_82 : i32
    "tpu.region"() ({
      %run_scoped3A = tpu.sem_alloc : memref<!tpu.dma_semaphore, #tpu.memory_space<semaphore_mem>>
      %dma_start3A = arith.constant 0 : i32
      %dma_start3A_304 = tpu.memref_slice %arg7[%add3A_83, %dma_start3A] : memref<20480x128xf32, #tpu.memory_space<hbm>> -> memref<32x128xf32, #tpu.memory_space<hbm>>
      %dma_start3A_305 = arith.constant 0 : i32
      %dma_start3A_306 = tpu.memref_slice %arg7[%add3A_83, %dma_start3A_305] : memref<20480x128xf32, #tpu.memory_space<hbm>> -> memref<32x128xf32, #tpu.memory_space<hbm>>
      tpu.enqueue_dma source(%arg17 : memref<32x128xf32, #tpu.memory_space<vmem>>) target(%dma_start3A_306 : memref<32x128xf32, #tpu.memory_space<hbm>>) target_semaphore(%run_scoped3A : memref<!tpu.dma_semaphore, #tpu.memory_space<semaphore_mem>>)
      %dma_wait3A = arith.constant 0 : i32
      %dma_wait3A_307 = tpu.memref_slice %arg7[%add3A_83, %dma_wait3A] : memref<20480x128xf32, #tpu.memory_space<hbm>> -> memref<32x128xf32, #tpu.memory_space<hbm>>
      %dma_wait3A_308 = arith.constant 0 : i32
      %dma_wait3A_309 = tpu.memref_slice %arg7[%add3A_83, %dma_wait3A_308] : memref<20480x128xf32, #tpu.memory_space<hbm>> -> memref<32x128xf32, #tpu.memory_space<hbm>>
      tpu.wait_dma2 semaphore(%run_scoped3A : memref<!tpu.dma_semaphore, #tpu.memory_space<semaphore_mem>>) src(%arg17 : memref<32x128xf32, #tpu.memory_space<vmem>>) dst(%dma_wait3A_309 : memref<32x128xf32, #tpu.memory_space<hbm>>)
      tpu.yield
    }) : () -> ()
    %add3A_84 = arith.constant 32 : i32
    %add3A_85 = arith.addi %mul3A_0, %add3A_84 : i32
    "tpu.region"() ({
      %run_scoped3A = tpu.sem_alloc : memref<!tpu.dma_semaphore, #tpu.memory_space<semaphore_mem>>
      %dma_start3A = arith.constant 0 : i32
      %dma_start3A_304 = tpu.memref_slice %arg10[%add3A_85, %dma_start3A] : memref<10240x128xf32, #tpu.memory_space<vmem_shared>> -> memref<32x128xf32, #tpu.memory_space<vmem_shared>>
      %dma_start3A_305 = arith.constant 0 : i32
      %dma_start3A_306 = tpu.memref_slice %arg10[%add3A_85, %dma_start3A_305] : memref<10240x128xf32, #tpu.memory_space<vmem_shared>> -> memref<32x128xf32, #tpu.memory_space<vmem_shared>>
      tpu.enqueue_dma source(%dma_start3A_306 : memref<32x128xf32, #tpu.memory_space<vmem_shared>>) target(%arg17 : memref<32x128xf32, #tpu.memory_space<vmem>>) target_semaphore(%run_scoped3A : memref<!tpu.dma_semaphore, #tpu.memory_space<semaphore_mem>>)
      %dma_wait3A = arith.constant 0 : i32
      %dma_wait3A_307 = tpu.memref_slice %arg10[%add3A_85, %dma_wait3A] : memref<10240x128xf32, #tpu.memory_space<vmem_shared>> -> memref<32x128xf32, #tpu.memory_space<vmem_shared>>
      %dma_wait3A_308 = arith.constant 0 : i32
      %dma_wait3A_309 = tpu.memref_slice %arg10[%add3A_85, %dma_wait3A_308] : memref<10240x128xf32, #tpu.memory_space<vmem_shared>> -> memref<32x128xf32, #tpu.memory_space<vmem_shared>>
      tpu.wait_dma2 semaphore(%run_scoped3A : memref<!tpu.dma_semaphore, #tpu.memory_space<semaphore_mem>>) src(%dma_wait3A_309 : memref<32x128xf32, #tpu.memory_space<vmem_shared>>) dst(%arg17 : memref<32x128xf32, #tpu.memory_space<vmem>>)
      tpu.yield
    }) : () -> ()
    %add3A_86 = arith.constant 32 : i32
    %add3A_87 = arith.addi %add3A_79, %add3A_86 : i32
    "tpu.region"() ({
      %run_scoped3A = tpu.sem_alloc : memref<!tpu.dma_semaphore, #tpu.memory_space<semaphore_mem>>
      %dma_start3A = arith.constant 0 : i32
      %dma_start3A_304 = tpu.memref_slice %arg7[%add3A_87, %dma_start3A] : memref<20480x128xf32, #tpu.memory_space<hbm>> -> memref<32x128xf32, #tpu.memory_space<hbm>>
      %dma_start3A_305 = arith.constant 0 : i32
      %dma_start3A_306 = tpu.memref_slice %arg7[%add3A_87, %dma_start3A_305] : memref<20480x128xf32, #tpu.memory_space<hbm>> -> memref<32x128xf32, #tpu.memory_space<hbm>>
      tpu.enqueue_dma source(%arg17 : memref<32x128xf32, #tpu.memory_space<vmem>>) target(%dma_start3A_306 : memref<32x128xf32, #tpu.memory_space<hbm>>) target_semaphore(%run_scoped3A : memref<!tpu.dma_semaphore, #tpu.memory_space<semaphore_mem>>)
      %dma_wait3A = arith.constant 0 : i32
      %dma_wait3A_307 = tpu.memref_slice %arg7[%add3A_87, %dma_wait3A] : memref<20480x128xf32, #tpu.memory_space<hbm>> -> memref<32x128xf32, #tpu.memory_space<hbm>>
      %dma_wait3A_308 = arith.constant 0 : i32
      %dma_wait3A_309 = tpu.memref_slice %arg7[%add3A_87, %dma_wait3A_308] : memref<20480x128xf32, #tpu.memory_space<hbm>> -> memref<32x128xf32, #tpu.memory_space<hbm>>
      tpu.wait_dma2 semaphore(%run_scoped3A : memref<!tpu.dma_semaphore, #tpu.memory_space<semaphore_mem>>) src(%arg17 : memref<32x128xf32, #tpu.memory_space<vmem>>) dst(%dma_wait3A_309 : memref<32x128xf32, #tpu.memory_space<hbm>>)
      tpu.yield
    }) : () -> ()
    %add3A_88 = arith.constant 64 : i32
    %add3A_89 = arith.addi %mul3A_0, %add3A_88 : i32
    "tpu.region"() ({
      %run_scoped3A = tpu.sem_alloc : memref<!tpu.dma_semaphore, #tpu.memory_space<semaphore_mem>>
      %dma_start3A = arith.constant 0 : i32
      %dma_start3A_304 = tpu.memref_slice %arg10[%add3A_89, %dma_start3A] : memref<10240x128xf32, #tpu.memory_space<vmem_shared>> -> memref<32x128xf32, #tpu.memory_space<vmem_shared>>
      %dma_start3A_305 = arith.constant 0 : i32
      %dma_start3A_306 = tpu.memref_slice %arg10[%add3A_89, %dma_start3A_305] : memref<10240x128xf32, #tpu.memory_space<vmem_shared>> -> memref<32x128xf32, #tpu.memory_space<vmem_shared>>
      tpu.enqueue_dma source(%dma_start3A_306 : memref<32x128xf32, #tpu.memory_space<vmem_shared>>) target(%arg17 : memref<32x128xf32, #tpu.memory_space<vmem>>) target_semaphore(%run_scoped3A : memref<!tpu.dma_semaphore, #tpu.memory_space<semaphore_mem>>)
      %dma_wait3A = arith.constant 0 : i32
      %dma_wait3A_307 = tpu.memref_slice %arg10[%add3A_89, %dma_wait3A] : memref<10240x128xf32, #tpu.memory_space<vmem_shared>> -> memref<32x128xf32, #tpu.memory_space<vmem_shared>>
      %dma_wait3A_308 = arith.constant 0 : i32
      %dma_wait3A_309 = tpu.memref_slice %arg10[%add3A_89, %dma_wait3A_308] : memref<10240x128xf32, #tpu.memory_space<vmem_shared>> -> memref<32x128xf32, #tpu.memory_space<vmem_shared>>
      tpu.wait_dma2 semaphore(%run_scoped3A : memref<!tpu.dma_semaphore, #tpu.memory_space<semaphore_mem>>) src(%dma_wait3A_309 : memref<32x128xf32, #tpu.memory_space<vmem_shared>>) dst(%arg17 : memref<32x128xf32, #tpu.memory_space<vmem>>)
      tpu.yield
    }) : () -> ()
    %add3A_90 = arith.constant 64 : i32
    %add3A_91 = arith.addi %add3A_79, %add3A_90 : i32
    "tpu.region"() ({
      %run_scoped3A = tpu.sem_alloc : memref<!tpu.dma_semaphore, #tpu.memory_space<semaphore_mem>>
      %dma_start3A = arith.constant 0 : i32
      %dma_start3A_304 = tpu.memref_slice %arg7[%add3A_91, %dma_start3A] : memref<20480x128xf32, #tpu.memory_space<hbm>> -> memref<32x128xf32, #tpu.memory_space<hbm>>
      %dma_start3A_305 = arith.constant 0 : i32
      %dma_start3A_306 = tpu.memref_slice %arg7[%add3A_91, %dma_start3A_305] : memref<20480x128xf32, #tpu.memory_space<hbm>> -> memref<32x128xf32, #tpu.memory_space<hbm>>
      tpu.enqueue_dma source(%arg17 : memref<32x128xf32, #tpu.memory_space<vmem>>) target(%dma_start3A_306 : memref<32x128xf32, #tpu.memory_space<hbm>>) target_semaphore(%run_scoped3A : memref<!tpu.dma_semaphore, #tpu.memory_space<semaphore_mem>>)
      %dma_wait3A = arith.constant 0 : i32
      %dma_wait3A_307 = tpu.memref_slice %arg7[%add3A_91, %dma_wait3A] : memref<20480x128xf32, #tpu.memory_space<hbm>> -> memref<32x128xf32, #tpu.memory_space<hbm>>
      %dma_wait3A_308 = arith.constant 0 : i32
      %dma_wait3A_309 = tpu.memref_slice %arg7[%add3A_91, %dma_wait3A_308] : memref<20480x128xf32, #tpu.memory_space<hbm>> -> memref<32x128xf32, #tpu.memory_space<hbm>>
      tpu.wait_dma2 semaphore(%run_scoped3A : memref<!tpu.dma_semaphore, #tpu.memory_space<semaphore_mem>>) src(%arg17 : memref<32x128xf32, #tpu.memory_space<vmem>>) dst(%dma_wait3A_309 : memref<32x128xf32, #tpu.memory_space<hbm>>)
      tpu.yield
    }) : () -> ()
    %add3A_92 = arith.constant 96 : i32
    %add3A_93 = arith.addi %mul3A_0, %add3A_92 : i32
    "tpu.region"() ({
      %run_scoped3A = tpu.sem_alloc : memref<!tpu.dma_semaphore, #tpu.memory_space<semaphore_mem>>
      %dma_start3A = arith.constant 0 : i32
      %dma_start3A_304 = tpu.memref_slice %arg10[%add3A_93, %dma_start3A] : memref<10240x128xf32, #tpu.memory_space<vmem_shared>> -> memref<32x128xf32, #tpu.memory_space<vmem_shared>>
      %dma_start3A_305 = arith.constant 0 : i32
      %dma_start3A_306 = tpu.memref_slice %arg10[%add3A_93, %dma_start3A_305] : memref<10240x128xf32, #tpu.memory_space<vmem_shared>> -> memref<32x128xf32, #tpu.memory_space<vmem_shared>>
      tpu.enqueue_dma source(%dma_start3A_306 : memref<32x128xf32, #tpu.memory_space<vmem_shared>>) target(%arg17 : memref<32x128xf32, #tpu.memory_space<vmem>>) target_semaphore(%run_scoped3A : memref<!tpu.dma_semaphore, #tpu.memory_space<semaphore_mem>>)
      %dma_wait3A = arith.constant 0 : i32
      %dma_wait3A_307 = tpu.memref_slice %arg10[%add3A_93, %dma_wait3A] : memref<10240x128xf32, #tpu.memory_space<vmem_shared>> -> memref<32x128xf32, #tpu.memory_space<vmem_shared>>
      %dma_wait3A_308 = arith.constant 0 : i32
      %dma_wait3A_309 = tpu.memref_slice %arg10[%add3A_93, %dma_wait3A_308] : memref<10240x128xf32, #tpu.memory_space<vmem_shared>> -> memref<32x128xf32, #tpu.memory_space<vmem_shared>>
      tpu.wait_dma2 semaphore(%run_scoped3A : memref<!tpu.dma_semaphore, #tpu.memory_space<semaphore_mem>>) src(%dma_wait3A_309 : memref<32x128xf32, #tpu.memory_space<vmem_shared>>) dst(%arg17 : memref<32x128xf32, #tpu.memory_space<vmem>>)
      tpu.yield
    }) : () -> ()
    %add3A_94 = arith.constant 96 : i32
    %add3A_95 = arith.addi %add3A_79, %add3A_94 : i32
    "tpu.region"() ({
      %run_scoped3A = tpu.sem_alloc : memref<!tpu.dma_semaphore, #tpu.memory_space<semaphore_mem>>
      %dma_start3A = arith.constant 0 : i32
      %dma_start3A_304 = tpu.memref_slice %arg7[%add3A_95, %dma_start3A] : memref<20480x128xf32, #tpu.memory_space<hbm>> -> memref<32x128xf32, #tpu.memory_space<hbm>>
      %dma_start3A_305 = arith.constant 0 : i32
      %dma_start3A_306 = tpu.memref_slice %arg7[%add3A_95, %dma_start3A_305] : memref<20480x128xf32, #tpu.memory_space<hbm>> -> memref<32x128xf32, #tpu.memory_space<hbm>>
      tpu.enqueue_dma source(%arg17 : memref<32x128xf32, #tpu.memory_space<vmem>>) target(%dma_start3A_306 : memref<32x128xf32, #tpu.memory_space<hbm>>) target_semaphore(%run_scoped3A : memref<!tpu.dma_semaphore, #tpu.memory_space<semaphore_mem>>)
      %dma_wait3A = arith.constant 0 : i32
      %dma_wait3A_307 = tpu.memref_slice %arg7[%add3A_95, %dma_wait3A] : memref<20480x128xf32, #tpu.memory_space<hbm>> -> memref<32x128xf32, #tpu.memory_space<hbm>>
      %dma_wait3A_308 = arith.constant 0 : i32
      %dma_wait3A_309 = tpu.memref_slice %arg7[%add3A_95, %dma_wait3A_308] : memref<20480x128xf32, #tpu.memory_space<hbm>> -> memref<32x128xf32, #tpu.memory_space<hbm>>
      tpu.wait_dma2 semaphore(%run_scoped3A : memref<!tpu.dma_semaphore, #tpu.memory_space<semaphore_mem>>) src(%arg17 : memref<32x128xf32, #tpu.memory_space<vmem>>) dst(%dma_wait3A_309 : memref<32x128xf32, #tpu.memory_space<hbm>>)
      tpu.yield
    }) : () -> ()
    %add3A_96 = arith.constant 128 : i32
    %add3A_97 = arith.addi %mul3A_0, %add3A_96 : i32
    "tpu.region"() ({
      %run_scoped3A = tpu.sem_alloc : memref<!tpu.dma_semaphore, #tpu.memory_space<semaphore_mem>>
      %dma_start3A = arith.constant 0 : i32
      %dma_start3A_304 = tpu.memref_slice %arg10[%add3A_97, %dma_start3A] : memref<10240x128xf32, #tpu.memory_space<vmem_shared>> -> memref<32x128xf32, #tpu.memory_space<vmem_shared>>
      %dma_start3A_305 = arith.constant 0 : i32
      %dma_start3A_306 = tpu.memref_slice %arg10[%add3A_97, %dma_start3A_305] : memref<10240x128xf32, #tpu.memory_space<vmem_shared>> -> memref<32x128xf32, #tpu.memory_space<vmem_shared>>
      tpu.enqueue_dma source(%dma_start3A_306 : memref<32x128xf32, #tpu.memory_space<vmem_shared>>) target(%arg17 : memref<32x128xf32, #tpu.memory_space<vmem>>) target_semaphore(%run_scoped3A : memref<!tpu.dma_semaphore, #tpu.memory_space<semaphore_mem>>)
      %dma_wait3A = arith.constant 0 : i32
      %dma_wait3A_307 = tpu.memref_slice %arg10[%add3A_97, %dma_wait3A] : memref<10240x128xf32, #tpu.memory_space<vmem_shared>> -> memref<32x128xf32, #tpu.memory_space<vmem_shared>>
      %dma_wait3A_308 = arith.constant 0 : i32
      %dma_wait3A_309 = tpu.memref_slice %arg10[%add3A_97, %dma_wait3A_308] : memref<10240x128xf32, #tpu.memory_space<vmem_shared>> -> memref<32x128xf32, #tpu.memory_space<vmem_shared>>
      tpu.wait_dma2 semaphore(%run_scoped3A : memref<!tpu.dma_semaphore, #tpu.memory_space<semaphore_mem>>) src(%dma_wait3A_309 : memref<32x128xf32, #tpu.memory_space<vmem_shared>>) dst(%arg17 : memref<32x128xf32, #tpu.memory_space<vmem>>)
      tpu.yield
    }) : () -> ()
    %add3A_98 = arith.constant 128 : i32
    %add3A_99 = arith.addi %add3A_79, %add3A_98 : i32
    "tpu.region"() ({
      %run_scoped3A = tpu.sem_alloc : memref<!tpu.dma_semaphore, #tpu.memory_space<semaphore_mem>>
      %dma_start3A = arith.constant 0 : i32
      %dma_start3A_304 = tpu.memref_slice %arg7[%add3A_99, %dma_start3A] : memref<20480x128xf32, #tpu.memory_space<hbm>> -> memref<32x128xf32, #tpu.memory_space<hbm>>
      %dma_start3A_305 = arith.constant 0 : i32
      %dma_start3A_306 = tpu.memref_slice %arg7[%add3A_99, %dma_start3A_305] : memref<20480x128xf32, #tpu.memory_space<hbm>> -> memref<32x128xf32, #tpu.memory_space<hbm>>
      tpu.enqueue_dma source(%arg17 : memref<32x128xf32, #tpu.memory_space<vmem>>) target(%dma_start3A_306 : memref<32x128xf32, #tpu.memory_space<hbm>>) target_semaphore(%run_scoped3A : memref<!tpu.dma_semaphore, #tpu.memory_space<semaphore_mem>>)
      %dma_wait3A = arith.constant 0 : i32
      %dma_wait3A_307 = tpu.memref_slice %arg7[%add3A_99, %dma_wait3A] : memref<20480x128xf32, #tpu.memory_space<hbm>> -> memref<32x128xf32, #tpu.memory_space<hbm>>
      %dma_wait3A_308 = arith.constant 0 : i32
      %dma_wait3A_309 = tpu.memref_slice %arg7[%add3A_99, %dma_wait3A_308] : memref<20480x128xf32, #tpu.memory_space<hbm>> -> memref<32x128xf32, #tpu.memory_space<hbm>>
      tpu.wait_dma2 semaphore(%run_scoped3A : memref<!tpu.dma_semaphore, #tpu.memory_space<semaphore_mem>>) src(%arg17 : memref<32x128xf32, #tpu.memory_space<vmem>>) dst(%dma_wait3A_309 : memref<32x128xf32, #tpu.memory_space<hbm>>)
      tpu.yield
    }) : () -> ()
    %add3A_100 = arith.constant 160 : i32
    %add3A_101 = arith.addi %mul3A_0, %add3A_100 : i32
    "tpu.region"() ({
      %run_scoped3A = tpu.sem_alloc : memref<!tpu.dma_semaphore, #tpu.memory_space<semaphore_mem>>
      %dma_start3A = arith.constant 0 : i32
      %dma_start3A_304 = tpu.memref_slice %arg10[%add3A_101, %dma_start3A] : memref<10240x128xf32, #tpu.memory_space<vmem_shared>> -> memref<32x128xf32, #tpu.memory_space<vmem_shared>>
      %dma_start3A_305 = arith.constant 0 : i32
      %dma_start3A_306 = tpu.memref_slice %arg10[%add3A_101, %dma_start3A_305] : memref<10240x128xf32, #tpu.memory_space<vmem_shared>> -> memref<32x128xf32, #tpu.memory_space<vmem_shared>>
      tpu.enqueue_dma source(%dma_start3A_306 : memref<32x128xf32, #tpu.memory_space<vmem_shared>>) target(%arg17 : memref<32x128xf32, #tpu.memory_space<vmem>>) target_semaphore(%run_scoped3A : memref<!tpu.dma_semaphore, #tpu.memory_space<semaphore_mem>>)
      %dma_wait3A = arith.constant 0 : i32
      %dma_wait3A_307 = tpu.memref_slice %arg10[%add3A_101, %dma_wait3A] : memref<10240x128xf32, #tpu.memory_space<vmem_shared>> -> memref<32x128xf32, #tpu.memory_space<vmem_shared>>
      %dma_wait3A_308 = arith.constant 0 : i32
      %dma_wait3A_309 = tpu.memref_slice %arg10[%add3A_101, %dma_wait3A_308] : memref<10240x128xf32, #tpu.memory_space<vmem_shared>> -> memref<32x128xf32, #tpu.memory_space<vmem_shared>>
      tpu.wait_dma2 semaphore(%run_scoped3A : memref<!tpu.dma_semaphore, #tpu.memory_space<semaphore_mem>>) src(%dma_wait3A_309 : memref<32x128xf32, #tpu.memory_space<vmem_shared>>) dst(%arg17 : memref<32x128xf32, #tpu.memory_space<vmem>>)
      tpu.yield
    }) : () -> ()
    %add3A_102 = arith.constant 160 : i32
    %add3A_103 = arith.addi %add3A_79, %add3A_102 : i32
    "tpu.region"() ({
      %run_scoped3A = tpu.sem_alloc : memref<!tpu.dma_semaphore, #tpu.memory_space<semaphore_mem>>
      %dma_start3A = arith.constant 0 : i32
      %dma_start3A_304 = tpu.memref_slice %arg7[%add3A_103, %dma_start3A] : memref<20480x128xf32, #tpu.memory_space<hbm>> -> memref<32x128xf32, #tpu.memory_space<hbm>>
      %dma_start3A_305 = arith.constant 0 : i32
      %dma_start3A_306 = tpu.memref_slice %arg7[%add3A_103, %dma_start3A_305] : memref<20480x128xf32, #tpu.memory_space<hbm>> -> memref<32x128xf32, #tpu.memory_space<hbm>>
      tpu.enqueue_dma source(%arg17 : memref<32x128xf32, #tpu.memory_space<vmem>>) target(%dma_start3A_306 : memref<32x128xf32, #tpu.memory_space<hbm>>) target_semaphore(%run_scoped3A : memref<!tpu.dma_semaphore, #tpu.memory_space<semaphore_mem>>)
      %dma_wait3A = arith.constant 0 : i32
      %dma_wait3A_307 = tpu.memref_slice %arg7[%add3A_103, %dma_wait3A] : memref<20480x128xf32, #tpu.memory_space<hbm>> -> memref<32x128xf32, #tpu.memory_space<hbm>>
      %dma_wait3A_308 = arith.constant 0 : i32
      %dma_wait3A_309 = tpu.memref_slice %arg7[%add3A_103, %dma_wait3A_308] : memref<20480x128xf32, #tpu.memory_space<hbm>> -> memref<32x128xf32, #tpu.memory_space<hbm>>
      tpu.wait_dma2 semaphore(%run_scoped3A : memref<!tpu.dma_semaphore, #tpu.memory_space<semaphore_mem>>) src(%arg17 : memref<32x128xf32, #tpu.memory_space<vmem>>) dst(%dma_wait3A_309 : memref<32x128xf32, #tpu.memory_space<hbm>>)
      tpu.yield
    }) : () -> ()
    %add3A_104 = arith.constant 192 : i32
    %add3A_105 = arith.addi %mul3A_0, %add3A_104 : i32
    "tpu.region"() ({
      %run_scoped3A = tpu.sem_alloc : memref<!tpu.dma_semaphore, #tpu.memory_space<semaphore_mem>>
      %dma_start3A = arith.constant 0 : i32
      %dma_start3A_304 = tpu.memref_slice %arg10[%add3A_105, %dma_start3A] : memref<10240x128xf32, #tpu.memory_space<vmem_shared>> -> memref<32x128xf32, #tpu.memory_space<vmem_shared>>
      %dma_start3A_305 = arith.constant 0 : i32
      %dma_start3A_306 = tpu.memref_slice %arg10[%add3A_105, %dma_start3A_305] : memref<10240x128xf32, #tpu.memory_space<vmem_shared>> -> memref<32x128xf32, #tpu.memory_space<vmem_shared>>
      tpu.enqueue_dma source(%dma_start3A_306 : memref<32x128xf32, #tpu.memory_space<vmem_shared>>) target(%arg17 : memref<32x128xf32, #tpu.memory_space<vmem>>) target_semaphore(%run_scoped3A : memref<!tpu.dma_semaphore, #tpu.memory_space<semaphore_mem>>)
      %dma_wait3A = arith.constant 0 : i32
      %dma_wait3A_307 = tpu.memref_slice %arg10[%add3A_105, %dma_wait3A] : memref<10240x128xf32, #tpu.memory_space<vmem_shared>> -> memref<32x128xf32, #tpu.memory_space<vmem_shared>>
      %dma_wait3A_308 = arith.constant 0 : i32
      %dma_wait3A_309 = tpu.memref_slice %arg10[%add3A_105, %dma_wait3A_308] : memref<10240x128xf32, #tpu.memory_space<vmem_shared>> -> memref<32x128xf32, #tpu.memory_space<vmem_shared>>
      tpu.wait_dma2 semaphore(%run_scoped3A : memref<!tpu.dma_semaphore, #tpu.memory_space<semaphore_mem>>) src(%dma_wait3A_309 : memref<32x128xf32, #tpu.memory_space<vmem_shared>>) dst(%arg17 : memref<32x128xf32, #tpu.memory_space<vmem>>)
      tpu.yield
    }) : () -> ()
    %add3A_106 = arith.constant 192 : i32
    %add3A_107 = arith.addi %add3A_79, %add3A_106 : i32
    "tpu.region"() ({
      %run_scoped3A = tpu.sem_alloc : memref<!tpu.dma_semaphore, #tpu.memory_space<semaphore_mem>>
      %dma_start3A = arith.constant 0 : i32
      %dma_start3A_304 = tpu.memref_slice %arg7[%add3A_107, %dma_start3A] : memref<20480x128xf32, #tpu.memory_space<hbm>> -> memref<32x128xf32, #tpu.memory_space<hbm>>
      %dma_start3A_305 = arith.constant 0 : i32
      %dma_start3A_306 = tpu.memref_slice %arg7[%add3A_107, %dma_start3A_305] : memref<20480x128xf32, #tpu.memory_space<hbm>> -> memref<32x128xf32, #tpu.memory_space<hbm>>
      tpu.enqueue_dma source(%arg17 : memref<32x128xf32, #tpu.memory_space<vmem>>) target(%dma_start3A_306 : memref<32x128xf32, #tpu.memory_space<hbm>>) target_semaphore(%run_scoped3A : memref<!tpu.dma_semaphore, #tpu.memory_space<semaphore_mem>>)
      %dma_wait3A = arith.constant 0 : i32
      %dma_wait3A_307 = tpu.memref_slice %arg7[%add3A_107, %dma_wait3A] : memref<20480x128xf32, #tpu.memory_space<hbm>> -> memref<32x128xf32, #tpu.memory_space<hbm>>
      %dma_wait3A_308 = arith.constant 0 : i32
      %dma_wait3A_309 = tpu.memref_slice %arg7[%add3A_107, %dma_wait3A_308] : memref<20480x128xf32, #tpu.memory_space<hbm>> -> memref<32x128xf32, #tpu.memory_space<hbm>>
      tpu.wait_dma2 semaphore(%run_scoped3A : memref<!tpu.dma_semaphore, #tpu.memory_space<semaphore_mem>>) src(%arg17 : memref<32x128xf32, #tpu.memory_space<vmem>>) dst(%dma_wait3A_309 : memref<32x128xf32, #tpu.memory_space<hbm>>)
      tpu.yield
    }) : () -> ()
    %add3A_108 = arith.constant 224 : i32
    %add3A_109 = arith.addi %mul3A_0, %add3A_108 : i32
    "tpu.region"() ({
      %run_scoped3A = tpu.sem_alloc : memref<!tpu.dma_semaphore, #tpu.memory_space<semaphore_mem>>
      %dma_start3A = arith.constant 0 : i32
      %dma_start3A_304 = tpu.memref_slice %arg10[%add3A_109, %dma_start3A] : memref<10240x128xf32, #tpu.memory_space<vmem_shared>> -> memref<32x128xf32, #tpu.memory_space<vmem_shared>>
      %dma_start3A_305 = arith.constant 0 : i32
      %dma_start3A_306 = tpu.memref_slice %arg10[%add3A_109, %dma_start3A_305] : memref<10240x128xf32, #tpu.memory_space<vmem_shared>> -> memref<32x128xf32, #tpu.memory_space<vmem_shared>>
      tpu.enqueue_dma source(%dma_start3A_306 : memref<32x128xf32, #tpu.memory_space<vmem_shared>>) target(%arg17 : memref<32x128xf32, #tpu.memory_space<vmem>>) target_semaphore(%run_scoped3A : memref<!tpu.dma_semaphore, #tpu.memory_space<semaphore_mem>>)
      %dma_wait3A = arith.constant 0 : i32
      %dma_wait3A_307 = tpu.memref_slice %arg10[%add3A_109, %dma_wait3A] : memref<10240x128xf32, #tpu.memory_space<vmem_shared>> -> memref<32x128xf32, #tpu.memory_space<vmem_shared>>
      %dma_wait3A_308 = arith.constant 0 : i32
      %dma_wait3A_309 = tpu.memref_slice %arg10[%add3A_109, %dma_wait3A_308] : memref<10240x128xf32, #tpu.memory_space<vmem_shared>> -> memref<32x128xf32, #tpu.memory_space<vmem_shared>>
      tpu.wait_dma2 semaphore(%run_scoped3A : memref<!tpu.dma_semaphore, #tpu.memory_space<semaphore_mem>>) src(%dma_wait3A_309 : memref<32x128xf32, #tpu.memory_space<vmem_shared>>) dst(%arg17 : memref<32x128xf32, #tpu.memory_space<vmem>>)
      tpu.yield
    }) : () -> ()
    %add3A_110 = arith.constant 224 : i32
    %add3A_111 = arith.addi %add3A_79, %add3A_110 : i32
    "tpu.region"() ({
      %run_scoped3A = tpu.sem_alloc : memref<!tpu.dma_semaphore, #tpu.memory_space<semaphore_mem>>
      %dma_start3A = arith.constant 0 : i32
      %dma_start3A_304 = tpu.memref_slice %arg7[%add3A_111, %dma_start3A] : memref<20480x128xf32, #tpu.memory_space<hbm>> -> memref<32x128xf32, #tpu.memory_space<hbm>>
      %dma_start3A_305 = arith.constant 0 : i32
      %dma_start3A_306 = tpu.memref_slice %arg7[%add3A_111, %dma_start3A_305] : memref<20480x128xf32, #tpu.memory_space<hbm>> -> memref<32x128xf32, #tpu.memory_space<hbm>>
      tpu.enqueue_dma source(%arg17 : memref<32x128xf32, #tpu.memory_space<vmem>>) target(%dma_start3A_306 : memref<32x128xf32, #tpu.memory_space<hbm>>) target_semaphore(%run_scoped3A : memref<!tpu.dma_semaphore, #tpu.memory_space<semaphore_mem>>)
      %dma_wait3A = arith.constant 0 : i32
      %dma_wait3A_307 = tpu.memref_slice %arg7[%add3A_111, %dma_wait3A] : memref<20480x128xf32, #tpu.memory_space<hbm>> -> memref<32x128xf32, #tpu.memory_space<hbm>>
      %dma_wait3A_308 = arith.constant 0 : i32
      %dma_wait3A_309 = tpu.memref_slice %arg7[%add3A_111, %dma_wait3A_308] : memref<20480x128xf32, #tpu.memory_space<hbm>> -> memref<32x128xf32, #tpu.memory_space<hbm>>
      tpu.wait_dma2 semaphore(%run_scoped3A : memref<!tpu.dma_semaphore, #tpu.memory_space<semaphore_mem>>) src(%arg17 : memref<32x128xf32, #tpu.memory_space<vmem>>) dst(%dma_wait3A_309 : memref<32x128xf32, #tpu.memory_space<hbm>>)
      tpu.yield
    }) : () -> ()
    %add3A_112 = arith.constant 256 : i32
    %add3A_113 = arith.addi %mul3A_0, %add3A_112 : i32
    "tpu.region"() ({
      %run_scoped3A = tpu.sem_alloc : memref<!tpu.dma_semaphore, #tpu.memory_space<semaphore_mem>>
      %dma_start3A = arith.constant 0 : i32
      %dma_start3A_304 = tpu.memref_slice %arg10[%add3A_113, %dma_start3A] : memref<10240x128xf32, #tpu.memory_space<vmem_shared>> -> memref<32x128xf32, #tpu.memory_space<vmem_shared>>
      %dma_start3A_305 = arith.constant 0 : i32
      %dma_start3A_306 = tpu.memref_slice %arg10[%add3A_113, %dma_start3A_305] : memref<10240x128xf32, #tpu.memory_space<vmem_shared>> -> memref<32x128xf32, #tpu.memory_space<vmem_shared>>
      tpu.enqueue_dma source(%dma_start3A_306 : memref<32x128xf32, #tpu.memory_space<vmem_shared>>) target(%arg17 : memref<32x128xf32, #tpu.memory_space<vmem>>) target_semaphore(%run_scoped3A : memref<!tpu.dma_semaphore, #tpu.memory_space<semaphore_mem>>)
      %dma_wait3A = arith.constant 0 : i32
      %dma_wait3A_307 = tpu.memref_slice %arg10[%add3A_113, %dma_wait3A] : memref<10240x128xf32, #tpu.memory_space<vmem_shared>> -> memref<32x128xf32, #tpu.memory_space<vmem_shared>>
      %dma_wait3A_308 = arith.constant 0 : i32
      %dma_wait3A_309 = tpu.memref_slice %arg10[%add3A_113, %dma_wait3A_308] : memref<10240x128xf32, #tpu.memory_space<vmem_shared>> -> memref<32x128xf32, #tpu.memory_space<vmem_shared>>
      tpu.wait_dma2 semaphore(%run_scoped3A : memref<!tpu.dma_semaphore, #tpu.memory_space<semaphore_mem>>) src(%dma_wait3A_309 : memref<32x128xf32, #tpu.memory_space<vmem_shared>>) dst(%arg17 : memref<32x128xf32, #tpu.memory_space<vmem>>)
      tpu.yield
    }) : () -> ()
    %add3A_114 = arith.constant 256 : i32
    %add3A_115 = arith.addi %add3A_79, %add3A_114 : i32
    "tpu.region"() ({
      %run_scoped3A = tpu.sem_alloc : memref<!tpu.dma_semaphore, #tpu.memory_space<semaphore_mem>>
      %dma_start3A = arith.constant 0 : i32
      %dma_start3A_304 = tpu.memref_slice %arg7[%add3A_115, %dma_start3A] : memref<20480x128xf32, #tpu.memory_space<hbm>> -> memref<32x128xf32, #tpu.memory_space<hbm>>
      %dma_start3A_305 = arith.constant 0 : i32
      %dma_start3A_306 = tpu.memref_slice %arg7[%add3A_115, %dma_start3A_305] : memref<20480x128xf32, #tpu.memory_space<hbm>> -> memref<32x128xf32, #tpu.memory_space<hbm>>
      tpu.enqueue_dma source(%arg17 : memref<32x128xf32, #tpu.memory_space<vmem>>) target(%dma_start3A_306 : memref<32x128xf32, #tpu.memory_space<hbm>>) target_semaphore(%run_scoped3A : memref<!tpu.dma_semaphore, #tpu.memory_space<semaphore_mem>>)
      %dma_wait3A = arith.constant 0 : i32
      %dma_wait3A_307 = tpu.memref_slice %arg7[%add3A_115, %dma_wait3A] : memref<20480x128xf32, #tpu.memory_space<hbm>> -> memref<32x128xf32, #tpu.memory_space<hbm>>
      %dma_wait3A_308 = arith.constant 0 : i32
      %dma_wait3A_309 = tpu.memref_slice %arg7[%add3A_115, %dma_wait3A_308] : memref<20480x128xf32, #tpu.memory_space<hbm>> -> memref<32x128xf32, #tpu.memory_space<hbm>>
      tpu.wait_dma2 semaphore(%run_scoped3A : memref<!tpu.dma_semaphore, #tpu.memory_space<semaphore_mem>>) src(%arg17 : memref<32x128xf32, #tpu.memory_space<vmem>>) dst(%dma_wait3A_309 : memref<32x128xf32, #tpu.memory_space<hbm>>)
      tpu.yield
    }) : () -> ()
    %add3A_116 = arith.constant 288 : i32
    %add3A_117 = arith.addi %mul3A_0, %add3A_116 : i32
    "tpu.region"() ({
      %run_scoped3A = tpu.sem_alloc : memref<!tpu.dma_semaphore, #tpu.memory_space<semaphore_mem>>
      %dma_start3A = arith.constant 0 : i32
      %dma_start3A_304 = tpu.memref_slice %arg10[%add3A_117, %dma_start3A] : memref<10240x128xf32, #tpu.memory_space<vmem_shared>> -> memref<32x128xf32, #tpu.memory_space<vmem_shared>>
      %dma_start3A_305 = arith.constant 0 : i32
      %dma_start3A_306 = tpu.memref_slice %arg10[%add3A_117, %dma_start3A_305] : memref<10240x128xf32, #tpu.memory_space<vmem_shared>> -> memref<32x128xf32, #tpu.memory_space<vmem_shared>>
      tpu.enqueue_dma source(%dma_start3A_306 : memref<32x128xf32, #tpu.memory_space<vmem_shared>>) target(%arg17 : memref<32x128xf32, #tpu.memory_space<vmem>>) target_semaphore(%run_scoped3A : memref<!tpu.dma_semaphore, #tpu.memory_space<semaphore_mem>>)
      %dma_wait3A = arith.constant 0 : i32
      %dma_wait3A_307 = tpu.memref_slice %arg10[%add3A_117, %dma_wait3A] : memref<10240x128xf32, #tpu.memory_space<vmem_shared>> -> memref<32x128xf32, #tpu.memory_space<vmem_shared>>
      %dma_wait3A_308 = arith.constant 0 : i32
      %dma_wait3A_309 = tpu.memref_slice %arg10[%add3A_117, %dma_wait3A_308] : memref<10240x128xf32, #tpu.memory_space<vmem_shared>> -> memref<32x128xf32, #tpu.memory_space<vmem_shared>>
      tpu.wait_dma2 semaphore(%run_scoped3A : memref<!tpu.dma_semaphore, #tpu.memory_space<semaphore_mem>>) src(%dma_wait3A_309 : memref<32x128xf32, #tpu.memory_space<vmem_shared>>) dst(%arg17 : memref<32x128xf32, #tpu.memory_space<vmem>>)
      tpu.yield
    }) : () -> ()
    %add3A_118 = arith.constant 288 : i32
    %add3A_119 = arith.addi %add3A_79, %add3A_118 : i32
    "tpu.region"() ({
      %run_scoped3A = tpu.sem_alloc : memref<!tpu.dma_semaphore, #tpu.memory_space<semaphore_mem>>
      %dma_start3A = arith.constant 0 : i32
      %dma_start3A_304 = tpu.memref_slice %arg7[%add3A_119, %dma_start3A] : memref<20480x128xf32, #tpu.memory_space<hbm>> -> memref<32x128xf32, #tpu.memory_space<hbm>>
      %dma_start3A_305 = arith.constant 0 : i32
      %dma_start3A_306 = tpu.memref_slice %arg7[%add3A_119, %dma_start3A_305] : memref<20480x128xf32, #tpu.memory_space<hbm>> -> memref<32x128xf32, #tpu.memory_space<hbm>>
      tpu.enqueue_dma source(%arg17 : memref<32x128xf32, #tpu.memory_space<vmem>>) target(%dma_start3A_306 : memref<32x128xf32, #tpu.memory_space<hbm>>) target_semaphore(%run_scoped3A : memref<!tpu.dma_semaphore, #tpu.memory_space<semaphore_mem>>)
      %dma_wait3A = arith.constant 0 : i32
      %dma_wait3A_307 = tpu.memref_slice %arg7[%add3A_119, %dma_wait3A] : memref<20480x128xf32, #tpu.memory_space<hbm>> -> memref<32x128xf32, #tpu.memory_space<hbm>>
      %dma_wait3A_308 = arith.constant 0 : i32
      %dma_wait3A_309 = tpu.memref_slice %arg7[%add3A_119, %dma_wait3A_308] : memref<20480x128xf32, #tpu.memory_space<hbm>> -> memref<32x128xf32, #tpu.memory_space<hbm>>
      tpu.wait_dma2 semaphore(%run_scoped3A : memref<!tpu.dma_semaphore, #tpu.memory_space<semaphore_mem>>) src(%arg17 : memref<32x128xf32, #tpu.memory_space<vmem>>) dst(%dma_wait3A_309 : memref<32x128xf32, #tpu.memory_space<hbm>>)
      tpu.yield
    }) : () -> ()
    %add3A_120 = arith.constant 320 : i32
    %add3A_121 = arith.addi %mul3A_0, %add3A_120 : i32
    "tpu.region"() ({
      %run_scoped3A = tpu.sem_alloc : memref<!tpu.dma_semaphore, #tpu.memory_space<semaphore_mem>>
      %dma_start3A = arith.constant 0 : i32
      %dma_start3A_304 = tpu.memref_slice %arg10[%add3A_121, %dma_start3A] : memref<10240x128xf32, #tpu.memory_space<vmem_shared>> -> memref<32x128xf32, #tpu.memory_space<vmem_shared>>
      %dma_start3A_305 = arith.constant 0 : i32
      %dma_start3A_306 = tpu.memref_slice %arg10[%add3A_121, %dma_start3A_305] : memref<10240x128xf32, #tpu.memory_space<vmem_shared>> -> memref<32x128xf32, #tpu.memory_space<vmem_shared>>
      tpu.enqueue_dma source(%dma_start3A_306 : memref<32x128xf32, #tpu.memory_space<vmem_shared>>) target(%arg17 : memref<32x128xf32, #tpu.memory_space<vmem>>) target_semaphore(%run_scoped3A : memref<!tpu.dma_semaphore, #tpu.memory_space<semaphore_mem>>)
      %dma_wait3A = arith.constant 0 : i32
      %dma_wait3A_307 = tpu.memref_slice %arg10[%add3A_121, %dma_wait3A] : memref<10240x128xf32, #tpu.memory_space<vmem_shared>> -> memref<32x128xf32, #tpu.memory_space<vmem_shared>>
      %dma_wait3A_308 = arith.constant 0 : i32
      %dma_wait3A_309 = tpu.memref_slice %arg10[%add3A_121, %dma_wait3A_308] : memref<10240x128xf32, #tpu.memory_space<vmem_shared>> -> memref<32x128xf32, #tpu.memory_space<vmem_shared>>
      tpu.wait_dma2 semaphore(%run_scoped3A : memref<!tpu.dma_semaphore, #tpu.memory_space<semaphore_mem>>) src(%dma_wait3A_309 : memref<32x128xf32, #tpu.memory_space<vmem_shared>>) dst(%arg17 : memref<32x128xf32, #tpu.memory_space<vmem>>)
      tpu.yield
    }) : () -> ()
    %add3A_122 = arith.constant 320 : i32
    %add3A_123 = arith.addi %add3A_79, %add3A_122 : i32
    "tpu.region"() ({
      %run_scoped3A = tpu.sem_alloc : memref<!tpu.dma_semaphore, #tpu.memory_space<semaphore_mem>>
      %dma_start3A = arith.constant 0 : i32
      %dma_start3A_304 = tpu.memref_slice %arg7[%add3A_123, %dma_start3A] : memref<20480x128xf32, #tpu.memory_space<hbm>> -> memref<32x128xf32, #tpu.memory_space<hbm>>
      %dma_start3A_305 = arith.constant 0 : i32
      %dma_start3A_306 = tpu.memref_slice %arg7[%add3A_123, %dma_start3A_305] : memref<20480x128xf32, #tpu.memory_space<hbm>> -> memref<32x128xf32, #tpu.memory_space<hbm>>
      tpu.enqueue_dma source(%arg17 : memref<32x128xf32, #tpu.memory_space<vmem>>) target(%dma_start3A_306 : memref<32x128xf32, #tpu.memory_space<hbm>>) target_semaphore(%run_scoped3A : memref<!tpu.dma_semaphore, #tpu.memory_space<semaphore_mem>>)
      %dma_wait3A = arith.constant 0 : i32
      %dma_wait3A_307 = tpu.memref_slice %arg7[%add3A_123, %dma_wait3A] : memref<20480x128xf32, #tpu.memory_space<hbm>> -> memref<32x128xf32, #tpu.memory_space<hbm>>
      %dma_wait3A_308 = arith.constant 0 : i32
      %dma_wait3A_309 = tpu.memref_slice %arg7[%add3A_123, %dma_wait3A_308] : memref<20480x128xf32, #tpu.memory_space<hbm>> -> memref<32x128xf32, #tpu.memory_space<hbm>>
      tpu.wait_dma2 semaphore(%run_scoped3A : memref<!tpu.dma_semaphore, #tpu.memory_space<semaphore_mem>>) src(%arg17 : memref<32x128xf32, #tpu.memory_space<vmem>>) dst(%dma_wait3A_309 : memref<32x128xf32, #tpu.memory_space<hbm>>)
      tpu.yield
    }) : () -> ()
    %add3A_124 = arith.constant 352 : i32
    %add3A_125 = arith.addi %mul3A_0, %add3A_124 : i32
    "tpu.region"() ({
      %run_scoped3A = tpu.sem_alloc : memref<!tpu.dma_semaphore, #tpu.memory_space<semaphore_mem>>
      %dma_start3A = arith.constant 0 : i32
      %dma_start3A_304 = tpu.memref_slice %arg10[%add3A_125, %dma_start3A] : memref<10240x128xf32, #tpu.memory_space<vmem_shared>> -> memref<32x128xf32, #tpu.memory_space<vmem_shared>>
      %dma_start3A_305 = arith.constant 0 : i32
      %dma_start3A_306 = tpu.memref_slice %arg10[%add3A_125, %dma_start3A_305] : memref<10240x128xf32, #tpu.memory_space<vmem_shared>> -> memref<32x128xf32, #tpu.memory_space<vmem_shared>>
      tpu.enqueue_dma source(%dma_start3A_306 : memref<32x128xf32, #tpu.memory_space<vmem_shared>>) target(%arg17 : memref<32x128xf32, #tpu.memory_space<vmem>>) target_semaphore(%run_scoped3A : memref<!tpu.dma_semaphore, #tpu.memory_space<semaphore_mem>>)
      %dma_wait3A = arith.constant 0 : i32
      %dma_wait3A_307 = tpu.memref_slice %arg10[%add3A_125, %dma_wait3A] : memref<10240x128xf32, #tpu.memory_space<vmem_shared>> -> memref<32x128xf32, #tpu.memory_space<vmem_shared>>
      %dma_wait3A_308 = arith.constant 0 : i32
      %dma_wait3A_309 = tpu.memref_slice %arg10[%add3A_125, %dma_wait3A_308] : memref<10240x128xf32, #tpu.memory_space<vmem_shared>> -> memref<32x128xf32, #tpu.memory_space<vmem_shared>>
      tpu.wait_dma2 semaphore(%run_scoped3A : memref<!tpu.dma_semaphore, #tpu.memory_space<semaphore_mem>>) src(%dma_wait3A_309 : memref<32x128xf32, #tpu.memory_space<vmem_shared>>) dst(%arg17 : memref<32x128xf32, #tpu.memory_space<vmem>>)
      tpu.yield
    }) : () -> ()
    %add3A_126 = arith.constant 352 : i32
    %add3A_127 = arith.addi %add3A_79, %add3A_126 : i32
    "tpu.region"() ({
      %run_scoped3A = tpu.sem_alloc : memref<!tpu.dma_semaphore, #tpu.memory_space<semaphore_mem>>
      %dma_start3A = arith.constant 0 : i32
      %dma_start3A_304 = tpu.memref_slice %arg7[%add3A_127, %dma_start3A] : memref<20480x128xf32, #tpu.memory_space<hbm>> -> memref<32x128xf32, #tpu.memory_space<hbm>>
      %dma_start3A_305 = arith.constant 0 : i32
      %dma_start3A_306 = tpu.memref_slice %arg7[%add3A_127, %dma_start3A_305] : memref<20480x128xf32, #tpu.memory_space<hbm>> -> memref<32x128xf32, #tpu.memory_space<hbm>>
      tpu.enqueue_dma source(%arg17 : memref<32x128xf32, #tpu.memory_space<vmem>>) target(%dma_start3A_306 : memref<32x128xf32, #tpu.memory_space<hbm>>) target_semaphore(%run_scoped3A : memref<!tpu.dma_semaphore, #tpu.memory_space<semaphore_mem>>)
      %dma_wait3A = arith.constant 0 : i32
      %dma_wait3A_307 = tpu.memref_slice %arg7[%add3A_127, %dma_wait3A] : memref<20480x128xf32, #tpu.memory_space<hbm>> -> memref<32x128xf32, #tpu.memory_space<hbm>>
      %dma_wait3A_308 = arith.constant 0 : i32
      %dma_wait3A_309 = tpu.memref_slice %arg7[%add3A_127, %dma_wait3A_308] : memref<20480x128xf32, #tpu.memory_space<hbm>> -> memref<32x128xf32, #tpu.memory_space<hbm>>
      tpu.wait_dma2 semaphore(%run_scoped3A : memref<!tpu.dma_semaphore, #tpu.memory_space<semaphore_mem>>) src(%arg17 : memref<32x128xf32, #tpu.memory_space<vmem>>) dst(%dma_wait3A_309 : memref<32x128xf32, #tpu.memory_space<hbm>>)
      tpu.yield
    }) : () -> ()
    %add3A_128 = arith.constant 384 : i32
    %add3A_129 = arith.addi %mul3A_0, %add3A_128 : i32
    "tpu.region"() ({
      %run_scoped3A = tpu.sem_alloc : memref<!tpu.dma_semaphore, #tpu.memory_space<semaphore_mem>>
      %dma_start3A = arith.constant 0 : i32
      %dma_start3A_304 = tpu.memref_slice %arg10[%add3A_129, %dma_start3A] : memref<10240x128xf32, #tpu.memory_space<vmem_shared>> -> memref<32x128xf32, #tpu.memory_space<vmem_shared>>
      %dma_start3A_305 = arith.constant 0 : i32
      %dma_start3A_306 = tpu.memref_slice %arg10[%add3A_129, %dma_start3A_305] : memref<10240x128xf32, #tpu.memory_space<vmem_shared>> -> memref<32x128xf32, #tpu.memory_space<vmem_shared>>
      tpu.enqueue_dma source(%dma_start3A_306 : memref<32x128xf32, #tpu.memory_space<vmem_shared>>) target(%arg17 : memref<32x128xf32, #tpu.memory_space<vmem>>) target_semaphore(%run_scoped3A : memref<!tpu.dma_semaphore, #tpu.memory_space<semaphore_mem>>)
      %dma_wait3A = arith.constant 0 : i32
      %dma_wait3A_307 = tpu.memref_slice %arg10[%add3A_129, %dma_wait3A] : memref<10240x128xf32, #tpu.memory_space<vmem_shared>> -> memref<32x128xf32, #tpu.memory_space<vmem_shared>>
      %dma_wait3A_308 = arith.constant 0 : i32
      %dma_wait3A_309 = tpu.memref_slice %arg10[%add3A_129, %dma_wait3A_308] : memref<10240x128xf32, #tpu.memory_space<vmem_shared>> -> memref<32x128xf32, #tpu.memory_space<vmem_shared>>
      tpu.wait_dma2 semaphore(%run_scoped3A : memref<!tpu.dma_semaphore, #tpu.memory_space<semaphore_mem>>) src(%dma_wait3A_309 : memref<32x128xf32, #tpu.memory_space<vmem_shared>>) dst(%arg17 : memref<32x128xf32, #tpu.memory_space<vmem>>)
      tpu.yield
    }) : () -> ()
    %add3A_130 = arith.constant 384 : i32
    %add3A_131 = arith.addi %add3A_79, %add3A_130 : i32
    "tpu.region"() ({
      %run_scoped3A = tpu.sem_alloc : memref<!tpu.dma_semaphore, #tpu.memory_space<semaphore_mem>>
      %dma_start3A = arith.constant 0 : i32
      %dma_start3A_304 = tpu.memref_slice %arg7[%add3A_131, %dma_start3A] : memref<20480x128xf32, #tpu.memory_space<hbm>> -> memref<32x128xf32, #tpu.memory_space<hbm>>
      %dma_start3A_305 = arith.constant 0 : i32
      %dma_start3A_306 = tpu.memref_slice %arg7[%add3A_131, %dma_start3A_305] : memref<20480x128xf32, #tpu.memory_space<hbm>> -> memref<32x128xf32, #tpu.memory_space<hbm>>
      tpu.enqueue_dma source(%arg17 : memref<32x128xf32, #tpu.memory_space<vmem>>) target(%dma_start3A_306 : memref<32x128xf32, #tpu.memory_space<hbm>>) target_semaphore(%run_scoped3A : memref<!tpu.dma_semaphore, #tpu.memory_space<semaphore_mem>>)
      %dma_wait3A = arith.constant 0 : i32
      %dma_wait3A_307 = tpu.memref_slice %arg7[%add3A_131, %dma_wait3A] : memref<20480x128xf32, #tpu.memory_space<hbm>> -> memref<32x128xf32, #tpu.memory_space<hbm>>
      %dma_wait3A_308 = arith.constant 0 : i32
      %dma_wait3A_309 = tpu.memref_slice %arg7[%add3A_131, %dma_wait3A_308] : memref<20480x128xf32, #tpu.memory_space<hbm>> -> memref<32x128xf32, #tpu.memory_space<hbm>>
      tpu.wait_dma2 semaphore(%run_scoped3A : memref<!tpu.dma_semaphore, #tpu.memory_space<semaphore_mem>>) src(%arg17 : memref<32x128xf32, #tpu.memory_space<vmem>>) dst(%dma_wait3A_309 : memref<32x128xf32, #tpu.memory_space<hbm>>)
      tpu.yield
    }) : () -> ()
    %add3A_132 = arith.constant 416 : i32
    %add3A_133 = arith.addi %mul3A_0, %add3A_132 : i32
    "tpu.region"() ({
      %run_scoped3A = tpu.sem_alloc : memref<!tpu.dma_semaphore, #tpu.memory_space<semaphore_mem>>
      %dma_start3A = arith.constant 0 : i32
      %dma_start3A_304 = tpu.memref_slice %arg10[%add3A_133, %dma_start3A] : memref<10240x128xf32, #tpu.memory_space<vmem_shared>> -> memref<32x128xf32, #tpu.memory_space<vmem_shared>>
      %dma_start3A_305 = arith.constant 0 : i32
      %dma_start3A_306 = tpu.memref_slice %arg10[%add3A_133, %dma_start3A_305] : memref<10240x128xf32, #tpu.memory_space<vmem_shared>> -> memref<32x128xf32, #tpu.memory_space<vmem_shared>>
      tpu.enqueue_dma source(%dma_start3A_306 : memref<32x128xf32, #tpu.memory_space<vmem_shared>>) target(%arg17 : memref<32x128xf32, #tpu.memory_space<vmem>>) target_semaphore(%run_scoped3A : memref<!tpu.dma_semaphore, #tpu.memory_space<semaphore_mem>>)
      %dma_wait3A = arith.constant 0 : i32
      %dma_wait3A_307 = tpu.memref_slice %arg10[%add3A_133, %dma_wait3A] : memref<10240x128xf32, #tpu.memory_space<vmem_shared>> -> memref<32x128xf32, #tpu.memory_space<vmem_shared>>
      %dma_wait3A_308 = arith.constant 0 : i32
      %dma_wait3A_309 = tpu.memref_slice %arg10[%add3A_133, %dma_wait3A_308] : memref<10240x128xf32, #tpu.memory_space<vmem_shared>> -> memref<32x128xf32, #tpu.memory_space<vmem_shared>>
      tpu.wait_dma2 semaphore(%run_scoped3A : memref<!tpu.dma_semaphore, #tpu.memory_space<semaphore_mem>>) src(%dma_wait3A_309 : memref<32x128xf32, #tpu.memory_space<vmem_shared>>) dst(%arg17 : memref<32x128xf32, #tpu.memory_space<vmem>>)
      tpu.yield
    }) : () -> ()
    %add3A_134 = arith.constant 416 : i32
    %add3A_135 = arith.addi %add3A_79, %add3A_134 : i32
    "tpu.region"() ({
      %run_scoped3A = tpu.sem_alloc : memref<!tpu.dma_semaphore, #tpu.memory_space<semaphore_mem>>
      %dma_start3A = arith.constant 0 : i32
      %dma_start3A_304 = tpu.memref_slice %arg7[%add3A_135, %dma_start3A] : memref<20480x128xf32, #tpu.memory_space<hbm>> -> memref<32x128xf32, #tpu.memory_space<hbm>>
      %dma_start3A_305 = arith.constant 0 : i32
      %dma_start3A_306 = tpu.memref_slice %arg7[%add3A_135, %dma_start3A_305] : memref<20480x128xf32, #tpu.memory_space<hbm>> -> memref<32x128xf32, #tpu.memory_space<hbm>>
      tpu.enqueue_dma source(%arg17 : memref<32x128xf32, #tpu.memory_space<vmem>>) target(%dma_start3A_306 : memref<32x128xf32, #tpu.memory_space<hbm>>) target_semaphore(%run_scoped3A : memref<!tpu.dma_semaphore, #tpu.memory_space<semaphore_mem>>)
      %dma_wait3A = arith.constant 0 : i32
      %dma_wait3A_307 = tpu.memref_slice %arg7[%add3A_135, %dma_wait3A] : memref<20480x128xf32, #tpu.memory_space<hbm>> -> memref<32x128xf32, #tpu.memory_space<hbm>>
      %dma_wait3A_308 = arith.constant 0 : i32
      %dma_wait3A_309 = tpu.memref_slice %arg7[%add3A_135, %dma_wait3A_308] : memref<20480x128xf32, #tpu.memory_space<hbm>> -> memref<32x128xf32, #tpu.memory_space<hbm>>
      tpu.wait_dma2 semaphore(%run_scoped3A : memref<!tpu.dma_semaphore, #tpu.memory_space<semaphore_mem>>) src(%arg17 : memref<32x128xf32, #tpu.memory_space<vmem>>) dst(%dma_wait3A_309 : memref<32x128xf32, #tpu.memory_space<hbm>>)
      tpu.yield
    }) : () -> ()
    %add3A_136 = arith.constant 448 : i32
    %add3A_137 = arith.addi %mul3A_0, %add3A_136 : i32
    "tpu.region"() ({
      %run_scoped3A = tpu.sem_alloc : memref<!tpu.dma_semaphore, #tpu.memory_space<semaphore_mem>>
      %dma_start3A = arith.constant 0 : i32
      %dma_start3A_304 = tpu.memref_slice %arg10[%add3A_137, %dma_start3A] : memref<10240x128xf32, #tpu.memory_space<vmem_shared>> -> memref<32x128xf32, #tpu.memory_space<vmem_shared>>
      %dma_start3A_305 = arith.constant 0 : i32
      %dma_start3A_306 = tpu.memref_slice %arg10[%add3A_137, %dma_start3A_305] : memref<10240x128xf32, #tpu.memory_space<vmem_shared>> -> memref<32x128xf32, #tpu.memory_space<vmem_shared>>
      tpu.enqueue_dma source(%dma_start3A_306 : memref<32x128xf32, #tpu.memory_space<vmem_shared>>) target(%arg17 : memref<32x128xf32, #tpu.memory_space<vmem>>) target_semaphore(%run_scoped3A : memref<!tpu.dma_semaphore, #tpu.memory_space<semaphore_mem>>)
      %dma_wait3A = arith.constant 0 : i32
      %dma_wait3A_307 = tpu.memref_slice %arg10[%add3A_137, %dma_wait3A] : memref<10240x128xf32, #tpu.memory_space<vmem_shared>> -> memref<32x128xf32, #tpu.memory_space<vmem_shared>>
      %dma_wait3A_308 = arith.constant 0 : i32
      %dma_wait3A_309 = tpu.memref_slice %arg10[%add3A_137, %dma_wait3A_308] : memref<10240x128xf32, #tpu.memory_space<vmem_shared>> -> memref<32x128xf32, #tpu.memory_space<vmem_shared>>
      tpu.wait_dma2 semaphore(%run_scoped3A : memref<!tpu.dma_semaphore, #tpu.memory_space<semaphore_mem>>) src(%dma_wait3A_309 : memref<32x128xf32, #tpu.memory_space<vmem_shared>>) dst(%arg17 : memref<32x128xf32, #tpu.memory_space<vmem>>)
      tpu.yield
    }) : () -> ()
    %add3A_138 = arith.constant 448 : i32
    %add3A_139 = arith.addi %add3A_79, %add3A_138 : i32
    "tpu.region"() ({
      %run_scoped3A = tpu.sem_alloc : memref<!tpu.dma_semaphore, #tpu.memory_space<semaphore_mem>>
      %dma_start3A = arith.constant 0 : i32
      %dma_start3A_304 = tpu.memref_slice %arg7[%add3A_139, %dma_start3A] : memref<20480x128xf32, #tpu.memory_space<hbm>> -> memref<32x128xf32, #tpu.memory_space<hbm>>
      %dma_start3A_305 = arith.constant 0 : i32
      %dma_start3A_306 = tpu.memref_slice %arg7[%add3A_139, %dma_start3A_305] : memref<20480x128xf32, #tpu.memory_space<hbm>> -> memref<32x128xf32, #tpu.memory_space<hbm>>
      tpu.enqueue_dma source(%arg17 : memref<32x128xf32, #tpu.memory_space<vmem>>) target(%dma_start3A_306 : memref<32x128xf32, #tpu.memory_space<hbm>>) target_semaphore(%run_scoped3A : memref<!tpu.dma_semaphore, #tpu.memory_space<semaphore_mem>>)
      %dma_wait3A = arith.constant 0 : i32
      %dma_wait3A_307 = tpu.memref_slice %arg7[%add3A_139, %dma_wait3A] : memref<20480x128xf32, #tpu.memory_space<hbm>> -> memref<32x128xf32, #tpu.memory_space<hbm>>
      %dma_wait3A_308 = arith.constant 0 : i32
      %dma_wait3A_309 = tpu.memref_slice %arg7[%add3A_139, %dma_wait3A_308] : memref<20480x128xf32, #tpu.memory_space<hbm>> -> memref<32x128xf32, #tpu.memory_space<hbm>>
      tpu.wait_dma2 semaphore(%run_scoped3A : memref<!tpu.dma_semaphore, #tpu.memory_space<semaphore_mem>>) src(%arg17 : memref<32x128xf32, #tpu.memory_space<vmem>>) dst(%dma_wait3A_309 : memref<32x128xf32, #tpu.memory_space<hbm>>)
      tpu.yield
    }) : () -> ()
    %add3A_140 = arith.constant 480 : i32
    %add3A_141 = arith.addi %mul3A_0, %add3A_140 : i32
    "tpu.region"() ({
      %run_scoped3A = tpu.sem_alloc : memref<!tpu.dma_semaphore, #tpu.memory_space<semaphore_mem>>
      %dma_start3A = arith.constant 0 : i32
      %dma_start3A_304 = tpu.memref_slice %arg10[%add3A_141, %dma_start3A] : memref<10240x128xf32, #tpu.memory_space<vmem_shared>> -> memref<32x128xf32, #tpu.memory_space<vmem_shared>>
      %dma_start3A_305 = arith.constant 0 : i32
      %dma_start3A_306 = tpu.memref_slice %arg10[%add3A_141, %dma_start3A_305] : memref<10240x128xf32, #tpu.memory_space<vmem_shared>> -> memref<32x128xf32, #tpu.memory_space<vmem_shared>>
      tpu.enqueue_dma source(%dma_start3A_306 : memref<32x128xf32, #tpu.memory_space<vmem_shared>>) target(%arg17 : memref<32x128xf32, #tpu.memory_space<vmem>>) target_semaphore(%run_scoped3A : memref<!tpu.dma_semaphore, #tpu.memory_space<semaphore_mem>>)
      %dma_wait3A = arith.constant 0 : i32
      %dma_wait3A_307 = tpu.memref_slice %arg10[%add3A_141, %dma_wait3A] : memref<10240x128xf32, #tpu.memory_space<vmem_shared>> -> memref<32x128xf32, #tpu.memory_space<vmem_shared>>
      %dma_wait3A_308 = arith.constant 0 : i32
      %dma_wait3A_309 = tpu.memref_slice %arg10[%add3A_141, %dma_wait3A_308] : memref<10240x128xf32, #tpu.memory_space<vmem_shared>> -> memref<32x128xf32, #tpu.memory_space<vmem_shared>>
      tpu.wait_dma2 semaphore(%run_scoped3A : memref<!tpu.dma_semaphore, #tpu.memory_space<semaphore_mem>>) src(%dma_wait3A_309 : memref<32x128xf32, #tpu.memory_space<vmem_shared>>) dst(%arg17 : memref<32x128xf32, #tpu.memory_space<vmem>>)
      tpu.yield
    }) : () -> ()
    %add3A_142 = arith.constant 480 : i32
    %add3A_143 = arith.addi %add3A_79, %add3A_142 : i32
    "tpu.region"() ({
      %run_scoped3A = tpu.sem_alloc : memref<!tpu.dma_semaphore, #tpu.memory_space<semaphore_mem>>
      %dma_start3A = arith.constant 0 : i32
      %dma_start3A_304 = tpu.memref_slice %arg7[%add3A_143, %dma_start3A] : memref<20480x128xf32, #tpu.memory_space<hbm>> -> memref<32x128xf32, #tpu.memory_space<hbm>>
      %dma_start3A_305 = arith.constant 0 : i32
      %dma_start3A_306 = tpu.memref_slice %arg7[%add3A_143, %dma_start3A_305] : memref<20480x128xf32, #tpu.memory_space<hbm>> -> memref<32x128xf32, #tpu.memory_space<hbm>>
      tpu.enqueue_dma source(%arg17 : memref<32x128xf32, #tpu.memory_space<vmem>>) target(%dma_start3A_306 : memref<32x128xf32, #tpu.memory_space<hbm>>) target_semaphore(%run_scoped3A : memref<!tpu.dma_semaphore, #tpu.memory_space<semaphore_mem>>)
      %dma_wait3A = arith.constant 0 : i32
      %dma_wait3A_307 = tpu.memref_slice %arg7[%add3A_143, %dma_wait3A] : memref<20480x128xf32, #tpu.memory_space<hbm>> -> memref<32x128xf32, #tpu.memory_space<hbm>>
      %dma_wait3A_308 = arith.constant 0 : i32
      %dma_wait3A_309 = tpu.memref_slice %arg7[%add3A_143, %dma_wait3A_308] : memref<20480x128xf32, #tpu.memory_space<hbm>> -> memref<32x128xf32, #tpu.memory_space<hbm>>
      tpu.wait_dma2 semaphore(%run_scoped3A : memref<!tpu.dma_semaphore, #tpu.memory_space<semaphore_mem>>) src(%arg17 : memref<32x128xf32, #tpu.memory_space<vmem>>) dst(%dma_wait3A_309 : memref<32x128xf32, #tpu.memory_space<hbm>>)
      tpu.yield
    }) : () -> ()
    %add3A_144 = arith.constant 512 : i32
    %add3A_145 = arith.addi %mul3A_0, %add3A_144 : i32
    "tpu.region"() ({
      %run_scoped3A = tpu.sem_alloc : memref<!tpu.dma_semaphore, #tpu.memory_space<semaphore_mem>>
      %dma_start3A = arith.constant 0 : i32
      %dma_start3A_304 = tpu.memref_slice %arg10[%add3A_145, %dma_start3A] : memref<10240x128xf32, #tpu.memory_space<vmem_shared>> -> memref<32x128xf32, #tpu.memory_space<vmem_shared>>
      %dma_start3A_305 = arith.constant 0 : i32
      %dma_start3A_306 = tpu.memref_slice %arg10[%add3A_145, %dma_start3A_305] : memref<10240x128xf32, #tpu.memory_space<vmem_shared>> -> memref<32x128xf32, #tpu.memory_space<vmem_shared>>
      tpu.enqueue_dma source(%dma_start3A_306 : memref<32x128xf32, #tpu.memory_space<vmem_shared>>) target(%arg17 : memref<32x128xf32, #tpu.memory_space<vmem>>) target_semaphore(%run_scoped3A : memref<!tpu.dma_semaphore, #tpu.memory_space<semaphore_mem>>)
      %dma_wait3A = arith.constant 0 : i32
      %dma_wait3A_307 = tpu.memref_slice %arg10[%add3A_145, %dma_wait3A] : memref<10240x128xf32, #tpu.memory_space<vmem_shared>> -> memref<32x128xf32, #tpu.memory_space<vmem_shared>>
      %dma_wait3A_308 = arith.constant 0 : i32
      %dma_wait3A_309 = tpu.memref_slice %arg10[%add3A_145, %dma_wait3A_308] : memref<10240x128xf32, #tpu.memory_space<vmem_shared>> -> memref<32x128xf32, #tpu.memory_space<vmem_shared>>
      tpu.wait_dma2 semaphore(%run_scoped3A : memref<!tpu.dma_semaphore, #tpu.memory_space<semaphore_mem>>) src(%dma_wait3A_309 : memref<32x128xf32, #tpu.memory_space<vmem_shared>>) dst(%arg17 : memref<32x128xf32, #tpu.memory_space<vmem>>)
      tpu.yield
    }) : () -> ()
    %add3A_146 = arith.constant 512 : i32
    %add3A_147 = arith.addi %add3A_79, %add3A_146 : i32
    "tpu.region"() ({
      %run_scoped3A = tpu.sem_alloc : memref<!tpu.dma_semaphore, #tpu.memory_space<semaphore_mem>>
      %dma_start3A = arith.constant 0 : i32
      %dma_start3A_304 = tpu.memref_slice %arg7[%add3A_147, %dma_start3A] : memref<20480x128xf32, #tpu.memory_space<hbm>> -> memref<32x128xf32, #tpu.memory_space<hbm>>
      %dma_start3A_305 = arith.constant 0 : i32
      %dma_start3A_306 = tpu.memref_slice %arg7[%add3A_147, %dma_start3A_305] : memref<20480x128xf32, #tpu.memory_space<hbm>> -> memref<32x128xf32, #tpu.memory_space<hbm>>
      tpu.enqueue_dma source(%arg17 : memref<32x128xf32, #tpu.memory_space<vmem>>) target(%dma_start3A_306 : memref<32x128xf32, #tpu.memory_space<hbm>>) target_semaphore(%run_scoped3A : memref<!tpu.dma_semaphore, #tpu.memory_space<semaphore_mem>>)
      %dma_wait3A = arith.constant 0 : i32
      %dma_wait3A_307 = tpu.memref_slice %arg7[%add3A_147, %dma_wait3A] : memref<20480x128xf32, #tpu.memory_space<hbm>> -> memref<32x128xf32, #tpu.memory_space<hbm>>
      %dma_wait3A_308 = arith.constant 0 : i32
      %dma_wait3A_309 = tpu.memref_slice %arg7[%add3A_147, %dma_wait3A_308] : memref<20480x128xf32, #tpu.memory_space<hbm>> -> memref<32x128xf32, #tpu.memory_space<hbm>>
      tpu.wait_dma2 semaphore(%run_scoped3A : memref<!tpu.dma_semaphore, #tpu.memory_space<semaphore_mem>>) src(%arg17 : memref<32x128xf32, #tpu.memory_space<vmem>>) dst(%dma_wait3A_309 : memref<32x128xf32, #tpu.memory_space<hbm>>)
      tpu.yield
    }) : () -> ()
    %add3A_148 = arith.constant 544 : i32
    %add3A_149 = arith.addi %mul3A_0, %add3A_148 : i32
    "tpu.region"() ({
      %run_scoped3A = tpu.sem_alloc : memref<!tpu.dma_semaphore, #tpu.memory_space<semaphore_mem>>
      %dma_start3A = arith.constant 0 : i32
      %dma_start3A_304 = tpu.memref_slice %arg10[%add3A_149, %dma_start3A] : memref<10240x128xf32, #tpu.memory_space<vmem_shared>> -> memref<32x128xf32, #tpu.memory_space<vmem_shared>>
      %dma_start3A_305 = arith.constant 0 : i32
      %dma_start3A_306 = tpu.memref_slice %arg10[%add3A_149, %dma_start3A_305] : memref<10240x128xf32, #tpu.memory_space<vmem_shared>> -> memref<32x128xf32, #tpu.memory_space<vmem_shared>>
      tpu.enqueue_dma source(%dma_start3A_306 : memref<32x128xf32, #tpu.memory_space<vmem_shared>>) target(%arg17 : memref<32x128xf32, #tpu.memory_space<vmem>>) target_semaphore(%run_scoped3A : memref<!tpu.dma_semaphore, #tpu.memory_space<semaphore_mem>>)
      %dma_wait3A = arith.constant 0 : i32
      %dma_wait3A_307 = tpu.memref_slice %arg10[%add3A_149, %dma_wait3A] : memref<10240x128xf32, #tpu.memory_space<vmem_shared>> -> memref<32x128xf32, #tpu.memory_space<vmem_shared>>
      %dma_wait3A_308 = arith.constant 0 : i32
      %dma_wait3A_309 = tpu.memref_slice %arg10[%add3A_149, %dma_wait3A_308] : memref<10240x128xf32, #tpu.memory_space<vmem_shared>> -> memref<32x128xf32, #tpu.memory_space<vmem_shared>>
      tpu.wait_dma2 semaphore(%run_scoped3A : memref<!tpu.dma_semaphore, #tpu.memory_space<semaphore_mem>>) src(%dma_wait3A_309 : memref<32x128xf32, #tpu.memory_space<vmem_shared>>) dst(%arg17 : memref<32x128xf32, #tpu.memory_space<vmem>>)
      tpu.yield
    }) : () -> ()
    %add3A_150 = arith.constant 544 : i32
    %add3A_151 = arith.addi %add3A_79, %add3A_150 : i32
    "tpu.region"() ({
      %run_scoped3A = tpu.sem_alloc : memref<!tpu.dma_semaphore, #tpu.memory_space<semaphore_mem>>
      %dma_start3A = arith.constant 0 : i32
      %dma_start3A_304 = tpu.memref_slice %arg7[%add3A_151, %dma_start3A] : memref<20480x128xf32, #tpu.memory_space<hbm>> -> memref<32x128xf32, #tpu.memory_space<hbm>>
      %dma_start3A_305 = arith.constant 0 : i32
      %dma_start3A_306 = tpu.memref_slice %arg7[%add3A_151, %dma_start3A_305] : memref<20480x128xf32, #tpu.memory_space<hbm>> -> memref<32x128xf32, #tpu.memory_space<hbm>>
      tpu.enqueue_dma source(%arg17 : memref<32x128xf32, #tpu.memory_space<vmem>>) target(%dma_start3A_306 : memref<32x128xf32, #tpu.memory_space<hbm>>) target_semaphore(%run_scoped3A : memref<!tpu.dma_semaphore, #tpu.memory_space<semaphore_mem>>)
      %dma_wait3A = arith.constant 0 : i32
      %dma_wait3A_307 = tpu.memref_slice %arg7[%add3A_151, %dma_wait3A] : memref<20480x128xf32, #tpu.memory_space<hbm>> -> memref<32x128xf32, #tpu.memory_space<hbm>>
      %dma_wait3A_308 = arith.constant 0 : i32
      %dma_wait3A_309 = tpu.memref_slice %arg7[%add3A_151, %dma_wait3A_308] : memref<20480x128xf32, #tpu.memory_space<hbm>> -> memref<32x128xf32, #tpu.memory_space<hbm>>
      tpu.wait_dma2 semaphore(%run_scoped3A : memref<!tpu.dma_semaphore, #tpu.memory_space<semaphore_mem>>) src(%arg17 : memref<32x128xf32, #tpu.memory_space<vmem>>) dst(%dma_wait3A_309 : memref<32x128xf32, #tpu.memory_space<hbm>>)
      tpu.yield
    }) : () -> ()
    %add3A_152 = arith.constant 576 : i32
    %add3A_153 = arith.addi %mul3A_0, %add3A_152 : i32
    "tpu.region"() ({
      %run_scoped3A = tpu.sem_alloc : memref<!tpu.dma_semaphore, #tpu.memory_space<semaphore_mem>>
      %dma_start3A = arith.constant 0 : i32
      %dma_start3A_304 = tpu.memref_slice %arg10[%add3A_153, %dma_start3A] : memref<10240x128xf32, #tpu.memory_space<vmem_shared>> -> memref<32x128xf32, #tpu.memory_space<vmem_shared>>
      %dma_start3A_305 = arith.constant 0 : i32
      %dma_start3A_306 = tpu.memref_slice %arg10[%add3A_153, %dma_start3A_305] : memref<10240x128xf32, #tpu.memory_space<vmem_shared>> -> memref<32x128xf32, #tpu.memory_space<vmem_shared>>
      tpu.enqueue_dma source(%dma_start3A_306 : memref<32x128xf32, #tpu.memory_space<vmem_shared>>) target(%arg17 : memref<32x128xf32, #tpu.memory_space<vmem>>) target_semaphore(%run_scoped3A : memref<!tpu.dma_semaphore, #tpu.memory_space<semaphore_mem>>)
      %dma_wait3A = arith.constant 0 : i32
      %dma_wait3A_307 = tpu.memref_slice %arg10[%add3A_153, %dma_wait3A] : memref<10240x128xf32, #tpu.memory_space<vmem_shared>> -> memref<32x128xf32, #tpu.memory_space<vmem_shared>>
      %dma_wait3A_308 = arith.constant 0 : i32
      %dma_wait3A_309 = tpu.memref_slice %arg10[%add3A_153, %dma_wait3A_308] : memref<10240x128xf32, #tpu.memory_space<vmem_shared>> -> memref<32x128xf32, #tpu.memory_space<vmem_shared>>
      tpu.wait_dma2 semaphore(%run_scoped3A : memref<!tpu.dma_semaphore, #tpu.memory_space<semaphore_mem>>) src(%dma_wait3A_309 : memref<32x128xf32, #tpu.memory_space<vmem_shared>>) dst(%arg17 : memref<32x128xf32, #tpu.memory_space<vmem>>)
      tpu.yield
    }) : () -> ()
    %add3A_154 = arith.constant 576 : i32
    %add3A_155 = arith.addi %add3A_79, %add3A_154 : i32
    "tpu.region"() ({
      %run_scoped3A = tpu.sem_alloc : memref<!tpu.dma_semaphore, #tpu.memory_space<semaphore_mem>>
      %dma_start3A = arith.constant 0 : i32
      %dma_start3A_304 = tpu.memref_slice %arg7[%add3A_155, %dma_start3A] : memref<20480x128xf32, #tpu.memory_space<hbm>> -> memref<32x128xf32, #tpu.memory_space<hbm>>
      %dma_start3A_305 = arith.constant 0 : i32
      %dma_start3A_306 = tpu.memref_slice %arg7[%add3A_155, %dma_start3A_305] : memref<20480x128xf32, #tpu.memory_space<hbm>> -> memref<32x128xf32, #tpu.memory_space<hbm>>
      tpu.enqueue_dma source(%arg17 : memref<32x128xf32, #tpu.memory_space<vmem>>) target(%dma_start3A_306 : memref<32x128xf32, #tpu.memory_space<hbm>>) target_semaphore(%run_scoped3A : memref<!tpu.dma_semaphore, #tpu.memory_space<semaphore_mem>>)
      %dma_wait3A = arith.constant 0 : i32
      %dma_wait3A_307 = tpu.memref_slice %arg7[%add3A_155, %dma_wait3A] : memref<20480x128xf32, #tpu.memory_space<hbm>> -> memref<32x128xf32, #tpu.memory_space<hbm>>
      %dma_wait3A_308 = arith.constant 0 : i32
      %dma_wait3A_309 = tpu.memref_slice %arg7[%add3A_155, %dma_wait3A_308] : memref<20480x128xf32, #tpu.memory_space<hbm>> -> memref<32x128xf32, #tpu.memory_space<hbm>>
      tpu.wait_dma2 semaphore(%run_scoped3A : memref<!tpu.dma_semaphore, #tpu.memory_space<semaphore_mem>>) src(%arg17 : memref<32x128xf32, #tpu.memory_space<vmem>>) dst(%dma_wait3A_309 : memref<32x128xf32, #tpu.memory_space<hbm>>)
      tpu.yield
    }) : () -> ()
    %add3A_156 = arith.constant 608 : i32
    %add3A_157 = arith.addi %mul3A_0, %add3A_156 : i32
    "tpu.region"() ({
      %run_scoped3A = tpu.sem_alloc : memref<!tpu.dma_semaphore, #tpu.memory_space<semaphore_mem>>
      %dma_start3A = arith.constant 0 : i32
      %dma_start3A_304 = tpu.memref_slice %arg10[%add3A_157, %dma_start3A] : memref<10240x128xf32, #tpu.memory_space<vmem_shared>> -> memref<32x128xf32, #tpu.memory_space<vmem_shared>>
      %dma_start3A_305 = arith.constant 0 : i32
      %dma_start3A_306 = tpu.memref_slice %arg10[%add3A_157, %dma_start3A_305] : memref<10240x128xf32, #tpu.memory_space<vmem_shared>> -> memref<32x128xf32, #tpu.memory_space<vmem_shared>>
      tpu.enqueue_dma source(%dma_start3A_306 : memref<32x128xf32, #tpu.memory_space<vmem_shared>>) target(%arg17 : memref<32x128xf32, #tpu.memory_space<vmem>>) target_semaphore(%run_scoped3A : memref<!tpu.dma_semaphore, #tpu.memory_space<semaphore_mem>>)
      %dma_wait3A = arith.constant 0 : i32
      %dma_wait3A_307 = tpu.memref_slice %arg10[%add3A_157, %dma_wait3A] : memref<10240x128xf32, #tpu.memory_space<vmem_shared>> -> memref<32x128xf32, #tpu.memory_space<vmem_shared>>
      %dma_wait3A_308 = arith.constant 0 : i32
      %dma_wait3A_309 = tpu.memref_slice %arg10[%add3A_157, %dma_wait3A_308] : memref<10240x128xf32, #tpu.memory_space<vmem_shared>> -> memref<32x128xf32, #tpu.memory_space<vmem_shared>>
      tpu.wait_dma2 semaphore(%run_scoped3A : memref<!tpu.dma_semaphore, #tpu.memory_space<semaphore_mem>>) src(%dma_wait3A_309 : memref<32x128xf32, #tpu.memory_space<vmem_shared>>) dst(%arg17 : memref<32x128xf32, #tpu.memory_space<vmem>>)
      tpu.yield
    }) : () -> ()
    %add3A_158 = arith.constant 608 : i32
    %add3A_159 = arith.addi %add3A_79, %add3A_158 : i32
    "tpu.region"() ({
      %run_scoped3A = tpu.sem_alloc : memref<!tpu.dma_semaphore, #tpu.memory_space<semaphore_mem>>
      %dma_start3A = arith.constant 0 : i32
      %dma_start3A_304 = tpu.memref_slice %arg7[%add3A_159, %dma_start3A] : memref<20480x128xf32, #tpu.memory_space<hbm>> -> memref<32x128xf32, #tpu.memory_space<hbm>>
      %dma_start3A_305 = arith.constant 0 : i32
      %dma_start3A_306 = tpu.memref_slice %arg7[%add3A_159, %dma_start3A_305] : memref<20480x128xf32, #tpu.memory_space<hbm>> -> memref<32x128xf32, #tpu.memory_space<hbm>>
      tpu.enqueue_dma source(%arg17 : memref<32x128xf32, #tpu.memory_space<vmem>>) target(%dma_start3A_306 : memref<32x128xf32, #tpu.memory_space<hbm>>) target_semaphore(%run_scoped3A : memref<!tpu.dma_semaphore, #tpu.memory_space<semaphore_mem>>)
      %dma_wait3A = arith.constant 0 : i32
      %dma_wait3A_307 = tpu.memref_slice %arg7[%add3A_159, %dma_wait3A] : memref<20480x128xf32, #tpu.memory_space<hbm>> -> memref<32x128xf32, #tpu.memory_space<hbm>>
      %dma_wait3A_308 = arith.constant 0 : i32
      %dma_wait3A_309 = tpu.memref_slice %arg7[%add3A_159, %dma_wait3A_308] : memref<20480x128xf32, #tpu.memory_space<hbm>> -> memref<32x128xf32, #tpu.memory_space<hbm>>
      tpu.wait_dma2 semaphore(%run_scoped3A : memref<!tpu.dma_semaphore, #tpu.memory_space<semaphore_mem>>) src(%arg17 : memref<32x128xf32, #tpu.memory_space<vmem>>) dst(%dma_wait3A_309 : memref<32x128xf32, #tpu.memory_space<hbm>>)
      tpu.yield
    }) : () -> ()
    "tpu.region"() ({
      %run_scoped3A = tpu.sem_alloc : memref<!tpu.dma_semaphore, #tpu.memory_space<semaphore_mem>>
      %dma_start3A = tpu.memref_slice %arg11[%mul3A_0] : memref<10240xf32, #tpu.memory_space<vmem_shared>> -> memref<640xf32, #tpu.memory_space<vmem_shared>>
      %dma_start3A_304 = tpu.memref_slice %arg11[%mul3A_0] : memref<10240xf32, #tpu.memory_space<vmem_shared>> -> memref<640xf32, #tpu.memory_space<vmem_shared>>
      tpu.enqueue_dma source(%dma_start3A_304 : memref<640xf32, #tpu.memory_space<vmem_shared>>) target(%arg18 : memref<640xf32, #tpu.memory_space<vmem>>) target_semaphore(%run_scoped3A : memref<!tpu.dma_semaphore, #tpu.memory_space<semaphore_mem>>)
      %dma_wait3A = tpu.memref_slice %arg11[%mul3A_0] : memref<10240xf32, #tpu.memory_space<vmem_shared>> -> memref<640xf32, #tpu.memory_space<vmem_shared>>
      %dma_wait3A_305 = tpu.memref_slice %arg11[%mul3A_0] : memref<10240xf32, #tpu.memory_space<vmem_shared>> -> memref<640xf32, #tpu.memory_space<vmem_shared>>
      tpu.wait_dma2 semaphore(%run_scoped3A : memref<!tpu.dma_semaphore, #tpu.memory_space<semaphore_mem>>) src(%dma_wait3A_305 : memref<640xf32, #tpu.memory_space<vmem_shared>>) dst(%arg18 : memref<640xf32, #tpu.memory_space<vmem>>)
      tpu.yield
    }) : () -> ()
    "tpu.region"() ({
      %run_scoped3A = tpu.sem_alloc : memref<!tpu.dma_semaphore, #tpu.memory_space<semaphore_mem>>
      %dma_start3A = tpu.memref_slice %arg9[%add3A_79] : memref<20480xf32, #tpu.memory_space<hbm>> -> memref<640xf32, #tpu.memory_space<hbm>>
      %dma_start3A_304 = tpu.memref_slice %arg9[%add3A_79] : memref<20480xf32, #tpu.memory_space<hbm>> -> memref<640xf32, #tpu.memory_space<hbm>>
      tpu.enqueue_dma source(%arg18 : memref<640xf32, #tpu.memory_space<vmem>>) target(%dma_start3A_304 : memref<640xf32, #tpu.memory_space<hbm>>) target_semaphore(%run_scoped3A : memref<!tpu.dma_semaphore, #tpu.memory_space<semaphore_mem>>)
      %dma_wait3A = tpu.memref_slice %arg9[%add3A_79] : memref<20480xf32, #tpu.memory_space<hbm>> -> memref<640xf32, #tpu.memory_space<hbm>>
      %dma_wait3A_305 = tpu.memref_slice %arg9[%add3A_79] : memref<20480xf32, #tpu.memory_space<hbm>> -> memref<640xf32, #tpu.memory_space<hbm>>
      tpu.wait_dma2 semaphore(%run_scoped3A : memref<!tpu.dma_semaphore, #tpu.memory_space<semaphore_mem>>) src(%arg18 : memref<640xf32, #tpu.memory_space<vmem>>) dst(%dma_wait3A_305 : memref<640xf32, #tpu.memory_space<hbm>>)
      tpu.yield
    }) : () -> ()
    %scan3A_160 = arith.constant 0 : i32
    %scan3A_161 = arith.constant 0 : i32
    %scan3A_162 = arith.constant 32 : i32
    %scan3A_163 = arith.addi %scan3A_161, %scan3A_162 : i32
    %scan3A_164 = arith.constant 1 : i32
    scf.for %scan3A_304 = %scan3A_161 to %scan3A_163 step %scan3A_164  : i32 {
      %swap3A = arith.index_cast %scan3A_304 : i32 to index
      %swap3A_305 = arith.constant 0 : index
      %swap3A_306 = tpu.vector_load %arg17[%swap3A, %swap3A_305] {strides = array<i32>} : memref<32x128xf32, #tpu.memory_space<vmem>>, vector<1x16xf32>,
      %swap3A_307 = vector.shape_cast %swap3A_306 : vector<1x16xf32> to vector<16xf32>
      %swap3A_308 = vector.shape_cast %broadcast_in_dim3A_1 : vector<16xf32> to vector<1x16xf32>
      tpu.vector_store %arg17[%swap3A, %swap3A_305], %swap3A_308 {strides = array<i32>} : memref<32x128xf32, #tpu.memory_space<vmem>>, vector<1x16xf32>,
      %swap3A_309 = arith.index_cast %scan3A_304 : i32 to index
      %swap3A_310 = arith.constant 16 : index
      %swap3A_311 = tpu.vector_load %arg17[%swap3A_309, %swap3A_310] {strides = array<i32>} : memref<32x128xf32, #tpu.memory_space<vmem>>, vector<1x16xf32>,
      %swap3A_312 = vector.shape_cast %swap3A_311 : vector<1x16xf32> to vector<16xf32>
      %swap3A_313 = vector.shape_cast %broadcast_in_dim3A_1 : vector<16xf32> to vector<1x16xf32>
      tpu.vector_store %arg17[%swap3A_309, %swap3A_310], %swap3A_313 {strides = array<i32>} : memref<32x128xf32, #tpu.memory_space<vmem>>, vector<1x16xf32>,
      %swap3A_314 = arith.index_cast %scan3A_304 : i32 to index
      %swap3A_315 = arith.constant 32 : index
      %swap3A_316 = tpu.vector_load %arg17[%swap3A_314, %swap3A_315] {strides = array<i32>} : memref<32x128xf32, #tpu.memory_space<vmem>>, vector<1x16xf32>,
      %swap3A_317 = vector.shape_cast %swap3A_316 : vector<1x16xf32> to vector<16xf32>
      %swap3A_318 = vector.shape_cast %broadcast_in_dim3A_1 : vector<16xf32> to vector<1x16xf32>
      tpu.vector_store %arg17[%swap3A_314, %swap3A_315], %swap3A_318 {strides = array<i32>} : memref<32x128xf32, #tpu.memory_space<vmem>>, vector<1x16xf32>,
      %swap3A_319 = arith.index_cast %scan3A_304 : i32 to index
      %swap3A_320 = arith.constant 48 : index
      %swap3A_321 = tpu.vector_load %arg17[%swap3A_319, %swap3A_320] {strides = array<i32>} : memref<32x128xf32, #tpu.memory_space<vmem>>, vector<1x16xf32>,
      %swap3A_322 = vector.shape_cast %swap3A_321 : vector<1x16xf32> to vector<16xf32>
      %swap3A_323 = vector.shape_cast %broadcast_in_dim3A_1 : vector<16xf32> to vector<1x16xf32>
      tpu.vector_store %arg17[%swap3A_319, %swap3A_320], %swap3A_323 {strides = array<i32>} : memref<32x128xf32, #tpu.memory_space<vmem>>, vector<1x16xf32>,
      %swap3A_324 = arith.index_cast %scan3A_304 : i32 to index
      %swap3A_325 = arith.constant 64 : index
      %swap3A_326 = tpu.vector_load %arg17[%swap3A_324, %swap3A_325] {strides = array<i32>} : memref<32x128xf32, #tpu.memory_space<vmem>>, vector<1x16xf32>,
      %swap3A_327 = vector.shape_cast %swap3A_326 : vector<1x16xf32> to vector<16xf32>
      %swap3A_328 = vector.shape_cast %broadcast_in_dim3A_1 : vector<16xf32> to vector<1x16xf32>
      tpu.vector_store %arg17[%swap3A_324, %swap3A_325], %swap3A_328 {strides = array<i32>} : memref<32x128xf32, #tpu.memory_space<vmem>>, vector<1x16xf32>,
      %swap3A_329 = arith.index_cast %scan3A_304 : i32 to index
      %swap3A_330 = arith.constant 80 : index
      %swap3A_331 = tpu.vector_load %arg17[%swap3A_329, %swap3A_330] {strides = array<i32>} : memref<32x128xf32, #tpu.memory_space<vmem>>, vector<1x16xf32>,
      %swap3A_332 = vector.shape_cast %swap3A_331 : vector<1x16xf32> to vector<16xf32>
      %swap3A_333 = vector.shape_cast %broadcast_in_dim3A_1 : vector<16xf32> to vector<1x16xf32>
      tpu.vector_store %arg17[%swap3A_329, %swap3A_330], %swap3A_333 {strides = array<i32>} : memref<32x128xf32, #tpu.memory_space<vmem>>, vector<1x16xf32>,
      %swap3A_334 = arith.index_cast %scan3A_304 : i32 to index
      %swap3A_335 = arith.constant 96 : index
      %swap3A_336 = tpu.vector_load %arg17[%swap3A_334, %swap3A_335] {strides = array<i32>} : memref<32x128xf32, #tpu.memory_space<vmem>>, vector<1x16xf32>,
      %swap3A_337 = vector.shape_cast %swap3A_336 : vector<1x16xf32> to vector<16xf32>
      %swap3A_338 = vector.shape_cast %broadcast_in_dim3A_1 : vector<16xf32> to vector<1x16xf32>
      tpu.vector_store %arg17[%swap3A_334, %swap3A_335], %swap3A_338 {strides = array<i32>} : memref<32x128xf32, #tpu.memory_space<vmem>>, vector<1x16xf32>,
      %swap3A_339 = arith.index_cast %scan3A_304 : i32 to index
      %swap3A_340 = arith.constant 112 : index
      %swap3A_341 = tpu.vector_load %arg17[%swap3A_339, %swap3A_340] {strides = array<i32>} : memref<32x128xf32, #tpu.memory_space<vmem>>, vector<1x16xf32>,
      %swap3A_342 = vector.shape_cast %swap3A_341 : vector<1x16xf32> to vector<16xf32>
      %swap3A_343 = vector.shape_cast %broadcast_in_dim3A_1 : vector<16xf32> to vector<1x16xf32>
      tpu.vector_store %arg17[%swap3A_339, %swap3A_340], %swap3A_343 {strides = array<i32>} : memref<32x128xf32, #tpu.memory_space<vmem>>, vector<1x16xf32>,
    }
    %scan3A_165 = arith.constant 32 : i32
    %add3A_166 = arith.constant 0 : i32
    %add3A_167 = arith.addi %mul3A_0, %add3A_166 : i32
    "tpu.region"() ({
      %run_scoped3A = tpu.sem_alloc : memref<!tpu.dma_semaphore, #tpu.memory_space<semaphore_mem>>
      %dma_start3A = arith.constant 0 : i32
      %dma_start3A_304 = tpu.memref_slice %arg10[%add3A_167, %dma_start3A] : memref<10240x128xf32, #tpu.memory_space<vmem_shared>> -> memref<32x128xf32, #tpu.memory_space<vmem_shared>>
      %dma_start3A_305 = arith.constant 0 : i32
      %dma_start3A_306 = tpu.memref_slice %arg10[%add3A_167, %dma_start3A_305] : memref<10240x128xf32, #tpu.memory_space<vmem_shared>> -> memref<32x128xf32, #tpu.memory_space<vmem_shared>>
      tpu.enqueue_dma source(%arg17 : memref<32x128xf32, #tpu.memory_space<vmem>>) target(%dma_start3A_306 : memref<32x128xf32, #tpu.memory_space<vmem_shared>>) target_semaphore(%run_scoped3A : memref<!tpu.dma_semaphore, #tpu.memory_space<semaphore_mem>>)
      %dma_wait3A = arith.constant 0 : i32
      %dma_wait3A_307 = tpu.memref_slice %arg10[%add3A_167, %dma_wait3A] : memref<10240x128xf32, #tpu.memory_space<vmem_shared>> -> memref<32x128xf32, #tpu.memory_space<vmem_shared>>
      %dma_wait3A_308 = arith.constant 0 : i32
      %dma_wait3A_309 = tpu.memref_slice %arg10[%add3A_167, %dma_wait3A_308] : memref<10240x128xf32, #tpu.memory_space<vmem_shared>> -> memref<32x128xf32, #tpu.memory_space<vmem_shared>>
      tpu.wait_dma2 semaphore(%run_scoped3A : memref<!tpu.dma_semaphore, #tpu.memory_space<semaphore_mem>>) src(%arg17 : memref<32x128xf32, #tpu.memory_space<vmem>>) dst(%dma_wait3A_309 : memref<32x128xf32, #tpu.memory_space<vmem_shared>>)
      tpu.yield
    }) : () -> ()
    %add3A_168 = arith.constant 32 : i32
    %add3A_169 = arith.addi %mul3A_0, %add3A_168 : i32
    "tpu.region"() ({
      %run_scoped3A = tpu.sem_alloc : memref<!tpu.dma_semaphore, #tpu.memory_space<semaphore_mem>>
      %dma_start3A = arith.constant 0 : i32
      %dma_start3A_304 = tpu.memref_slice %arg10[%add3A_169, %dma_start3A] : memref<10240x128xf32, #tpu.memory_space<vmem_shared>> -> memref<32x128xf32, #tpu.memory_space<vmem_shared>>
      %dma_start3A_305 = arith.constant 0 : i32
      %dma_start3A_306 = tpu.memref_slice %arg10[%add3A_169, %dma_start3A_305] : memref<10240x128xf32, #tpu.memory_space<vmem_shared>> -> memref<32x128xf32, #tpu.memory_space<vmem_shared>>
      tpu.enqueue_dma source(%arg17 : memref<32x128xf32, #tpu.memory_space<vmem>>) target(%dma_start3A_306 : memref<32x128xf32, #tpu.memory_space<vmem_shared>>) target_semaphore(%run_scoped3A : memref<!tpu.dma_semaphore, #tpu.memory_space<semaphore_mem>>)
      %dma_wait3A = arith.constant 0 : i32
      %dma_wait3A_307 = tpu.memref_slice %arg10[%add3A_169, %dma_wait3A] : memref<10240x128xf32, #tpu.memory_space<vmem_shared>> -> memref<32x128xf32, #tpu.memory_space<vmem_shared>>
      %dma_wait3A_308 = arith.constant 0 : i32
      %dma_wait3A_309 = tpu.memref_slice %arg10[%add3A_169, %dma_wait3A_308] : memref<10240x128xf32, #tpu.memory_space<vmem_shared>> -> memref<32x128xf32, #tpu.memory_space<vmem_shared>>
      tpu.wait_dma2 semaphore(%run_scoped3A : memref<!tpu.dma_semaphore, #tpu.memory_space<semaphore_mem>>) src(%arg17 : memref<32x128xf32, #tpu.memory_space<vmem>>) dst(%dma_wait3A_309 : memref<32x128xf32, #tpu.memory_space<vmem_shared>>)
      tpu.yield
    }) : () -> ()
    %add3A_170 = arith.constant 64 : i32
    %add3A_171 = arith.addi %mul3A_0, %add3A_170 : i32
    "tpu.region"() ({
      %run_scoped3A = tpu.sem_alloc : memref<!tpu.dma_semaphore, #tpu.memory_space<semaphore_mem>>
      %dma_start3A = arith.constant 0 : i32
      %dma_start3A_304 = tpu.memref_slice %arg10[%add3A_171, %dma_start3A] : memref<10240x128xf32, #tpu.memory_space<vmem_shared>> -> memref<32x128xf32, #tpu.memory_space<vmem_shared>>
      %dma_start3A_305 = arith.constant 0 : i32
      %dma_start3A_306 = tpu.memref_slice %arg10[%add3A_171, %dma_start3A_305] : memref<10240x128xf32, #tpu.memory_space<vmem_shared>> -> memref<32x128xf32, #tpu.memory_space<vmem_shared>>
      tpu.enqueue_dma source(%arg17 : memref<32x128xf32, #tpu.memory_space<vmem>>) target(%dma_start3A_306 : memref<32x128xf32, #tpu.memory_space<vmem_shared>>) target_semaphore(%run_scoped3A : memref<!tpu.dma_semaphore, #tpu.memory_space<semaphore_mem>>)
      %dma_wait3A = arith.constant 0 : i32
      %dma_wait3A_307 = tpu.memref_slice %arg10[%add3A_171, %dma_wait3A] : memref<10240x128xf32, #tpu.memory_space<vmem_shared>> -> memref<32x128xf32, #tpu.memory_space<vmem_shared>>
      %dma_wait3A_308 = arith.constant 0 : i32
      %dma_wait3A_309 = tpu.memref_slice %arg10[%add3A_171, %dma_wait3A_308] : memref<10240x128xf32, #tpu.memory_space<vmem_shared>> -> memref<32x128xf32, #tpu.memory_space<vmem_shared>>
      tpu.wait_dma2 semaphore(%run_scoped3A : memref<!tpu.dma_semaphore, #tpu.memory_space<semaphore_mem>>) src(%arg17 : memref<32x128xf32, #tpu.memory_space<vmem>>) dst(%dma_wait3A_309 : memref<32x128xf32, #tpu.memory_space<vmem_shared>>)
      tpu.yield
    }) : () -> ()
    %add3A_172 = arith.constant 96 : i32
    %add3A_173 = arith.addi %mul3A_0, %add3A_172 : i32
    "tpu.region"() ({
      %run_scoped3A = tpu.sem_alloc : memref<!tpu.dma_semaphore, #tpu.memory_space<semaphore_mem>>
      %dma_start3A = arith.constant 0 : i32
      %dma_start3A_304 = tpu.memref_slice %arg10[%add3A_173, %dma_start3A] : memref<10240x128xf32, #tpu.memory_space<vmem_shared>> -> memref<32x128xf32, #tpu.memory_space<vmem_shared>>
      %dma_start3A_305 = arith.constant 0 : i32
      %dma_start3A_306 = tpu.memref_slice %arg10[%add3A_173, %dma_start3A_305] : memref<10240x128xf32, #tpu.memory_space<vmem_shared>> -> memref<32x128xf32, #tpu.memory_space<vmem_shared>>
      tpu.enqueue_dma source(%arg17 : memref<32x128xf32, #tpu.memory_space<vmem>>) target(%dma_start3A_306 : memref<32x128xf32, #tpu.memory_space<vmem_shared>>) target_semaphore(%run_scoped3A : memref<!tpu.dma_semaphore, #tpu.memory_space<semaphore_mem>>)
      %dma_wait3A = arith.constant 0 : i32
      %dma_wait3A_307 = tpu.memref_slice %arg10[%add3A_173, %dma_wait3A] : memref<10240x128xf32, #tpu.memory_space<vmem_shared>> -> memref<32x128xf32, #tpu.memory_space<vmem_shared>>
      %dma_wait3A_308 = arith.constant 0 : i32
      %dma_wait3A_309 = tpu.memref_slice %arg10[%add3A_173, %dma_wait3A_308] : memref<10240x128xf32, #tpu.memory_space<vmem_shared>> -> memref<32x128xf32, #tpu.memory_space<vmem_shared>>
      tpu.wait_dma2 semaphore(%run_scoped3A : memref<!tpu.dma_semaphore, #tpu.memory_space<semaphore_mem>>) src(%arg17 : memref<32x128xf32, #tpu.memory_space<vmem>>) dst(%dma_wait3A_309 : memref<32x128xf32, #tpu.memory_space<vmem_shared>>)
      tpu.yield
    }) : () -> ()
    %add3A_174 = arith.constant 128 : i32
    %add3A_175 = arith.addi %mul3A_0, %add3A_174 : i32
    "tpu.region"() ({
      %run_scoped3A = tpu.sem_alloc : memref<!tpu.dma_semaphore, #tpu.memory_space<semaphore_mem>>
      %dma_start3A = arith.constant 0 : i32
      %dma_start3A_304 = tpu.memref_slice %arg10[%add3A_175, %dma_start3A] : memref<10240x128xf32, #tpu.memory_space<vmem_shared>> -> memref<32x128xf32, #tpu.memory_space<vmem_shared>>
      %dma_start3A_305 = arith.constant 0 : i32
      %dma_start3A_306 = tpu.memref_slice %arg10[%add3A_175, %dma_start3A_305] : memref<10240x128xf32, #tpu.memory_space<vmem_shared>> -> memref<32x128xf32, #tpu.memory_space<vmem_shared>>
      tpu.enqueue_dma source(%arg17 : memref<32x128xf32, #tpu.memory_space<vmem>>) target(%dma_start3A_306 : memref<32x128xf32, #tpu.memory_space<vmem_shared>>) target_semaphore(%run_scoped3A : memref<!tpu.dma_semaphore, #tpu.memory_space<semaphore_mem>>)
      %dma_wait3A = arith.constant 0 : i32
      %dma_wait3A_307 = tpu.memref_slice %arg10[%add3A_175, %dma_wait3A] : memref<10240x128xf32, #tpu.memory_space<vmem_shared>> -> memref<32x128xf32, #tpu.memory_space<vmem_shared>>
      %dma_wait3A_308 = arith.constant 0 : i32
      %dma_wait3A_309 = tpu.memref_slice %arg10[%add3A_175, %dma_wait3A_308] : memref<10240x128xf32, #tpu.memory_space<vmem_shared>> -> memref<32x128xf32, #tpu.memory_space<vmem_shared>>
      tpu.wait_dma2 semaphore(%run_scoped3A : memref<!tpu.dma_semaphore, #tpu.memory_space<semaphore_mem>>) src(%arg17 : memref<32x128xf32, #tpu.memory_space<vmem>>) dst(%dma_wait3A_309 : memref<32x128xf32, #tpu.memory_space<vmem_shared>>)
      tpu.yield
    }) : () -> ()
    %add3A_176 = arith.constant 160 : i32
    %add3A_177 = arith.addi %mul3A_0, %add3A_176 : i32
    "tpu.region"() ({
      %run_scoped3A = tpu.sem_alloc : memref<!tpu.dma_semaphore, #tpu.memory_space<semaphore_mem>>
      %dma_start3A = arith.constant 0 : i32
      %dma_start3A_304 = tpu.memref_slice %arg10[%add3A_177, %dma_start3A] : memref<10240x128xf32, #tpu.memory_space<vmem_shared>> -> memref<32x128xf32, #tpu.memory_space<vmem_shared>>
      %dma_start3A_305 = arith.constant 0 : i32
      %dma_start3A_306 = tpu.memref_slice %arg10[%add3A_177, %dma_start3A_305] : memref<10240x128xf32, #tpu.memory_space<vmem_shared>> -> memref<32x128xf32, #tpu.memory_space<vmem_shared>>
      tpu.enqueue_dma source(%arg17 : memref<32x128xf32, #tpu.memory_space<vmem>>) target(%dma_start3A_306 : memref<32x128xf32, #tpu.memory_space<vmem_shared>>) target_semaphore(%run_scoped3A : memref<!tpu.dma_semaphore, #tpu.memory_space<semaphore_mem>>)
      %dma_wait3A = arith.constant 0 : i32
      %dma_wait3A_307 = tpu.memref_slice %arg10[%add3A_177, %dma_wait3A] : memref<10240x128xf32, #tpu.memory_space<vmem_shared>> -> memref<32x128xf32, #tpu.memory_space<vmem_shared>>
      %dma_wait3A_308 = arith.constant 0 : i32
      %dma_wait3A_309 = tpu.memref_slice %arg10[%add3A_177, %dma_wait3A_308] : memref<10240x128xf32, #tpu.memory_space<vmem_shared>> -> memref<32x128xf32, #tpu.memory_space<vmem_shared>>
      tpu.wait_dma2 semaphore(%run_scoped3A : memref<!tpu.dma_semaphore, #tpu.memory_space<semaphore_mem>>) src(%arg17 : memref<32x128xf32, #tpu.memory_space<vmem>>) dst(%dma_wait3A_309 : memref<32x128xf32, #tpu.memory_space<vmem_shared>>)
      tpu.yield
    }) : () -> ()
    %add3A_178 = arith.constant 192 : i32
    %add3A_179 = arith.addi %mul3A_0, %add3A_178 : i32
    "tpu.region"() ({
      %run_scoped3A = tpu.sem_alloc : memref<!tpu.dma_semaphore, #tpu.memory_space<semaphore_mem>>
      %dma_start3A = arith.constant 0 : i32
      %dma_start3A_304 = tpu.memref_slice %arg10[%add3A_179, %dma_start3A] : memref<10240x128xf32, #tpu.memory_space<vmem_shared>> -> memref<32x128xf32, #tpu.memory_space<vmem_shared>>
      %dma_start3A_305 = arith.constant 0 : i32
      %dma_start3A_306 = tpu.memref_slice %arg10[%add3A_179, %dma_start3A_305] : memref<10240x128xf32, #tpu.memory_space<vmem_shared>> -> memref<32x128xf32, #tpu.memory_space<vmem_shared>>
      tpu.enqueue_dma source(%arg17 : memref<32x128xf32, #tpu.memory_space<vmem>>) target(%dma_start3A_306 : memref<32x128xf32, #tpu.memory_space<vmem_shared>>) target_semaphore(%run_scoped3A : memref<!tpu.dma_semaphore, #tpu.memory_space<semaphore_mem>>)
      %dma_wait3A = arith.constant 0 : i32
      %dma_wait3A_307 = tpu.memref_slice %arg10[%add3A_179, %dma_wait3A] : memref<10240x128xf32, #tpu.memory_space<vmem_shared>> -> memref<32x128xf32, #tpu.memory_space<vmem_shared>>
      %dma_wait3A_308 = arith.constant 0 : i32
      %dma_wait3A_309 = tpu.memref_slice %arg10[%add3A_179, %dma_wait3A_308] : memref<10240x128xf32, #tpu.memory_space<vmem_shared>> -> memref<32x128xf32, #tpu.memory_space<vmem_shared>>
      tpu.wait_dma2 semaphore(%run_scoped3A : memref<!tpu.dma_semaphore, #tpu.memory_space<semaphore_mem>>) src(%arg17 : memref<32x128xf32, #tpu.memory_space<vmem>>) dst(%dma_wait3A_309 : memref<32x128xf32, #tpu.memory_space<vmem_shared>>)
      tpu.yield
    }) : () -> ()
    %add3A_180 = arith.constant 224 : i32
    %add3A_181 = arith.addi %mul3A_0, %add3A_180 : i32
    "tpu.region"() ({
      %run_scoped3A = tpu.sem_alloc : memref<!tpu.dma_semaphore, #tpu.memory_space<semaphore_mem>>
      %dma_start3A = arith.constant 0 : i32
      %dma_start3A_304 = tpu.memref_slice %arg10[%add3A_181, %dma_start3A] : memref<10240x128xf32, #tpu.memory_space<vmem_shared>> -> memref<32x128xf32, #tpu.memory_space<vmem_shared>>
      %dma_start3A_305 = arith.constant 0 : i32
      %dma_start3A_306 = tpu.memref_slice %arg10[%add3A_181, %dma_start3A_305] : memref<10240x128xf32, #tpu.memory_space<vmem_shared>> -> memref<32x128xf32, #tpu.memory_space<vmem_shared>>
      tpu.enqueue_dma source(%arg17 : memref<32x128xf32, #tpu.memory_space<vmem>>) target(%dma_start3A_306 : memref<32x128xf32, #tpu.memory_space<vmem_shared>>) target_semaphore(%run_scoped3A : memref<!tpu.dma_semaphore, #tpu.memory_space<semaphore_mem>>)
      %dma_wait3A = arith.constant 0 : i32
      %dma_wait3A_307 = tpu.memref_slice %arg10[%add3A_181, %dma_wait3A] : memref<10240x128xf32, #tpu.memory_space<vmem_shared>> -> memref<32x128xf32, #tpu.memory_space<vmem_shared>>
      %dma_wait3A_308 = arith.constant 0 : i32
      %dma_wait3A_309 = tpu.memref_slice %arg10[%add3A_181, %dma_wait3A_308] : memref<10240x128xf32, #tpu.memory_space<vmem_shared>> -> memref<32x128xf32, #tpu.memory_space<vmem_shared>>
      tpu.wait_dma2 semaphore(%run_scoped3A : memref<!tpu.dma_semaphore, #tpu.memory_space<semaphore_mem>>) src(%arg17 : memref<32x128xf32, #tpu.memory_space<vmem>>) dst(%dma_wait3A_309 : memref<32x128xf32, #tpu.memory_space<vmem_shared>>)
      tpu.yield
    }) : () -> ()
    %add3A_182 = arith.constant 256 : i32
    %add3A_183 = arith.addi %mul3A_0, %add3A_182 : i32
    "tpu.region"() ({
      %run_scoped3A = tpu.sem_alloc : memref<!tpu.dma_semaphore, #tpu.memory_space<semaphore_mem>>
      %dma_start3A = arith.constant 0 : i32
      %dma_start3A_304 = tpu.memref_slice %arg10[%add3A_183, %dma_start3A] : memref<10240x128xf32, #tpu.memory_space<vmem_shared>> -> memref<32x128xf32, #tpu.memory_space<vmem_shared>>
      %dma_start3A_305 = arith.constant 0 : i32
      %dma_start3A_306 = tpu.memref_slice %arg10[%add3A_183, %dma_start3A_305] : memref<10240x128xf32, #tpu.memory_space<vmem_shared>> -> memref<32x128xf32, #tpu.memory_space<vmem_shared>>
      tpu.enqueue_dma source(%arg17 : memref<32x128xf32, #tpu.memory_space<vmem>>) target(%dma_start3A_306 : memref<32x128xf32, #tpu.memory_space<vmem_shared>>) target_semaphore(%run_scoped3A : memref<!tpu.dma_semaphore, #tpu.memory_space<semaphore_mem>>)
      %dma_wait3A = arith.constant 0 : i32
      %dma_wait3A_307 = tpu.memref_slice %arg10[%add3A_183, %dma_wait3A] : memref<10240x128xf32, #tpu.memory_space<vmem_shared>> -> memref<32x128xf32, #tpu.memory_space<vmem_shared>>
      %dma_wait3A_308 = arith.constant 0 : i32
      %dma_wait3A_309 = tpu.memref_slice %arg10[%add3A_183, %dma_wait3A_308] : memref<10240x128xf32, #tpu.memory_space<vmem_shared>> -> memref<32x128xf32, #tpu.memory_space<vmem_shared>>
      tpu.wait_dma2 semaphore(%run_scoped3A : memref<!tpu.dma_semaphore, #tpu.memory_space<semaphore_mem>>) src(%arg17 : memref<32x128xf32, #tpu.memory_space<vmem>>) dst(%dma_wait3A_309 : memref<32x128xf32, #tpu.memory_space<vmem_shared>>)
      tpu.yield
    }) : () -> ()
    %add3A_184 = arith.constant 288 : i32
    %add3A_185 = arith.addi %mul3A_0, %add3A_184 : i32
    "tpu.region"() ({
      %run_scoped3A = tpu.sem_alloc : memref<!tpu.dma_semaphore, #tpu.memory_space<semaphore_mem>>
      %dma_start3A = arith.constant 0 : i32
      %dma_start3A_304 = tpu.memref_slice %arg10[%add3A_185, %dma_start3A] : memref<10240x128xf32, #tpu.memory_space<vmem_shared>> -> memref<32x128xf32, #tpu.memory_space<vmem_shared>>
      %dma_start3A_305 = arith.constant 0 : i32
      %dma_start3A_306 = tpu.memref_slice %arg10[%add3A_185, %dma_start3A_305] : memref<10240x128xf32, #tpu.memory_space<vmem_shared>> -> memref<32x128xf32, #tpu.memory_space<vmem_shared>>
      tpu.enqueue_dma source(%arg17 : memref<32x128xf32, #tpu.memory_space<vmem>>) target(%dma_start3A_306 : memref<32x128xf32, #tpu.memory_space<vmem_shared>>) target_semaphore(%run_scoped3A : memref<!tpu.dma_semaphore, #tpu.memory_space<semaphore_mem>>)
      %dma_wait3A = arith.constant 0 : i32
      %dma_wait3A_307 = tpu.memref_slice %arg10[%add3A_185, %dma_wait3A] : memref<10240x128xf32, #tpu.memory_space<vmem_shared>> -> memref<32x128xf32, #tpu.memory_space<vmem_shared>>
      %dma_wait3A_308 = arith.constant 0 : i32
      %dma_wait3A_309 = tpu.memref_slice %arg10[%add3A_185, %dma_wait3A_308] : memref<10240x128xf32, #tpu.memory_space<vmem_shared>> -> memref<32x128xf32, #tpu.memory_space<vmem_shared>>
      tpu.wait_dma2 semaphore(%run_scoped3A : memref<!tpu.dma_semaphore, #tpu.memory_space<semaphore_mem>>) src(%arg17 : memref<32x128xf32, #tpu.memory_space<vmem>>) dst(%dma_wait3A_309 : memref<32x128xf32, #tpu.memory_space<vmem_shared>>)
      tpu.yield
    }) : () -> ()
    %add3A_186 = arith.constant 320 : i32
    %add3A_187 = arith.addi %mul3A_0, %add3A_186 : i32
    "tpu.region"() ({
      %run_scoped3A = tpu.sem_alloc : memref<!tpu.dma_semaphore, #tpu.memory_space<semaphore_mem>>
      %dma_start3A = arith.constant 0 : i32
      %dma_start3A_304 = tpu.memref_slice %arg10[%add3A_187, %dma_start3A] : memref<10240x128xf32, #tpu.memory_space<vmem_shared>> -> memref<32x128xf32, #tpu.memory_space<vmem_shared>>
      %dma_start3A_305 = arith.constant 0 : i32
      %dma_start3A_306 = tpu.memref_slice %arg10[%add3A_187, %dma_start3A_305] : memref<10240x128xf32, #tpu.memory_space<vmem_shared>> -> memref<32x128xf32, #tpu.memory_space<vmem_shared>>
      tpu.enqueue_dma source(%arg17 : memref<32x128xf32, #tpu.memory_space<vmem>>) target(%dma_start3A_306 : memref<32x128xf32, #tpu.memory_space<vmem_shared>>) target_semaphore(%run_scoped3A : memref<!tpu.dma_semaphore, #tpu.memory_space<semaphore_mem>>)
      %dma_wait3A = arith.constant 0 : i32
      %dma_wait3A_307 = tpu.memref_slice %arg10[%add3A_187, %dma_wait3A] : memref<10240x128xf32, #tpu.memory_space<vmem_shared>> -> memref<32x128xf32, #tpu.memory_space<vmem_shared>>
      %dma_wait3A_308 = arith.constant 0 : i32
      %dma_wait3A_309 = tpu.memref_slice %arg10[%add3A_187, %dma_wait3A_308] : memref<10240x128xf32, #tpu.memory_space<vmem_shared>> -> memref<32x128xf32, #tpu.memory_space<vmem_shared>>
      tpu.wait_dma2 semaphore(%run_scoped3A : memref<!tpu.dma_semaphore, #tpu.memory_space<semaphore_mem>>) src(%arg17 : memref<32x128xf32, #tpu.memory_space<vmem>>) dst(%dma_wait3A_309 : memref<32x128xf32, #tpu.memory_space<vmem_shared>>)
      tpu.yield
    }) : () -> ()
    %add3A_188 = arith.constant 352 : i32
    %add3A_189 = arith.addi %mul3A_0, %add3A_188 : i32
    "tpu.region"() ({
      %run_scoped3A = tpu.sem_alloc : memref<!tpu.dma_semaphore, #tpu.memory_space<semaphore_mem>>
      %dma_start3A = arith.constant 0 : i32
      %dma_start3A_304 = tpu.memref_slice %arg10[%add3A_189, %dma_start3A] : memref<10240x128xf32, #tpu.memory_space<vmem_shared>> -> memref<32x128xf32, #tpu.memory_space<vmem_shared>>
      %dma_start3A_305 = arith.constant 0 : i32
      %dma_start3A_306 = tpu.memref_slice %arg10[%add3A_189, %dma_start3A_305] : memref<10240x128xf32, #tpu.memory_space<vmem_shared>> -> memref<32x128xf32, #tpu.memory_space<vmem_shared>>
      tpu.enqueue_dma source(%arg17 : memref<32x128xf32, #tpu.memory_space<vmem>>) target(%dma_start3A_306 : memref<32x128xf32, #tpu.memory_space<vmem_shared>>) target_semaphore(%run_scoped3A : memref<!tpu.dma_semaphore, #tpu.memory_space<semaphore_mem>>)
      %dma_wait3A = arith.constant 0 : i32
      %dma_wait3A_307 = tpu.memref_slice %arg10[%add3A_189, %dma_wait3A] : memref<10240x128xf32, #tpu.memory_space<vmem_shared>> -> memref<32x128xf32, #tpu.memory_space<vmem_shared>>
      %dma_wait3A_308 = arith.constant 0 : i32
      %dma_wait3A_309 = tpu.memref_slice %arg10[%add3A_189, %dma_wait3A_308] : memref<10240x128xf32, #tpu.memory_space<vmem_shared>> -> memref<32x128xf32, #tpu.memory_space<vmem_shared>>
      tpu.wait_dma2 semaphore(%run_scoped3A : memref<!tpu.dma_semaphore, #tpu.memory_space<semaphore_mem>>) src(%arg17 : memref<32x128xf32, #tpu.memory_space<vmem>>) dst(%dma_wait3A_309 : memref<32x128xf32, #tpu.memory_space<vmem_shared>>)
      tpu.yield
    }) : () -> ()
    %add3A_190 = arith.constant 384 : i32
    %add3A_191 = arith.addi %mul3A_0, %add3A_190 : i32
    "tpu.region"() ({
      %run_scoped3A = tpu.sem_alloc : memref<!tpu.dma_semaphore, #tpu.memory_space<semaphore_mem>>
      %dma_start3A = arith.constant 0 : i32
      %dma_start3A_304 = tpu.memref_slice %arg10[%add3A_191, %dma_start3A] : memref<10240x128xf32, #tpu.memory_space<vmem_shared>> -> memref<32x128xf32, #tpu.memory_space<vmem_shared>>
      %dma_start3A_305 = arith.constant 0 : i32
      %dma_start3A_306 = tpu.memref_slice %arg10[%add3A_191, %dma_start3A_305] : memref<10240x128xf32, #tpu.memory_space<vmem_shared>> -> memref<32x128xf32, #tpu.memory_space<vmem_shared>>
      tpu.enqueue_dma source(%arg17 : memref<32x128xf32, #tpu.memory_space<vmem>>) target(%dma_start3A_306 : memref<32x128xf32, #tpu.memory_space<vmem_shared>>) target_semaphore(%run_scoped3A : memref<!tpu.dma_semaphore, #tpu.memory_space<semaphore_mem>>)
      %dma_wait3A = arith.constant 0 : i32
      %dma_wait3A_307 = tpu.memref_slice %arg10[%add3A_191, %dma_wait3A] : memref<10240x128xf32, #tpu.memory_space<vmem_shared>> -> memref<32x128xf32, #tpu.memory_space<vmem_shared>>
      %dma_wait3A_308 = arith.constant 0 : i32
      %dma_wait3A_309 = tpu.memref_slice %arg10[%add3A_191, %dma_wait3A_308] : memref<10240x128xf32, #tpu.memory_space<vmem_shared>> -> memref<32x128xf32, #tpu.memory_space<vmem_shared>>
      tpu.wait_dma2 semaphore(%run_scoped3A : memref<!tpu.dma_semaphore, #tpu.memory_space<semaphore_mem>>) src(%arg17 : memref<32x128xf32, #tpu.memory_space<vmem>>) dst(%dma_wait3A_309 : memref<32x128xf32, #tpu.memory_space<vmem_shared>>)
      tpu.yield
    }) : () -> ()
    %add3A_192 = arith.constant 416 : i32
    %add3A_193 = arith.addi %mul3A_0, %add3A_192 : i32
    "tpu.region"() ({
      %run_scoped3A = tpu.sem_alloc : memref<!tpu.dma_semaphore, #tpu.memory_space<semaphore_mem>>
      %dma_start3A = arith.constant 0 : i32
      %dma_start3A_304 = tpu.memref_slice %arg10[%add3A_193, %dma_start3A] : memref<10240x128xf32, #tpu.memory_space<vmem_shared>> -> memref<32x128xf32, #tpu.memory_space<vmem_shared>>
      %dma_start3A_305 = arith.constant 0 : i32
      %dma_start3A_306 = tpu.memref_slice %arg10[%add3A_193, %dma_start3A_305] : memref<10240x128xf32, #tpu.memory_space<vmem_shared>> -> memref<32x128xf32, #tpu.memory_space<vmem_shared>>
      tpu.enqueue_dma source(%arg17 : memref<32x128xf32, #tpu.memory_space<vmem>>) target(%dma_start3A_306 : memref<32x128xf32, #tpu.memory_space<vmem_shared>>) target_semaphore(%run_scoped3A : memref<!tpu.dma_semaphore, #tpu.memory_space<semaphore_mem>>)
      %dma_wait3A = arith.constant 0 : i32
      %dma_wait3A_307 = tpu.memref_slice %arg10[%add3A_193, %dma_wait3A] : memref<10240x128xf32, #tpu.memory_space<vmem_shared>> -> memref<32x128xf32, #tpu.memory_space<vmem_shared>>
      %dma_wait3A_308 = arith.constant 0 : i32
      %dma_wait3A_309 = tpu.memref_slice %arg10[%add3A_193, %dma_wait3A_308] : memref<10240x128xf32, #tpu.memory_space<vmem_shared>> -> memref<32x128xf32, #tpu.memory_space<vmem_shared>>
      tpu.wait_dma2 semaphore(%run_scoped3A : memref<!tpu.dma_semaphore, #tpu.memory_space<semaphore_mem>>) src(%arg17 : memref<32x128xf32, #tpu.memory_space<vmem>>) dst(%dma_wait3A_309 : memref<32x128xf32, #tpu.memory_space<vmem_shared>>)
      tpu.yield
    }) : () -> ()
    %add3A_194 = arith.constant 448 : i32
    %add3A_195 = arith.addi %mul3A_0, %add3A_194 : i32
    "tpu.region"() ({
      %run_scoped3A = tpu.sem_alloc : memref<!tpu.dma_semaphore, #tpu.memory_space<semaphore_mem>>
      %dma_start3A = arith.constant 0 : i32
      %dma_start3A_304 = tpu.memref_slice %arg10[%add3A_195, %dma_start3A] : memref<10240x128xf32, #tpu.memory_space<vmem_shared>> -> memref<32x128xf32, #tpu.memory_space<vmem_shared>>
      %dma_start3A_305 = arith.constant 0 : i32
      %dma_start3A_306 = tpu.memref_slice %arg10[%add3A_195, %dma_start3A_305] : memref<10240x128xf32, #tpu.memory_space<vmem_shared>> -> memref<32x128xf32, #tpu.memory_space<vmem_shared>>
      tpu.enqueue_dma source(%arg17 : memref<32x128xf32, #tpu.memory_space<vmem>>) target(%dma_start3A_306 : memref<32x128xf32, #tpu.memory_space<vmem_shared>>) target_semaphore(%run_scoped3A : memref<!tpu.dma_semaphore, #tpu.memory_space<semaphore_mem>>)
      %dma_wait3A = arith.constant 0 : i32
      %dma_wait3A_307 = tpu.memref_slice %arg10[%add3A_195, %dma_wait3A] : memref<10240x128xf32, #tpu.memory_space<vmem_shared>> -> memref<32x128xf32, #tpu.memory_space<vmem_shared>>
      %dma_wait3A_308 = arith.constant 0 : i32
      %dma_wait3A_309 = tpu.memref_slice %arg10[%add3A_195, %dma_wait3A_308] : memref<10240x128xf32, #tpu.memory_space<vmem_shared>> -> memref<32x128xf32, #tpu.memory_space<vmem_shared>>
      tpu.wait_dma2 semaphore(%run_scoped3A : memref<!tpu.dma_semaphore, #tpu.memory_space<semaphore_mem>>) src(%arg17 : memref<32x128xf32, #tpu.memory_space<vmem>>) dst(%dma_wait3A_309 : memref<32x128xf32, #tpu.memory_space<vmem_shared>>)
      tpu.yield
    }) : () -> ()
    %add3A_196 = arith.constant 480 : i32
    %add3A_197 = arith.addi %mul3A_0, %add3A_196 : i32
    "tpu.region"() ({
      %run_scoped3A = tpu.sem_alloc : memref<!tpu.dma_semaphore, #tpu.memory_space<semaphore_mem>>
      %dma_start3A = arith.constant 0 : i32
      %dma_start3A_304 = tpu.memref_slice %arg10[%add3A_197, %dma_start3A] : memref<10240x128xf32, #tpu.memory_space<vmem_shared>> -> memref<32x128xf32, #tpu.memory_space<vmem_shared>>
      %dma_start3A_305 = arith.constant 0 : i32
      %dma_start3A_306 = tpu.memref_slice %arg10[%add3A_197, %dma_start3A_305] : memref<10240x128xf32, #tpu.memory_space<vmem_shared>> -> memref<32x128xf32, #tpu.memory_space<vmem_shared>>
      tpu.enqueue_dma source(%arg17 : memref<32x128xf32, #tpu.memory_space<vmem>>) target(%dma_start3A_306 : memref<32x128xf32, #tpu.memory_space<vmem_shared>>) target_semaphore(%run_scoped3A : memref<!tpu.dma_semaphore, #tpu.memory_space<semaphore_mem>>)
      %dma_wait3A = arith.constant 0 : i32
      %dma_wait3A_307 = tpu.memref_slice %arg10[%add3A_197, %dma_wait3A] : memref<10240x128xf32, #tpu.memory_space<vmem_shared>> -> memref<32x128xf32, #tpu.memory_space<vmem_shared>>
      %dma_wait3A_308 = arith.constant 0 : i32
      %dma_wait3A_309 = tpu.memref_slice %arg10[%add3A_197, %dma_wait3A_308] : memref<10240x128xf32, #tpu.memory_space<vmem_shared>> -> memref<32x128xf32, #tpu.memory_space<vmem_shared>>
      tpu.wait_dma2 semaphore(%run_scoped3A : memref<!tpu.dma_semaphore, #tpu.memory_space<semaphore_mem>>) src(%arg17 : memref<32x128xf32, #tpu.memory_space<vmem>>) dst(%dma_wait3A_309 : memref<32x128xf32, #tpu.memory_space<vmem_shared>>)
      tpu.yield
    }) : () -> ()
    %add3A_198 = arith.constant 512 : i32
    %add3A_199 = arith.addi %mul3A_0, %add3A_198 : i32
    "tpu.region"() ({
      %run_scoped3A = tpu.sem_alloc : memref<!tpu.dma_semaphore, #tpu.memory_space<semaphore_mem>>
      %dma_start3A = arith.constant 0 : i32
      %dma_start3A_304 = tpu.memref_slice %arg10[%add3A_199, %dma_start3A] : memref<10240x128xf32, #tpu.memory_space<vmem_shared>> -> memref<32x128xf32, #tpu.memory_space<vmem_shared>>
      %dma_start3A_305 = arith.constant 0 : i32
      %dma_start3A_306 = tpu.memref_slice %arg10[%add3A_199, %dma_start3A_305] : memref<10240x128xf32, #tpu.memory_space<vmem_shared>> -> memref<32x128xf32, #tpu.memory_space<vmem_shared>>
      tpu.enqueue_dma source(%arg17 : memref<32x128xf32, #tpu.memory_space<vmem>>) target(%dma_start3A_306 : memref<32x128xf32, #tpu.memory_space<vmem_shared>>) target_semaphore(%run_scoped3A : memref<!tpu.dma_semaphore, #tpu.memory_space<semaphore_mem>>)
      %dma_wait3A = arith.constant 0 : i32
      %dma_wait3A_307 = tpu.memref_slice %arg10[%add3A_199, %dma_wait3A] : memref<10240x128xf32, #tpu.memory_space<vmem_shared>> -> memref<32x128xf32, #tpu.memory_space<vmem_shared>>
      %dma_wait3A_308 = arith.constant 0 : i32
      %dma_wait3A_309 = tpu.memref_slice %arg10[%add3A_199, %dma_wait3A_308] : memref<10240x128xf32, #tpu.memory_space<vmem_shared>> -> memref<32x128xf32, #tpu.memory_space<vmem_shared>>
      tpu.wait_dma2 semaphore(%run_scoped3A : memref<!tpu.dma_semaphore, #tpu.memory_space<semaphore_mem>>) src(%arg17 : memref<32x128xf32, #tpu.memory_space<vmem>>) dst(%dma_wait3A_309 : memref<32x128xf32, #tpu.memory_space<vmem_shared>>)
      tpu.yield
    }) : () -> ()
    %add3A_200 = arith.constant 544 : i32
    %add3A_201 = arith.addi %mul3A_0, %add3A_200 : i32
    "tpu.region"() ({
      %run_scoped3A = tpu.sem_alloc : memref<!tpu.dma_semaphore, #tpu.memory_space<semaphore_mem>>
      %dma_start3A = arith.constant 0 : i32
      %dma_start3A_304 = tpu.memref_slice %arg10[%add3A_201, %dma_start3A] : memref<10240x128xf32, #tpu.memory_space<vmem_shared>> -> memref<32x128xf32, #tpu.memory_space<vmem_shared>>
      %dma_start3A_305 = arith.constant 0 : i32
      %dma_start3A_306 = tpu.memref_slice %arg10[%add3A_201, %dma_start3A_305] : memref<10240x128xf32, #tpu.memory_space<vmem_shared>> -> memref<32x128xf32, #tpu.memory_space<vmem_shared>>
      tpu.enqueue_dma source(%arg17 : memref<32x128xf32, #tpu.memory_space<vmem>>) target(%dma_start3A_306 : memref<32x128xf32, #tpu.memory_space<vmem_shared>>) target_semaphore(%run_scoped3A : memref<!tpu.dma_semaphore, #tpu.memory_space<semaphore_mem>>)
      %dma_wait3A = arith.constant 0 : i32
      %dma_wait3A_307 = tpu.memref_slice %arg10[%add3A_201, %dma_wait3A] : memref<10240x128xf32, #tpu.memory_space<vmem_shared>> -> memref<32x128xf32, #tpu.memory_space<vmem_shared>>
      %dma_wait3A_308 = arith.constant 0 : i32
      %dma_wait3A_309 = tpu.memref_slice %arg10[%add3A_201, %dma_wait3A_308] : memref<10240x128xf32, #tpu.memory_space<vmem_shared>> -> memref<32x128xf32, #tpu.memory_space<vmem_shared>>
      tpu.wait_dma2 semaphore(%run_scoped3A : memref<!tpu.dma_semaphore, #tpu.memory_space<semaphore_mem>>) src(%arg17 : memref<32x128xf32, #tpu.memory_space<vmem>>) dst(%dma_wait3A_309 : memref<32x128xf32, #tpu.memory_space<vmem_shared>>)
      tpu.yield
    }) : () -> ()
    %add3A_202 = arith.constant 576 : i32
    %add3A_203 = arith.addi %mul3A_0, %add3A_202 : i32
    "tpu.region"() ({
      %run_scoped3A = tpu.sem_alloc : memref<!tpu.dma_semaphore, #tpu.memory_space<semaphore_mem>>
      %dma_start3A = arith.constant 0 : i32
      %dma_start3A_304 = tpu.memref_slice %arg10[%add3A_203, %dma_start3A] : memref<10240x128xf32, #tpu.memory_space<vmem_shared>> -> memref<32x128xf32, #tpu.memory_space<vmem_shared>>
      %dma_start3A_305 = arith.constant 0 : i32
      %dma_start3A_306 = tpu.memref_slice %arg10[%add3A_203, %dma_start3A_305] : memref<10240x128xf32, #tpu.memory_space<vmem_shared>> -> memref<32x128xf32, #tpu.memory_space<vmem_shared>>
      tpu.enqueue_dma source(%arg17 : memref<32x128xf32, #tpu.memory_space<vmem>>) target(%dma_start3A_306 : memref<32x128xf32, #tpu.memory_space<vmem_shared>>) target_semaphore(%run_scoped3A : memref<!tpu.dma_semaphore, #tpu.memory_space<semaphore_mem>>)
      %dma_wait3A = arith.constant 0 : i32
      %dma_wait3A_307 = tpu.memref_slice %arg10[%add3A_203, %dma_wait3A] : memref<10240x128xf32, #tpu.memory_space<vmem_shared>> -> memref<32x128xf32, #tpu.memory_space<vmem_shared>>
      %dma_wait3A_308 = arith.constant 0 : i32
      %dma_wait3A_309 = tpu.memref_slice %arg10[%add3A_203, %dma_wait3A_308] : memref<10240x128xf32, #tpu.memory_space<vmem_shared>> -> memref<32x128xf32, #tpu.memory_space<vmem_shared>>
      tpu.wait_dma2 semaphore(%run_scoped3A : memref<!tpu.dma_semaphore, #tpu.memory_space<semaphore_mem>>) src(%arg17 : memref<32x128xf32, #tpu.memory_space<vmem>>) dst(%dma_wait3A_309 : memref<32x128xf32, #tpu.memory_space<vmem_shared>>)
      tpu.yield
    }) : () -> ()
    %add3A_204 = arith.constant 608 : i32
    %add3A_205 = arith.addi %mul3A_0, %add3A_204 : i32
    "tpu.region"() ({
      %run_scoped3A = tpu.sem_alloc : memref<!tpu.dma_semaphore, #tpu.memory_space<semaphore_mem>>
      %dma_start3A = arith.constant 0 : i32
      %dma_start3A_304 = tpu.memref_slice %arg10[%add3A_205, %dma_start3A] : memref<10240x128xf32, #tpu.memory_space<vmem_shared>> -> memref<32x128xf32, #tpu.memory_space<vmem_shared>>
      %dma_start3A_305 = arith.constant 0 : i32
      %dma_start3A_306 = tpu.memref_slice %arg10[%add3A_205, %dma_start3A_305] : memref<10240x128xf32, #tpu.memory_space<vmem_shared>> -> memref<32x128xf32, #tpu.memory_space<vmem_shared>>
      tpu.enqueue_dma source(%arg17 : memref<32x128xf32, #tpu.memory_space<vmem>>) target(%dma_start3A_306 : memref<32x128xf32, #tpu.memory_space<vmem_shared>>) target_semaphore(%run_scoped3A : memref<!tpu.dma_semaphore, #tpu.memory_space<semaphore_mem>>)
      %dma_wait3A = arith.constant 0 : i32
      %dma_wait3A_307 = tpu.memref_slice %arg10[%add3A_205, %dma_wait3A] : memref<10240x128xf32, #tpu.memory_space<vmem_shared>> -> memref<32x128xf32, #tpu.memory_space<vmem_shared>>
      %dma_wait3A_308 = arith.constant 0 : i32
      %dma_wait3A_309 = tpu.memref_slice %arg10[%add3A_205, %dma_wait3A_308] : memref<10240x128xf32, #tpu.memory_space<vmem_shared>> -> memref<32x128xf32, #tpu.memory_space<vmem_shared>>
      tpu.wait_dma2 semaphore(%run_scoped3A : memref<!tpu.dma_semaphore, #tpu.memory_space<semaphore_mem>>) src(%arg17 : memref<32x128xf32, #tpu.memory_space<vmem>>) dst(%dma_wait3A_309 : memref<32x128xf32, #tpu.memory_space<vmem_shared>>)
      tpu.yield
    }) : () -> ()
    %barrier3A_206 = arith.constant 0 : index
    tpu.barrier barrier_id(%barrier3A_206)
    %mul3A_207 = arith.constant 126720 : i32
    %mul3A_208 = arith.muli %arg0, %mul3A_207 : i32
    %mul3A_209 = arith.constant 7920 : i32
    %mul3A_210 = arith.muli %arg1, %mul3A_209 : i32
    %add3A_211 = arith.addi %mul3A_208, %mul3A_210 : i32
    %mul3A_212 = arith.constant 126720 : i32
    %mul3A_213 = arith.muli %arg0, %mul3A_212 : i32
    %mul3A_214 = arith.constant 7920 : i32
    %mul3A_215 = arith.muli %arg1, %mul3A_214 : i32
    %add3A_216 = arith.addi %mul3A_213, %mul3A_215 : i32
    %scan3A_217 = arith.constant 0 : i32
    %scan3A_218 = arith.constant 0 : i32
    %scan3A_219 = arith.constant 3 : i32
    %scan3A_220 = arith.addi %scan3A_218, %scan3A_219 : i32
    %scan3A_221 = arith.constant 1 : i32
    scf.for %scan3A_304 = %scan3A_218 to %scan3A_220 step %scan3A_221  : i32 {
      %mul3A_305 = arith.constant 2640 : i32
      %mul3A_306 = arith.muli %scan3A_304, %mul3A_305 : i32
      %add3A_307 = arith.addi %add3A_211, %mul3A_306 : i32
      %multiple_of3A = tpu.assume_multiple %add3A_307, 8 : i32
      %mul3A_308 = arith.constant 2640 : i32
      %mul3A_309 = arith.muli %scan3A_304, %mul3A_308 : i32
      %add3A_310 = arith.addi %add3A_216, %mul3A_309 : i32
      %multiple_of3A_311 = tpu.assume_multiple %add3A_310, 8 : i32
      "tpu.region"() ({
        %run_scoped3A = tpu.sem_alloc : memref<!tpu.dma_semaphore, #tpu.memory_space<semaphore_mem>>
        %dma_start3A_346 = arith.constant 0 : i32
        %dma_start3A_347 = tpu.memref_slice %arg12[%dma_start3A_346] : memref<3360xi32, #tpu.memory_space<vmem>> -> memref<2640xi32, #tpu.memory_space<vmem>>
        %dma_start3A_348 = tpu.memref_slice %arg5[%multiple_of3A] : memref<253440xi32, #tpu.memory_space<hbm>> -> memref<2640xi32, #tpu.memory_space<hbm>>
        %dma_start3A_349 = arith.constant 0 : i32
        %dma_start3A_350 = tpu.memref_slice %arg12[%dma_start3A_349] : memref<3360xi32, #tpu.memory_space<vmem>> -> memref<2640xi32, #tpu.memory_space<vmem>>
        %dma_start3A_351 = tpu.memref_slice %arg5[%multiple_of3A] : memref<253440xi32, #tpu.memory_space<hbm>> -> memref<2640xi32, #tpu.memory_space<hbm>>
        tpu.enqueue_dma source(%dma_start3A_351 : memref<2640xi32, #tpu.memory_space<hbm>>) target(%dma_start3A_350 : memref<2640xi32, #tpu.memory_space<vmem>>) target_semaphore(%run_scoped3A : memref<!tpu.dma_semaphore, #tpu.memory_space<semaphore_mem>>)
        %dma_wait3A_352 = arith.constant 0 : i32
        %dma_wait3A_353 = tpu.memref_slice %arg12[%dma_wait3A_352] : memref<3360xi32, #tpu.memory_space<vmem>> -> memref<2640xi32, #tpu.memory_space<vmem>>
        %dma_wait3A_354 = tpu.memref_slice %arg5[%multiple_of3A] : memref<253440xi32, #tpu.memory_space<hbm>> -> memref<2640xi32, #tpu.memory_space<hbm>>
        %dma_wait3A_355 = arith.constant 0 : i32
        %dma_wait3A_356 = tpu.memref_slice %arg12[%dma_wait3A_355] : memref<3360xi32, #tpu.memory_space<vmem>> -> memref<2640xi32, #tpu.memory_space<vmem>>
        %dma_wait3A_357 = tpu.memref_slice %arg5[%multiple_of3A] : memref<253440xi32, #tpu.memory_space<hbm>> -> memref<2640xi32, #tpu.memory_space<hbm>>
        tpu.wait_dma2 semaphore(%run_scoped3A : memref<!tpu.dma_semaphore, #tpu.memory_space<semaphore_mem>>) src(%dma_wait3A_357 : memref<2640xi32, #tpu.memory_space<hbm>>) dst(%dma_wait3A_356 : memref<2640xi32, #tpu.memory_space<vmem>>)
        tpu.yield
      }) : () -> ()
      "tpu.region"() ({
        %run_scoped3A = tpu.sem_alloc : memref<!tpu.dma_semaphore, #tpu.memory_space<semaphore_mem>>
        %dma_start3A_346 = arith.constant 0 : i32
        %dma_start3A_347 = tpu.memref_slice %arg13[%dma_start3A_346] : memref<3360xi32, #tpu.memory_space<vmem>> -> memref<2640xi32, #tpu.memory_space<vmem>>
        %dma_start3A_348 = tpu.memref_slice %arg6[%multiple_of3A_311] : memref<253440xi32, #tpu.memory_space<hbm>> -> memref<2640xi32, #tpu.memory_space<hbm>>
        %dma_start3A_349 = arith.constant 0 : i32
        %dma_start3A_350 = tpu.memref_slice %arg13[%dma_start3A_349] : memref<3360xi32, #tpu.memory_space<vmem>> -> memref<2640xi32, #tpu.memory_space<vmem>>
        %dma_start3A_351 = tpu.memref_slice %arg6[%multiple_of3A_311] : memref<253440xi32, #tpu.memory_space<hbm>> -> memref<2640xi32, #tpu.memory_space<hbm>>
        tpu.enqueue_dma source(%dma_start3A_351 : memref<2640xi32, #tpu.memory_space<hbm>>) target(%dma_start3A_350 : memref<2640xi32, #tpu.memory_space<vmem>>) target_semaphore(%run_scoped3A : memref<!tpu.dma_semaphore, #tpu.memory_space<semaphore_mem>>)
        %dma_wait3A_352 = arith.constant 0 : i32
        %dma_wait3A_353 = tpu.memref_slice %arg13[%dma_wait3A_352] : memref<3360xi32, #tpu.memory_space<vmem>> -> memref<2640xi32, #tpu.memory_space<vmem>>
        %dma_wait3A_354 = tpu.memref_slice %arg6[%multiple_of3A_311] : memref<253440xi32, #tpu.memory_space<hbm>> -> memref<2640xi32, #tpu.memory_space<hbm>>
        %dma_wait3A_355 = arith.constant 0 : i32
        %dma_wait3A_356 = tpu.memref_slice %arg13[%dma_wait3A_355] : memref<3360xi32, #tpu.memory_space<vmem>> -> memref<2640xi32, #tpu.memory_space<vmem>>
        %dma_wait3A_357 = tpu.memref_slice %arg6[%multiple_of3A_311] : memref<253440xi32, #tpu.memory_space<hbm>> -> memref<2640xi32, #tpu.memory_space<hbm>>
        tpu.wait_dma2 semaphore(%run_scoped3A : memref<!tpu.dma_semaphore, #tpu.memory_space<semaphore_mem>>) src(%dma_wait3A_357 : memref<2640xi32, #tpu.memory_space<hbm>>) dst(%dma_wait3A_356 : memref<2640xi32, #tpu.memory_space<vmem>>)
        tpu.yield
      }) : () -> ()
      %multiple_of3A_312 = arith.constant 0 : i32
      %multiple_of3A_313 = tpu.assume_multiple %multiple_of3A_312, 8 : i32
      %dma_start3A = tpu.memref_slice %arg12[%multiple_of3A_313] : memref<3360xi32, #tpu.memory_space<vmem>> -> memref<80xi32, #tpu.memory_space<vmem>>
      %dma_start3A_314 = arith.constant 0 : i32
      %dma_start3A_315 = arith.constant 0 : i32
      %dma_start3A_316 = tpu.memref_slice %arg2[%dma_start3A_314, %dma_start3A_315] : memref<10000x128xf32, #tpu.memory_space<hbm>> -> memref<10000x128xf32, #tpu.memory_space<hbm>>
      tpu.enqueue_indirect_dma source(%dma_start3A_316 : memref<10000x128xf32, #tpu.memory_space<hbm>>) target(%arg14 : memref<80x128xf32, #tpu.memory_space<vmem>>) offsets(%dma_start3A : memref<80xi32, #tpu.memory_space<vmem>>) semaphore(%arg20 : memref<!tpu.dma_semaphore, #tpu.memory_space<semaphore_mem>>)
      %multiple_of3A_317 = arith.constant 80 : i32
      %multiple_of3A_318 = tpu.assume_multiple %multiple_of3A_317, 8 : i32
      %dma_start3A_319 = tpu.memref_slice %arg12[%multiple_of3A_318] : memref<3360xi32, #tpu.memory_space<vmem>> -> memref<80xi32, #tpu.memory_space<vmem>>
      %dma_start3A_320 = arith.constant 0 : i32
      %dma_start3A_321 = arith.constant 0 : i32
      %dma_start3A_322 = tpu.memref_slice %arg2[%dma_start3A_320, %dma_start3A_321] : memref<10000x128xf32, #tpu.memory_space<hbm>> -> memref<10000x128xf32, #tpu.memory_space<hbm>>
      tpu.enqueue_indirect_dma source(%dma_start3A_322 : memref<10000x128xf32, #tpu.memory_space<hbm>>) target(%arg15 : memref<80x128xf32, #tpu.memory_space<vmem>>) offsets(%dma_start3A_319 : memref<80xi32, #tpu.memory_space<vmem>>) semaphore(%arg21 : memref<!tpu.dma_semaphore, #tpu.memory_space<semaphore_mem>>)
      %scan3A_323 = arith.constant 0 : i32
      %scan3A_324 = arith.constant 0 : i32
      %scan3A_325 = arith.constant 11 : i32
      %scan3A_326 = arith.addi %scan3A_324, %scan3A_325 : i32
      %scan3A_327 = arith.constant 1 : i32
      scf.for %scan3A_346 = %scan3A_324 to %scan3A_326 step %scan3A_327  : i32 {
        %mul3A_347 = arith.constant 3 : i32
        %mul3A_348 = arith.muli %mul3A_347, %scan3A_346 : i32
        %add3A_349 = arith.constant 2 : i32
        %add3A_350 = arith.addi %mul3A_348, %add3A_349 : i32
        %lt3A = arith.constant 33 : i32
        %lt3A_351 = arith.cmpi slt, %add3A_350, %lt3A : i32
        %convert_element_type3A = arith.extui %lt3A_351 : i1 to i32
        %cond3A = arith.constant 0 : i32
        %cond3A_352 = arith.cmpi ne, %convert_element_type3A, %cond3A : i32
        scf.if %cond3A_352 {
          %ge3A = arith.constant 3 : i32
          %ge3A_413 = arith.cmpi sge, %add3A_350, %ge3A : i32
          %convert_element_type3A_414 = arith.extui %ge3A_413 : i1 to i32
          %cond3A_415 = arith.constant 0 : i32
          %cond3A_416 = arith.cmpi ne, %convert_element_type3A_414, %cond3A_415 : i32
          scf.if %cond3A_416 {
            %sub3A = arith.constant 1 : i32
            %sub3A_424 = arith.subi %mul3A_348, %sub3A : i32
            %mul3A_425 = arith.constant 80 : i32
            %mul3A_426 = arith.muli %sub3A_424, %mul3A_425 : i32
            %multiple_of3A_427 = tpu.assume_multiple %mul3A_426, 8 : i32
            %dma_wait3A_428 = tpu.memref_slice %arg13[%multiple_of3A_427] : memref<3360xi32, #tpu.memory_space<vmem>> -> memref<80xi32, #tpu.memory_space<vmem>>
            %dma_wait3A_429 = arith.constant 0 : i32
            %dma_wait3A_430 = arith.constant 0 : i32
            %dma_wait3A_431 = tpu.memref_slice %arg10[%dma_wait3A_429, %dma_wait3A_430] : memref<10240x128xf32, #tpu.memory_space<vmem_shared>> -> memref<10240x128xf32, #tpu.memory_space<vmem_shared>>
            tpu.wait_indirect_dma semaphore(%arg25 : memref<!tpu.dma_semaphore, #tpu.memory_space<semaphore_mem>>) src(%arg16 : memref<80x128xf32, #tpu.memory_space<vmem>>) dst(%dma_wait3A_431 : memref<10240x128xf32, #tpu.memory_space<vmem_shared>>)
          } else {
          }
          %mul3A_417 = arith.constant 80 : i32
          %mul3A_418 = arith.muli %add3A_350, %mul3A_417 : i32
          %multiple_of3A_419 = tpu.assume_multiple %mul3A_418, 8 : i32
          %dma_start3A_420 = tpu.memref_slice %arg12[%multiple_of3A_419] : memref<3360xi32, #tpu.memory_space<vmem>> -> memref<80xi32, #tpu.memory_space<vmem>>
          %dma_start3A_421 = arith.constant 0 : i32
          %dma_start3A_422 = arith.constant 0 : i32
          %dma_start3A_423 = tpu.memref_slice %arg2[%dma_start3A_421, %dma_start3A_422] : memref<10000x128xf32, #tpu.memory_space<hbm>> -> memref<10000x128xf32, #tpu.memory_space<hbm>>
          tpu.enqueue_indirect_dma source(%dma_start3A_423 : memref<10000x128xf32, #tpu.memory_space<hbm>>) target(%arg16 : memref<80x128xf32, #tpu.memory_space<vmem>>) offsets(%dma_start3A_420 : memref<80xi32, #tpu.memory_space<vmem>>) semaphore(%arg22 : memref<!tpu.dma_semaphore, #tpu.memory_space<semaphore_mem>>)
        } else {
        }
        %mul3A_353 = arith.constant 80 : i32
        %mul3A_354 = arith.muli %mul3A_348, %mul3A_353 : i32
        %multiple_of3A_355 = tpu.assume_multiple %mul3A_354, 8 : i32
        %dma_wait3A_356 = tpu.memref_slice %arg12[%multiple_of3A_355] : memref<3360xi32, #tpu.memory_space<vmem>> -> memref<80xi32, #tpu.memory_space<vmem>>
        %dma_wait3A_357 = arith.constant 0 : i32
        %dma_wait3A_358 = arith.constant 0 : i32
        %dma_wait3A_359 = tpu.memref_slice %arg2[%dma_wait3A_357, %dma_wait3A_358] : memref<10000x128xf32, #tpu.memory_space<hbm>> -> memref<10000x128xf32, #tpu.memory_space<hbm>>
        tpu.wait_indirect_dma semaphore(%arg20 : memref<!tpu.dma_semaphore, #tpu.memory_space<semaphore_mem>>) src(%dma_wait3A_359 : memref<10000x128xf32, #tpu.memory_space<hbm>>) dst(%arg14 : memref<80x128xf32, #tpu.memory_space<vmem>>)
        %mul3A_360 = arith.constant 80 : i32
        %mul3A_361 = arith.muli %mul3A_348, %mul3A_360 : i32
        %multiple_of3A_362 = tpu.assume_multiple %mul3A_361, 8 : i32
        %dma_start3A_363 = tpu.memref_slice %arg13[%multiple_of3A_362] : memref<3360xi32, #tpu.memory_space<vmem>> -> memref<80xi32, #tpu.memory_space<vmem>>
        %dma_start3A_364 = arith.constant 0 : i32
        %dma_start3A_365 = arith.constant 0 : i32
        %dma_start3A_366 = tpu.memref_slice %arg10[%dma_start3A_364, %dma_start3A_365] : memref<10240x128xf32, #tpu.memory_space<vmem_shared>> -> memref<10240x128xf32, #tpu.memory_space<vmem_shared>>
        tpu.enqueue_indirect_dma source(%arg14 : memref<80x128xf32, #tpu.memory_space<vmem>>) target(%dma_start3A_366 : memref<10240x128xf32, #tpu.memory_space<vmem_shared>>) offsets(%dma_start3A_363 : memref<80xi32, #tpu.memory_space<vmem>>) semaphore(%arg23 : memref<!tpu.dma_semaphore, #tpu.memory_space<semaphore_mem>>) {add = true}
        %add3A_367 = arith.constant 1 : i32
        %add3A_368 = arith.addi %mul3A_348, %add3A_367 : i32
        %add3A_369 = arith.constant 2 : i32
        %add3A_370 = arith.addi %add3A_368, %add3A_369 : i32
        %lt3A_371 = arith.constant 33 : i32
        %lt3A_372 = arith.cmpi slt, %add3A_370, %lt3A_371 : i32
        %convert_element_type3A_373 = arith.extui %lt3A_372 : i1 to i32
        %cond3A_374 = arith.constant 0 : i32
        %cond3A_375 = arith.cmpi ne, %convert_element_type3A_373, %cond3A_374 : i32
        scf.if %cond3A_375 {
          %ge3A = arith.constant 3 : i32
          %ge3A_413 = arith.cmpi sge, %add3A_370, %ge3A : i32
          %convert_element_type3A_414 = arith.extui %ge3A_413 : i1 to i32
          %cond3A_415 = arith.constant 0 : i32
          %cond3A_416 = arith.cmpi ne, %convert_element_type3A_414, %cond3A_415 : i32
          scf.if %cond3A_416 {
            %sub3A = arith.constant 1 : i32
            %sub3A_424 = arith.subi %add3A_368, %sub3A : i32
            %mul3A_425 = arith.constant 80 : i32
            %mul3A_426 = arith.muli %sub3A_424, %mul3A_425 : i32
            %multiple_of3A_427 = tpu.assume_multiple %mul3A_426, 8 : i32
            %dma_wait3A_428 = tpu.memref_slice %arg13[%multiple_of3A_427] : memref<3360xi32, #tpu.memory_space<vmem>> -> memref<80xi32, #tpu.memory_space<vmem>>
            %dma_wait3A_429 = arith.constant 0 : i32
            %dma_wait3A_430 = arith.constant 0 : i32
            %dma_wait3A_431 = tpu.memref_slice %arg10[%dma_wait3A_429, %dma_wait3A_430] : memref<10240x128xf32, #tpu.memory_space<vmem_shared>> -> memref<10240x128xf32, #tpu.memory_space<vmem_shared>>
            tpu.wait_indirect_dma semaphore(%arg23 : memref<!tpu.dma_semaphore, #tpu.memory_space<semaphore_mem>>) src(%arg14 : memref<80x128xf32, #tpu.memory_space<vmem>>) dst(%dma_wait3A_431 : memref<10240x128xf32, #tpu.memory_space<vmem_shared>>)
          } else {
          }
          %mul3A_417 = arith.constant 80 : i32
          %mul3A_418 = arith.muli %add3A_370, %mul3A_417 : i32
          %multiple_of3A_419 = tpu.assume_multiple %mul3A_418, 8 : i32
          %dma_start3A_420 = tpu.memref_slice %arg12[%multiple_of3A_419] : memref<3360xi32, #tpu.memory_space<vmem>> -> memref<80xi32, #tpu.memory_space<vmem>>
          %dma_start3A_421 = arith.constant 0 : i32
          %dma_start3A_422 = arith.constant 0 : i32
          %dma_start3A_423 = tpu.memref_slice %arg2[%dma_start3A_421, %dma_start3A_422] : memref<10000x128xf32, #tpu.memory_space<hbm>> -> memref<10000x128xf32, #tpu.memory_space<hbm>>
          tpu.enqueue_indirect_dma source(%dma_start3A_423 : memref<10000x128xf32, #tpu.memory_space<hbm>>) target(%arg14 : memref<80x128xf32, #tpu.memory_space<vmem>>) offsets(%dma_start3A_420 : memref<80xi32, #tpu.memory_space<vmem>>) semaphore(%arg20 : memref<!tpu.dma_semaphore, #tpu.memory_space<semaphore_mem>>)
        } else {
        }
        %mul3A_376 = arith.constant 80 : i32
        %mul3A_377 = arith.muli %add3A_368, %mul3A_376 : i32
        %multiple_of3A_378 = tpu.assume_multiple %mul3A_377, 8 : i32
        %dma_wait3A_379 = tpu.memref_slice %arg12[%multiple_of3A_378] : memref<3360xi32, #tpu.memory_space<vmem>> -> memref<80xi32, #tpu.memory_space<vmem>>
        %dma_wait3A_380 = arith.constant 0 : i32
        %dma_wait3A_381 = arith.constant 0 : i32
        %dma_wait3A_382 = tpu.memref_slice %arg2[%dma_wait3A_380, %dma_wait3A_381] : memref<10000x128xf32, #tpu.memory_space<hbm>> -> memref<10000x128xf32, #tpu.memory_space<hbm>>
        tpu.wait_indirect_dma semaphore(%arg21 : memref<!tpu.dma_semaphore, #tpu.memory_space<semaphore_mem>>) src(%dma_wait3A_382 : memref<10000x128xf32, #tpu.memory_space<hbm>>) dst(%arg15 : memref<80x128xf32, #tpu.memory_space<vmem>>)
        %mul3A_383 = arith.constant 80 : i32
        %mul3A_384 = arith.muli %add3A_368, %mul3A_383 : i32
        %multiple_of3A_385 = tpu.assume_multiple %mul3A_384, 8 : i32
        %dma_start3A_386 = tpu.memref_slice %arg13[%multiple_of3A_385] : memref<3360xi32, #tpu.memory_space<vmem>> -> memref<80xi32, #tpu.memory_space<vmem>>
        %dma_start3A_387 = arith.constant 0 : i32
        %dma_start3A_388 = arith.constant 0 : i32
        %dma_start3A_389 = tpu.memref_slice %arg10[%dma_start3A_387, %dma_start3A_388] : memref<10240x128xf32, #tpu.memory_space<vmem_shared>> -> memref<10240x128xf32, #tpu.memory_space<vmem_shared>>
        tpu.enqueue_indirect_dma source(%arg15 : memref<80x128xf32, #tpu.memory_space<vmem>>) target(%dma_start3A_389 : memref<10240x128xf32, #tpu.memory_space<vmem_shared>>) offsets(%dma_start3A_386 : memref<80xi32, #tpu.memory_space<vmem>>) semaphore(%arg24 : memref<!tpu.dma_semaphore, #tpu.memory_space<semaphore_mem>>) {add = true}
        %add3A_390 = arith.constant 2 : i32
        %add3A_391 = arith.addi %mul3A_348, %add3A_390 : i32
        %add3A_392 = arith.constant 2 : i32
        %add3A_393 = arith.addi %add3A_391, %add3A_392 : i32
        %lt3A_394 = arith.constant 33 : i32
        %lt3A_395 = arith.cmpi slt, %add3A_393, %lt3A_394 : i32
        %convert_element_type3A_396 = arith.extui %lt3A_395 : i1 to i32
        %cond3A_397 = arith.constant 0 : i32
        %cond3A_398 = arith.cmpi ne, %convert_element_type3A_396, %cond3A_397 : i32
        scf.if %cond3A_398 {
          %ge3A = arith.constant 3 : i32
          %ge3A_413 = arith.cmpi sge, %add3A_393, %ge3A : i32
          %convert_element_type3A_414 = arith.extui %ge3A_413 : i1 to i32
          %cond3A_415 = arith.constant 0 : i32
          %cond3A_416 = arith.cmpi ne, %convert_element_type3A_414, %cond3A_415 : i32
          scf.if %cond3A_416 {
            %sub3A = arith.constant 1 : i32
            %sub3A_424 = arith.subi %add3A_391, %sub3A : i32
            %mul3A_425 = arith.constant 80 : i32
            %mul3A_426 = arith.muli %sub3A_424, %mul3A_425 : i32
            %multiple_of3A_427 = tpu.assume_multiple %mul3A_426, 8 : i32
            %dma_wait3A_428 = tpu.memref_slice %arg13[%multiple_of3A_427] : memref<3360xi32, #tpu.memory_space<vmem>> -> memref<80xi32, #tpu.memory_space<vmem>>
            %dma_wait3A_429 = arith.constant 0 : i32
            %dma_wait3A_430 = arith.constant 0 : i32
            %dma_wait3A_431 = tpu.memref_slice %arg10[%dma_wait3A_429, %dma_wait3A_430] : memref<10240x128xf32, #tpu.memory_space<vmem_shared>> -> memref<10240x128xf32, #tpu.memory_space<vmem_shared>>
            tpu.wait_indirect_dma semaphore(%arg24 : memref<!tpu.dma_semaphore, #tpu.memory_space<semaphore_mem>>) src(%arg15 : memref<80x128xf32, #tpu.memory_space<vmem>>) dst(%dma_wait3A_431 : memref<10240x128xf32, #tpu.memory_space<vmem_shared>>)
          } else {
          }
          %mul3A_417 = arith.constant 80 : i32
          %mul3A_418 = arith.muli %add3A_393, %mul3A_417 : i32
          %multiple_of3A_419 = tpu.assume_multiple %mul3A_418, 8 : i32
          %dma_start3A_420 = tpu.memref_slice %arg12[%multiple_of3A_419] : memref<3360xi32, #tpu.memory_space<vmem>> -> memref<80xi32, #tpu.memory_space<vmem>>
          %dma_start3A_421 = arith.constant 0 : i32
          %dma_start3A_422 = arith.constant 0 : i32
          %dma_start3A_423 = tpu.memref_slice %arg2[%dma_start3A_421, %dma_start3A_422] : memref<10000x128xf32, #tpu.memory_space<hbm>> -> memref<10000x128xf32, #tpu.memory_space<hbm>>
          tpu.enqueue_indirect_dma source(%dma_start3A_423 : memref<10000x128xf32, #tpu.memory_space<hbm>>) target(%arg15 : memref<80x128xf32, #tpu.memory_space<vmem>>) offsets(%dma_start3A_420 : memref<80xi32, #tpu.memory_space<vmem>>) semaphore(%arg21 : memref<!tpu.dma_semaphore, #tpu.memory_space<semaphore_mem>>)
        } else {
        }
        %mul3A_399 = arith.constant 80 : i32
        %mul3A_400 = arith.muli %add3A_391, %mul3A_399 : i32
        %multiple_of3A_401 = tpu.assume_multiple %mul3A_400, 8 : i32
        %dma_wait3A_402 = tpu.memref_slice %arg12[%multiple_of3A_401] : memref<3360xi32, #tpu.memory_space<vmem>> -> memref<80xi32, #tpu.memory_space<vmem>>
        %dma_wait3A_403 = arith.constant 0 : i32
        %dma_wait3A_404 = arith.constant 0 : i32
        %dma_wait3A_405 = tpu.memref_slice %arg2[%dma_wait3A_403, %dma_wait3A_404] : memref<10000x128xf32, #tpu.memory_space<hbm>> -> memref<10000x128xf32, #tpu.memory_space<hbm>>
        tpu.wait_indirect_dma semaphore(%arg22 : memref<!tpu.dma_semaphore, #tpu.memory_space<semaphore_mem>>) src(%dma_wait3A_405 : memref<10000x128xf32, #tpu.memory_space<hbm>>) dst(%arg16 : memref<80x128xf32, #tpu.memory_space<vmem>>)
        %mul3A_406 = arith.constant 80 : i32
        %mul3A_407 = arith.muli %add3A_391, %mul3A_406 : i32
        %multiple_of3A_408 = tpu.assume_multiple %mul3A_407, 8 : i32
        %dma_start3A_409 = tpu.memref_slice %arg13[%multiple_of3A_408] : memref<3360xi32, #tpu.memory_space<vmem>> -> memref<80xi32, #tpu.memory_space<vmem>>
        %dma_start3A_410 = arith.constant 0 : i32
        %dma_start3A_411 = arith.constant 0 : i32
        %dma_start3A_412 = tpu.memref_slice %arg10[%dma_start3A_410, %dma_start3A_411] : memref<10240x128xf32, #tpu.memory_space<vmem_shared>> -> memref<10240x128xf32, #tpu.memory_space<vmem_shared>>
        tpu.enqueue_indirect_dma source(%arg16 : memref<80x128xf32, #tpu.memory_space<vmem>>) target(%dma_start3A_412 : memref<10240x128xf32, #tpu.memory_space<vmem_shared>>) offsets(%dma_start3A_409 : memref<80xi32, #tpu.memory_space<vmem>>) semaphore(%arg25 : memref<!tpu.dma_semaphore, #tpu.memory_space<semaphore_mem>>) {add = true}
      }
      %scan3A_328 = arith.constant 11 : i32
      %multiple_of3A_329 = arith.constant 2400 : i32
      %multiple_of3A_330 = tpu.assume_multiple %multiple_of3A_329, 8 : i32
      %dma_wait3A = tpu.memref_slice %arg13[%multiple_of3A_330] : memref<3360xi32, #tpu.memory_space<vmem>> -> memref<80xi32, #tpu.memory_space<vmem>>
      %dma_wait3A_331 = arith.constant 0 : i32
      %dma_wait3A_332 = arith.constant 0 : i32
      %dma_wait3A_333 = tpu.memref_slice %arg10[%dma_wait3A_331, %dma_wait3A_332] : memref<10240x128xf32, #tpu.memory_space<vmem_shared>> -> memref<10240x128xf32, #tpu.memory_space<vmem_shared>>
      tpu.wait_indirect_dma semaphore(%arg23 : memref<!tpu.dma_semaphore, #tpu.memory_space<semaphore_mem>>) src(%arg14 : memref<80x128xf32, #tpu.memory_space<vmem>>) dst(%dma_wait3A_333 : memref<10240x128xf32, #tpu.memory_space<vmem_shared>>)
      %multiple_of3A_334 = arith.constant 2480 : i32
      %multiple_of3A_335 = tpu.assume_multiple %multiple_of3A_334, 8 : i32
      %dma_wait3A_336 = tpu.memref_slice %arg13[%multiple_of3A_335] : memref<3360xi32, #tpu.memory_space<vmem>> -> memref<80xi32, #tpu.memory_space<vmem>>
      %dma_wait3A_337 = arith.constant 0 : i32
      %dma_wait3A_338 = arith.constant 0 : i32
      %dma_wait3A_339 = tpu.memref_slice %arg10[%dma_wait3A_337, %dma_wait3A_338] : memref<10240x128xf32, #tpu.memory_space<vmem_shared>> -> memref<10240x128xf32, #tpu.memory_space<vmem_shared>>
      tpu.wait_indirect_dma semaphore(%arg24 : memref<!tpu.dma_semaphore, #tpu.memory_space<semaphore_mem>>) src(%arg15 : memref<80x128xf32, #tpu.memory_space<vmem>>) dst(%dma_wait3A_339 : memref<10240x128xf32, #tpu.memory_space<vmem_shared>>)
      %multiple_of3A_340 = arith.constant 2560 : i32
      %multiple_of3A_341 = tpu.assume_multiple %multiple_of3A_340, 8 : i32
      %dma_wait3A_342 = tpu.memref_slice %arg13[%multiple_of3A_341] : memref<3360xi32, #tpu.memory_space<vmem>> -> memref<80xi32, #tpu.memory_space<vmem>>
      %dma_wait3A_343 = arith.constant 0 : i32
      %dma_wait3A_344 = arith.constant 0 : i32
      %dma_wait3A_345 = tpu.memref_slice %arg10[%dma_wait3A_343, %dma_wait3A_344] : memref<10240x128xf32, #tpu.memory_space<vmem_shared>> -> memref<10240x128xf32, #tpu.memory_space<vmem_shared>>
      tpu.wait_indirect_dma semaphore(%arg25 : memref<!tpu.dma_semaphore, #tpu.memory_space<semaphore_mem>>) src(%arg16 : memref<80x128xf32, #tpu.memory_space<vmem>>) dst(%dma_wait3A_345 : memref<10240x128xf32, #tpu.memory_space<vmem_shared>>)
    }
    %scan3A_222 = arith.constant 3 : i32
    %barrier3A_223 = arith.constant 0 : index
    tpu.barrier barrier_id(%barrier3A_223)
    %add3A_224 = arith.constant 0 : i32
    %add3A_225 = arith.addi %mul3A_0, %add3A_224 : i32
    "tpu.region"() ({
      %run_scoped3A = tpu.sem_alloc : memref<!tpu.dma_semaphore, #tpu.memory_space<semaphore_mem>>
      %dma_start3A = arith.constant 0 : i32
      %dma_start3A_304 = tpu.memref_slice %arg10[%add3A_225, %dma_start3A] : memref<10240x128xf32, #tpu.memory_space<vmem_shared>> -> memref<32x128xf32, #tpu.memory_space<vmem_shared>>
      %dma_start3A_305 = arith.constant 0 : i32
      %dma_start3A_306 = tpu.memref_slice %arg10[%add3A_225, %dma_start3A_305] : memref<10240x128xf32, #tpu.memory_space<vmem_shared>> -> memref<32x128xf32, #tpu.memory_space<vmem_shared>>
      tpu.enqueue_dma source(%dma_start3A_306 : memref<32x128xf32, #tpu.memory_space<vmem_shared>>) target(%arg17 : memref<32x128xf32, #tpu.memory_space<vmem>>) target_semaphore(%run_scoped3A : memref<!tpu.dma_semaphore, #tpu.memory_space<semaphore_mem>>)
      %dma_wait3A = arith.constant 0 : i32
      %dma_wait3A_307 = tpu.memref_slice %arg10[%add3A_225, %dma_wait3A] : memref<10240x128xf32, #tpu.memory_space<vmem_shared>> -> memref<32x128xf32, #tpu.memory_space<vmem_shared>>
      %dma_wait3A_308 = arith.constant 0 : i32
      %dma_wait3A_309 = tpu.memref_slice %arg10[%add3A_225, %dma_wait3A_308] : memref<10240x128xf32, #tpu.memory_space<vmem_shared>> -> memref<32x128xf32, #tpu.memory_space<vmem_shared>>
      tpu.wait_dma2 semaphore(%run_scoped3A : memref<!tpu.dma_semaphore, #tpu.memory_space<semaphore_mem>>) src(%dma_wait3A_309 : memref<32x128xf32, #tpu.memory_space<vmem_shared>>) dst(%arg17 : memref<32x128xf32, #tpu.memory_space<vmem>>)
      tpu.yield
    }) : () -> ()
    %add3A_226 = arith.constant 0 : i32
    %add3A_227 = arith.addi %add3A_79, %add3A_226 : i32
    "tpu.region"() ({
      %run_scoped3A = tpu.sem_alloc : memref<!tpu.dma_semaphore, #tpu.memory_space<semaphore_mem>>
      %dma_start3A = arith.constant 0 : i32
      %dma_start3A_304 = tpu.memref_slice %arg8[%add3A_227, %dma_start3A] : memref<20480x128xf32, #tpu.memory_space<hbm>> -> memref<32x128xf32, #tpu.memory_space<hbm>>
      %dma_start3A_305 = arith.constant 0 : i32
      %dma_start3A_306 = tpu.memref_slice %arg8[%add3A_227, %dma_start3A_305] : memref<20480x128xf32, #tpu.memory_space<hbm>> -> memref<32x128xf32, #tpu.memory_space<hbm>>
      tpu.enqueue_dma source(%arg17 : memref<32x128xf32, #tpu.memory_space<vmem>>) target(%dma_start3A_306 : memref<32x128xf32, #tpu.memory_space<hbm>>) target_semaphore(%run_scoped3A : memref<!tpu.dma_semaphore, #tpu.memory_space<semaphore_mem>>)
      %dma_wait3A = arith.constant 0 : i32
      %dma_wait3A_307 = tpu.memref_slice %arg8[%add3A_227, %dma_wait3A] : memref<20480x128xf32, #tpu.memory_space<hbm>> -> memref<32x128xf32, #tpu.memory_space<hbm>>
      %dma_wait3A_308 = arith.constant 0 : i32
      %dma_wait3A_309 = tpu.memref_slice %arg8[%add3A_227, %dma_wait3A_308] : memref<20480x128xf32, #tpu.memory_space<hbm>> -> memref<32x128xf32, #tpu.memory_space<hbm>>
      tpu.wait_dma2 semaphore(%run_scoped3A : memref<!tpu.dma_semaphore, #tpu.memory_space<semaphore_mem>>) src(%arg17 : memref<32x128xf32, #tpu.memory_space<vmem>>) dst(%dma_wait3A_309 : memref<32x128xf32, #tpu.memory_space<hbm>>)
      tpu.yield
    }) : () -> ()
    %add3A_228 = arith.constant 32 : i32
    %add3A_229 = arith.addi %mul3A_0, %add3A_228 : i32
    "tpu.region"() ({
      %run_scoped3A = tpu.sem_alloc : memref<!tpu.dma_semaphore, #tpu.memory_space<semaphore_mem>>
      %dma_start3A = arith.constant 0 : i32
      %dma_start3A_304 = tpu.memref_slice %arg10[%add3A_229, %dma_start3A] : memref<10240x128xf32, #tpu.memory_space<vmem_shared>> -> memref<32x128xf32, #tpu.memory_space<vmem_shared>>
      %dma_start3A_305 = arith.constant 0 : i32
      %dma_start3A_306 = tpu.memref_slice %arg10[%add3A_229, %dma_start3A_305] : memref<10240x128xf32, #tpu.memory_space<vmem_shared>> -> memref<32x128xf32, #tpu.memory_space<vmem_shared>>
      tpu.enqueue_dma source(%dma_start3A_306 : memref<32x128xf32, #tpu.memory_space<vmem_shared>>) target(%arg17 : memref<32x128xf32, #tpu.memory_space<vmem>>) target_semaphore(%run_scoped3A : memref<!tpu.dma_semaphore, #tpu.memory_space<semaphore_mem>>)
      %dma_wait3A = arith.constant 0 : i32
      %dma_wait3A_307 = tpu.memref_slice %arg10[%add3A_229, %dma_wait3A] : memref<10240x128xf32, #tpu.memory_space<vmem_shared>> -> memref<32x128xf32, #tpu.memory_space<vmem_shared>>
      %dma_wait3A_308 = arith.constant 0 : i32
      %dma_wait3A_309 = tpu.memref_slice %arg10[%add3A_229, %dma_wait3A_308] : memref<10240x128xf32, #tpu.memory_space<vmem_shared>> -> memref<32x128xf32, #tpu.memory_space<vmem_shared>>
      tpu.wait_dma2 semaphore(%run_scoped3A : memref<!tpu.dma_semaphore, #tpu.memory_space<semaphore_mem>>) src(%dma_wait3A_309 : memref<32x128xf32, #tpu.memory_space<vmem_shared>>) dst(%arg17 : memref<32x128xf32, #tpu.memory_space<vmem>>)
      tpu.yield
    }) : () -> ()
    %add3A_230 = arith.constant 32 : i32
    %add3A_231 = arith.addi %add3A_79, %add3A_230 : i32
    "tpu.region"() ({
      %run_scoped3A = tpu.sem_alloc : memref<!tpu.dma_semaphore, #tpu.memory_space<semaphore_mem>>
      %dma_start3A = arith.constant 0 : i32
      %dma_start3A_304 = tpu.memref_slice %arg8[%add3A_231, %dma_start3A] : memref<20480x128xf32, #tpu.memory_space<hbm>> -> memref<32x128xf32, #tpu.memory_space<hbm>>
      %dma_start3A_305 = arith.constant 0 : i32
      %dma_start3A_306 = tpu.memref_slice %arg8[%add3A_231, %dma_start3A_305] : memref<20480x128xf32, #tpu.memory_space<hbm>> -> memref<32x128xf32, #tpu.memory_space<hbm>>
      tpu.enqueue_dma source(%arg17 : memref<32x128xf32, #tpu.memory_space<vmem>>) target(%dma_start3A_306 : memref<32x128xf32, #tpu.memory_space<hbm>>) target_semaphore(%run_scoped3A : memref<!tpu.dma_semaphore, #tpu.memory_space<semaphore_mem>>)
      %dma_wait3A = arith.constant 0 : i32
      %dma_wait3A_307 = tpu.memref_slice %arg8[%add3A_231, %dma_wait3A] : memref<20480x128xf32, #tpu.memory_space<hbm>> -> memref<32x128xf32, #tpu.memory_space<hbm>>
      %dma_wait3A_308 = arith.constant 0 : i32
      %dma_wait3A_309 = tpu.memref_slice %arg8[%add3A_231, %dma_wait3A_308] : memref<20480x128xf32, #tpu.memory_space<hbm>> -> memref<32x128xf32, #tpu.memory_space<hbm>>
      tpu.wait_dma2 semaphore(%run_scoped3A : memref<!tpu.dma_semaphore, #tpu.memory_space<semaphore_mem>>) src(%arg17 : memref<32x128xf32, #tpu.memory_space<vmem>>) dst(%dma_wait3A_309 : memref<32x128xf32, #tpu.memory_space<hbm>>)
      tpu.yield
    }) : () -> ()
    %add3A_232 = arith.constant 64 : i32
    %add3A_233 = arith.addi %mul3A_0, %add3A_232 : i32
    "tpu.region"() ({
      %run_scoped3A = tpu.sem_alloc : memref<!tpu.dma_semaphore, #tpu.memory_space<semaphore_mem>>
      %dma_start3A = arith.constant 0 : i32
      %dma_start3A_304 = tpu.memref_slice %arg10[%add3A_233, %dma_start3A] : memref<10240x128xf32, #tpu.memory_space<vmem_shared>> -> memref<32x128xf32, #tpu.memory_space<vmem_shared>>
      %dma_start3A_305 = arith.constant 0 : i32
      %dma_start3A_306 = tpu.memref_slice %arg10[%add3A_233, %dma_start3A_305] : memref<10240x128xf32, #tpu.memory_space<vmem_shared>> -> memref<32x128xf32, #tpu.memory_space<vmem_shared>>
      tpu.enqueue_dma source(%dma_start3A_306 : memref<32x128xf32, #tpu.memory_space<vmem_shared>>) target(%arg17 : memref<32x128xf32, #tpu.memory_space<vmem>>) target_semaphore(%run_scoped3A : memref<!tpu.dma_semaphore, #tpu.memory_space<semaphore_mem>>)
      %dma_wait3A = arith.constant 0 : i32
      %dma_wait3A_307 = tpu.memref_slice %arg10[%add3A_233, %dma_wait3A] : memref<10240x128xf32, #tpu.memory_space<vmem_shared>> -> memref<32x128xf32, #tpu.memory_space<vmem_shared>>
      %dma_wait3A_308 = arith.constant 0 : i32
      %dma_wait3A_309 = tpu.memref_slice %arg10[%add3A_233, %dma_wait3A_308] : memref<10240x128xf32, #tpu.memory_space<vmem_shared>> -> memref<32x128xf32, #tpu.memory_space<vmem_shared>>
      tpu.wait_dma2 semaphore(%run_scoped3A : memref<!tpu.dma_semaphore, #tpu.memory_space<semaphore_mem>>) src(%dma_wait3A_309 : memref<32x128xf32, #tpu.memory_space<vmem_shared>>) dst(%arg17 : memref<32x128xf32, #tpu.memory_space<vmem>>)
      tpu.yield
    }) : () -> ()
    %add3A_234 = arith.constant 64 : i32
    %add3A_235 = arith.addi %add3A_79, %add3A_234 : i32
    "tpu.region"() ({
      %run_scoped3A = tpu.sem_alloc : memref<!tpu.dma_semaphore, #tpu.memory_space<semaphore_mem>>
      %dma_start3A = arith.constant 0 : i32
      %dma_start3A_304 = tpu.memref_slice %arg8[%add3A_235, %dma_start3A] : memref<20480x128xf32, #tpu.memory_space<hbm>> -> memref<32x128xf32, #tpu.memory_space<hbm>>
      %dma_start3A_305 = arith.constant 0 : i32
      %dma_start3A_306 = tpu.memref_slice %arg8[%add3A_235, %dma_start3A_305] : memref<20480x128xf32, #tpu.memory_space<hbm>> -> memref<32x128xf32, #tpu.memory_space<hbm>>
      tpu.enqueue_dma source(%arg17 : memref<32x128xf32, #tpu.memory_space<vmem>>) target(%dma_start3A_306 : memref<32x128xf32, #tpu.memory_space<hbm>>) target_semaphore(%run_scoped3A : memref<!tpu.dma_semaphore, #tpu.memory_space<semaphore_mem>>)
      %dma_wait3A = arith.constant 0 : i32
      %dma_wait3A_307 = tpu.memref_slice %arg8[%add3A_235, %dma_wait3A] : memref<20480x128xf32, #tpu.memory_space<hbm>> -> memref<32x128xf32, #tpu.memory_space<hbm>>
      %dma_wait3A_308 = arith.constant 0 : i32
      %dma_wait3A_309 = tpu.memref_slice %arg8[%add3A_235, %dma_wait3A_308] : memref<20480x128xf32, #tpu.memory_space<hbm>> -> memref<32x128xf32, #tpu.memory_space<hbm>>
      tpu.wait_dma2 semaphore(%run_scoped3A : memref<!tpu.dma_semaphore, #tpu.memory_space<semaphore_mem>>) src(%arg17 : memref<32x128xf32, #tpu.memory_space<vmem>>) dst(%dma_wait3A_309 : memref<32x128xf32, #tpu.memory_space<hbm>>)
      tpu.yield
    }) : () -> ()
    %add3A_236 = arith.constant 96 : i32
    %add3A_237 = arith.addi %mul3A_0, %add3A_236 : i32
    "tpu.region"() ({
      %run_scoped3A = tpu.sem_alloc : memref<!tpu.dma_semaphore, #tpu.memory_space<semaphore_mem>>
      %dma_start3A = arith.constant 0 : i32
      %dma_start3A_304 = tpu.memref_slice %arg10[%add3A_237, %dma_start3A] : memref<10240x128xf32, #tpu.memory_space<vmem_shared>> -> memref<32x128xf32, #tpu.memory_space<vmem_shared>>
      %dma_start3A_305 = arith.constant 0 : i32
      %dma_start3A_306 = tpu.memref_slice %arg10[%add3A_237, %dma_start3A_305] : memref<10240x128xf32, #tpu.memory_space<vmem_shared>> -> memref<32x128xf32, #tpu.memory_space<vmem_shared>>
      tpu.enqueue_dma source(%dma_start3A_306 : memref<32x128xf32, #tpu.memory_space<vmem_shared>>) target(%arg17 : memref<32x128xf32, #tpu.memory_space<vmem>>) target_semaphore(%run_scoped3A : memref<!tpu.dma_semaphore, #tpu.memory_space<semaphore_mem>>)
      %dma_wait3A = arith.constant 0 : i32
      %dma_wait3A_307 = tpu.memref_slice %arg10[%add3A_237, %dma_wait3A] : memref<10240x128xf32, #tpu.memory_space<vmem_shared>> -> memref<32x128xf32, #tpu.memory_space<vmem_shared>>
      %dma_wait3A_308 = arith.constant 0 : i32
      %dma_wait3A_309 = tpu.memref_slice %arg10[%add3A_237, %dma_wait3A_308] : memref<10240x128xf32, #tpu.memory_space<vmem_shared>> -> memref<32x128xf32, #tpu.memory_space<vmem_shared>>
      tpu.wait_dma2 semaphore(%run_scoped3A : memref<!tpu.dma_semaphore, #tpu.memory_space<semaphore_mem>>) src(%dma_wait3A_309 : memref<32x128xf32, #tpu.memory_space<vmem_shared>>) dst(%arg17 : memref<32x128xf32, #tpu.memory_space<vmem>>)
      tpu.yield
    }) : () -> ()
    %add3A_238 = arith.constant 96 : i32
    %add3A_239 = arith.addi %add3A_79, %add3A_238 : i32
    "tpu.region"() ({
      %run_scoped3A = tpu.sem_alloc : memref<!tpu.dma_semaphore, #tpu.memory_space<semaphore_mem>>
      %dma_start3A = arith.constant 0 : i32
      %dma_start3A_304 = tpu.memref_slice %arg8[%add3A_239, %dma_start3A] : memref<20480x128xf32, #tpu.memory_space<hbm>> -> memref<32x128xf32, #tpu.memory_space<hbm>>
      %dma_start3A_305 = arith.constant 0 : i32
      %dma_start3A_306 = tpu.memref_slice %arg8[%add3A_239, %dma_start3A_305] : memref<20480x128xf32, #tpu.memory_space<hbm>> -> memref<32x128xf32, #tpu.memory_space<hbm>>
      tpu.enqueue_dma source(%arg17 : memref<32x128xf32, #tpu.memory_space<vmem>>) target(%dma_start3A_306 : memref<32x128xf32, #tpu.memory_space<hbm>>) target_semaphore(%run_scoped3A : memref<!tpu.dma_semaphore, #tpu.memory_space<semaphore_mem>>)
      %dma_wait3A = arith.constant 0 : i32
      %dma_wait3A_307 = tpu.memref_slice %arg8[%add3A_239, %dma_wait3A] : memref<20480x128xf32, #tpu.memory_space<hbm>> -> memref<32x128xf32, #tpu.memory_space<hbm>>
      %dma_wait3A_308 = arith.constant 0 : i32
      %dma_wait3A_309 = tpu.memref_slice %arg8[%add3A_239, %dma_wait3A_308] : memref<20480x128xf32, #tpu.memory_space<hbm>> -> memref<32x128xf32, #tpu.memory_space<hbm>>
      tpu.wait_dma2 semaphore(%run_scoped3A : memref<!tpu.dma_semaphore, #tpu.memory_space<semaphore_mem>>) src(%arg17 : memref<32x128xf32, #tpu.memory_space<vmem>>) dst(%dma_wait3A_309 : memref<32x128xf32, #tpu.memory_space<hbm>>)
      tpu.yield
    }) : () -> ()
    %add3A_240 = arith.constant 128 : i32
    %add3A_241 = arith.addi %mul3A_0, %add3A_240 : i32
    "tpu.region"() ({
      %run_scoped3A = tpu.sem_alloc : memref<!tpu.dma_semaphore, #tpu.memory_space<semaphore_mem>>
      %dma_start3A = arith.constant 0 : i32
      %dma_start3A_304 = tpu.memref_slice %arg10[%add3A_241, %dma_start3A] : memref<10240x128xf32, #tpu.memory_space<vmem_shared>> -> memref<32x128xf32, #tpu.memory_space<vmem_shared>>
      %dma_start3A_305 = arith.constant 0 : i32
      %dma_start3A_306 = tpu.memref_slice %arg10[%add3A_241, %dma_start3A_305] : memref<10240x128xf32, #tpu.memory_space<vmem_shared>> -> memref<32x128xf32, #tpu.memory_space<vmem_shared>>
      tpu.enqueue_dma source(%dma_start3A_306 : memref<32x128xf32, #tpu.memory_space<vmem_shared>>) target(%arg17 : memref<32x128xf32, #tpu.memory_space<vmem>>) target_semaphore(%run_scoped3A : memref<!tpu.dma_semaphore, #tpu.memory_space<semaphore_mem>>)
      %dma_wait3A = arith.constant 0 : i32
      %dma_wait3A_307 = tpu.memref_slice %arg10[%add3A_241, %dma_wait3A] : memref<10240x128xf32, #tpu.memory_space<vmem_shared>> -> memref<32x128xf32, #tpu.memory_space<vmem_shared>>
      %dma_wait3A_308 = arith.constant 0 : i32
      %dma_wait3A_309 = tpu.memref_slice %arg10[%add3A_241, %dma_wait3A_308] : memref<10240x128xf32, #tpu.memory_space<vmem_shared>> -> memref<32x128xf32, #tpu.memory_space<vmem_shared>>
      tpu.wait_dma2 semaphore(%run_scoped3A : memref<!tpu.dma_semaphore, #tpu.memory_space<semaphore_mem>>) src(%dma_wait3A_309 : memref<32x128xf32, #tpu.memory_space<vmem_shared>>) dst(%arg17 : memref<32x128xf32, #tpu.memory_space<vmem>>)
      tpu.yield
    }) : () -> ()
    %add3A_242 = arith.constant 128 : i32
    %add3A_243 = arith.addi %add3A_79, %add3A_242 : i32
    "tpu.region"() ({
      %run_scoped3A = tpu.sem_alloc : memref<!tpu.dma_semaphore, #tpu.memory_space<semaphore_mem>>
      %dma_start3A = arith.constant 0 : i32
      %dma_start3A_304 = tpu.memref_slice %arg8[%add3A_243, %dma_start3A] : memref<20480x128xf32, #tpu.memory_space<hbm>> -> memref<32x128xf32, #tpu.memory_space<hbm>>
      %dma_start3A_305 = arith.constant 0 : i32
      %dma_start3A_306 = tpu.memref_slice %arg8[%add3A_243, %dma_start3A_305] : memref<20480x128xf32, #tpu.memory_space<hbm>> -> memref<32x128xf32, #tpu.memory_space<hbm>>
      tpu.enqueue_dma source(%arg17 : memref<32x128xf32, #tpu.memory_space<vmem>>) target(%dma_start3A_306 : memref<32x128xf32, #tpu.memory_space<hbm>>) target_semaphore(%run_scoped3A : memref<!tpu.dma_semaphore, #tpu.memory_space<semaphore_mem>>)
      %dma_wait3A = arith.constant 0 : i32
      %dma_wait3A_307 = tpu.memref_slice %arg8[%add3A_243, %dma_wait3A] : memref<20480x128xf32, #tpu.memory_space<hbm>> -> memref<32x128xf32, #tpu.memory_space<hbm>>
      %dma_wait3A_308 = arith.constant 0 : i32
      %dma_wait3A_309 = tpu.memref_slice %arg8[%add3A_243, %dma_wait3A_308] : memref<20480x128xf32, #tpu.memory_space<hbm>> -> memref<32x128xf32, #tpu.memory_space<hbm>>
      tpu.wait_dma2 semaphore(%run_scoped3A : memref<!tpu.dma_semaphore, #tpu.memory_space<semaphore_mem>>) src(%arg17 : memref<32x128xf32, #tpu.memory_space<vmem>>) dst(%dma_wait3A_309 : memref<32x128xf32, #tpu.memory_space<hbm>>)
      tpu.yield
    }) : () -> ()
    %add3A_244 = arith.constant 160 : i32
    %add3A_245 = arith.addi %mul3A_0, %add3A_244 : i32
    "tpu.region"() ({
      %run_scoped3A = tpu.sem_alloc : memref<!tpu.dma_semaphore, #tpu.memory_space<semaphore_mem>>
      %dma_start3A = arith.constant 0 : i32
      %dma_start3A_304 = tpu.memref_slice %arg10[%add3A_245, %dma_start3A] : memref<10240x128xf32, #tpu.memory_space<vmem_shared>> -> memref<32x128xf32, #tpu.memory_space<vmem_shared>>
      %dma_start3A_305 = arith.constant 0 : i32
      %dma_start3A_306 = tpu.memref_slice %arg10[%add3A_245, %dma_start3A_305] : memref<10240x128xf32, #tpu.memory_space<vmem_shared>> -> memref<32x128xf32, #tpu.memory_space<vmem_shared>>
      tpu.enqueue_dma source(%dma_start3A_306 : memref<32x128xf32, #tpu.memory_space<vmem_shared>>) target(%arg17 : memref<32x128xf32, #tpu.memory_space<vmem>>) target_semaphore(%run_scoped3A : memref<!tpu.dma_semaphore, #tpu.memory_space<semaphore_mem>>)
      %dma_wait3A = arith.constant 0 : i32
      %dma_wait3A_307 = tpu.memref_slice %arg10[%add3A_245, %dma_wait3A] : memref<10240x128xf32, #tpu.memory_space<vmem_shared>> -> memref<32x128xf32, #tpu.memory_space<vmem_shared>>
      %dma_wait3A_308 = arith.constant 0 : i32
      %dma_wait3A_309 = tpu.memref_slice %arg10[%add3A_245, %dma_wait3A_308] : memref<10240x128xf32, #tpu.memory_space<vmem_shared>> -> memref<32x128xf32, #tpu.memory_space<vmem_shared>>
      tpu.wait_dma2 semaphore(%run_scoped3A : memref<!tpu.dma_semaphore, #tpu.memory_space<semaphore_mem>>) src(%dma_wait3A_309 : memref<32x128xf32, #tpu.memory_space<vmem_shared>>) dst(%arg17 : memref<32x128xf32, #tpu.memory_space<vmem>>)
      tpu.yield
    }) : () -> ()
    %add3A_246 = arith.constant 160 : i32
    %add3A_247 = arith.addi %add3A_79, %add3A_246 : i32
    "tpu.region"() ({
      %run_scoped3A = tpu.sem_alloc : memref<!tpu.dma_semaphore, #tpu.memory_space<semaphore_mem>>
      %dma_start3A = arith.constant 0 : i32
      %dma_start3A_304 = tpu.memref_slice %arg8[%add3A_247, %dma_start3A] : memref<20480x128xf32, #tpu.memory_space<hbm>> -> memref<32x128xf32, #tpu.memory_space<hbm>>
      %dma_start3A_305 = arith.constant 0 : i32
      %dma_start3A_306 = tpu.memref_slice %arg8[%add3A_247, %dma_start3A_305] : memref<20480x128xf32, #tpu.memory_space<hbm>> -> memref<32x128xf32, #tpu.memory_space<hbm>>
      tpu.enqueue_dma source(%arg17 : memref<32x128xf32, #tpu.memory_space<vmem>>) target(%dma_start3A_306 : memref<32x128xf32, #tpu.memory_space<hbm>>) target_semaphore(%run_scoped3A : memref<!tpu.dma_semaphore, #tpu.memory_space<semaphore_mem>>)
      %dma_wait3A = arith.constant 0 : i32
      %dma_wait3A_307 = tpu.memref_slice %arg8[%add3A_247, %dma_wait3A] : memref<20480x128xf32, #tpu.memory_space<hbm>> -> memref<32x128xf32, #tpu.memory_space<hbm>>
      %dma_wait3A_308 = arith.constant 0 : i32
      %dma_wait3A_309 = tpu.memref_slice %arg8[%add3A_247, %dma_wait3A_308] : memref<20480x128xf32, #tpu.memory_space<hbm>> -> memref<32x128xf32, #tpu.memory_space<hbm>>
      tpu.wait_dma2 semaphore(%run_scoped3A : memref<!tpu.dma_semaphore, #tpu.memory_space<semaphore_mem>>) src(%arg17 : memref<32x128xf32, #tpu.memory_space<vmem>>) dst(%dma_wait3A_309 : memref<32x128xf32, #tpu.memory_space<hbm>>)
      tpu.yield
    }) : () -> ()
    %add3A_248 = arith.constant 192 : i32
    %add3A_249 = arith.addi %mul3A_0, %add3A_248 : i32
    "tpu.region"() ({
      %run_scoped3A = tpu.sem_alloc : memref<!tpu.dma_semaphore, #tpu.memory_space<semaphore_mem>>
      %dma_start3A = arith.constant 0 : i32
      %dma_start3A_304 = tpu.memref_slice %arg10[%add3A_249, %dma_start3A] : memref<10240x128xf32, #tpu.memory_space<vmem_shared>> -> memref<32x128xf32, #tpu.memory_space<vmem_shared>>
      %dma_start3A_305 = arith.constant 0 : i32
      %dma_start3A_306 = tpu.memref_slice %arg10[%add3A_249, %dma_start3A_305] : memref<10240x128xf32, #tpu.memory_space<vmem_shared>> -> memref<32x128xf32, #tpu.memory_space<vmem_shared>>
      tpu.enqueue_dma source(%dma_start3A_306 : memref<32x128xf32, #tpu.memory_space<vmem_shared>>) target(%arg17 : memref<32x128xf32, #tpu.memory_space<vmem>>) target_semaphore(%run_scoped3A : memref<!tpu.dma_semaphore, #tpu.memory_space<semaphore_mem>>)
      %dma_wait3A = arith.constant 0 : i32
      %dma_wait3A_307 = tpu.memref_slice %arg10[%add3A_249, %dma_wait3A] : memref<10240x128xf32, #tpu.memory_space<vmem_shared>> -> memref<32x128xf32, #tpu.memory_space<vmem_shared>>
      %dma_wait3A_308 = arith.constant 0 : i32
      %dma_wait3A_309 = tpu.memref_slice %arg10[%add3A_249, %dma_wait3A_308] : memref<10240x128xf32, #tpu.memory_space<vmem_shared>> -> memref<32x128xf32, #tpu.memory_space<vmem_shared>>
      tpu.wait_dma2 semaphore(%run_scoped3A : memref<!tpu.dma_semaphore, #tpu.memory_space<semaphore_mem>>) src(%dma_wait3A_309 : memref<32x128xf32, #tpu.memory_space<vmem_shared>>) dst(%arg17 : memref<32x128xf32, #tpu.memory_space<vmem>>)
      tpu.yield
    }) : () -> ()
    %add3A_250 = arith.constant 192 : i32
    %add3A_251 = arith.addi %add3A_79, %add3A_250 : i32
    "tpu.region"() ({
      %run_scoped3A = tpu.sem_alloc : memref<!tpu.dma_semaphore, #tpu.memory_space<semaphore_mem>>
      %dma_start3A = arith.constant 0 : i32
      %dma_start3A_304 = tpu.memref_slice %arg8[%add3A_251, %dma_start3A] : memref<20480x128xf32, #tpu.memory_space<hbm>> -> memref<32x128xf32, #tpu.memory_space<hbm>>
      %dma_start3A_305 = arith.constant 0 : i32
      %dma_start3A_306 = tpu.memref_slice %arg8[%add3A_251, %dma_start3A_305] : memref<20480x128xf32, #tpu.memory_space<hbm>> -> memref<32x128xf32, #tpu.memory_space<hbm>>
      tpu.enqueue_dma source(%arg17 : memref<32x128xf32, #tpu.memory_space<vmem>>) target(%dma_start3A_306 : memref<32x128xf32, #tpu.memory_space<hbm>>) target_semaphore(%run_scoped3A : memref<!tpu.dma_semaphore, #tpu.memory_space<semaphore_mem>>)
      %dma_wait3A = arith.constant 0 : i32
      %dma_wait3A_307 = tpu.memref_slice %arg8[%add3A_251, %dma_wait3A] : memref<20480x128xf32, #tpu.memory_space<hbm>> -> memref<32x128xf32, #tpu.memory_space<hbm>>
      %dma_wait3A_308 = arith.constant 0 : i32
      %dma_wait3A_309 = tpu.memref_slice %arg8[%add3A_251, %dma_wait3A_308] : memref<20480x128xf32, #tpu.memory_space<hbm>> -> memref<32x128xf32, #tpu.memory_space<hbm>>
      tpu.wait_dma2 semaphore(%run_scoped3A : memref<!tpu.dma_semaphore, #tpu.memory_space<semaphore_mem>>) src(%arg17 : memref<32x128xf32, #tpu.memory_space<vmem>>) dst(%dma_wait3A_309 : memref<32x128xf32, #tpu.memory_space<hbm>>)
      tpu.yield
    }) : () -> ()
    %add3A_252 = arith.constant 224 : i32
    %add3A_253 = arith.addi %mul3A_0, %add3A_252 : i32
    "tpu.region"() ({
      %run_scoped3A = tpu.sem_alloc : memref<!tpu.dma_semaphore, #tpu.memory_space<semaphore_mem>>
      %dma_start3A = arith.constant 0 : i32
      %dma_start3A_304 = tpu.memref_slice %arg10[%add3A_253, %dma_start3A] : memref<10240x128xf32, #tpu.memory_space<vmem_shared>> -> memref<32x128xf32, #tpu.memory_space<vmem_shared>>
      %dma_start3A_305 = arith.constant 0 : i32
      %dma_start3A_306 = tpu.memref_slice %arg10[%add3A_253, %dma_start3A_305] : memref<10240x128xf32, #tpu.memory_space<vmem_shared>> -> memref<32x128xf32, #tpu.memory_space<vmem_shared>>
      tpu.enqueue_dma source(%dma_start3A_306 : memref<32x128xf32, #tpu.memory_space<vmem_shared>>) target(%arg17 : memref<32x128xf32, #tpu.memory_space<vmem>>) target_semaphore(%run_scoped3A : memref<!tpu.dma_semaphore, #tpu.memory_space<semaphore_mem>>)
      %dma_wait3A = arith.constant 0 : i32
      %dma_wait3A_307 = tpu.memref_slice %arg10[%add3A_253, %dma_wait3A] : memref<10240x128xf32, #tpu.memory_space<vmem_shared>> -> memref<32x128xf32, #tpu.memory_space<vmem_shared>>
      %dma_wait3A_308 = arith.constant 0 : i32
      %dma_wait3A_309 = tpu.memref_slice %arg10[%add3A_253, %dma_wait3A_308] : memref<10240x128xf32, #tpu.memory_space<vmem_shared>> -> memref<32x128xf32, #tpu.memory_space<vmem_shared>>
      tpu.wait_dma2 semaphore(%run_scoped3A : memref<!tpu.dma_semaphore, #tpu.memory_space<semaphore_mem>>) src(%dma_wait3A_309 : memref<32x128xf32, #tpu.memory_space<vmem_shared>>) dst(%arg17 : memref<32x128xf32, #tpu.memory_space<vmem>>)
      tpu.yield
    }) : () -> ()
    %add3A_254 = arith.constant 224 : i32
    %add3A_255 = arith.addi %add3A_79, %add3A_254 : i32
    "tpu.region"() ({
      %run_scoped3A = tpu.sem_alloc : memref<!tpu.dma_semaphore, #tpu.memory_space<semaphore_mem>>
      %dma_start3A = arith.constant 0 : i32
      %dma_start3A_304 = tpu.memref_slice %arg8[%add3A_255, %dma_start3A] : memref<20480x128xf32, #tpu.memory_space<hbm>> -> memref<32x128xf32, #tpu.memory_space<hbm>>
      %dma_start3A_305 = arith.constant 0 : i32
      %dma_start3A_306 = tpu.memref_slice %arg8[%add3A_255, %dma_start3A_305] : memref<20480x128xf32, #tpu.memory_space<hbm>> -> memref<32x128xf32, #tpu.memory_space<hbm>>
      tpu.enqueue_dma source(%arg17 : memref<32x128xf32, #tpu.memory_space<vmem>>) target(%dma_start3A_306 : memref<32x128xf32, #tpu.memory_space<hbm>>) target_semaphore(%run_scoped3A : memref<!tpu.dma_semaphore, #tpu.memory_space<semaphore_mem>>)
      %dma_wait3A = arith.constant 0 : i32
      %dma_wait3A_307 = tpu.memref_slice %arg8[%add3A_255, %dma_wait3A] : memref<20480x128xf32, #tpu.memory_space<hbm>> -> memref<32x128xf32, #tpu.memory_space<hbm>>
      %dma_wait3A_308 = arith.constant 0 : i32
      %dma_wait3A_309 = tpu.memref_slice %arg8[%add3A_255, %dma_wait3A_308] : memref<20480x128xf32, #tpu.memory_space<hbm>> -> memref<32x128xf32, #tpu.memory_space<hbm>>
      tpu.wait_dma2 semaphore(%run_scoped3A : memref<!tpu.dma_semaphore, #tpu.memory_space<semaphore_mem>>) src(%arg17 : memref<32x128xf32, #tpu.memory_space<vmem>>) dst(%dma_wait3A_309 : memref<32x128xf32, #tpu.memory_space<hbm>>)
      tpu.yield
    }) : () -> ()
    %add3A_256 = arith.constant 256 : i32
    %add3A_257 = arith.addi %mul3A_0, %add3A_256 : i32
    "tpu.region"() ({
      %run_scoped3A = tpu.sem_alloc : memref<!tpu.dma_semaphore, #tpu.memory_space<semaphore_mem>>
      %dma_start3A = arith.constant 0 : i32
      %dma_start3A_304 = tpu.memref_slice %arg10[%add3A_257, %dma_start3A] : memref<10240x128xf32, #tpu.memory_space<vmem_shared>> -> memref<32x128xf32, #tpu.memory_space<vmem_shared>>
      %dma_start3A_305 = arith.constant 0 : i32
      %dma_start3A_306 = tpu.memref_slice %arg10[%add3A_257, %dma_start3A_305] : memref<10240x128xf32, #tpu.memory_space<vmem_shared>> -> memref<32x128xf32, #tpu.memory_space<vmem_shared>>
      tpu.enqueue_dma source(%dma_start3A_306 : memref<32x128xf32, #tpu.memory_space<vmem_shared>>) target(%arg17 : memref<32x128xf32, #tpu.memory_space<vmem>>) target_semaphore(%run_scoped3A : memref<!tpu.dma_semaphore, #tpu.memory_space<semaphore_mem>>)
      %dma_wait3A = arith.constant 0 : i32
      %dma_wait3A_307 = tpu.memref_slice %arg10[%add3A_257, %dma_wait3A] : memref<10240x128xf32, #tpu.memory_space<vmem_shared>> -> memref<32x128xf32, #tpu.memory_space<vmem_shared>>
      %dma_wait3A_308 = arith.constant 0 : i32
      %dma_wait3A_309 = tpu.memref_slice %arg10[%add3A_257, %dma_wait3A_308] : memref<10240x128xf32, #tpu.memory_space<vmem_shared>> -> memref<32x128xf32, #tpu.memory_space<vmem_shared>>
      tpu.wait_dma2 semaphore(%run_scoped3A : memref<!tpu.dma_semaphore, #tpu.memory_space<semaphore_mem>>) src(%dma_wait3A_309 : memref<32x128xf32, #tpu.memory_space<vmem_shared>>) dst(%arg17 : memref<32x128xf32, #tpu.memory_space<vmem>>)
      tpu.yield
    }) : () -> ()
    %add3A_258 = arith.constant 256 : i32
    %add3A_259 = arith.addi %add3A_79, %add3A_258 : i32
    "tpu.region"() ({
      %run_scoped3A = tpu.sem_alloc : memref<!tpu.dma_semaphore, #tpu.memory_space<semaphore_mem>>
      %dma_start3A = arith.constant 0 : i32
      %dma_start3A_304 = tpu.memref_slice %arg8[%add3A_259, %dma_start3A] : memref<20480x128xf32, #tpu.memory_space<hbm>> -> memref<32x128xf32, #tpu.memory_space<hbm>>
      %dma_start3A_305 = arith.constant 0 : i32
      %dma_start3A_306 = tpu.memref_slice %arg8[%add3A_259, %dma_start3A_305] : memref<20480x128xf32, #tpu.memory_space<hbm>> -> memref<32x128xf32, #tpu.memory_space<hbm>>
      tpu.enqueue_dma source(%arg17 : memref<32x128xf32, #tpu.memory_space<vmem>>) target(%dma_start3A_306 : memref<32x128xf32, #tpu.memory_space<hbm>>) target_semaphore(%run_scoped3A : memref<!tpu.dma_semaphore, #tpu.memory_space<semaphore_mem>>)
      %dma_wait3A = arith.constant 0 : i32
      %dma_wait3A_307 = tpu.memref_slice %arg8[%add3A_259, %dma_wait3A] : memref<20480x128xf32, #tpu.memory_space<hbm>> -> memref<32x128xf32, #tpu.memory_space<hbm>>
      %dma_wait3A_308 = arith.constant 0 : i32
      %dma_wait3A_309 = tpu.memref_slice %arg8[%add3A_259, %dma_wait3A_308] : memref<20480x128xf32, #tpu.memory_space<hbm>> -> memref<32x128xf32, #tpu.memory_space<hbm>>
      tpu.wait_dma2 semaphore(%run_scoped3A : memref<!tpu.dma_semaphore, #tpu.memory_space<semaphore_mem>>) src(%arg17 : memref<32x128xf32, #tpu.memory_space<vmem>>) dst(%dma_wait3A_309 : memref<32x128xf32, #tpu.memory_space<hbm>>)
      tpu.yield
    }) : () -> ()
    %add3A_260 = arith.constant 288 : i32
    %add3A_261 = arith.addi %mul3A_0, %add3A_260 : i32
    "tpu.region"() ({
      %run_scoped3A = tpu.sem_alloc : memref<!tpu.dma_semaphore, #tpu.memory_space<semaphore_mem>>
      %dma_start3A = arith.constant 0 : i32
      %dma_start3A_304 = tpu.memref_slice %arg10[%add3A_261, %dma_start3A] : memref<10240x128xf32, #tpu.memory_space<vmem_shared>> -> memref<32x128xf32, #tpu.memory_space<vmem_shared>>
      %dma_start3A_305 = arith.constant 0 : i32
      %dma_start3A_306 = tpu.memref_slice %arg10[%add3A_261, %dma_start3A_305] : memref<10240x128xf32, #tpu.memory_space<vmem_shared>> -> memref<32x128xf32, #tpu.memory_space<vmem_shared>>
      tpu.enqueue_dma source(%dma_start3A_306 : memref<32x128xf32, #tpu.memory_space<vmem_shared>>) target(%arg17 : memref<32x128xf32, #tpu.memory_space<vmem>>) target_semaphore(%run_scoped3A : memref<!tpu.dma_semaphore, #tpu.memory_space<semaphore_mem>>)
      %dma_wait3A = arith.constant 0 : i32
      %dma_wait3A_307 = tpu.memref_slice %arg10[%add3A_261, %dma_wait3A] : memref<10240x128xf32, #tpu.memory_space<vmem_shared>> -> memref<32x128xf32, #tpu.memory_space<vmem_shared>>
      %dma_wait3A_308 = arith.constant 0 : i32
      %dma_wait3A_309 = tpu.memref_slice %arg10[%add3A_261, %dma_wait3A_308] : memref<10240x128xf32, #tpu.memory_space<vmem_shared>> -> memref<32x128xf32, #tpu.memory_space<vmem_shared>>
      tpu.wait_dma2 semaphore(%run_scoped3A : memref<!tpu.dma_semaphore, #tpu.memory_space<semaphore_mem>>) src(%dma_wait3A_309 : memref<32x128xf32, #tpu.memory_space<vmem_shared>>) dst(%arg17 : memref<32x128xf32, #tpu.memory_space<vmem>>)
      tpu.yield
    }) : () -> ()
    %add3A_262 = arith.constant 288 : i32
    %add3A_263 = arith.addi %add3A_79, %add3A_262 : i32
    "tpu.region"() ({
      %run_scoped3A = tpu.sem_alloc : memref<!tpu.dma_semaphore, #tpu.memory_space<semaphore_mem>>
      %dma_start3A = arith.constant 0 : i32
      %dma_start3A_304 = tpu.memref_slice %arg8[%add3A_263, %dma_start3A] : memref<20480x128xf32, #tpu.memory_space<hbm>> -> memref<32x128xf32, #tpu.memory_space<hbm>>
      %dma_start3A_305 = arith.constant 0 : i32
      %dma_start3A_306 = tpu.memref_slice %arg8[%add3A_263, %dma_start3A_305] : memref<20480x128xf32, #tpu.memory_space<hbm>> -> memref<32x128xf32, #tpu.memory_space<hbm>>
      tpu.enqueue_dma source(%arg17 : memref<32x128xf32, #tpu.memory_space<vmem>>) target(%dma_start3A_306 : memref<32x128xf32, #tpu.memory_space<hbm>>) target_semaphore(%run_scoped3A : memref<!tpu.dma_semaphore, #tpu.memory_space<semaphore_mem>>)
      %dma_wait3A = arith.constant 0 : i32
      %dma_wait3A_307 = tpu.memref_slice %arg8[%add3A_263, %dma_wait3A] : memref<20480x128xf32, #tpu.memory_space<hbm>> -> memref<32x128xf32, #tpu.memory_space<hbm>>
      %dma_wait3A_308 = arith.constant 0 : i32
      %dma_wait3A_309 = tpu.memref_slice %arg8[%add3A_263, %dma_wait3A_308] : memref<20480x128xf32, #tpu.memory_space<hbm>> -> memref<32x128xf32, #tpu.memory_space<hbm>>
      tpu.wait_dma2 semaphore(%run_scoped3A : memref<!tpu.dma_semaphore, #tpu.memory_space<semaphore_mem>>) src(%arg17 : memref<32x128xf32, #tpu.memory_space<vmem>>) dst(%dma_wait3A_309 : memref<32x128xf32, #tpu.memory_space<hbm>>)
      tpu.yield
    }) : () -> ()
    %add3A_264 = arith.constant 320 : i32
    %add3A_265 = arith.addi %mul3A_0, %add3A_264 : i32
    "tpu.region"() ({
      %run_scoped3A = tpu.sem_alloc : memref<!tpu.dma_semaphore, #tpu.memory_space<semaphore_mem>>
      %dma_start3A = arith.constant 0 : i32
      %dma_start3A_304 = tpu.memref_slice %arg10[%add3A_265, %dma_start3A] : memref<10240x128xf32, #tpu.memory_space<vmem_shared>> -> memref<32x128xf32, #tpu.memory_space<vmem_shared>>
      %dma_start3A_305 = arith.constant 0 : i32
      %dma_start3A_306 = tpu.memref_slice %arg10[%add3A_265, %dma_start3A_305] : memref<10240x128xf32, #tpu.memory_space<vmem_shared>> -> memref<32x128xf32, #tpu.memory_space<vmem_shared>>
      tpu.enqueue_dma source(%dma_start3A_306 : memref<32x128xf32, #tpu.memory_space<vmem_shared>>) target(%arg17 : memref<32x128xf32, #tpu.memory_space<vmem>>) target_semaphore(%run_scoped3A : memref<!tpu.dma_semaphore, #tpu.memory_space<semaphore_mem>>)
      %dma_wait3A = arith.constant 0 : i32
      %dma_wait3A_307 = tpu.memref_slice %arg10[%add3A_265, %dma_wait3A] : memref<10240x128xf32, #tpu.memory_space<vmem_shared>> -> memref<32x128xf32, #tpu.memory_space<vmem_shared>>
      %dma_wait3A_308 = arith.constant 0 : i32
      %dma_wait3A_309 = tpu.memref_slice %arg10[%add3A_265, %dma_wait3A_308] : memref<10240x128xf32, #tpu.memory_space<vmem_shared>> -> memref<32x128xf32, #tpu.memory_space<vmem_shared>>
      tpu.wait_dma2 semaphore(%run_scoped3A : memref<!tpu.dma_semaphore, #tpu.memory_space<semaphore_mem>>) src(%dma_wait3A_309 : memref<32x128xf32, #tpu.memory_space<vmem_shared>>) dst(%arg17 : memref<32x128xf32, #tpu.memory_space<vmem>>)
      tpu.yield
    }) : () -> ()
    %add3A_266 = arith.constant 320 : i32
    %add3A_267 = arith.addi %add3A_79, %add3A_266 : i32
    "tpu.region"() ({
      %run_scoped3A = tpu.sem_alloc : memref<!tpu.dma_semaphore, #tpu.memory_space<semaphore_mem>>
      %dma_start3A = arith.constant 0 : i32
      %dma_start3A_304 = tpu.memref_slice %arg8[%add3A_267, %dma_start3A] : memref<20480x128xf32, #tpu.memory_space<hbm>> -> memref<32x128xf32, #tpu.memory_space<hbm>>
      %dma_start3A_305 = arith.constant 0 : i32
      %dma_start3A_306 = tpu.memref_slice %arg8[%add3A_267, %dma_start3A_305] : memref<20480x128xf32, #tpu.memory_space<hbm>> -> memref<32x128xf32, #tpu.memory_space<hbm>>
      tpu.enqueue_dma source(%arg17 : memref<32x128xf32, #tpu.memory_space<vmem>>) target(%dma_start3A_306 : memref<32x128xf32, #tpu.memory_space<hbm>>) target_semaphore(%run_scoped3A : memref<!tpu.dma_semaphore, #tpu.memory_space<semaphore_mem>>)
      %dma_wait3A = arith.constant 0 : i32
      %dma_wait3A_307 = tpu.memref_slice %arg8[%add3A_267, %dma_wait3A] : memref<20480x128xf32, #tpu.memory_space<hbm>> -> memref<32x128xf32, #tpu.memory_space<hbm>>
      %dma_wait3A_308 = arith.constant 0 : i32
      %dma_wait3A_309 = tpu.memref_slice %arg8[%add3A_267, %dma_wait3A_308] : memref<20480x128xf32, #tpu.memory_space<hbm>> -> memref<32x128xf32, #tpu.memory_space<hbm>>
      tpu.wait_dma2 semaphore(%run_scoped3A : memref<!tpu.dma_semaphore, #tpu.memory_space<semaphore_mem>>) src(%arg17 : memref<32x128xf32, #tpu.memory_space<vmem>>) dst(%dma_wait3A_309 : memref<32x128xf32, #tpu.memory_space<hbm>>)
      tpu.yield
    }) : () -> ()
    %add3A_268 = arith.constant 352 : i32
    %add3A_269 = arith.addi %mul3A_0, %add3A_268 : i32
    "tpu.region"() ({
      %run_scoped3A = tpu.sem_alloc : memref<!tpu.dma_semaphore, #tpu.memory_space<semaphore_mem>>
      %dma_start3A = arith.constant 0 : i32
      %dma_start3A_304 = tpu.memref_slice %arg10[%add3A_269, %dma_start3A] : memref<10240x128xf32, #tpu.memory_space<vmem_shared>> -> memref<32x128xf32, #tpu.memory_space<vmem_shared>>
      %dma_start3A_305 = arith.constant 0 : i32
      %dma_start3A_306 = tpu.memref_slice %arg10[%add3A_269, %dma_start3A_305] : memref<10240x128xf32, #tpu.memory_space<vmem_shared>> -> memref<32x128xf32, #tpu.memory_space<vmem_shared>>
      tpu.enqueue_dma source(%dma_start3A_306 : memref<32x128xf32, #tpu.memory_space<vmem_shared>>) target(%arg17 : memref<32x128xf32, #tpu.memory_space<vmem>>) target_semaphore(%run_scoped3A : memref<!tpu.dma_semaphore, #tpu.memory_space<semaphore_mem>>)
      %dma_wait3A = arith.constant 0 : i32
      %dma_wait3A_307 = tpu.memref_slice %arg10[%add3A_269, %dma_wait3A] : memref<10240x128xf32, #tpu.memory_space<vmem_shared>> -> memref<32x128xf32, #tpu.memory_space<vmem_shared>>
      %dma_wait3A_308 = arith.constant 0 : i32
      %dma_wait3A_309 = tpu.memref_slice %arg10[%add3A_269, %dma_wait3A_308] : memref<10240x128xf32, #tpu.memory_space<vmem_shared>> -> memref<32x128xf32, #tpu.memory_space<vmem_shared>>
      tpu.wait_dma2 semaphore(%run_scoped3A : memref<!tpu.dma_semaphore, #tpu.memory_space<semaphore_mem>>) src(%dma_wait3A_309 : memref<32x128xf32, #tpu.memory_space<vmem_shared>>) dst(%arg17 : memref<32x128xf32, #tpu.memory_space<vmem>>)
      tpu.yield
    }) : () -> ()
    %add3A_270 = arith.constant 352 : i32
    %add3A_271 = arith.addi %add3A_79, %add3A_270 : i32
    "tpu.region"() ({
      %run_scoped3A = tpu.sem_alloc : memref<!tpu.dma_semaphore, #tpu.memory_space<semaphore_mem>>
      %dma_start3A = arith.constant 0 : i32
      %dma_start3A_304 = tpu.memref_slice %arg8[%add3A_271, %dma_start3A] : memref<20480x128xf32, #tpu.memory_space<hbm>> -> memref<32x128xf32, #tpu.memory_space<hbm>>
      %dma_start3A_305 = arith.constant 0 : i32
      %dma_start3A_306 = tpu.memref_slice %arg8[%add3A_271, %dma_start3A_305] : memref<20480x128xf32, #tpu.memory_space<hbm>> -> memref<32x128xf32, #tpu.memory_space<hbm>>
      tpu.enqueue_dma source(%arg17 : memref<32x128xf32, #tpu.memory_space<vmem>>) target(%dma_start3A_306 : memref<32x128xf32, #tpu.memory_space<hbm>>) target_semaphore(%run_scoped3A : memref<!tpu.dma_semaphore, #tpu.memory_space<semaphore_mem>>)
      %dma_wait3A = arith.constant 0 : i32
      %dma_wait3A_307 = tpu.memref_slice %arg8[%add3A_271, %dma_wait3A] : memref<20480x128xf32, #tpu.memory_space<hbm>> -> memref<32x128xf32, #tpu.memory_space<hbm>>
      %dma_wait3A_308 = arith.constant 0 : i32
      %dma_wait3A_309 = tpu.memref_slice %arg8[%add3A_271, %dma_wait3A_308] : memref<20480x128xf32, #tpu.memory_space<hbm>> -> memref<32x128xf32, #tpu.memory_space<hbm>>
      tpu.wait_dma2 semaphore(%run_scoped3A : memref<!tpu.dma_semaphore, #tpu.memory_space<semaphore_mem>>) src(%arg17 : memref<32x128xf32, #tpu.memory_space<vmem>>) dst(%dma_wait3A_309 : memref<32x128xf32, #tpu.memory_space<hbm>>)
      tpu.yield
    }) : () -> ()
    %add3A_272 = arith.constant 384 : i32
    %add3A_273 = arith.addi %mul3A_0, %add3A_272 : i32
    "tpu.region"() ({
      %run_scoped3A = tpu.sem_alloc : memref<!tpu.dma_semaphore, #tpu.memory_space<semaphore_mem>>
      %dma_start3A = arith.constant 0 : i32
      %dma_start3A_304 = tpu.memref_slice %arg10[%add3A_273, %dma_start3A] : memref<10240x128xf32, #tpu.memory_space<vmem_shared>> -> memref<32x128xf32, #tpu.memory_space<vmem_shared>>
      %dma_start3A_305 = arith.constant 0 : i32
      %dma_start3A_306 = tpu.memref_slice %arg10[%add3A_273, %dma_start3A_305] : memref<10240x128xf32, #tpu.memory_space<vmem_shared>> -> memref<32x128xf32, #tpu.memory_space<vmem_shared>>
      tpu.enqueue_dma source(%dma_start3A_306 : memref<32x128xf32, #tpu.memory_space<vmem_shared>>) target(%arg17 : memref<32x128xf32, #tpu.memory_space<vmem>>) target_semaphore(%run_scoped3A : memref<!tpu.dma_semaphore, #tpu.memory_space<semaphore_mem>>)
      %dma_wait3A = arith.constant 0 : i32
      %dma_wait3A_307 = tpu.memref_slice %arg10[%add3A_273, %dma_wait3A] : memref<10240x128xf32, #tpu.memory_space<vmem_shared>> -> memref<32x128xf32, #tpu.memory_space<vmem_shared>>
      %dma_wait3A_308 = arith.constant 0 : i32
      %dma_wait3A_309 = tpu.memref_slice %arg10[%add3A_273, %dma_wait3A_308] : memref<10240x128xf32, #tpu.memory_space<vmem_shared>> -> memref<32x128xf32, #tpu.memory_space<vmem_shared>>
      tpu.wait_dma2 semaphore(%run_scoped3A : memref<!tpu.dma_semaphore, #tpu.memory_space<semaphore_mem>>) src(%dma_wait3A_309 : memref<32x128xf32, #tpu.memory_space<vmem_shared>>) dst(%arg17 : memref<32x128xf32, #tpu.memory_space<vmem>>)
      tpu.yield
    }) : () -> ()
    %add3A_274 = arith.constant 384 : i32
    %add3A_275 = arith.addi %add3A_79, %add3A_274 : i32
    "tpu.region"() ({
      %run_scoped3A = tpu.sem_alloc : memref<!tpu.dma_semaphore, #tpu.memory_space<semaphore_mem>>
      %dma_start3A = arith.constant 0 : i32
      %dma_start3A_304 = tpu.memref_slice %arg8[%add3A_275, %dma_start3A] : memref<20480x128xf32, #tpu.memory_space<hbm>> -> memref<32x128xf32, #tpu.memory_space<hbm>>
      %dma_start3A_305 = arith.constant 0 : i32
      %dma_start3A_306 = tpu.memref_slice %arg8[%add3A_275, %dma_start3A_305] : memref<20480x128xf32, #tpu.memory_space<hbm>> -> memref<32x128xf32, #tpu.memory_space<hbm>>
      tpu.enqueue_dma source(%arg17 : memref<32x128xf32, #tpu.memory_space<vmem>>) target(%dma_start3A_306 : memref<32x128xf32, #tpu.memory_space<hbm>>) target_semaphore(%run_scoped3A : memref<!tpu.dma_semaphore, #tpu.memory_space<semaphore_mem>>)
      %dma_wait3A = arith.constant 0 : i32
      %dma_wait3A_307 = tpu.memref_slice %arg8[%add3A_275, %dma_wait3A] : memref<20480x128xf32, #tpu.memory_space<hbm>> -> memref<32x128xf32, #tpu.memory_space<hbm>>
      %dma_wait3A_308 = arith.constant 0 : i32
      %dma_wait3A_309 = tpu.memref_slice %arg8[%add3A_275, %dma_wait3A_308] : memref<20480x128xf32, #tpu.memory_space<hbm>> -> memref<32x128xf32, #tpu.memory_space<hbm>>
      tpu.wait_dma2 semaphore(%run_scoped3A : memref<!tpu.dma_semaphore, #tpu.memory_space<semaphore_mem>>) src(%arg17 : memref<32x128xf32, #tpu.memory_space<vmem>>) dst(%dma_wait3A_309 : memref<32x128xf32, #tpu.memory_space<hbm>>)
      tpu.yield
    }) : () -> ()
    %add3A_276 = arith.constant 416 : i32
    %add3A_277 = arith.addi %mul3A_0, %add3A_276 : i32
    "tpu.region"() ({
      %run_scoped3A = tpu.sem_alloc : memref<!tpu.dma_semaphore, #tpu.memory_space<semaphore_mem>>
      %dma_start3A = arith.constant 0 : i32
      %dma_start3A_304 = tpu.memref_slice %arg10[%add3A_277, %dma_start3A] : memref<10240x128xf32, #tpu.memory_space<vmem_shared>> -> memref<32x128xf32, #tpu.memory_space<vmem_shared>>
      %dma_start3A_305 = arith.constant 0 : i32
      %dma_start3A_306 = tpu.memref_slice %arg10[%add3A_277, %dma_start3A_305] : memref<10240x128xf32, #tpu.memory_space<vmem_shared>> -> memref<32x128xf32, #tpu.memory_space<vmem_shared>>
      tpu.enqueue_dma source(%dma_start3A_306 : memref<32x128xf32, #tpu.memory_space<vmem_shared>>) target(%arg17 : memref<32x128xf32, #tpu.memory_space<vmem>>) target_semaphore(%run_scoped3A : memref<!tpu.dma_semaphore, #tpu.memory_space<semaphore_mem>>)
      %dma_wait3A = arith.constant 0 : i32
      %dma_wait3A_307 = tpu.memref_slice %arg10[%add3A_277, %dma_wait3A] : memref<10240x128xf32, #tpu.memory_space<vmem_shared>> -> memref<32x128xf32, #tpu.memory_space<vmem_shared>>
      %dma_wait3A_308 = arith.constant 0 : i32
      %dma_wait3A_309 = tpu.memref_slice %arg10[%add3A_277, %dma_wait3A_308] : memref<10240x128xf32, #tpu.memory_space<vmem_shared>> -> memref<32x128xf32, #tpu.memory_space<vmem_shared>>
      tpu.wait_dma2 semaphore(%run_scoped3A : memref<!tpu.dma_semaphore, #tpu.memory_space<semaphore_mem>>) src(%dma_wait3A_309 : memref<32x128xf32, #tpu.memory_space<vmem_shared>>) dst(%arg17 : memref<32x128xf32, #tpu.memory_space<vmem>>)
      tpu.yield
    }) : () -> ()
    %add3A_278 = arith.constant 416 : i32
    %add3A_279 = arith.addi %add3A_79, %add3A_278 : i32
    "tpu.region"() ({
      %run_scoped3A = tpu.sem_alloc : memref<!tpu.dma_semaphore, #tpu.memory_space<semaphore_mem>>
      %dma_start3A = arith.constant 0 : i32
      %dma_start3A_304 = tpu.memref_slice %arg8[%add3A_279, %dma_start3A] : memref<20480x128xf32, #tpu.memory_space<hbm>> -> memref<32x128xf32, #tpu.memory_space<hbm>>
      %dma_start3A_305 = arith.constant 0 : i32
      %dma_start3A_306 = tpu.memref_slice %arg8[%add3A_279, %dma_start3A_305] : memref<20480x128xf32, #tpu.memory_space<hbm>> -> memref<32x128xf32, #tpu.memory_space<hbm>>
      tpu.enqueue_dma source(%arg17 : memref<32x128xf32, #tpu.memory_space<vmem>>) target(%dma_start3A_306 : memref<32x128xf32, #tpu.memory_space<hbm>>) target_semaphore(%run_scoped3A : memref<!tpu.dma_semaphore, #tpu.memory_space<semaphore_mem>>)
      %dma_wait3A = arith.constant 0 : i32
      %dma_wait3A_307 = tpu.memref_slice %arg8[%add3A_279, %dma_wait3A] : memref<20480x128xf32, #tpu.memory_space<hbm>> -> memref<32x128xf32, #tpu.memory_space<hbm>>
      %dma_wait3A_308 = arith.constant 0 : i32
      %dma_wait3A_309 = tpu.memref_slice %arg8[%add3A_279, %dma_wait3A_308] : memref<20480x128xf32, #tpu.memory_space<hbm>> -> memref<32x128xf32, #tpu.memory_space<hbm>>
      tpu.wait_dma2 semaphore(%run_scoped3A : memref<!tpu.dma_semaphore, #tpu.memory_space<semaphore_mem>>) src(%arg17 : memref<32x128xf32, #tpu.memory_space<vmem>>) dst(%dma_wait3A_309 : memref<32x128xf32, #tpu.memory_space<hbm>>)
      tpu.yield
    }) : () -> ()
    %add3A_280 = arith.constant 448 : i32
    %add3A_281 = arith.addi %mul3A_0, %add3A_280 : i32
    "tpu.region"() ({
      %run_scoped3A = tpu.sem_alloc : memref<!tpu.dma_semaphore, #tpu.memory_space<semaphore_mem>>
      %dma_start3A = arith.constant 0 : i32
      %dma_start3A_304 = tpu.memref_slice %arg10[%add3A_281, %dma_start3A] : memref<10240x128xf32, #tpu.memory_space<vmem_shared>> -> memref<32x128xf32, #tpu.memory_space<vmem_shared>>
      %dma_start3A_305 = arith.constant 0 : i32
      %dma_start3A_306 = tpu.memref_slice %arg10[%add3A_281, %dma_start3A_305] : memref<10240x128xf32, #tpu.memory_space<vmem_shared>> -> memref<32x128xf32, #tpu.memory_space<vmem_shared>>
      tpu.enqueue_dma source(%dma_start3A_306 : memref<32x128xf32, #tpu.memory_space<vmem_shared>>) target(%arg17 : memref<32x128xf32, #tpu.memory_space<vmem>>) target_semaphore(%run_scoped3A : memref<!tpu.dma_semaphore, #tpu.memory_space<semaphore_mem>>)
      %dma_wait3A = arith.constant 0 : i32
      %dma_wait3A_307 = tpu.memref_slice %arg10[%add3A_281, %dma_wait3A] : memref<10240x128xf32, #tpu.memory_space<vmem_shared>> -> memref<32x128xf32, #tpu.memory_space<vmem_shared>>
      %dma_wait3A_308 = arith.constant 0 : i32
      %dma_wait3A_309 = tpu.memref_slice %arg10[%add3A_281, %dma_wait3A_308] : memref<10240x128xf32, #tpu.memory_space<vmem_shared>> -> memref<32x128xf32, #tpu.memory_space<vmem_shared>>
      tpu.wait_dma2 semaphore(%run_scoped3A : memref<!tpu.dma_semaphore, #tpu.memory_space<semaphore_mem>>) src(%dma_wait3A_309 : memref<32x128xf32, #tpu.memory_space<vmem_shared>>) dst(%arg17 : memref<32x128xf32, #tpu.memory_space<vmem>>)
      tpu.yield
    }) : () -> ()
    %add3A_282 = arith.constant 448 : i32
    %add3A_283 = arith.addi %add3A_79, %add3A_282 : i32
    "tpu.region"() ({
      %run_scoped3A = tpu.sem_alloc : memref<!tpu.dma_semaphore, #tpu.memory_space<semaphore_mem>>
      %dma_start3A = arith.constant 0 : i32
      %dma_start3A_304 = tpu.memref_slice %arg8[%add3A_283, %dma_start3A] : memref<20480x128xf32, #tpu.memory_space<hbm>> -> memref<32x128xf32, #tpu.memory_space<hbm>>
      %dma_start3A_305 = arith.constant 0 : i32
      %dma_start3A_306 = tpu.memref_slice %arg8[%add3A_283, %dma_start3A_305] : memref<20480x128xf32, #tpu.memory_space<hbm>> -> memref<32x128xf32, #tpu.memory_space<hbm>>
      tpu.enqueue_dma source(%arg17 : memref<32x128xf32, #tpu.memory_space<vmem>>) target(%dma_start3A_306 : memref<32x128xf32, #tpu.memory_space<hbm>>) target_semaphore(%run_scoped3A : memref<!tpu.dma_semaphore, #tpu.memory_space<semaphore_mem>>)
      %dma_wait3A = arith.constant 0 : i32
      %dma_wait3A_307 = tpu.memref_slice %arg8[%add3A_283, %dma_wait3A] : memref<20480x128xf32, #tpu.memory_space<hbm>> -> memref<32x128xf32, #tpu.memory_space<hbm>>
      %dma_wait3A_308 = arith.constant 0 : i32
      %dma_wait3A_309 = tpu.memref_slice %arg8[%add3A_283, %dma_wait3A_308] : memref<20480x128xf32, #tpu.memory_space<hbm>> -> memref<32x128xf32, #tpu.memory_space<hbm>>
      tpu.wait_dma2 semaphore(%run_scoped3A : memref<!tpu.dma_semaphore, #tpu.memory_space<semaphore_mem>>) src(%arg17 : memref<32x128xf32, #tpu.memory_space<vmem>>) dst(%dma_wait3A_309 : memref<32x128xf32, #tpu.memory_space<hbm>>)
      tpu.yield
    }) : () -> ()
    %add3A_284 = arith.constant 480 : i32
    %add3A_285 = arith.addi %mul3A_0, %add3A_284 : i32
    "tpu.region"() ({
      %run_scoped3A = tpu.sem_alloc : memref<!tpu.dma_semaphore, #tpu.memory_space<semaphore_mem>>
      %dma_start3A = arith.constant 0 : i32
      %dma_start3A_304 = tpu.memref_slice %arg10[%add3A_285, %dma_start3A] : memref<10240x128xf32, #tpu.memory_space<vmem_shared>> -> memref<32x128xf32, #tpu.memory_space<vmem_shared>>
      %dma_start3A_305 = arith.constant 0 : i32
      %dma_start3A_306 = tpu.memref_slice %arg10[%add3A_285, %dma_start3A_305] : memref<10240x128xf32, #tpu.memory_space<vmem_shared>> -> memref<32x128xf32, #tpu.memory_space<vmem_shared>>
      tpu.enqueue_dma source(%dma_start3A_306 : memref<32x128xf32, #tpu.memory_space<vmem_shared>>) target(%arg17 : memref<32x128xf32, #tpu.memory_space<vmem>>) target_semaphore(%run_scoped3A : memref<!tpu.dma_semaphore, #tpu.memory_space<semaphore_mem>>)
      %dma_wait3A = arith.constant 0 : i32
      %dma_wait3A_307 = tpu.memref_slice %arg10[%add3A_285, %dma_wait3A] : memref<10240x128xf32, #tpu.memory_space<vmem_shared>> -> memref<32x128xf32, #tpu.memory_space<vmem_shared>>
      %dma_wait3A_308 = arith.constant 0 : i32
      %dma_wait3A_309 = tpu.memref_slice %arg10[%add3A_285, %dma_wait3A_308] : memref<10240x128xf32, #tpu.memory_space<vmem_shared>> -> memref<32x128xf32, #tpu.memory_space<vmem_shared>>
      tpu.wait_dma2 semaphore(%run_scoped3A : memref<!tpu.dma_semaphore, #tpu.memory_space<semaphore_mem>>) src(%dma_wait3A_309 : memref<32x128xf32, #tpu.memory_space<vmem_shared>>) dst(%arg17 : memref<32x128xf32, #tpu.memory_space<vmem>>)
      tpu.yield
    }) : () -> ()
    %add3A_286 = arith.constant 480 : i32
    %add3A_287 = arith.addi %add3A_79, %add3A_286 : i32
    "tpu.region"() ({
      %run_scoped3A = tpu.sem_alloc : memref<!tpu.dma_semaphore, #tpu.memory_space<semaphore_mem>>
      %dma_start3A = arith.constant 0 : i32
      %dma_start3A_304 = tpu.memref_slice %arg8[%add3A_287, %dma_start3A] : memref<20480x128xf32, #tpu.memory_space<hbm>> -> memref<32x128xf32, #tpu.memory_space<hbm>>
      %dma_start3A_305 = arith.constant 0 : i32
      %dma_start3A_306 = tpu.memref_slice %arg8[%add3A_287, %dma_start3A_305] : memref<20480x128xf32, #tpu.memory_space<hbm>> -> memref<32x128xf32, #tpu.memory_space<hbm>>
      tpu.enqueue_dma source(%arg17 : memref<32x128xf32, #tpu.memory_space<vmem>>) target(%dma_start3A_306 : memref<32x128xf32, #tpu.memory_space<hbm>>) target_semaphore(%run_scoped3A : memref<!tpu.dma_semaphore, #tpu.memory_space<semaphore_mem>>)
      %dma_wait3A = arith.constant 0 : i32
      %dma_wait3A_307 = tpu.memref_slice %arg8[%add3A_287, %dma_wait3A] : memref<20480x128xf32, #tpu.memory_space<hbm>> -> memref<32x128xf32, #tpu.memory_space<hbm>>
      %dma_wait3A_308 = arith.constant 0 : i32
      %dma_wait3A_309 = tpu.memref_slice %arg8[%add3A_287, %dma_wait3A_308] : memref<20480x128xf32, #tpu.memory_space<hbm>> -> memref<32x128xf32, #tpu.memory_space<hbm>>
      tpu.wait_dma2 semaphore(%run_scoped3A : memref<!tpu.dma_semaphore, #tpu.memory_space<semaphore_mem>>) src(%arg17 : memref<32x128xf32, #tpu.memory_space<vmem>>) dst(%dma_wait3A_309 : memref<32x128xf32, #tpu.memory_space<hbm>>)
      tpu.yield
    }) : () -> ()
    %add3A_288 = arith.constant 512 : i32
    %add3A_289 = arith.addi %mul3A_0, %add3A_288 : i32
    "tpu.region"() ({
      %run_scoped3A = tpu.sem_alloc : memref<!tpu.dma_semaphore, #tpu.memory_space<semaphore_mem>>
      %dma_start3A = arith.constant 0 : i32
      %dma_start3A_304 = tpu.memref_slice %arg10[%add3A_289, %dma_start3A] : memref<10240x128xf32, #tpu.memory_space<vmem_shared>> -> memref<32x128xf32, #tpu.memory_space<vmem_shared>>
      %dma_start3A_305 = arith.constant 0 : i32
      %dma_start3A_306 = tpu.memref_slice %arg10[%add3A_289, %dma_start3A_305] : memref<10240x128xf32, #tpu.memory_space<vmem_shared>> -> memref<32x128xf32, #tpu.memory_space<vmem_shared>>
      tpu.enqueue_dma source(%dma_start3A_306 : memref<32x128xf32, #tpu.memory_space<vmem_shared>>) target(%arg17 : memref<32x128xf32, #tpu.memory_space<vmem>>) target_semaphore(%run_scoped3A : memref<!tpu.dma_semaphore, #tpu.memory_space<semaphore_mem>>)
      %dma_wait3A = arith.constant 0 : i32
      %dma_wait3A_307 = tpu.memref_slice %arg10[%add3A_289, %dma_wait3A] : memref<10240x128xf32, #tpu.memory_space<vmem_shared>> -> memref<32x128xf32, #tpu.memory_space<vmem_shared>>
      %dma_wait3A_308 = arith.constant 0 : i32
      %dma_wait3A_309 = tpu.memref_slice %arg10[%add3A_289, %dma_wait3A_308] : memref<10240x128xf32, #tpu.memory_space<vmem_shared>> -> memref<32x128xf32, #tpu.memory_space<vmem_shared>>
      tpu.wait_dma2 semaphore(%run_scoped3A : memref<!tpu.dma_semaphore, #tpu.memory_space<semaphore_mem>>) src(%dma_wait3A_309 : memref<32x128xf32, #tpu.memory_space<vmem_shared>>) dst(%arg17 : memref<32x128xf32, #tpu.memory_space<vmem>>)
      tpu.yield
    }) : () -> ()
    %add3A_290 = arith.constant 512 : i32
    %add3A_291 = arith.addi %add3A_79, %add3A_290 : i32
    "tpu.region"() ({
      %run_scoped3A = tpu.sem_alloc : memref<!tpu.dma_semaphore, #tpu.memory_space<semaphore_mem>>
      %dma_start3A = arith.constant 0 : i32
      %dma_start3A_304 = tpu.memref_slice %arg8[%add3A_291, %dma_start3A] : memref<20480x128xf32, #tpu.memory_space<hbm>> -> memref<32x128xf32, #tpu.memory_space<hbm>>
      %dma_start3A_305 = arith.constant 0 : i32
      %dma_start3A_306 = tpu.memref_slice %arg8[%add3A_291, %dma_start3A_305] : memref<20480x128xf32, #tpu.memory_space<hbm>> -> memref<32x128xf32, #tpu.memory_space<hbm>>
      tpu.enqueue_dma source(%arg17 : memref<32x128xf32, #tpu.memory_space<vmem>>) target(%dma_start3A_306 : memref<32x128xf32, #tpu.memory_space<hbm>>) target_semaphore(%run_scoped3A : memref<!tpu.dma_semaphore, #tpu.memory_space<semaphore_mem>>)
      %dma_wait3A = arith.constant 0 : i32
      %dma_wait3A_307 = tpu.memref_slice %arg8[%add3A_291, %dma_wait3A] : memref<20480x128xf32, #tpu.memory_space<hbm>> -> memref<32x128xf32, #tpu.memory_space<hbm>>
      %dma_wait3A_308 = arith.constant 0 : i32
      %dma_wait3A_309 = tpu.memref_slice %arg8[%add3A_291, %dma_wait3A_308] : memref<20480x128xf32, #tpu.memory_space<hbm>> -> memref<32x128xf32, #tpu.memory_space<hbm>>
      tpu.wait_dma2 semaphore(%run_scoped3A : memref<!tpu.dma_semaphore, #tpu.memory_space<semaphore_mem>>) src(%arg17 : memref<32x128xf32, #tpu.memory_space<vmem>>) dst(%dma_wait3A_309 : memref<32x128xf32, #tpu.memory_space<hbm>>)
      tpu.yield
    }) : () -> ()
    %add3A_292 = arith.constant 544 : i32
    %add3A_293 = arith.addi %mul3A_0, %add3A_292 : i32
    "tpu.region"() ({
      %run_scoped3A = tpu.sem_alloc : memref<!tpu.dma_semaphore, #tpu.memory_space<semaphore_mem>>
      %dma_start3A = arith.constant 0 : i32
      %dma_start3A_304 = tpu.memref_slice %arg10[%add3A_293, %dma_start3A] : memref<10240x128xf32, #tpu.memory_space<vmem_shared>> -> memref<32x128xf32, #tpu.memory_space<vmem_shared>>
      %dma_start3A_305 = arith.constant 0 : i32
      %dma_start3A_306 = tpu.memref_slice %arg10[%add3A_293, %dma_start3A_305] : memref<10240x128xf32, #tpu.memory_space<vmem_shared>> -> memref<32x128xf32, #tpu.memory_space<vmem_shared>>
      tpu.enqueue_dma source(%dma_start3A_306 : memref<32x128xf32, #tpu.memory_space<vmem_shared>>) target(%arg17 : memref<32x128xf32, #tpu.memory_space<vmem>>) target_semaphore(%run_scoped3A : memref<!tpu.dma_semaphore, #tpu.memory_space<semaphore_mem>>)
      %dma_wait3A = arith.constant 0 : i32
      %dma_wait3A_307 = tpu.memref_slice %arg10[%add3A_293, %dma_wait3A] : memref<10240x128xf32, #tpu.memory_space<vmem_shared>> -> memref<32x128xf32, #tpu.memory_space<vmem_shared>>
      %dma_wait3A_308 = arith.constant 0 : i32
      %dma_wait3A_309 = tpu.memref_slice %arg10[%add3A_293, %dma_wait3A_308] : memref<10240x128xf32, #tpu.memory_space<vmem_shared>> -> memref<32x128xf32, #tpu.memory_space<vmem_shared>>
      tpu.wait_dma2 semaphore(%run_scoped3A : memref<!tpu.dma_semaphore, #tpu.memory_space<semaphore_mem>>) src(%dma_wait3A_309 : memref<32x128xf32, #tpu.memory_space<vmem_shared>>) dst(%arg17 : memref<32x128xf32, #tpu.memory_space<vmem>>)
      tpu.yield
    }) : () -> ()
    %add3A_294 = arith.constant 544 : i32
    %add3A_295 = arith.addi %add3A_79, %add3A_294 : i32
    "tpu.region"() ({
      %run_scoped3A = tpu.sem_alloc : memref<!tpu.dma_semaphore, #tpu.memory_space<semaphore_mem>>
      %dma_start3A = arith.constant 0 : i32
      %dma_start3A_304 = tpu.memref_slice %arg8[%add3A_295, %dma_start3A] : memref<20480x128xf32, #tpu.memory_space<hbm>> -> memref<32x128xf32, #tpu.memory_space<hbm>>
      %dma_start3A_305 = arith.constant 0 : i32
      %dma_start3A_306 = tpu.memref_slice %arg8[%add3A_295, %dma_start3A_305] : memref<20480x128xf32, #tpu.memory_space<hbm>> -> memref<32x128xf32, #tpu.memory_space<hbm>>
      tpu.enqueue_dma source(%arg17 : memref<32x128xf32, #tpu.memory_space<vmem>>) target(%dma_start3A_306 : memref<32x128xf32, #tpu.memory_space<hbm>>) target_semaphore(%run_scoped3A : memref<!tpu.dma_semaphore, #tpu.memory_space<semaphore_mem>>)
      %dma_wait3A = arith.constant 0 : i32
      %dma_wait3A_307 = tpu.memref_slice %arg8[%add3A_295, %dma_wait3A] : memref<20480x128xf32, #tpu.memory_space<hbm>> -> memref<32x128xf32, #tpu.memory_space<hbm>>
      %dma_wait3A_308 = arith.constant 0 : i32
      %dma_wait3A_309 = tpu.memref_slice %arg8[%add3A_295, %dma_wait3A_308] : memref<20480x128xf32, #tpu.memory_space<hbm>> -> memref<32x128xf32, #tpu.memory_space<hbm>>
      tpu.wait_dma2 semaphore(%run_scoped3A : memref<!tpu.dma_semaphore, #tpu.memory_space<semaphore_mem>>) src(%arg17 : memref<32x128xf32, #tpu.memory_space<vmem>>) dst(%dma_wait3A_309 : memref<32x128xf32, #tpu.memory_space<hbm>>)
      tpu.yield
    }) : () -> ()
    %add3A_296 = arith.constant 576 : i32
    %add3A_297 = arith.addi %mul3A_0, %add3A_296 : i32
    "tpu.region"() ({
      %run_scoped3A = tpu.sem_alloc : memref<!tpu.dma_semaphore, #tpu.memory_space<semaphore_mem>>
      %dma_start3A = arith.constant 0 : i32
      %dma_start3A_304 = tpu.memref_slice %arg10[%add3A_297, %dma_start3A] : memref<10240x128xf32, #tpu.memory_space<vmem_shared>> -> memref<32x128xf32, #tpu.memory_space<vmem_shared>>
      %dma_start3A_305 = arith.constant 0 : i32
      %dma_start3A_306 = tpu.memref_slice %arg10[%add3A_297, %dma_start3A_305] : memref<10240x128xf32, #tpu.memory_space<vmem_shared>> -> memref<32x128xf32, #tpu.memory_space<vmem_shared>>
      tpu.enqueue_dma source(%dma_start3A_306 : memref<32x128xf32, #tpu.memory_space<vmem_shared>>) target(%arg17 : memref<32x128xf32, #tpu.memory_space<vmem>>) target_semaphore(%run_scoped3A : memref<!tpu.dma_semaphore, #tpu.memory_space<semaphore_mem>>)
      %dma_wait3A = arith.constant 0 : i32
      %dma_wait3A_307 = tpu.memref_slice %arg10[%add3A_297, %dma_wait3A] : memref<10240x128xf32, #tpu.memory_space<vmem_shared>> -> memref<32x128xf32, #tpu.memory_space<vmem_shared>>
      %dma_wait3A_308 = arith.constant 0 : i32
      %dma_wait3A_309 = tpu.memref_slice %arg10[%add3A_297, %dma_wait3A_308] : memref<10240x128xf32, #tpu.memory_space<vmem_shared>> -> memref<32x128xf32, #tpu.memory_space<vmem_shared>>
      tpu.wait_dma2 semaphore(%run_scoped3A : memref<!tpu.dma_semaphore, #tpu.memory_space<semaphore_mem>>) src(%dma_wait3A_309 : memref<32x128xf32, #tpu.memory_space<vmem_shared>>) dst(%arg17 : memref<32x128xf32, #tpu.memory_space<vmem>>)
      tpu.yield
    }) : () -> ()
    %add3A_298 = arith.constant 576 : i32
    %add3A_299 = arith.addi %add3A_79, %add3A_298 : i32
    "tpu.region"() ({
      %run_scoped3A = tpu.sem_alloc : memref<!tpu.dma_semaphore, #tpu.memory_space<semaphore_mem>>
      %dma_start3A = arith.constant 0 : i32
      %dma_start3A_304 = tpu.memref_slice %arg8[%add3A_299, %dma_start3A] : memref<20480x128xf32, #tpu.memory_space<hbm>> -> memref<32x128xf32, #tpu.memory_space<hbm>>
      %dma_start3A_305 = arith.constant 0 : i32
      %dma_start3A_306 = tpu.memref_slice %arg8[%add3A_299, %dma_start3A_305] : memref<20480x128xf32, #tpu.memory_space<hbm>> -> memref<32x128xf32, #tpu.memory_space<hbm>>
      tpu.enqueue_dma source(%arg17 : memref<32x128xf32, #tpu.memory_space<vmem>>) target(%dma_start3A_306 : memref<32x128xf32, #tpu.memory_space<hbm>>) target_semaphore(%run_scoped3A : memref<!tpu.dma_semaphore, #tpu.memory_space<semaphore_mem>>)
      %dma_wait3A = arith.constant 0 : i32
      %dma_wait3A_307 = tpu.memref_slice %arg8[%add3A_299, %dma_wait3A] : memref<20480x128xf32, #tpu.memory_space<hbm>> -> memref<32x128xf32, #tpu.memory_space<hbm>>
      %dma_wait3A_308 = arith.constant 0 : i32
      %dma_wait3A_309 = tpu.memref_slice %arg8[%add3A_299, %dma_wait3A_308] : memref<20480x128xf32, #tpu.memory_space<hbm>> -> memref<32x128xf32, #tpu.memory_space<hbm>>
      tpu.wait_dma2 semaphore(%run_scoped3A : memref<!tpu.dma_semaphore, #tpu.memory_space<semaphore_mem>>) src(%arg17 : memref<32x128xf32, #tpu.memory_space<vmem>>) dst(%dma_wait3A_309 : memref<32x128xf32, #tpu.memory_space<hbm>>)
      tpu.yield
    }) : () -> ()
    %add3A_300 = arith.constant 608 : i32
    %add3A_301 = arith.addi %mul3A_0, %add3A_300 : i32
    "tpu.region"() ({
      %run_scoped3A = tpu.sem_alloc : memref<!tpu.dma_semaphore, #tpu.memory_space<semaphore_mem>>
      %dma_start3A = arith.constant 0 : i32
      %dma_start3A_304 = tpu.memref_slice %arg10[%add3A_301, %dma_start3A] : memref<10240x128xf32, #tpu.memory_space<vmem_shared>> -> memref<32x128xf32, #tpu.memory_space<vmem_shared>>
      %dma_start3A_305 = arith.constant 0 : i32
      %dma_start3A_306 = tpu.memref_slice %arg10[%add3A_301, %dma_start3A_305] : memref<10240x128xf32, #tpu.memory_space<vmem_shared>> -> memref<32x128xf32, #tpu.memory_space<vmem_shared>>
      tpu.enqueue_dma source(%dma_start3A_306 : memref<32x128xf32, #tpu.memory_space<vmem_shared>>) target(%arg17 : memref<32x128xf32, #tpu.memory_space<vmem>>) target_semaphore(%run_scoped3A : memref<!tpu.dma_semaphore, #tpu.memory_space<semaphore_mem>>)
      %dma_wait3A = arith.constant 0 : i32
      %dma_wait3A_307 = tpu.memref_slice %arg10[%add3A_301, %dma_wait3A] : memref<10240x128xf32, #tpu.memory_space<vmem_shared>> -> memref<32x128xf32, #tpu.memory_space<vmem_shared>>
      %dma_wait3A_308 = arith.constant 0 : i32
      %dma_wait3A_309 = tpu.memref_slice %arg10[%add3A_301, %dma_wait3A_308] : memref<10240x128xf32, #tpu.memory_space<vmem_shared>> -> memref<32x128xf32, #tpu.memory_space<vmem_shared>>
      tpu.wait_dma2 semaphore(%run_scoped3A : memref<!tpu.dma_semaphore, #tpu.memory_space<semaphore_mem>>) src(%dma_wait3A_309 : memref<32x128xf32, #tpu.memory_space<vmem_shared>>) dst(%arg17 : memref<32x128xf32, #tpu.memory_space<vmem>>)
      tpu.yield
    }) : () -> ()
    %add3A_302 = arith.constant 608 : i32
    %add3A_303 = arith.addi %add3A_79, %add3A_302 : i32
    "tpu.region"() ({
      %run_scoped3A = tpu.sem_alloc : memref<!tpu.dma_semaphore, #tpu.memory_space<semaphore_mem>>
      %dma_start3A = arith.constant 0 : i32
      %dma_start3A_304 = tpu.memref_slice %arg8[%add3A_303, %dma_start3A] : memref<20480x128xf32, #tpu.memory_space<hbm>> -> memref<32x128xf32, #tpu.memory_space<hbm>>
      %dma_start3A_305 = arith.constant 0 : i32
      %dma_start3A_306 = tpu.memref_slice %arg8[%add3A_303, %dma_start3A_305] : memref<20480x128xf32, #tpu.memory_space<hbm>> -> memref<32x128xf32, #tpu.memory_space<hbm>>
      tpu.enqueue_dma source(%arg17 : memref<32x128xf32, #tpu.memory_space<vmem>>) target(%dma_start3A_306 : memref<32x128xf32, #tpu.memory_space<hbm>>) target_semaphore(%run_scoped3A : memref<!tpu.dma_semaphore, #tpu.memory_space<semaphore_mem>>)
      %dma_wait3A = arith.constant 0 : i32
      %dma_wait3A_307 = tpu.memref_slice %arg8[%add3A_303, %dma_wait3A] : memref<20480x128xf32, #tpu.memory_space<hbm>> -> memref<32x128xf32, #tpu.memory_space<hbm>>
      %dma_wait3A_308 = arith.constant 0 : i32
      %dma_wait3A_309 = tpu.memref_slice %arg8[%add3A_303, %dma_wait3A_308] : memref<20480x128xf32, #tpu.memory_space<hbm>> -> memref<32x128xf32, #tpu.memory_space<hbm>>
      tpu.wait_dma2 semaphore(%run_scoped3A : memref<!tpu.dma_semaphore, #tpu.memory_space<semaphore_mem>>) src(%arg17 : memref<32x128xf32, #tpu.memory_space<vmem>>) dst(%dma_wait3A_309 : memref<32x128xf32, #tpu.memory_space<hbm>>)
      tpu.yield
    }) : () -> ()
    return
  }
}

module attributes {stable_mosaic.version = 14 : i64} {
  func.func @body(%arg0: i32, %arg1: memref<512x128xf32, #tpu.memory_space<vmem>>, %arg2: memref<512x128xf32, #tpu.memory_space<vmem>>, %arg3: memref<512x128xf32, #tpu.memory_space<vmem>>, %arg4: memref<512x128xf32, #tpu.memory_space<vmem>>, %arg5: memref<512x1xf32, #tpu.memory_space<vmem>>, %arg6: memref<512x1xf32, #tpu.memory_space<vmem>>, %arg7: memref<128x256xf32, #tpu.memory_space<vmem>>, %arg8: memref<256x512xf32, #tpu.memory_space<vmem>>, %arg9: memref<512x512xf32, #tpu.memory_space<vmem>>) attributes {dimension_semantics = [#tpu.dimension_semantics<arbitrary>], iteration_bounds = array<i64: 20>, scalar_prefetch = 0 : i64, scratch_operands = 0 : i64, tpu.core_type = #tpu.core_type<tc>, window_params = [{transform_indices = @transform_0, window_bounds = array<i64: 512, 128>}, {transform_indices = @transform_1, window_bounds = array<i64: 512, 128>}, {transform_indices = @transform_2, window_bounds = array<i64: 512, 128>}, {transform_indices = @transform_3, window_bounds = array<i64: 512, 128>}, {transform_indices = @transform_4, window_bounds = array<i64: 512, 1>}, {transform_indices = @transform_5, window_bounds = array<i64: 512, 1>}, {pipeline_mode = #tpu.pipeline_mode<synchronous>, transform_indices = @transform_6, window_bounds = array<i64: 128, 256>}, {pipeline_mode = #tpu.pipeline_mode<synchronous>, transform_indices = @transform_7, window_bounds = array<i64: 256, 512>}, {transform_indices = @transform_8, window_bounds = array<i64: 512, 512>}]} {
    %get3A = arith.constant 0 : index
    %get3A_0 = arith.constant 0 : index
    %get3A_1 = vector.load %arg5[%get3A, %get3A_0] : memref<512x1xf32, #tpu.memory_space<vmem>>, vector<512x1xf32>
    %get3A_2 = arith.constant 0 : index
    %get3A_3 = arith.constant 0 : index
    %get3A_4 = vector.load %arg6[%get3A_2, %get3A_3] : memref<512x1xf32, #tpu.memory_space<vmem>>, vector<512x1xf32>
    %add3A = arith.addf %get3A_1, %get3A_4 : vector<512x1xf32>
    %max3A = arith.constant 1.000000e+00 : f32
    %max3A_5 = vector.broadcast %max3A : f32 to vector<512x1xf32>
    %max3A_6 = arith.maximumf %add3A, %max3A_5 : vector<512x1xf32>
    %div3A = arith.constant 1.000000e+00 : f32
    %div3A_7 = vector.broadcast %div3A : f32 to vector<512x1xf32>
    %div3A_8 = arith.divf %div3A_7, %max3A_6 : vector<512x1xf32>
    %get3A_9 = arith.constant 0 : index
    %get3A_10 = arith.constant 0 : index
    %get3A_11 = vector.load %arg1[%get3A_9, %get3A_10] : memref<512x128xf32, #tpu.memory_space<vmem>>, vector<512x128xf32>
    %get3A_12 = arith.constant 0 : index
    %get3A_13 = arith.constant 0 : index
    %get3A_14 = vector.load %arg2[%get3A_12, %get3A_13] : memref<512x128xf32, #tpu.memory_space<vmem>>, vector<512x128xf32>
    %add3A_15 = arith.addf %get3A_11, %get3A_14 : vector<512x128xf32>
    %mul3A = vector.broadcast %div3A_8 : vector<512x1xf32> to vector<512x128xf32>
    %mul3A_16 = arith.mulf %add3A_15, %mul3A : vector<512x128xf32>
    %get3A_17 = arith.constant 0 : index
    %get3A_18 = arith.constant 0 : index
    %get3A_19 = vector.load %arg3[%get3A_17, %get3A_18] : memref<512x128xf32, #tpu.memory_space<vmem>>, vector<512x128xf32>
    %get3A_20 = arith.constant 0 : index
    %get3A_21 = arith.constant 0 : index
    %get3A_22 = vector.load %arg4[%get3A_20, %get3A_21] : memref<512x128xf32, #tpu.memory_space<vmem>>, vector<512x128xf32>
    %add3A_23 = arith.addf %get3A_19, %get3A_22 : vector<512x128xf32>
    %mul3A_24 = arith.constant 4.000000e-02 : f32
    %mul3A_25 = vector.broadcast %mul3A_24 : f32 to vector<512x128xf32>
    %mul3A_26 = arith.mulf %add3A_23, %mul3A_25 : vector<512x128xf32>
    %add3A_27 = arith.addf %mul3A_16, %mul3A_26 : vector<512x128xf32>
    %get3A_28 = arith.constant 0 : index
    %get3A_29 = arith.constant 0 : index
    %get3A_30 = vector.load %arg7[%get3A_28, %get3A_29] : memref<128x256xf32, #tpu.memory_space<vmem>>, vector<128x256xf32>
    %dot_general3A = arith.constant dense<0.000000e+00> : vector<512x256xf32>
    %dot_general3A_31 = tpu.matmul %add3A_27, %get3A_30, %dot_general3A {dimension_numbers = #tpu.dot_dimension_numbers<[1], [0], [0], [1], [0, 0, 1, 1], [], []>, transpose_lhs_hint = false} : vector<512x128xf32>, vector<128x256xf32>, vector<512x256xf32> -> vector<512x256xf32>
    %max3A_32 = arith.constant 0.000000e+00 : f32
    %max3A_33 = vector.broadcast %max3A_32 : f32 to vector<512x256xf32>
    %max3A_34 = arith.maximumf %dot_general3A_31, %max3A_33 : vector<512x256xf32>
    %get3A_35 = arith.constant 0 : index
    %get3A_36 = arith.constant 0 : index
    %get3A_37 = vector.load %arg8[%get3A_35, %get3A_36] : memref<256x512xf32, #tpu.memory_space<vmem>>, vector<256x512xf32>
    %dot_general3A_38 = arith.constant dense<0.000000e+00> : vector<512x512xf32>
    %dot_general3A_39 = tpu.matmul %max3A_34, %get3A_37, %dot_general3A_38 {dimension_numbers = #tpu.dot_dimension_numbers<[1], [0], [0], [1], [0, 0, 1, 1], [], []>, transpose_lhs_hint = false} : vector<512x256xf32>, vector<256x512xf32>, vector<512x512xf32> -> vector<512x512xf32>
    %swap3A = arith.constant 0 : index
    %swap3A_40 = arith.constant 0 : index
    %swap3A_41 = vector.load %arg9[%swap3A, %swap3A_40] : memref<512x512xf32, #tpu.memory_space<vmem>>, vector<512x512xf32>
    tpu.vector_store %arg9[%swap3A, %swap3A_40], %dot_general3A_39 {strides = array<i32>} : memref<512x512xf32, #tpu.memory_space<vmem>>, vector<512x512xf32>,
    return
  }
  func.func @transform_0(%arg0: i32) -> (i32, i32) {
    %c0_i32 = arith.constant 0 : i32
    %c0_i32_0 = arith.constant 0 : i32
    return %arg0, %c0_i32 : i32, i32
  }
  func.func @transform_1(%arg0: i32) -> (i32, i32) {
    %add3A = arith.constant 20 : i32
    %add3A_0 = arith.addi %arg0, %add3A : i32
    %c0_i32 = arith.constant 0 : i32
    %c0_i32_1 = arith.constant 0 : i32
    return %add3A_0, %c0_i32 : i32, i32
  }
  func.func @transform_2(%arg0: i32) -> (i32, i32) {
    %c0_i32 = arith.constant 0 : i32
    %c0_i32_0 = arith.constant 0 : i32
    return %arg0, %c0_i32 : i32, i32
  }
  func.func @transform_3(%arg0: i32) -> (i32, i32) {
    %add3A = arith.constant 20 : i32
    %add3A_0 = arith.addi %arg0, %add3A : i32
    %c0_i32 = arith.constant 0 : i32
    %c0_i32_1 = arith.constant 0 : i32
    return %add3A_0, %c0_i32 : i32, i32
  }
  func.func @transform_4(%arg0: i32) -> (i32, i32) {
    %c0_i32 = arith.constant 0 : i32
    %c0_i32_0 = arith.constant 0 : i32
    return %arg0, %c0_i32 : i32, i32
  }
  func.func @transform_5(%arg0: i32) -> (i32, i32) {
    %add3A = arith.constant 20 : i32
    %add3A_0 = arith.addi %arg0, %add3A : i32
    %c0_i32 = arith.constant 0 : i32
    %c0_i32_1 = arith.constant 0 : i32
    return %add3A_0, %c0_i32 : i32, i32
  }
  func.func @transform_6(%arg0: i32) -> (i32, i32) {
    %c0_i32 = arith.constant 0 : i32
    %c0_i32_0 = arith.constant 0 : i32
    %c0_i32_1 = arith.constant 0 : i32
    return %c0_i32, %c0_i32_0 : i32, i32
  }
  func.func @transform_7(%arg0: i32) -> (i32, i32) {
    %c0_i32 = arith.constant 0 : i32
    %c0_i32_0 = arith.constant 0 : i32
    %c0_i32_1 = arith.constant 0 : i32
    return %c0_i32, %c0_i32_0 : i32, i32
  }
  func.func @transform_8(%arg0: i32) -> (i32, i32) {
    %c0_i32 = arith.constant 0 : i32
    %c0_i32_0 = arith.constant 0 : i32
    return %arg0, %c0_i32 : i32, i32
  }
}

</mosaic_0001>

<sc_bundles>
// kernel: kernel.4.cloned.1.call-start
scs
__scs_entry_jumppad:
0x0: {  	(pc) =	sbr.rel $0x88, $3  }
0x1: {  	(tag) =	ssettag $0x0;
	lr =	simm.s32 $0x1  }
0x2: {  	[smem:$0x3F9C] =	sst lr;
	_ =	strace $0xD0000000  }
0x3: {  	_ = 	snop  }
0x4: {  	_ = 	snop  }
0x5: {  	_ = 	snop  }
0x6: {  	_ = 	snop  }
0x7: {  	_ = 	snop  }
__scs_overlays_trampoline_lowered:
0x8: {  	[smem:$0x3FAB] =	sst s0  }
0x9: {  	[smem:$0x3FAC] =	sst s1  }
0xa: {  	[smem:$0x3FAD] =	sst s2  }
0xb: {  	[smem:$0x3FAE] =	sst s3  }
0xc: {  	[smem:$0x3FAF] =	sst s4  }
0xd: {  	[smem:$0x3FB0] =	sst s5  }
0xe: {  	[smem:$0x3FB1] =	sst s6  }
0xf: {  	[smem:$0x3FB2] =	sst s7  }
0x10: {  	[smem:$0x3FB3] =	sst s8  }
0x11: {  	[smem:$0x3FB4] =	sst s9;
	s0 =	simm.s32 @!p0 $0x0  }
0x12: {  	s1 =	sld [smem:$0x3F9A];
	s0 =	simm.s32 @p0 $0x1  }
0x13: {  	[smem:$0x3FB5] =	sst s0;
	s0 =	simm.s32 @!p1 $0x0  }
0x14: {  	s2 =	sld [smem:$0x3F99];
	s0 =	simm.s32 @p1 $0x1  }
0x15: {  	[smem:$0x3FB6] =	sst s0;
	s0 =	simm.s32 @!p2 $0x0  }
0x16: {  	s3 =	sld [smem:$0x3FDB];
	s0 =	simm.s32 @p2 $0x1  }
0x17: {  	s4 =	simm.s32 $0x1BF5;
	[smem:$0x3FB8] =	sst s0  }
0x18: {  	s0 =	sld [smem:$0x3F9B];
	_ =	swait.ge [sflag:s4], $0x0  }
0x19: {  	s7 =	sld [smem:$0x3F9C]  }
0x1a: {  	s8 =	sadd.s32 $0xFFFFE003, lr  }
0x1b: {  	s9 =	sadd.s32 $0xFFFFFEF7, lr;
	s5 =	simm.s32 $0xFFFFFFFF;
	p2 =	slt.u32 s8, $0xFFFFF086  }
0x1c: {  	p1 =	slt.u32 s9, $0xF7A;
	s5 =	simm.s32 @!p2 $0x0  }
0x1d: {  	s5 =	simm.s32 @p1 $0x1;
	p0 =	seq.s32 s7, s2  }
0x1e: {  	s7 =	smul.u32 @!p0 $0xF7A, s2;
	p2 =	seq.s32 @!p0 s5, $0x0  }
0x1f: {  	s9 =	smul.u32 $0xF7A, s1;
	s8 =	simm.s32 @!p0 $0x1BF5;
	p2 =	por !p2, p0  }
0x20: {  	[sflag:s8] =	ssyncset.s32 @!p0 $0xFFFFF086;
	s6 =	sadd.s32 @!p0 s3, s7;
	s7 =	simm.s32 @!p0 $0x108  }
0x21: {  	s3 =	sadd.s32 s3, s9;
	s6 =	sadd.s32 @!p0 $0x88, s6;
	s7 =	simm.s32 @p2 $0x1082  }
0x22: {  	[simem:s7], [sflag:s8] =	dma.local @!p0 [hbm:s6], $0xF7A  }
0x23: {  	s9 =	sor.u32 $0xD0000000, s2;
	s6 =	simm.s32 $0x108;
	_ =	swait.ge @!p0 [sflag:s8], $0x0  }
0x24: {  	s3 =	sadd.s32 $0x88, s3;
	s6 =	simm.s32 @!p1 $0x1082;
	[sflag:s4] =	ssyncset.s32 $0xFFFFF086  }
0x25: {  	[simem:s6], [sflag:s4] =	dma.local [hbm:s3], $0xF7A  }
0x26: {  	[smem:$0x3F9C] =	sst s1;
	(tag) =	ssettag s2;
	_ =	strace s9  }
0x27: {  	s1 =	sld [smem:$0x3FAC]  }
0x28: {  	s2 =	sld [smem:$0x3FAD]  }
0x29: {  	s4 =	sld [smem:$0x3FAF]  }
0x2a: {  	p0 =	seq.s32 s5, $0x0;
	s5 =	sld [smem:$0x3FB0]  }
0x2b: {  	s6 =	sld [smem:$0x3FB1]  }
0x2c: {  	s7 =	sld [smem:$0x3FB2]  }
0x2d: {  	s3 =	simm.s32 $0x108;
	s8 =	sld [smem:$0x3FB3]  }
0x2e: {  	s3 =	simm.s32 @!p0 $0x1082;
	s9 =	sld [smem:$0x3FB4]  }
0x2f: {  	lr =	sadd.s32 s0, s3;
	s0 =	sld [smem:$0x3FAB]  }
0x30: {  	s3 =	sld [smem:$0x3FAE]  }
0x31: {  	[smem:$0x3FB7] =	sst s10  }
0x32: {  	s10 =	sld [smem:$0x3FB5];
	_ =	sdelay $0x3  }
0x33: {  	p0 =	seq.s32 s10, $0x1;
	s10 =	sld [smem:$0x3FB7];
	_ =	sdelay $0x3  }
0x34: {  	[smem:$0x3FB7] =	sst s10  }
0x35: {  	s10 =	sld [smem:$0x3FB6];
	_ =	sdelay $0x3  }
0x36: {  	p1 =	seq.s32 s10, $0x1;
	s10 =	sld [smem:$0x3FB7];
	_ =	sdelay $0x3  }
0x37: {  	[smem:$0x3FB7] =	sst s10  }
0x38: {  	s10 =	sld [smem:$0x3FB8]  }
0x39: {  	_ = 	snop;
	(pc) =	sbr.ind lr, $3  }
0x3a: {  	_ = 	snop  }
0x3b: {  	_ = 	snop  }
0x3c: {  	p2 =	seq.s32 s10, $0x1;
	s10 =	sld [smem:$0x3FB7]  }
0x3d: {  	_ =	shalt  }
0x3e: {  	_ =	shalt  }
0x3f: {  	_ =	shalt  }
0x40: {  	_ =	shalt  }
0x41: {  	_ =	shalt  }
0x42: {  	_ =	shalt  }
0x43: {  	_ =	shalt  }
0x44: {  	_ =	shalt  }
0x45: {  	_ =	shalt  }
0x46: {  	_ =	shalt  }
0x47: {  	_ =	shalt  }
0x48: {  	_ =	shalt  }
0x49: {  	_ =	shalt  }
0x4a: {  	_ =	shalt  }
0x4b: {  	_ =	shalt  }
0x4c: {  	_ =	shalt  }
0x4d: {  	_ =	shalt  }
0x4e: {  	_ =	shalt  }
0x4f: {  	_ =	shalt  }
0x50: {  	_ =	shalt  }
0x51: {  	_ =	shalt  }
0x52: {  	_ =	shalt  }
0x53: {  	_ =	shalt  }
0x54: {  	_ =	shalt  }
0x55: {  	_ =	shalt  }
0x56: {  	_ =	shalt  }
0x57: {  	_ =	shalt  }
0x58: {  	_ =	shalt  }
0x59: {  	_ =	shalt  }
0x5a: {  	_ =	shalt  }
0x5b: {  	_ =	shalt  }
0x5c: {  	_ =	shalt  }
0x5d: {  	_ =	shalt  }
0x5e: {  	_ =	shalt  }
0x5f: {  	_ =	shalt  }
0x60: {  	_ =	shalt  }
0x61: {  	_ =	shalt  }
0x62: {  	_ =	shalt  }
0x63: {  	_ =	shalt  }
0x64: {  	_ =	shalt  }
0x65: {  	_ =	shalt  }
0x66: {  	_ =	shalt  }
0x67: {  	_ =	shalt  }
0x68: {  	_ =	shalt  }
0x69: {  	_ =	shalt  }
0x6a: {  	_ =	shalt  }
0x6b: {  	_ =	shalt  }
0x6c: {  	_ =	shalt  }
0x6d: {  	_ =	shalt  }
0x6e: {  	_ =	shalt  }
0x6f: {  	_ =	shalt  }
0x70: {  	_ =	shalt  }
0x71: {  	_ =	shalt  }
0x72: {  	_ =	shalt  }
0x73: {  	_ =	shalt  }
0x74: {  	_ =	shalt  }
0x75: {  	_ =	shalt  }
0x76: {  	_ =	shalt  }
0x77: {  	_ =	shalt  }
0x78: {  	_ =	shalt  }
0x79: {  	_ =	shalt  }
0x7a: {  	_ =	shalt  }
0x7b: {  	_ =	shalt  }
0x7c: {  	_ =	shalt  }
0x7d: {  	_ =	shalt  }
0x7e: {  	_ =	shalt  }
0x7f: {  	_ =	shalt  }
0x80: {  	_ =	shalt  }
0x81: {  	_ =	shalt  }
0x82: {  	_ =	shalt  }
0x83: {  	_ =	shalt  }
0x84: {  	_ =	shalt  }
0x85: {  	_ =	shalt  }
0x86: {  	_ =	shalt  }
0x87: {  	_ =	shalt  }
.Lfunc_end0:
.L_simem_size_0:
called_computation_lowered:
.L_overlay_start_0:
0x88: {  	s2 =	sld [smem:$0x3FD9]  }
0x89: {  	s3 =	sld [smem:$0x3FFE];
	_ =	sdelay $0x1  }
0x8a: {  	s1 =	srdreg.scid  }
0x8b: {  	s0 =	sand.u32 $0x1, s1  }
0x8c: {  	s17 =	sshll.u32 s0, $0xA;
	s2 =	sadd.s32 s3, s2  }
0x8d: {  	s2 =	sadd.s32 s2, s17  }
0x8e: {  	[smem:$0x3FC3] =	sst s2  }
0x8f: {  	_ = 	snop  }
0x90: {  	s2 =	sld [smem:$0x3FC9]  }
0x91: {  	s18 =	sld [smem:$0x3FD0];
	(tm) =	ssettm $0x1  }
0x92: {  	s4 =	sld [smem:$0x3FFB];
	_ =	sdelay $0x3  }
0x93: {  	_ =	strace s4  }
0x94: {  	s4 =	sld [smem:$0x3FFC];
	_ =	sdelay $0x3  }
0x95: {  	_ =	strace s4  }
0x96: {  	s4 =	sld [smem:$0x3FFD];
	_ =	sdelay $0x3  }
0x97: {  	_ =	strace s4  }
0x98: {  	_ =	strace $0x8FFFFFFF  }
0x99: {  	s19 =	sld [smem:$0x3FDB];
	_ =	sdelay $0x1  }
0x9a: {  	s5 =	simm.s32 $_scs_section_size  }
0x9b: {  	s6 =	simm.s32 $_size__tile_overlayer_lowered;
	s7 =	simm.s32 $_tile_overlayer_lowered  }
0x9c: {  	s22 =	simm.s32 $0x1BFF;
	s21 =	sshll.u32 s7, $0x1;
	s4 =	sadd.s32 s5, s19  }
0x9d: {  	s8 =	simm.s32 $0x0;
	s20 =	sshll.u32 s6, $0x1;
	s6 =	sadd.s32 s21, s4  }
0x9e: {  	[timem:s8], [sflag:s22] =	dma.local [hbm:s6], s20  }
0x9f: {  	_ =	swait.ge [sflag:s22], s20  }
0xa0: {  	s5 =	ssub.s32 $0x0, s20;
	[sflag:s22] =	ssyncset.done $0x0  }
0xa1: {  	[sflag:s22] =	ssyncadd.s32 s5;
	_ =	sdelay $0x1  }
0xa2: {  	s23 =	simm.s32 $0x1B8B  }
0xa3: {  	_ =	swait.ge [sflag:s23], $0x1  }
0xa4: {  	[sflag:s23] =	ssyncset.done $0x0  }
0xa5: {  	s25 =	simm.s32 $0x1B8E;
	s24 =	sld [smem:$0x3FFE];
	[sflag:s23] =	ssyncadd.s32 $0xFFFFFFFF  }
0xa6: {  	s26 =	simm.s32 $execute0_lowered;
	[smem:$0x3FD2] =	sst s25  }
0xa7: {  	s6 =	sshll.u32 s26, $0x1;
	_ =	strace $0x80000046;
	[dreg:$0x1] =	wrdreg $0xFFFFFFFF  }
0xa8: {  	s28 =	simm.s32 $_size_execute0_lowered;
	s4 =	sadd.s32 s4, s6;
	[dreg:$0x0] =	wrdreg $0x0  }
0xa9: {  	s6 =	sshll.u32 s28, $0x1;
	[dreg:$0x2] =	wrdreg s4  }
0xaa: {  	[dreg:$0x3] =	wrdreg s6  }
0xab: {  	[dreg:$0x4] =	wrdreg $0xC0  }
0xac: {  	_ =	task [dreg:s8], $0x5FFFF  }
0xad: {  	[dreg:$0x1] =	wrdreg $0xFFFFFFFF  }
0xae: {  	[dreg:$0x0] =	wrdreg $0x60  }
0xaf: {  	[dreg:$0x2] =	wrdreg s2  }
0xb0: {  	[dreg:$0x3] =	wrdreg s24  }
0xb1: {  	[dreg:$0x4] =	wrdreg s18  }
0xb2: {  	[dreg:$0x5] =	wrdreg $0x0  }
0xb3: {  	[dreg:$0x6] =	wrdreg $0x140000  }
0xb4: {  	[dreg:$0x7] =	wrdreg $0x9  }
0xb5: {  	_ =	task.clear_ibuf [dreg:s8], $0x8FFFF;
	_ =	strace $0x90000046  }
0xb6: {  	s29 =	simm.s32 $0x9;
	_ =	strace $0x80000048  }
0xb7: {  	_ =	swait.ge [sflag:s29], $0x1  }
0xb8: {  	[sflag:s29] =	ssyncadd.s32 $0xFFFFFFFF  }
0xb9: {  	_ =	strace $0x90000048  }
0xba: {  	_ =	sfence  }
0xbb: {  	s30 =	sld [smem:$0x0];
	_ =	sdelay $0x2  }
0xbc: {  	s31 =	sshll.u32 s1, $0xD;
	s1 =	sshrl.u32 s1, $0x2  }
0xbd: {  	s3 =	sand.u32 $0x4000, s31;
	s1 =	sadd.s32 s1, s30  }
0xbe: {  	s0 =	sor.u32 s3, s0;
	s1 =	sshll.u32 s1, $0x11  }
0xbf: {  	s0 =	sor.u32 s1, s0  }
0xc0: {  	s0 =	sadd.s32 $0x8F2B, s0  }
0xc1: {  	[sflag:s0] =	ssyncadd.remote.s32 $0x1  }
0xc2: {  	_ =	sfence.sel $0xFFFF  }
0xc3: {  	[dreg:$0x0] =	wrdreg $0xFFFFFFFF;
	(pc) =	sbr.abs _section_cstart, $3  }
0xc4: {  	[dreg:$0x1] =	wrdreg $0xFFFFFFFF  }
0xc5: {  	_ =	task.clear_ibuf [dreg:s8], $0x2FFFF;
	_ =	strace $0x9FFFFFFF  }
0xc6: {  	(tm) =	ssettm $0x7FFFFFFF  }
0xc7: {  	_ =	shalt  }
tec
execute0_lowered:
.L_overlay_start_1:
0x0: {  	(tag) =	ssettag $0x1  }
0x1: {  	s1 =	srdreg.scid;
	s26 =	stileid.u32  }
0x2: {  	s5 =	sand.u32 $0x1, s1;
	s1 =	smul.u32 $0x280, s26  }
0x3: {  	s9 =	smul.u32 $0x2760, s26  }
0x4: {  	s0 =	rddreg [dreg:$0x1];
	s13 =	smul.u32 $0x1EF0, s26  }
0x5: {  	s6 =	rddreg [dreg:$0x2];
	s2 =	smul.u32 $0x2800, s5  }
0x6: {  	s3 =	simm.s32 $0x0;
	s7 =	ssub.s32 $0x2, s5;
	s8 =	smul.u32 $0x27600, s5  }
0x7: {  	[smem:$0x7FF] =	sst s3;
	s5 =	smul.u32 $0x1EF00, s5;
	s17 =	sshrl.u32 s7, $0x1  }
0x8: {  	s3 =	sadd.s32 s1, s2;
	s2 =	ssub.s32 s7, s17;
	s8 =	sadd.s32 s9, s8  }
0x9: {  	s5 =	sadd.s32 s13, s5;
	s7 =	sshll.u32 s3, $0x4;
	[dreg:$0x6] =	wrdreg s8  }
0xa: {  	[dreg:$0xe] =	wrdreg s5;
	s18 =	sadd.s32 s6, s7;
	s8 =	sor.u32 $0x200, s7  }
0xb: {  	s9 =	sor.u32 $0x400, s7;
	[dreg:$0x7] =	wrdreg s18;
	s19 =	sadd.s32 s6, s8  }
0xc: {  	s10 =	sor.u32 $0x600, s7;
	s11 =	sadd.s32 s6, s9;
	[dreg:$0x8] =	wrdreg s19  }
0xd: {  	s12 =	sadd.s32 $0xA00, s7;
	s20 =	sadd.s32 s6, s10;
	[dreg:$0x9] =	wrdreg s11  }
0xe: {  	s5 =	sadd.s32 $0x1000, s7;
	s21 =	sadd.s32 s6, s12;
	[dreg:$0xa] =	wrdreg s20  }
0xf: {  	s13 =	sadd.s32 $0x1200, s7;
	s16 =	sadd.s32 s6, s5;
	[dreg:$0xc] =	wrdreg s21  }
0x10: {  	s4 =	sadd.s32 $0x24C00, s0;
	s23 =	sadd.s32 s6, s13;
	[dreg:$0x10] =	wrdreg s16  }
0x11: {  	s8 =	sadd.s32 s4, s8;
	[dreg:$0x11] =	wrdreg s23  }
0x12: {  	s9 =	sadd.s32 s4, s9;
	[dreg:$0x1d] =	wrdreg s8  }
0x13: {  	s10 =	sadd.s32 s4, s10;
	[dreg:$0x1e] =	wrdreg s9  }
0x14: {  	s18 =	sadd.s32 $0x1800, s7;
	s5 =	sadd.s32 s4, s5;
	[dreg:$0x1f] =	wrdreg s10  }
0x15: {  	s24 =	sadd.s32 s6, s18;
	[smem:$0x7D8] =	sst s5  }
0x16: {  	s10 =	sadd.s32 s4, s13;
	[dreg:$0x14] =	wrdreg s24  }
0x17: {  	s11 =	sadd.s32 $0x800, s7;
	s13 =	sadd.s32 s4, s18;
	[smem:$0x7D9] =	sst s10  }
0x18: {  	s16 =	sadd.s32 $0x1400, s7;
	s14 =	sadd.s32 s6, s11;
	[smem:$0x7DC] =	sst s13  }
0x19: {  	s21 =	sadd.s32 $0x1E00, s7;
	s17 =	sadd.s32 s6, s16;
	[dreg:$0xb] =	wrdreg s14  }
0x1a: {  	s25 =	sadd.s32 s6, s21;
	[dreg:$0x12] =	wrdreg s17  }
0x1b: {  	s11 =	sadd.s32 s4, s11;
	[dreg:$0x17] =	wrdreg s25  }
0x1c: {  	[smem:$0x7D4] =	sst s11;
	s11 =	sadd.s32 s4, s16  }
0x1d: {  	s14 =	sadd.s32 $0xC00, s7;
	s16 =	sadd.s32 s4, s21;
	[smem:$0x7DA] =	sst s11  }
0x1e: {  	s17 =	sadd.s32 $0x1600, s7;
	s15 =	sadd.s32 s6, s14;
	[smem:$0x7DF] =	sst s16  }
0x1f: {  	s19 =	sadd.s32 s6, s17;
	[dreg:$0xd] =	wrdreg s15  }
0x20: {  	s8 =	sadd.s32 s4, s14;
	s15 =	sadd.s32 $0xE00, s7;
	[dreg:$0x13] =	wrdreg s19  }
0x21: {  	s19 =	sadd.s32 $0x1A00, s7;
	[smem:$0x7D6] =	sst s8;
	s22 =	sadd.s32 s6, s15  }
0x22: {  	s20 =	sadd.s32 s6, s19;
	[dreg:$0xf] =	wrdreg s22  }
0x23: {  	s9 =	sadd.s32 s4, s15;
	[dreg:$0x15] =	wrdreg s20  }
0x24: {  	s24 =	sadd.s32 $0x2400, s7;
	s14 =	sadd.s32 s4, s19;
	[smem:$0x7D7] =	sst s9  }
0x25: {  	s19 =	sadd.s32 s4, s24;
	s20 =	sadd.s32 $0x1C00, s7;
	[smem:$0x7DD] =	sst s14  }
0x26: {  	[smem:$0x7E2] =	sst s19;
	s22 =	sadd.s32 s6, s20  }
0x27: {  	s15 =	sadd.s32 s4, s20;
	[dreg:$0x16] =	wrdreg s22;
	s22 =	sadd.s32 $0x2000, s7  }
0x28: {  	[smem:$0x7DE] =	sst s15;
	s23 =	sadd.s32 s6, s22  }
0x29: {  	[dreg:$0x18] =	wrdreg s23;
	s23 =	sadd.s32 $0x2200, s7  }
0x2a: {  	s15 =	rddreg [dreg:$0x3];
	s25 =	sadd.s32 s6, s23  }
0x2b: {  	s18 =	sadd.s32 s4, s23;
	[dreg:$0x19] =	wrdreg s25  }
0x2c: {  	s25 =	sadd.s32 s6, s24;
	[smem:$0x7E1] =	sst s18  }
0x2d: {  	[dreg:$0x1a] =	wrdreg s25;
	s25 =	sadd.s32 $0x2600, s7;
	s7 =	sadd.s32 s4, s7  }
0x2e: {  	s6 =	sadd.s32 s6, s25;
	[dreg:$0x1c] =	wrdreg s7  }
0x2f: {  	s7 =	sadd.s32 s4, s12;
	[dreg:$0x1b] =	wrdreg s6  }
0x30: {  	s12 =	sadd.s32 s4, s17;
	[smem:$0x7D5] =	sst s7  }
0x31: {  	[smem:$0x7DB] =	sst s12  }
0x32: {  	s17 =	sadd.s32 s4, s22;
	s12 =	rddreg [dreg:$0x0]  }
0x33: {  	[smem:$0x7E0] =	sst s17  }
0x34: {  	s4 =	sadd.s32 s4, s25;
	s17 =	rddreg [dreg:$0x4]  }
0x35: {  	s20 =	smul.u32 $0x50000, s26;
	s23 =	sadd.s32 $0x10600, s0;
	[smem:$0x7E3] =	sst s4  }
0x36: {  	s24 =	sadd.s32 $0x1A400, s0;
	_ =	strace $0x80000047;
	[smem:$0x7E4] =	sst s23  }
0x37: {  	s21 =	sshrl.u32 s20, $0x2;
	s25 =	sadd.s32 $0xE00, s0;
	[smem:$0x7E5] =	sst s24  }
0x38: {  	s2 =	smax.u32 s2, $0x1;
	s19 =	sadd.s32 s21, s15;
	[smem:$0x7E6] =	sst s25  }
0x39: {  	s4 =	sadd.s32 $0x4000, s19;
	[smem:$0x7E9] =	sst s2  }
0x3a: {  	s5 =	sadd.s32 $0x5000, s19;
	[smem:$0x7EB] =	sst s4  }
0x3b: {  	s28 =	simm.s32 $0x8;
	s6 =	sadd.s32 $0x6000, s19;
	[smem:$0x7EC] =	sst s5  }
0x3c: {  	s29 =	simm.s32 $0x14280;
	s7 =	sadd.s32 $0x7000, s19;
	[smem:$0x7ED] =	sst s6  }
0x3d: {  	s30 =	simm.s32 $0x15000;
	s8 =	sadd.s32 $0x8000, s19;
	[smem:$0x7EE] =	sst s7  }
0x3e: {  	s31 =	simm.s32 $0x50;
	s9 =	sadd.s32 $0x9000, s19;
	[smem:$0x7EF] =	sst s8  }
0x3f: {  	s3 =	sshrl.u32 s3, $0x3;
	s10 =	sadd.s32 $0xA000, s19;
	[smem:$0x7F0] =	sst s9  }
0x40: {  	s3 =	sadd.s32 s3, s0;
	s11 =	sadd.s32 $0xB000, s19;
	[smem:$0x7F1] =	sst s10  }
0x41: {  	s20 =	sadd.s32 $0x1000, s19;
	s13 =	sadd.s32 $0xC000, s19;
	[smem:$0x7F2] =	sst s11  }
0x42: {  	s21 =	sadd.s32 $0x2000, s19;
	s14 =	sadd.s32 $0xD000, s19;
	[smem:$0x7F3] =	sst s13  }
0x43: {  	s16 =	sadd.s32 $0xE000, s19;
	s18 =	sadd.s32 $0xF000, s19;
	[smem:$0x7F4] =	sst s14  }
0x44: {  	s22 =	sadd.s32 $0x8A00, s0;
	s0 =	simm.s32 $0x15D80;
	[smem:$0x7F5] =	sst s16  }
0x45: {  	s26 =	sadd.s32 s1, s17;
	s1 =	sadd.s32 $0x24200, s3;
	[smem:$0x7F6] =	sst s18  }
0x46: {  	s3 =	sadd.s32 $0x3000, s19;
	s23 =	sadd.s32 $0x10000, s19;
	[smem:$0x7FB] =	sst s19  }
0x47: {  	s24 =	sadd.s32 $0x11000, s19;
	s25 =	sadd.s32 $0x12000, s19;
	[smem:$0x7FC] =	sst s20  }
0x48: {  	s4 =	simm.s32 $0x18580;
	s5 =	simm.s32 $0x14320;
	[smem:$0x7FD] =	sst s21  }
0x49: {  	s6 =	simm.s32 $0x1AD80;
	s7 =	simm.s32 $0x1;
	[smem:$0x7E7] =	sst s26  }
0x4a: {  	s8 =	simm.s32 $0x1E800;
	s9 =	simm.s32 $0x4;
	[smem:$0x7E8] =	sst s1  }
0x4b: {  	s11 =	simm.s32 $0x14370;
	s13 =	simm.s32 $0x2;
	[smem:$0x7EA] =	sst s3  }
0x4c: {  	s14 =	simm.s32 $0x15050;
	s16 =	simm.s32 $0x5;
	[smem:$0x7F7] =	sst s23  }
0x4d: {  	s18 =	simm.s32 $0x143C0;
	s10 =	simm.s32 $0x0;
	[smem:$0x7F8] =	sst s24  }
0x4e: {  	[smem:$0x7F9] =	sst s25;
	s26 =	sadd.s32 $0x13000, s19;
	s24 =	simm.s32 $0x1D580  }
0x4f: {  	s3 =	simm.s32 $0x142D0;
	s25 =	simm.s32 $0x3;
	s23 =	simm.s32 $0x6  }
0x50: {  	v0 =	vimm.f32 $0.0e+00;
	v1 =	vimm.f32 $1.000000000e+00;
	s1 =	simm.s32 $0x7;
	[smem:$0x7FA] =	sst s26;
	s26 =	simm.s32 $0x150A0  }
.LBB2_1:
0x51: {  	[smem:$0x7D3] =	sst s10;
	s2 =	simm.s32 $0x0;
	s10 =	simm.s32 $0x200  }
.LBB2_2:
0x52: {  	p0 =	sne.s32 s10, $0x3E00;
	[tilespmem:s2+$0x1D5F0] =	vst v0  }
0x53: {  	[tilespmem:s2+$0x1D580] =	vst v0  }
0x54: {  	[tilespmem:s2+$0x1D590] =	vst v0  }
.Ltmp0:
0x55: {  	[tilespmem:s2+$0x1D5A0] =	vst v0;
	(pc) =	sbr.rel @p0 .LBB2_2-.Ltmp0, $4  }
0x56: {  	[tilespmem:s2+$0x1D5B0] =	vst v0  }
0x57: {  	[tilespmem:s2+$0x1D5C0] =	vst v0  }
0x58: {  	[tilespmem:s2+$0x1D5D0] =	vst v0  }
0x59: {  	[tilespmem:s2+$0x1D5E0] =	vst v0;
	s2 =	sshra.s32 s10, $0x2;
	s10 =	sadd.s32 $0x200, s10  }
0x5a: {  	[tilespmem:s2+$0x1D5F0] =	vst v0  }
0x5b: {  	[tilespmem:s2+$0x1D580] =	vst v0  }
0x5c: {  	[tilespmem:s2+$0x1D590] =	vst v0  }
0x5d: {  	[tilespmem:s2+$0x1D5A0] =	vst v0  }
0x5e: {  	[tilespmem:s2+$0x1D5B0] =	vst v0  }
0x5f: {  	[tilespmem:s2+$0x1D5C0] =	vst v0  }
0x60: {  	[tilespmem:s2+$0x1D5D0] =	vst v0  }
0x61: {  	[tilespmem:s2+$0x1D5E0] =	vst v0  }
0x62: {  	[tilespmem:$0x1E580] =	vst v0  }
0x63: {  	[tilespmem:$0x1E590] =	vst v0  }
0x64: {  	[tilespmem:$0x1E5A0] =	vst v0  }
0x65: {  	[tilespmem:$0x1E5B0] =	vst v0  }
0x66: {  	[tilespmem:$0x1E5C0] =	vst v0  }
0x67: {  	[tilespmem:$0x1E5D0] =	vst v0  }
0x68: {  	[tilespmem:$0x1E5E0] =	vst v0  }
0x69: {  	[tilespmem:$0x1E5F0] =	vst v0  }
0x6a: {  	[tilespmem:$0x1E600] =	vst v0  }
0x6b: {  	[tilespmem:$0x1E610] =	vst v0  }
0x6c: {  	[tilespmem:$0x1E620] =	vst v0  }
0x6d: {  	[tilespmem:$0x1E630] =	vst v0  }
0x6e: {  	[tilespmem:$0x1E640] =	vst v0  }
0x6f: {  	[tilespmem:$0x1E650] =	vst v0  }
0x70: {  	[tilespmem:$0x1E660] =	vst v0  }
0x71: {  	[tilespmem:$0x1E670] =	vst v0  }
0x72: {  	[tilespmem:$0x1E680] =	vst v0  }
0x73: {  	[tilespmem:$0x1E690] =	vst v0  }
0x74: {  	[tilespmem:$0x1E6A0] =	vst v0  }
0x75: {  	[tilespmem:$0x1E6B0] =	vst v0  }
0x76: {  	[tilespmem:$0x1E6C0] =	vst v0  }
0x77: {  	[tilespmem:$0x1E6D0] =	vst v0  }
0x78: {  	[tilespmem:$0x1E6E0] =	vst v0  }
0x79: {  	[tilespmem:$0x1E6F0] =	vst v0  }
0x7a: {  	[tilespmem:$0x1E700] =	vst v0  }
0x7b: {  	[tilespmem:$0x1E710] =	vst v0  }
0x7c: {  	[tilespmem:$0x1E720] =	vst v0  }
0x7d: {  	[tilespmem:$0x1E730] =	vst v0  }
0x7e: {  	[tilespmem:$0x1E740] =	vst v0  }
0x7f: {  	[tilespmem:$0x1E750] =	vst v0  }
0x80: {  	[tilespmem:$0x1E760] =	vst v0  }
0x81: {  	[tilespmem:$0x1E770] =	vst v0  }
0x82: {  	[tilespmem:$0x1E780] =	vst v0  }
0x83: {  	[tilespmem:$0x1E790] =	vst v0  }
0x84: {  	[tilespmem:$0x1E7A0] =	vst v0  }
0x85: {  	[tilespmem:$0x1E7B0] =	vst v0  }
0x86: {  	[tilespmem:$0x1E7C0] =	vst v0  }
0x87: {  	[tilespmem:$0x1E7D0] =	vst v0  }
0x88: {  	[tilespmem:$0x1E7E0] =	vst v0  }
0x89: {  	[tilespmem:$0x1E7F0] =	vst v0  }
0x8a: {  	[tilespmem:$0x1E800] =	vst v1  }
0x8b: {  	[tilespmem:$0x1E810] =	vst v1  }
0x8c: {  	[tilespmem:$0x1E820] =	vst v1  }
0x8d: {  	[tilespmem:$0x1E830] =	vst v1  }
0x8e: {  	[tilespmem:$0x1E840] =	vst v1  }
0x8f: {  	[spmem:s19] =	stream.linear.scatter [tilespmem:s24], [sflag:$0x8], $0x1000, $0x38;
	[tilespmem:$0x1E880] =	vst v63  }
0x90: {  	_ =	swait.ge [sflag:s28], $0x1000  }
0x91: {  	[sflag:s28] =	ssyncset.done $0x0  }
0x92: {  	[sflag:s28] =	ssyncadd.s32 $0xFFFFF000  }
0x93: {  	[spmem:s20] =	stream.linear.scatter [tilespmem:s24], [sflag:$0x8], $0x1000, $0x38;
	[tilespmem:$0x1E880] =	vst v63  }
0x94: {  	_ =	swait.ge [sflag:s28], $0x1000  }
0x95: {  	[sflag:s28] =	ssyncset.done $0x0  }
0x96: {  	[sflag:s28] =	ssyncadd.s32 $0xFFFFF000  }
0x97: {  	[spmem:s21] =	stream.linear.scatter [tilespmem:s24], [sflag:$0x8], $0x1000, $0x38;
	[tilespmem:$0x1E880] =	vst v63  }
0x98: {  	_ =	swait.ge [sflag:s28], $0x1000  }
0x99: {  	s20 =	sld [smem:$0x7EA]  }
0x9a: {  	[sflag:s28] =	ssyncset.done $0x0  }
0x9b: {  	[sflag:s28] =	ssyncadd.s32 $0xFFFFF000  }
0x9c: {  	[spmem:s20] =	stream.linear.scatter [tilespmem:s24], [sflag:$0x8], $0x1000, $0x38;
	[tilespmem:$0x1E880] =	vst v63  }
0x9d: {  	_ =	swait.ge [sflag:s28], $0x1000  }
0x9e: {  	s21 =	sld [smem:$0x7EB]  }
0x9f: {  	[sflag:s28] =	ssyncset.done $0x0  }
0xa0: {  	[sflag:s28] =	ssyncadd.s32 $0xFFFFF000  }
0xa1: {  	[spmem:s21] =	stream.linear.scatter [tilespmem:s24], [sflag:$0x8], $0x1000, $0x38;
	[tilespmem:$0x1E880] =	vst v63  }
0xa2: {  	_ =	swait.ge [sflag:s28], $0x1000  }
0xa3: {  	s10 =	sld [smem:$0x7EC]  }
0xa4: {  	[sflag:s28] =	ssyncset.done $0x0  }
0xa5: {  	[sflag:s28] =	ssyncadd.s32 $0xFFFFF000  }
0xa6: {  	[spmem:s10] =	stream.linear.scatter [tilespmem:s24], [sflag:$0x8], $0x1000, $0x38;
	[tilespmem:$0x1E880] =	vst v63  }
0xa7: {  	_ =	swait.ge [sflag:s28], $0x1000  }
0xa8: {  	s19 =	sld [smem:$0x7ED]  }
0xa9: {  	[sflag:s28] =	ssyncset.done $0x0  }
0xaa: {  	[sflag:s28] =	ssyncadd.s32 $0xFFFFF000  }
0xab: {  	[spmem:s19] =	stream.linear.scatter [tilespmem:s24], [sflag:$0x8], $0x1000, $0x38;
	[tilespmem:$0x1E880] =	vst v63  }
0xac: {  	_ =	swait.ge [sflag:s28], $0x1000  }
0xad: {  	s20 =	sld [smem:$0x7EE]  }
0xae: {  	[sflag:s28] =	ssyncset.done $0x0  }
0xaf: {  	[sflag:s28] =	ssyncadd.s32 $0xFFFFF000  }
0xb0: {  	[spmem:s20] =	stream.linear.scatter [tilespmem:s24], [sflag:$0x8], $0x1000, $0x38;
	[tilespmem:$0x1E880] =	vst v63  }
0xb1: {  	_ =	swait.ge [sflag:s28], $0x1000  }
0xb2: {  	s21 =	sld [smem:$0x7EF]  }
0xb3: {  	[sflag:s28] =	ssyncset.done $0x0  }
0xb4: {  	[sflag:s28] =	ssyncadd.s32 $0xFFFFF000  }
0xb5: {  	[spmem:s21] =	stream.linear.scatter [tilespmem:s24], [sflag:$0x8], $0x1000, $0x38;
	[tilespmem:$0x1E880] =	vst v63  }
0xb6: {  	_ =	swait.ge [sflag:s28], $0x1000  }
0xb7: {  	s10 =	sld [smem:$0x7F0]  }
0xb8: {  	[sflag:s28] =	ssyncset.done $0x0  }
0xb9: {  	[sflag:s28] =	ssyncadd.s32 $0xFFFFF000  }
0xba: {  	[spmem:s10] =	stream.linear.scatter [tilespmem:s24], [sflag:$0x8], $0x1000, $0x38;
	[tilespmem:$0x1E880] =	vst v63  }
0xbb: {  	_ =	swait.ge [sflag:s28], $0x1000  }
0xbc: {  	s19 =	sld [smem:$0x7F1]  }
0xbd: {  	[sflag:s28] =	ssyncset.done $0x0  }
0xbe: {  	[sflag:s28] =	ssyncadd.s32 $0xFFFFF000  }
0xbf: {  	[spmem:s19] =	stream.linear.scatter [tilespmem:s24], [sflag:$0x8], $0x1000, $0x38;
	[tilespmem:$0x1E880] =	vst v63  }
0xc0: {  	_ =	swait.ge [sflag:s28], $0x1000  }
0xc1: {  	s20 =	sld [smem:$0x7F2]  }
0xc2: {  	[sflag:s28] =	ssyncset.done $0x0  }
0xc3: {  	[sflag:s28] =	ssyncadd.s32 $0xFFFFF000  }
0xc4: {  	[spmem:s20] =	stream.linear.scatter [tilespmem:s24], [sflag:$0x8], $0x1000, $0x38;
	[tilespmem:$0x1E880] =	vst v63  }
0xc5: {  	_ =	swait.ge [sflag:s28], $0x1000  }
0xc6: {  	s21 =	sld [smem:$0x7F3]  }
0xc7: {  	[sflag:s28] =	ssyncset.done $0x0  }
0xc8: {  	[sflag:s28] =	ssyncadd.s32 $0xFFFFF000  }
0xc9: {  	[spmem:s21] =	stream.linear.scatter [tilespmem:s24], [sflag:$0x8], $0x1000, $0x38;
	[tilespmem:$0x1E880] =	vst v63  }
0xca: {  	_ =	swait.ge [sflag:s28], $0x1000  }
0xcb: {  	s10 =	sld [smem:$0x7F4]  }
0xcc: {  	[sflag:s28] =	ssyncset.done $0x0  }
0xcd: {  	[sflag:s28] =	ssyncadd.s32 $0xFFFFF000  }
0xce: {  	[spmem:s10] =	stream.linear.scatter [tilespmem:s24], [sflag:$0x8], $0x1000, $0x38;
	[tilespmem:$0x1E880] =	vst v63  }
0xcf: {  	_ =	swait.ge [sflag:s28], $0x1000  }
0xd0: {  	s19 =	sld [smem:$0x7F5]  }
0xd1: {  	[sflag:s28] =	ssyncset.done $0x0  }
0xd2: {  	[sflag:s28] =	ssyncadd.s32 $0xFFFFF000  }
0xd3: {  	[spmem:s19] =	stream.linear.scatter [tilespmem:s24], [sflag:$0x8], $0x1000, $0x38;
	[tilespmem:$0x1E880] =	vst v63  }
0xd4: {  	_ =	swait.ge [sflag:s28], $0x1000  }
0xd5: {  	s20 =	sld [smem:$0x7F6]  }
0xd6: {  	[sflag:s28] =	ssyncset.done $0x0  }
0xd7: {  	[sflag:s28] =	ssyncadd.s32 $0xFFFFF000  }
0xd8: {  	[spmem:s20] =	stream.linear.scatter [tilespmem:s24], [sflag:$0x8], $0x1000, $0x38;
	[tilespmem:$0x1E880] =	vst v63  }
0xd9: {  	_ =	swait.ge [sflag:s28], $0x1000  }
0xda: {  	s21 =	sld [smem:$0x7F7]  }
0xdb: {  	[sflag:s28] =	ssyncset.done $0x0  }
0xdc: {  	[sflag:s28] =	ssyncadd.s32 $0xFFFFF000  }
0xdd: {  	[spmem:s21] =	stream.linear.scatter [tilespmem:s24], [sflag:$0x8], $0x1000, $0x38;
	[tilespmem:$0x1E880] =	vst v63  }
0xde: {  	_ =	swait.ge [sflag:s28], $0x1000  }
0xdf: {  	s10 =	sld [smem:$0x7F8]  }
0xe0: {  	[sflag:s28] =	ssyncset.done $0x0  }
0xe1: {  	[sflag:s28] =	ssyncadd.s32 $0xFFFFF000  }
0xe2: {  	[spmem:s10] =	stream.linear.scatter [tilespmem:s24], [sflag:$0x8], $0x1000, $0x38;
	[tilespmem:$0x1E880] =	vst v63  }
0xe3: {  	_ =	swait.ge [sflag:s28], $0x1000  }
0xe4: {  	s19 =	sld [smem:$0x7F9]  }
0xe5: {  	[sflag:s28] =	ssyncset.done $0x0  }
0xe6: {  	[sflag:s28] =	ssyncadd.s32 $0xFFFFF000  }
0xe7: {  	[spmem:s19] =	stream.linear.scatter [tilespmem:s24], [sflag:$0x8], $0x1000, $0x38;
	[tilespmem:$0x1E880] =	vst v63  }
0xe8: {  	_ =	swait.ge [sflag:s28], $0x1000  }
0xe9: {  	s20 =	sld [smem:$0x7FA]  }
0xea: {  	[sflag:s28] =	ssyncset.done $0x0  }
0xeb: {  	[sflag:s28] =	ssyncadd.s32 $0xFFFFF000  }
0xec: {  	[spmem:s20] =	stream.linear.scatter [tilespmem:s24], [sflag:$0x8], $0x1000, $0x38;
	[tilespmem:$0x1E880] =	vst v63  }
0xed: {  	_ =	swait.ge [sflag:s28], $0x1000  }
0xee: {  	s21 =	sld [smem:$0x7E7]  }
0xef: {  	[sflag:s28] =	ssyncset.done $0x0  }
0xf0: {  	s10 =	simm.s32 $0x1E580;
	[sflag:s28] =	ssyncadd.s32 $0xFFFFF000  }
0xf1: {  	[spmem:s21] =	stream.linear.scatter [tilespmem:s10], [sflag:$0x8], $0x280, $0x38;
	[tilespmem:$0x1E880] =	vst v63  }
0xf2: {  	_ =	swait.ge [sflag:s28], $0x280  }
0xf3: {  	[sflag:s28] =	ssyncset.done $0x0  }
0xf4: {  	[sflag:s28] =	ssyncadd.s32 $0xFFFFFD80  }
0xf5: {  	s2 =	simm.s32 $0x0;
	s10 =	simm.s32 $0x0;
	[bflag:$0x0] =	sbarrier.arrive $0xFFFF  }
.LBB2_4:
0xf6: {  	s19 =	smul.u32 $0xD20, s10;
	s20 =	rddreg [dreg:$0x6]  }
0xf7: {  	s21 =	sld [smem:$0x7E4]  }
0xf8: {  	s19 =	sadd.s32 s19, s20  }
0xf9: {  	s19 =	sshrl.u32 s19, $0x3  }
0xfa: {  	s20 =	sadd.s32 s21, s19  }
0xfb: {  	[tilespmem:s29], [sflag:$0x8] =	stream.linear.gather [hbm4b:s20+s2], $0xD20, $0x38;
	[tilespmem:$0x1E880] =	vst v63  }
0xfc: {  	_ =	swait.ge [sflag:s28], $0xD20  }
0xfd: {  	s21 =	sld [smem:$0x7E5];
	_ =	sdelay $0x1  }
0xfe: {  	[sflag:s28] =	ssyncset.done $0x0  }
0xff: {  	[sflag:s28] =	ssyncadd.s32 $0xFFFFF2E0;
	s19 =	sadd.s32 s21, s19  }
0x100: {  	[tilespmem:s30], [sflag:$0x8] =	stream.linear.gather [hbm4b:s19+s2], $0xD20, $0x38;
	[tilespmem:$0x1E880] =	vst v63  }
0x101: {  	_ =	swait.ge [sflag:s28], $0xD20  }
0x102: {  	[sflag:s28] =	ssyncset.done $0x0  }
0x103: {  	[sflag:s28] =	ssyncadd.s32 $0xFFFFF2E0  }
0x104: {  	[tilespmem:s0], [sflag:$0x1] =	stream.indirect.gather [hbm4b:s12+s31], $0x80, s29, s31, $0xb8;
	[tilespmem:$0x1E880] =	vst v63  }
0x105: {  	_ = 	snop  }
0x106: {  	[tilespmem:s4], [sflag:$0x2] =	stream.indirect.gather [hbm4b:s12+s31], $0x80, s3, s31, $0xb8;
	[tilespmem:$0x1E880] =	vst v63  }
0x107: {  	_ = 	snop  }
0x108: {  	[tilespmem:s6], [sflag:$0x3] =	stream.indirect.gather [hbm4b:s12+s31], $0x80, s5, s31, $0xb8;
	[tilespmem:$0x1E880] =	vst v63  }
0x109: {  	_ =	swait.ge [sflag:s7], $0x2800  }
0x10a: {  	[sflag:s7] =	ssyncset.done $0x0  }
0x10b: {  	[sflag:s7] =	ssyncadd.s32 $0xFFFFD800  }
0x10c: {  	[spmem:s15] =	stream.indirect.scatter.add.f32 [tilespmem:s0], [sflag:$0x4], $0x80, s30, s31, $0xb8;
	[tilespmem:$0x1E880] =	vst v63  }
0x10d: {  	_ = 	snop  }
0x10e: {  	[spmem:s17] =	stream.indirect.scatter.add.f32 [tilespmem:s8], [sflag:$0x7], $0x1, s30, s31, $0xb8;
	[tilespmem:$0x1E880] =	vst v63  }
0x10f: {  	_ =	swait.ge [sflag:s9], $0x2800  }
0x110: {  	[sflag:s9] =	ssyncset.done $0x0  }
0x111: {  	[sflag:s9] =	ssyncadd.s32 $0xFFFFD800  }
0x112: {  	[tilespmem:s0], [sflag:$0x1] =	stream.indirect.gather [hbm4b:s12+s31], $0x80, s11, s31, $0xb8;
	[tilespmem:$0x1E880] =	vst v63  }
0x113: {  	_ =	swait.ge [sflag:s13], $0x2800  }
0x114: {  	[sflag:s13] =	ssyncset.done $0x0  }
0x115: {  	[sflag:s13] =	ssyncadd.s32 $0xFFFFD800  }
0x116: {  	[spmem:s15] =	stream.indirect.scatter.add.f32 [tilespmem:s4], [sflag:$0x5], $0x80, s14, s31, $0xb8;
	[tilespmem:$0x1E880] =	vst v63  }
0x117: {  	_ = 	snop  }
0x118: {  	[spmem:s17] =	stream.indirect.scatter.add.f32 [tilespmem:s8], [sflag:$0x7], $0x1, s14, s31, $0xb8;
	[tilespmem:$0x1E880] =	vst v63  }
0x119: {  	_ =	swait.ge [sflag:s16], $0x2800  }
0x11a: {  	[sflag:s16] =	ssyncset.done $0x0  }
0x11b: {  	[sflag:s16] =	ssyncadd.s32 $0xFFFFD800  }
0x11c: {  	[tilespmem:s4], [sflag:$0x2] =	stream.indirect.gather [hbm4b:s12+s31], $0x80, s18, s31, $0xb8;
	[tilespmem:$0x1E880] =	vst v63  }
0x11d: {  	_ =	swait.ge [sflag:s25], $0x2800  }
0x11e: {  	[sflag:s25] =	ssyncset.done $0x0  }
0x11f: {  	[sflag:s25] =	ssyncadd.s32 $0xFFFFD800  }
0x120: {  	[spmem:s15] =	stream.indirect.scatter.add.f32 [tilespmem:s6], [sflag:$0x6], $0x80, s26, s31, $0xb8;
	[tilespmem:$0x1E880] =	vst v63  }
0x121: {  	_ = 	snop  }
0x122: {  	[spmem:s17] =	stream.indirect.scatter.add.f32 [tilespmem:s8], [sflag:$0x7], $0x1, s26, s31, $0xb8;
	[tilespmem:$0x1E880] =	vst v63  }
0x123: {  	_ =	swait.ge [sflag:s23], $0x2800  }
0x124: {  	[sflag:s23] =	ssyncset.done $0x0  }
0x125: {  	s21 =	simm.s32 $0x14410;
	[sflag:s23] =	ssyncadd.s32 $0xFFFFD800  }
0x126: {  	[tilespmem:s6], [sflag:$0x3] =	stream.indirect.gather [hbm4b:s12+s31], $0x80, s21, s31, $0xb8;
	[tilespmem:$0x1E880] =	vst v63  }
0x127: {  	_ =	swait.ge [sflag:s7], $0x2800  }
0x128: {  	[sflag:s7] =	ssyncset.done $0x0  }
0x129: {  	s20 =	simm.s32 $0x150F0;
	[sflag:s7] =	ssyncadd.s32 $0xFFFFD800  }
0x12a: {  	[spmem:s15] =	stream.indirect.scatter.add.f32 [tilespmem:s0], [sflag:$0x4], $0x80, s20, s31, $0xb8;
	[tilespmem:$0x1E880] =	vst v63  }
0x12b: {  	_ = 	snop  }
0x12c: {  	[spmem:s17] =	stream.indirect.scatter.add.f32 [tilespmem:s8], [sflag:$0x7], $0x1, s20, s31, $0xb8;
	[tilespmem:$0x1E880] =	vst v63  }
0x12d: {  	_ =	swait.ge [sflag:s9], $0x2800  }
0x12e: {  	[sflag:s9] =	ssyncset.done $0x0  }
0x12f: {  	s21 =	simm.s32 $0x14460;
	[sflag:s9] =	ssyncadd.s32 $0xFFFFD800  }
0x130: {  	[tilespmem:s0], [sflag:$0x1] =	stream.indirect.gather [hbm4b:s12+s31], $0x80, s21, s31, $0xb8;
	[tilespmem:$0x1E880] =	vst v63  }
0x131: {  	_ =	swait.ge [sflag:s13], $0x2800  }
0x132: {  	[sflag:s13] =	ssyncset.done $0x0  }
0x133: {  	s20 =	simm.s32 $0x15140;
	[sflag:s13] =	ssyncadd.s32 $0xFFFFD800  }
0x134: {  	[spmem:s15] =	stream.indirect.scatter.add.f32 [tilespmem:s4], [sflag:$0x5], $0x80, s20, s31, $0xb8;
	[tilespmem:$0x1E880] =	vst v63  }
0x135: {  	_ = 	snop  }
0x136: {  	[spmem:s17] =	stream.indirect.scatter.add.f32 [tilespmem:s8], [sflag:$0x7], $0x1, s20, s31, $0xb8;
	[tilespmem:$0x1E880] =	vst v63  }
0x137: {  	_ =	swait.ge [sflag:s16], $0x2800  }
0x138: {  	[sflag:s16] =	ssyncset.done $0x0  }
0x139: {  	s21 =	simm.s32 $0x144B0;
	[sflag:s16] =	ssyncadd.s32 $0xFFFFD800  }
0x13a: {  	[tilespmem:s4], [sflag:$0x2] =	stream.indirect.gather [hbm4b:s12+s31], $0x80, s21, s31, $0xb8;
	[tilespmem:$0x1E880] =	vst v63  }
0x13b: {  	_ =	swait.ge [sflag:s25], $0x2800  }
0x13c: {  	[sflag:s25] =	ssyncset.done $0x0  }
0x13d: {  	s19 =	simm.s32 $0x3C0;
	s20 =	simm.s32 $0x15190;
	[sflag:s25] =	ssyncadd.s32 $0xFFFFD800  }
0x13e: {  	[spmem:s15] =	stream.indirect.scatter.add.f32 [tilespmem:s6], [sflag:$0x6], $0x80, s20, s31, $0xb8;
	[tilespmem:$0x1E880] =	vst v63  }
.LBB2_5:
0x13f: {  	[spmem:s17] =	stream.indirect.scatter.add.f32 [tilespmem:s8], [sflag:$0x7], $0x1, s20, s31, $0xb8;
	[tilespmem:$0x1E880] =	vst v63  }
0x140: {  	s20 =	smov.u32 s19;
	s19 =	sadd.s32 $0x3C0, s19;
	_ =	swait.ge [sflag:s23], $0x2800  }
0x141: {  	s20 =	sshra.s32 s20, $0x2;
	p0 =	sne.s32 s19, $0x2D00;
	[sflag:s23] =	ssyncset.done $0x0  }
0x142: {  	s21 =	sadd.s32 $0x14410, s20;
	[sflag:s23] =	ssyncadd.s32 $0xFFFFD800  }
0x143: {  	[tilespmem:s6], [sflag:$0x3] =	stream.indirect.gather [hbm4b:s12+s31], $0x80, s21, s31, $0xb8;
	[tilespmem:$0x1E880] =	vst v63  }
0x144: {  	_ =	swait.ge [sflag:s7], $0x2800  }
0x145: {  	[sflag:s7] =	ssyncset.done $0x0  }
0x146: {  	s21 =	sadd.s32 $0x150F0, s20;
	[sflag:s7] =	ssyncadd.s32 $0xFFFFD800  }
0x147: {  	[spmem:s15] =	stream.indirect.scatter.add.f32 [tilespmem:s0], [sflag:$0x4], $0x80, s21, s31, $0xb8;
	[tilespmem:$0x1E880] =	vst v63  }
0x148: {  	_ = 	snop  }
0x149: {  	[spmem:s17] =	stream.indirect.scatter.add.f32 [tilespmem:s8], [sflag:$0x7], $0x1, s21, s31, $0xb8;
	[tilespmem:$0x1E880] =	vst v63  }
0x14a: {  	_ =	swait.ge [sflag:s9], $0x2800  }
0x14b: {  	[sflag:s9] =	ssyncset.done $0x0  }
0x14c: {  	s21 =	sadd.s32 $0x14460, s20;
	[sflag:s9] =	ssyncadd.s32 $0xFFFFD800  }
0x14d: {  	[tilespmem:s0], [sflag:$0x1] =	stream.indirect.gather [hbm4b:s12+s31], $0x80, s21, s31, $0xb8;
	[tilespmem:$0x1E880] =	vst v63  }
0x14e: {  	_ =	swait.ge [sflag:s13], $0x2800  }
0x14f: {  	[sflag:s13] =	ssyncset.done $0x0  }
0x150: {  	s21 =	sadd.s32 $0x15140, s20;
	[sflag:s13] =	ssyncadd.s32 $0xFFFFD800  }
0x151: {  	[spmem:s15] =	stream.indirect.scatter.add.f32 [tilespmem:s4], [sflag:$0x5], $0x80, s21, s31, $0xb8;
	[tilespmem:$0x1E880] =	vst v63  }
0x152: {  	_ = 	snop  }
0x153: {  	[spmem:s17] =	stream.indirect.scatter.add.f32 [tilespmem:s8], [sflag:$0x7], $0x1, s21, s31, $0xb8;
	[tilespmem:$0x1E880] =	vst v63  }
0x154: {  	_ =	swait.ge [sflag:s16], $0x2800  }
0x155: {  	[sflag:s16] =	ssyncset.done $0x0  }
0x156: {  	s21 =	sadd.s32 $0x144B0, s20;
	[sflag:s16] =	ssyncadd.s32 $0xFFFFD800  }
0x157: {  	[tilespmem:s4], [sflag:$0x2] =	stream.indirect.gather [hbm4b:s12+s31], $0x80, s21, s31, $0xb8;
	[tilespmem:$0x1E880] =	vst v63  }
.Ltmp1:
0x158: {  	_ = 	snop;
	(pc) =	sbr.rel @p0 .LBB2_5-.Ltmp1, $4  }
0x159: {  	_ =	swait.ge [sflag:s25], $0x2800  }
0x15a: {  	[sflag:s25] =	ssyncset.done $0x0  }
0x15b: {  	s20 =	sadd.s32 $0x15190, s20;
	[sflag:s25] =	ssyncadd.s32 $0xFFFFD800  }
0x15c: {  	[spmem:s15] =	stream.indirect.scatter.add.f32 [tilespmem:s6], [sflag:$0x6], $0x80, s20, s31, $0xb8;
	[tilespmem:$0x1E880] =	vst v63  }
0x15d: {  	[spmem:s17] =	stream.indirect.scatter.add.f32 [tilespmem:s8], [sflag:$0x7], $0x1, s20, s31, $0xb8;
	[tilespmem:$0x1E880] =	vst v63  }
0x15e: {  	_ =	swait.ge [sflag:s23], $0x2800  }
0x15f: {  	s19 =	sshra.s32 s19, $0x2;
	[sflag:s23] =	ssyncset.done $0x0  }
0x160: {  	s21 =	sadd.s32 $0x14410, s19;
	[sflag:s23] =	ssyncadd.s32 $0xFFFFD800  }
0x161: {  	[tilespmem:s6], [sflag:$0x3] =	stream.indirect.gather [hbm4b:s12+s31], $0x80, s21, s31, $0xb8;
	[tilespmem:$0x1E880] =	vst v63  }
0x162: {  	_ =	swait.ge [sflag:s7], $0x2800  }
0x163: {  	[sflag:s7] =	ssyncset.done $0x0  }
0x164: {  	s21 =	sadd.s32 $0x150F0, s19;
	[sflag:s7] =	ssyncadd.s32 $0xFFFFD800  }
0x165: {  	[spmem:s15] =	stream.indirect.scatter.add.f32 [tilespmem:s0], [sflag:$0x4], $0x80, s21, s31, $0xb8;
	[tilespmem:$0x1E880] =	vst v63  }
0x166: {  	_ = 	snop  }
0x167: {  	[spmem:s17] =	stream.indirect.scatter.add.f32 [tilespmem:s8], [sflag:$0x7], $0x1, s21, s31, $0xb8;
	[tilespmem:$0x1E880] =	vst v63  }
0x168: {  	_ =	swait.ge [sflag:s13], $0x2800  }
0x169: {  	[sflag:s13] =	ssyncset.done $0x0  }
0x16a: {  	s21 =	sadd.s32 $0x15140, s19;
	[sflag:s13] =	ssyncadd.s32 $0xFFFFD800  }
0x16b: {  	[spmem:s15] =	stream.indirect.scatter.add.f32 [tilespmem:s4], [sflag:$0x5], $0x80, s21, s31, $0xb8;
	[tilespmem:$0x1E880] =	vst v63  }
0x16c: {  	_ = 	snop  }
0x16d: {  	[spmem:s17] =	stream.indirect.scatter.add.f32 [tilespmem:s8], [sflag:$0x7], $0x1, s21, s31, $0xb8;
	[tilespmem:$0x1E880] =	vst v63  }
0x16e: {  	_ =	swait.ge [sflag:s25], $0x2800  }
0x16f: {  	[sflag:s25] =	ssyncset.done $0x0  }
0x170: {  	s19 =	sadd.s32 $0x15190, s19;
	[sflag:s25] =	ssyncadd.s32 $0xFFFFD800  }
0x171: {  	[spmem:s15] =	stream.indirect.scatter.add.f32 [tilespmem:s6], [sflag:$0x6], $0x80, s19, s31, $0xb8;
	[tilespmem:$0x1E880] =	vst v63  }
0x172: {  	_ = 	snop  }
0x173: {  	[spmem:s17] =	stream.indirect.scatter.add.f32 [tilespmem:s8], [sflag:$0x7], $0x1, s19, s31, $0xb8;
	[tilespmem:$0x1E880] =	vst v63  }
0x174: {  	_ =	swait.ge [sflag:s9], $0x2800  }
0x175: {  	[sflag:s9] =	ssyncset.done $0x0  }
0x176: {  	[sflag:s9] =	ssyncadd.s32 $0xFFFFD800  }
0x177: {  	_ =	swait.ge [sflag:s16], $0x2800  }
0x178: {  	[sflag:s16] =	ssyncset.done $0x0  }
0x179: {  	[sflag:s16] =	ssyncadd.s32 $0xFFFFD800  }
0x17a: {  	_ =	swait.ge [sflag:s23], $0x2800  }
0x17b: {  	[sflag:s23] =	ssyncset.done $0x0  }
0x17c: {  	[sflag:s23] =	ssyncadd.s32 $0xFFFFD800  }
0x17d: {  	_ =	swait.ge [sflag:s1], $0x50  }
0x17e: {  	s19 =	simm.s32 $0x29;
	[sflag:s1] =	ssyncset.done $0x0  }
.LBB2_7:
0x17f: {  	p0 =	sne.s32 s19, $0x1;
	s19 =	sadd.s32 $0xFFFFFFFF, s19;
	[sflag:s1] =	ssyncadd.s32 $0xFFFFFFB0  }
.Ltmp2:
0x180: {  	(pc) =	sbr.rel @p0 .LBB2_7-.Ltmp2, $3  }
0x181: {  	_ =	sdelay $0x1  }
0x182: {  	_ =	swait.ge [sflag:s1], $0x50  }
0x183: {  	[sflag:s1] =	ssyncset.done $0x0  }
0x184: {  	s10 =	sadd.s32 $0x1, s10  }
0x185: {  	p0 =	sne.s32 s10, $0x3  }
.Ltmp3:
0x186: {  	_ = 	snop;
	(pc) =	sbr.rel @p0 .LBB2_4-.Ltmp3, $2  }
0x187: {  	_ =	sdelay $0x2  }
0x188: {  	[sflag:s1] =	ssyncadd.s32 $0xFFFFFFB0  }
0x189: {  	[bflag:$0x0] =	sbarrier.arrive $0xFFFF  }
0x18a: {  	s2 =	sld [smem:$0x7FB];
	_ =	sdelay $0x2  }
0x18b: {  	[tilespmem:s24], [sflag:$0x8] =	stream.linear.gather [spmem:s2], $0x1000, $0x38;
	[tilespmem:$0x1E880] =	vst v63  }
0x18c: {  	_ =	swait.ge [sflag:s28], $0x1000  }
0x18d: {  	[sflag:s28] =	ssyncset.done $0x0  }
0x18e: {  	s2 =	simm.s32 $0x0;
	s10 =	rddreg [dreg:$0x7];
	[sflag:s28] =	ssyncadd.s32 $0xFFFFF000  }
0x18f: {  	[hbm4b:s10+s2] =	stream.linear.scatter [tilespmem:s24], [sflag:$0x8], $0x1000, $0x38;
	[tilespmem:$0x1E880] =	vst v63  }
0x190: {  	_ =	swait.ge [sflag:s28], $0x1000  }
0x191: {  	s20 =	sld [smem:$0x7FC]  }
0x192: {  	[sflag:s28] =	ssyncset.done $0x0  }
0x193: {  	[sflag:s28] =	ssyncadd.s32 $0xFFFFF000  }
0x194: {  	[tilespmem:s24], [sflag:$0x8] =	stream.linear.gather [spmem:s20], $0x1000, $0x38;
	[tilespmem:$0x1E880] =	vst v63  }
0x195: {  	_ =	swait.ge [sflag:s28], $0x1000  }
0x196: {  	[sflag:s28] =	ssyncset.done $0x0  }
0x197: {  	s21 =	rddreg [dreg:$0x8];
	[sflag:s28] =	ssyncadd.s32 $0xFFFFF000  }
0x198: {  	[hbm4b:s21+s2] =	stream.linear.scatter [tilespmem:s24], [sflag:$0x8], $0x1000, $0x38;
	[tilespmem:$0x1E880] =	vst v63  }
0x199: {  	_ =	swait.ge [sflag:s28], $0x1000  }
0x19a: {  	s21 =	sld [smem:$0x7FD]  }
0x19b: {  	[sflag:s28] =	ssyncset.done $0x0  }
0x19c: {  	[sflag:s28] =	ssyncadd.s32 $0xFFFFF000  }
0x19d: {  	[tilespmem:s24], [sflag:$0x8] =	stream.linear.gather [spmem:s21], $0x1000, $0x38;
	[tilespmem:$0x1E880] =	vst v63  }
0x19e: {  	_ =	swait.ge [sflag:s28], $0x1000  }
0x19f: {  	[sflag:s28] =	ssyncset.done $0x0  }
0x1a0: {  	s19 =	rddreg [dreg:$0x9];
	[sflag:s28] =	ssyncadd.s32 $0xFFFFF000  }
0x1a1: {  	[hbm4b:s19+s2] =	stream.linear.scatter [tilespmem:s24], [sflag:$0x8], $0x1000, $0x38;
	[tilespmem:$0x1E880] =	vst v63  }
0x1a2: {  	_ =	swait.ge [sflag:s28], $0x1000  }
0x1a3: {  	s19 =	sld [smem:$0x7EA]  }
0x1a4: {  	[sflag:s28] =	ssyncset.done $0x0  }
0x1a5: {  	[sflag:s28] =	ssyncadd.s32 $0xFFFFF000  }
0x1a6: {  	[tilespmem:s24], [sflag:$0x8] =	stream.linear.gather [spmem:s19], $0x1000, $0x38;
	[tilespmem:$0x1E880] =	vst v63  }
0x1a7: {  	_ =	swait.ge [sflag:s28], $0x1000  }
0x1a8: {  	[sflag:s28] =	ssyncset.done $0x0  }
0x1a9: {  	s19 =	rddreg [dreg:$0xa];
	[sflag:s28] =	ssyncadd.s32 $0xFFFFF000  }
0x1aa: {  	[hbm4b:s19+s2] =	stream.linear.scatter [tilespmem:s24], [sflag:$0x8], $0x1000, $0x38;
	[tilespmem:$0x1E880] =	vst v63  }
0x1ab: {  	_ =	swait.ge [sflag:s28], $0x1000  }
0x1ac: {  	s19 =	sld [smem:$0x7EB]  }
0x1ad: {  	[sflag:s28] =	ssyncset.done $0x0  }
0x1ae: {  	[sflag:s28] =	ssyncadd.s32 $0xFFFFF000  }
0x1af: {  	[tilespmem:s24], [sflag:$0x8] =	stream.linear.gather [spmem:s19], $0x1000, $0x38;
	[tilespmem:$0x1E880] =	vst v63  }
0x1b0: {  	_ =	swait.ge [sflag:s28], $0x1000  }
0x1b1: {  	[sflag:s28] =	ssyncset.done $0x0  }
0x1b2: {  	s19 =	rddreg [dreg:$0xb];
	[sflag:s28] =	ssyncadd.s32 $0xFFFFF000  }
0x1b3: {  	[hbm4b:s19+s2] =	stream.linear.scatter [tilespmem:s24], [sflag:$0x8], $0x1000, $0x38;
	[tilespmem:$0x1E880] =	vst v63  }
0x1b4: {  	_ =	swait.ge [sflag:s28], $0x1000  }
0x1b5: {  	s19 =	sld [smem:$0x7EC]  }
0x1b6: {  	[sflag:s28] =	ssyncset.done $0x0  }
0x1b7: {  	[sflag:s28] =	ssyncadd.s32 $0xFFFFF000  }
0x1b8: {  	[tilespmem:s24], [sflag:$0x8] =	stream.linear.gather [spmem:s19], $0x1000, $0x38;
	[tilespmem:$0x1E880] =	vst v63  }
0x1b9: {  	_ =	swait.ge [sflag:s28], $0x1000  }
0x1ba: {  	[sflag:s28] =	ssyncset.done $0x0  }
0x1bb: {  	s19 =	rddreg [dreg:$0xc];
	[sflag:s28] =	ssyncadd.s32 $0xFFFFF000  }
0x1bc: {  	[hbm4b:s19+s2] =	stream.linear.scatter [tilespmem:s24], [sflag:$0x8], $0x1000, $0x38;
	[tilespmem:$0x1E880] =	vst v63  }
0x1bd: {  	_ =	swait.ge [sflag:s28], $0x1000  }
0x1be: {  	s19 =	sld [smem:$0x7ED]  }
0x1bf: {  	[sflag:s28] =	ssyncset.done $0x0  }
0x1c0: {  	[sflag:s28] =	ssyncadd.s32 $0xFFFFF000  }
0x1c1: {  	[tilespmem:s24], [sflag:$0x8] =	stream.linear.gather [spmem:s19], $0x1000, $0x38;
	[tilespmem:$0x1E880] =	vst v63  }
0x1c2: {  	_ =	swait.ge [sflag:s28], $0x1000  }
0x1c3: {  	[sflag:s28] =	ssyncset.done $0x0  }
0x1c4: {  	s19 =	rddreg [dreg:$0xd];
	[sflag:s28] =	ssyncadd.s32 $0xFFFFF000  }
0x1c5: {  	[hbm4b:s19+s2] =	stream.linear.scatter [tilespmem:s24], [sflag:$0x8], $0x1000, $0x38;
	[tilespmem:$0x1E880] =	vst v63  }
0x1c6: {  	_ =	swait.ge [sflag:s28], $0x1000  }
0x1c7: {  	s19 =	sld [smem:$0x7EE]  }
0x1c8: {  	[sflag:s28] =	ssyncset.done $0x0  }
0x1c9: {  	[sflag:s28] =	ssyncadd.s32 $0xFFFFF000  }
0x1ca: {  	[tilespmem:s24], [sflag:$0x8] =	stream.linear.gather [spmem:s19], $0x1000, $0x38;
	[tilespmem:$0x1E880] =	vst v63  }
0x1cb: {  	_ =	swait.ge [sflag:s28], $0x1000  }
0x1cc: {  	[sflag:s28] =	ssyncset.done $0x0  }
0x1cd: {  	s19 =	rddreg [dreg:$0xf];
	[sflag:s28] =	ssyncadd.s32 $0xFFFFF000  }
0x1ce: {  	[hbm4b:s19+s2] =	stream.linear.scatter [tilespmem:s24], [sflag:$0x8], $0x1000, $0x38;
	[tilespmem:$0x1E880] =	vst v63  }
0x1cf: {  	_ =	swait.ge [sflag:s28], $0x1000  }
0x1d0: {  	s19 =	sld [smem:$0x7EF]  }
0x1d1: {  	[sflag:s28] =	ssyncset.done $0x0  }
0x1d2: {  	[sflag:s28] =	ssyncadd.s32 $0xFFFFF000  }
0x1d3: {  	[tilespmem:s24], [sflag:$0x8] =	stream.linear.gather [spmem:s19], $0x1000, $0x38;
	[tilespmem:$0x1E880] =	vst v63  }
0x1d4: {  	_ =	swait.ge [sflag:s28], $0x1000  }
0x1d5: {  	[sflag:s28] =	ssyncset.done $0x0  }
0x1d6: {  	s19 =	rddreg [dreg:$0x10];
	[sflag:s28] =	ssyncadd.s32 $0xFFFFF000  }
0x1d7: {  	[hbm4b:s19+s2] =	stream.linear.scatter [tilespmem:s24], [sflag:$0x8], $0x1000, $0x38;
	[tilespmem:$0x1E880] =	vst v63  }
0x1d8: {  	_ =	swait.ge [sflag:s28], $0x1000  }
0x1d9: {  	s19 =	sld [smem:$0x7F0]  }
0x1da: {  	[sflag:s28] =	ssyncset.done $0x0  }
0x1db: {  	[sflag:s28] =	ssyncadd.s32 $0xFFFFF000  }
0x1dc: {  	[tilespmem:s24], [sflag:$0x8] =	stream.linear.gather [spmem:s19], $0x1000, $0x38;
	[tilespmem:$0x1E880] =	vst v63  }
0x1dd: {  	_ =	swait.ge [sflag:s28], $0x1000  }
0x1de: {  	[sflag:s28] =	ssyncset.done $0x0  }
0x1df: {  	s19 =	rddreg [dreg:$0x11];
	[sflag:s28] =	ssyncadd.s32 $0xFFFFF000  }
0x1e0: {  	[hbm4b:s19+s2] =	stream.linear.scatter [tilespmem:s24], [sflag:$0x8], $0x1000, $0x38;
	[tilespmem:$0x1E880] =	vst v63  }
0x1e1: {  	_ =	swait.ge [sflag:s28], $0x1000  }
0x1e2: {  	s19 =	sld [smem:$0x7F1]  }
0x1e3: {  	[sflag:s28] =	ssyncset.done $0x0  }
0x1e4: {  	[sflag:s28] =	ssyncadd.s32 $0xFFFFF000  }
0x1e5: {  	[tilespmem:s24], [sflag:$0x8] =	stream.linear.gather [spmem:s19], $0x1000, $0x38;
	[tilespmem:$0x1E880] =	vst v63  }
0x1e6: {  	_ =	swait.ge [sflag:s28], $0x1000  }
0x1e7: {  	[sflag:s28] =	ssyncset.done $0x0  }
0x1e8: {  	s19 =	rddreg [dreg:$0x12];
	[sflag:s28] =	ssyncadd.s32 $0xFFFFF000  }
0x1e9: {  	[hbm4b:s19+s2] =	stream.linear.scatter [tilespmem:s24], [sflag:$0x8], $0x1000, $0x38;
	[tilespmem:$0x1E880] =	vst v63  }
0x1ea: {  	_ =	swait.ge [sflag:s28], $0x1000  }
0x1eb: {  	s19 =	sld [smem:$0x7F2]  }
0x1ec: {  	[sflag:s28] =	ssyncset.done $0x0  }
0x1ed: {  	[sflag:s28] =	ssyncadd.s32 $0xFFFFF000  }
0x1ee: {  	[tilespmem:s24], [sflag:$0x8] =	stream.linear.gather [spmem:s19], $0x1000, $0x38;
	[tilespmem:$0x1E880] =	vst v63  }
0x1ef: {  	_ =	swait.ge [sflag:s28], $0x1000  }
0x1f0: {  	[sflag:s28] =	ssyncset.done $0x0  }
0x1f1: {  	s19 =	rddreg [dreg:$0x13];
	[sflag:s28] =	ssyncadd.s32 $0xFFFFF000  }
0x1f2: {  	[hbm4b:s19+s2] =	stream.linear.scatter [tilespmem:s24], [sflag:$0x8], $0x1000, $0x38;
	[tilespmem:$0x1E880] =	vst v63  }
0x1f3: {  	_ =	swait.ge [sflag:s28], $0x1000  }
0x1f4: {  	s19 =	sld [smem:$0x7F3]  }
0x1f5: {  	[sflag:s28] =	ssyncset.done $0x0  }
0x1f6: {  	[sflag:s28] =	ssyncadd.s32 $0xFFFFF000  }
0x1f7: {  	[tilespmem:s24], [sflag:$0x8] =	stream.linear.gather [spmem:s19], $0x1000, $0x38;
	[tilespmem:$0x1E880] =	vst v63  }
0x1f8: {  	_ =	swait.ge [sflag:s28], $0x1000  }
0x1f9: {  	[sflag:s28] =	ssyncset.done $0x0  }
0x1fa: {  	s19 =	rddreg [dreg:$0x14];
	[sflag:s28] =	ssyncadd.s32 $0xFFFFF000  }
0x1fb: {  	[hbm4b:s19+s2] =	stream.linear.scatter [tilespmem:s24], [sflag:$0x8], $0x1000, $0x38;
	[tilespmem:$0x1E880] =	vst v63  }
0x1fc: {  	_ =	swait.ge [sflag:s28], $0x1000  }
0x1fd: {  	s19 =	sld [smem:$0x7F4]  }
0x1fe: {  	[sflag:s28] =	ssyncset.done $0x0  }
0x1ff: {  	[sflag:s28] =	ssyncadd.s32 $0xFFFFF000  }
0x200: {  	[tilespmem:s24], [sflag:$0x8] =	stream.linear.gather [spmem:s19], $0x1000, $0x38;
	[tilespmem:$0x1E880] =	vst v63  }
0x201: {  	_ =	swait.ge [sflag:s28], $0x1000  }
0x202: {  	[sflag:s28] =	ssyncset.done $0x0  }
0x203: {  	s19 =	rddreg [dreg:$0x15];
	[sflag:s28] =	ssyncadd.s32 $0xFFFFF000  }
0x204: {  	[hbm4b:s19+s2] =	stream.linear.scatter [tilespmem:s24], [sflag:$0x8], $0x1000, $0x38;
	[tilespmem:$0x1E880] =	vst v63  }
0x205: {  	_ =	swait.ge [sflag:s28], $0x1000  }
0x206: {  	s19 =	sld [smem:$0x7F5]  }
0x207: {  	[sflag:s28] =	ssyncset.done $0x0  }
0x208: {  	[sflag:s28] =	ssyncadd.s32 $0xFFFFF000  }
0x209: {  	[tilespmem:s24], [sflag:$0x8] =	stream.linear.gather [spmem:s19], $0x1000, $0x38;
	[tilespmem:$0x1E880] =	vst v63  }
0x20a: {  	_ =	swait.ge [sflag:s28], $0x1000  }
0x20b: {  	[sflag:s28] =	ssyncset.done $0x0  }
0x20c: {  	s19 =	rddreg [dreg:$0x16];
	[sflag:s28] =	ssyncadd.s32 $0xFFFFF000  }
0x20d: {  	[hbm4b:s19+s2] =	stream.linear.scatter [tilespmem:s24], [sflag:$0x8], $0x1000, $0x38;
	[tilespmem:$0x1E880] =	vst v63  }
0x20e: {  	_ =	swait.ge [sflag:s28], $0x1000  }
0x20f: {  	s19 =	sld [smem:$0x7F6]  }
0x210: {  	[sflag:s28] =	ssyncset.done $0x0  }
0x211: {  	[sflag:s28] =	ssyncadd.s32 $0xFFFFF000  }
0x212: {  	[tilespmem:s24], [sflag:$0x8] =	stream.linear.gather [spmem:s19], $0x1000, $0x38;
	[tilespmem:$0x1E880] =	vst v63  }
0x213: {  	_ =	swait.ge [sflag:s28], $0x1000  }
0x214: {  	[sflag:s28] =	ssyncset.done $0x0  }
0x215: {  	s19 =	rddreg [dreg:$0x17];
	[sflag:s28] =	ssyncadd.s32 $0xFFFFF000  }
0x216: {  	[hbm4b:s19+s2] =	stream.linear.scatter [tilespmem:s24], [sflag:$0x8], $0x1000, $0x38;
	[tilespmem:$0x1E880] =	vst v63  }
0x217: {  	_ =	swait.ge [sflag:s28], $0x1000  }
0x218: {  	s19 =	sld [smem:$0x7F7]  }
0x219: {  	[sflag:s28] =	ssyncset.done $0x0  }
0x21a: {  	[sflag:s28] =	ssyncadd.s32 $0xFFFFF000  }
0x21b: {  	[tilespmem:s24], [sflag:$0x8] =	stream.linear.gather [spmem:s19], $0x1000, $0x38;
	[tilespmem:$0x1E880] =	vst v63  }
0x21c: {  	_ =	swait.ge [sflag:s28], $0x1000  }
0x21d: {  	[sflag:s28] =	ssyncset.done $0x0  }
0x21e: {  	s19 =	rddreg [dreg:$0x18];
	[sflag:s28] =	ssyncadd.s32 $0xFFFFF000  }
0x21f: {  	[hbm4b:s19+s2] =	stream.linear.scatter [tilespmem:s24], [sflag:$0x8], $0x1000, $0x38;
	[tilespmem:$0x1E880] =	vst v63  }
0x220: {  	_ =	swait.ge [sflag:s28], $0x1000  }
0x221: {  	s19 =	sld [smem:$0x7F8]  }
0x222: {  	[sflag:s28] =	ssyncset.done $0x0  }
0x223: {  	[sflag:s28] =	ssyncadd.s32 $0xFFFFF000  }
0x224: {  	[tilespmem:s24], [sflag:$0x8] =	stream.linear.gather [spmem:s19], $0x1000, $0x38;
	[tilespmem:$0x1E880] =	vst v63  }
0x225: {  	_ =	swait.ge [sflag:s28], $0x1000  }
0x226: {  	[sflag:s28] =	ssyncset.done $0x0  }
0x227: {  	s19 =	rddreg [dreg:$0x19];
	[sflag:s28] =	ssyncadd.s32 $0xFFFFF000  }
0x228: {  	[hbm4b:s19+s2] =	stream.linear.scatter [tilespmem:s24], [sflag:$0x8], $0x1000, $0x38;
	[tilespmem:$0x1E880] =	vst v63  }
0x229: {  	_ =	swait.ge [sflag:s28], $0x1000  }
0x22a: {  	s19 =	sld [smem:$0x7F9]  }
0x22b: {  	[sflag:s28] =	ssyncset.done $0x0  }
0x22c: {  	[sflag:s28] =	ssyncadd.s32 $0xFFFFF000  }
0x22d: {  	[tilespmem:s24], [sflag:$0x8] =	stream.linear.gather [spmem:s19], $0x1000, $0x38;
	[tilespmem:$0x1E880] =	vst v63  }
0x22e: {  	_ =	swait.ge [sflag:s28], $0x1000  }
0x22f: {  	[sflag:s28] =	ssyncset.done $0x0  }
0x230: {  	s19 =	rddreg [dreg:$0x1a];
	[sflag:s28] =	ssyncadd.s32 $0xFFFFF000  }
0x231: {  	[hbm4b:s19+s2] =	stream.linear.scatter [tilespmem:s24], [sflag:$0x8], $0x1000, $0x38;
	[tilespmem:$0x1E880] =	vst v63  }
0x232: {  	_ =	swait.ge [sflag:s28], $0x1000  }
0x233: {  	s19 =	sld [smem:$0x7FA]  }
0x234: {  	[sflag:s28] =	ssyncset.done $0x0  }
0x235: {  	[sflag:s28] =	ssyncadd.s32 $0xFFFFF000  }
0x236: {  	[tilespmem:s24], [sflag:$0x8] =	stream.linear.gather [spmem:s19], $0x1000, $0x38;
	[tilespmem:$0x1E880] =	vst v63  }
0x237: {  	_ =	swait.ge [sflag:s28], $0x1000  }
0x238: {  	[sflag:s28] =	ssyncset.done $0x0  }
0x239: {  	s19 =	rddreg [dreg:$0x1b];
	[sflag:s28] =	ssyncadd.s32 $0xFFFFF000  }
0x23a: {  	[hbm4b:s19+s2] =	stream.linear.scatter [tilespmem:s24], [sflag:$0x8], $0x1000, $0x38;
	[tilespmem:$0x1E880] =	vst v63  }
0x23b: {  	_ =	swait.ge [sflag:s28], $0x1000  }
0x23c: {  	s10 =	sld [smem:$0x7E7]  }
0x23d: {  	[sflag:s28] =	ssyncset.done $0x0  }
0x23e: {  	s19 =	simm.s32 $0x1E580;
	[sflag:s28] =	ssyncadd.s32 $0xFFFFF000  }
0x23f: {  	[tilespmem:s19], [sflag:$0x8] =	stream.linear.gather [spmem:s10], $0x280, $0x38;
	[tilespmem:$0x1E880] =	vst v63  }
0x240: {  	_ =	swait.ge [sflag:s28], $0x280  }
0x241: {  	s10 =	sld [smem:$0x7E8]  }
0x242: {  	[sflag:s28] =	ssyncset.done $0x0  }
0x243: {  	[sflag:s28] =	ssyncadd.s32 $0xFFFFFD80  }
0x244: {  	[hbm4b:s10+s2] =	stream.linear.scatter [tilespmem:s19], [sflag:$0x8], $0x280, $0x38;
	[tilespmem:$0x1E880] =	vst v63  }
0x245: {  	_ =	swait.ge [sflag:s28], $0x280  }
0x246: {  	[sflag:s28] =	ssyncset.done $0x0  }
0x247: {  	s2 =	simm.s32 $0x0;
	s10 =	simm.s32 $0x200;
	[sflag:s28] =	ssyncadd.s32 $0xFFFFFD80  }
.LBB2_10:
0x248: {  	p0 =	sne.s32 s10, $0x3E00;
	[tilespmem:s2+$0x1D5F0] =	vst v0  }
0x249: {  	[tilespmem:s2+$0x1D580] =	vst v0  }
0x24a: {  	[tilespmem:s2+$0x1D590] =	vst v0  }
.Ltmp4:
0x24b: {  	[tilespmem:s2+$0x1D5A0] =	vst v0;
	(pc) =	sbr.rel @p0 .LBB2_10-.Ltmp4, $4  }
0x24c: {  	[tilespmem:s2+$0x1D5B0] =	vst v0  }
0x24d: {  	[tilespmem:s2+$0x1D5C0] =	vst v0  }
0x24e: {  	[tilespmem:s2+$0x1D5D0] =	vst v0  }
0x24f: {  	[tilespmem:s2+$0x1D5E0] =	vst v0;
	s2 =	sshra.s32 s10, $0x2;
	s10 =	sadd.s32 $0x200, s10  }
0x250: {  	[tilespmem:s2+$0x1D5F0] =	vst v0  }
0x251: {  	[tilespmem:s2+$0x1D580] =	vst v0  }
0x252: {  	[tilespmem:s2+$0x1D590] =	vst v0  }
0x253: {  	[tilespmem:s2+$0x1D5A0] =	vst v0  }
0x254: {  	[tilespmem:s2+$0x1D5B0] =	vst v0  }
0x255: {  	[tilespmem:s2+$0x1D5C0] =	vst v0;
	s19 =	sld [smem:$0x7FB]  }
0x256: {  	[tilespmem:s2+$0x1D5D0] =	vst v0  }
0x257: {  	[tilespmem:s2+$0x1D5E0] =	vst v0  }
0x258: {  	[spmem:s19] =	stream.linear.scatter [tilespmem:s24], [sflag:$0x8], $0x1000, $0x38;
	[tilespmem:$0x1E880] =	vst v63  }
0x259: {  	_ =	swait.ge [sflag:s28], $0x1000  }
0x25a: {  	[sflag:s28] =	ssyncset.done $0x0  }
0x25b: {  	[sflag:s28] =	ssyncadd.s32 $0xFFFFF000  }
0x25c: {  	[spmem:s20] =	stream.linear.scatter [tilespmem:s24], [sflag:$0x8], $0x1000, $0x38;
	[tilespmem:$0x1E880] =	vst v63  }
0x25d: {  	_ =	swait.ge [sflag:s28], $0x1000  }
0x25e: {  	[sflag:s28] =	ssyncset.done $0x0  }
0x25f: {  	[sflag:s28] =	ssyncadd.s32 $0xFFFFF000  }
0x260: {  	[spmem:s21] =	stream.linear.scatter [tilespmem:s24], [sflag:$0x8], $0x1000, $0x38;
	[tilespmem:$0x1E880] =	vst v63  }
0x261: {  	_ =	swait.ge [sflag:s28], $0x1000  }
0x262: {  	s21 =	sld [smem:$0x7EA]  }
0x263: {  	[sflag:s28] =	ssyncset.done $0x0  }
0x264: {  	[sflag:s28] =	ssyncadd.s32 $0xFFFFF000  }
0x265: {  	[spmem:s21] =	stream.linear.scatter [tilespmem:s24], [sflag:$0x8], $0x1000, $0x38;
	[tilespmem:$0x1E880] =	vst v63  }
0x266: {  	_ =	swait.ge [sflag:s28], $0x1000  }
0x267: {  	s10 =	sld [smem:$0x7EB]  }
0x268: {  	[sflag:s28] =	ssyncset.done $0x0  }
0x269: {  	[sflag:s28] =	ssyncadd.s32 $0xFFFFF000  }
0x26a: {  	[spmem:s10] =	stream.linear.scatter [tilespmem:s24], [sflag:$0x8], $0x1000, $0x38;
	[tilespmem:$0x1E880] =	vst v63  }
0x26b: {  	_ =	swait.ge [sflag:s28], $0x1000  }
0x26c: {  	s19 =	sld [smem:$0x7EC]  }
0x26d: {  	[sflag:s28] =	ssyncset.done $0x0  }
0x26e: {  	[sflag:s28] =	ssyncadd.s32 $0xFFFFF000  }
0x26f: {  	[spmem:s19] =	stream.linear.scatter [tilespmem:s24], [sflag:$0x8], $0x1000, $0x38;
	[tilespmem:$0x1E880] =	vst v63  }
0x270: {  	_ =	swait.ge [sflag:s28], $0x1000  }
0x271: {  	s20 =	sld [smem:$0x7ED]  }
0x272: {  	[sflag:s28] =	ssyncset.done $0x0  }
0x273: {  	[sflag:s28] =	ssyncadd.s32 $0xFFFFF000  }
0x274: {  	[spmem:s20] =	stream.linear.scatter [tilespmem:s24], [sflag:$0x8], $0x1000, $0x38;
	[tilespmem:$0x1E880] =	vst v63  }
0x275: {  	_ =	swait.ge [sflag:s28], $0x1000  }
0x276: {  	s21 =	sld [smem:$0x7EE]  }
0x277: {  	[sflag:s28] =	ssyncset.done $0x0  }
0x278: {  	[sflag:s28] =	ssyncadd.s32 $0xFFFFF000  }
0x279: {  	[spmem:s21] =	stream.linear.scatter [tilespmem:s24], [sflag:$0x8], $0x1000, $0x38;
	[tilespmem:$0x1E880] =	vst v63  }
0x27a: {  	_ =	swait.ge [sflag:s28], $0x1000  }
0x27b: {  	s10 =	sld [smem:$0x7EF]  }
0x27c: {  	[sflag:s28] =	ssyncset.done $0x0  }
0x27d: {  	[sflag:s28] =	ssyncadd.s32 $0xFFFFF000  }
0x27e: {  	[spmem:s10] =	stream.linear.scatter [tilespmem:s24], [sflag:$0x8], $0x1000, $0x38;
	[tilespmem:$0x1E880] =	vst v63  }
0x27f: {  	_ =	swait.ge [sflag:s28], $0x1000  }
0x280: {  	s19 =	sld [smem:$0x7F0]  }
0x281: {  	[sflag:s28] =	ssyncset.done $0x0  }
0x282: {  	[sflag:s28] =	ssyncadd.s32 $0xFFFFF000  }
0x283: {  	[spmem:s19] =	stream.linear.scatter [tilespmem:s24], [sflag:$0x8], $0x1000, $0x38;
	[tilespmem:$0x1E880] =	vst v63  }
0x284: {  	_ =	swait.ge [sflag:s28], $0x1000  }
0x285: {  	s20 =	sld [smem:$0x7F1]  }
0x286: {  	[sflag:s28] =	ssyncset.done $0x0  }
0x287: {  	[sflag:s28] =	ssyncadd.s32 $0xFFFFF000  }
0x288: {  	[spmem:s20] =	stream.linear.scatter [tilespmem:s24], [sflag:$0x8], $0x1000, $0x38;
	[tilespmem:$0x1E880] =	vst v63  }
0x289: {  	_ =	swait.ge [sflag:s28], $0x1000  }
0x28a: {  	s21 =	sld [smem:$0x7F2]  }
0x28b: {  	[sflag:s28] =	ssyncset.done $0x0  }
0x28c: {  	[sflag:s28] =	ssyncadd.s32 $0xFFFFF000  }
0x28d: {  	[spmem:s21] =	stream.linear.scatter [tilespmem:s24], [sflag:$0x8], $0x1000, $0x38;
	[tilespmem:$0x1E880] =	vst v63  }
0x28e: {  	_ =	swait.ge [sflag:s28], $0x1000  }
0x28f: {  	s10 =	sld [smem:$0x7F3]  }
0x290: {  	[sflag:s28] =	ssyncset.done $0x0  }
0x291: {  	[sflag:s28] =	ssyncadd.s32 $0xFFFFF000  }
0x292: {  	[spmem:s10] =	stream.linear.scatter [tilespmem:s24], [sflag:$0x8], $0x1000, $0x38;
	[tilespmem:$0x1E880] =	vst v63  }
0x293: {  	_ =	swait.ge [sflag:s28], $0x1000  }
0x294: {  	s19 =	sld [smem:$0x7F4]  }
0x295: {  	[sflag:s28] =	ssyncset.done $0x0  }
0x296: {  	[sflag:s28] =	ssyncadd.s32 $0xFFFFF000  }
0x297: {  	[spmem:s19] =	stream.linear.scatter [tilespmem:s24], [sflag:$0x8], $0x1000, $0x38;
	[tilespmem:$0x1E880] =	vst v63  }
0x298: {  	_ =	swait.ge [sflag:s28], $0x1000  }
0x299: {  	s20 =	sld [smem:$0x7F5]  }
0x29a: {  	[sflag:s28] =	ssyncset.done $0x0  }
0x29b: {  	[sflag:s28] =	ssyncadd.s32 $0xFFFFF000  }
0x29c: {  	[spmem:s20] =	stream.linear.scatter [tilespmem:s24], [sflag:$0x8], $0x1000, $0x38;
	[tilespmem:$0x1E880] =	vst v63  }
0x29d: {  	_ =	swait.ge [sflag:s28], $0x1000  }
0x29e: {  	s21 =	sld [smem:$0x7F6]  }
0x29f: {  	[sflag:s28] =	ssyncset.done $0x0  }
0x2a0: {  	[sflag:s28] =	ssyncadd.s32 $0xFFFFF000  }
0x2a1: {  	[spmem:s21] =	stream.linear.scatter [tilespmem:s24], [sflag:$0x8], $0x1000, $0x38;
	[tilespmem:$0x1E880] =	vst v63  }
0x2a2: {  	_ =	swait.ge [sflag:s28], $0x1000  }
0x2a3: {  	s10 =	sld [smem:$0x7F7]  }
0x2a4: {  	[sflag:s28] =	ssyncset.done $0x0  }
0x2a5: {  	[sflag:s28] =	ssyncadd.s32 $0xFFFFF000  }
0x2a6: {  	[spmem:s10] =	stream.linear.scatter [tilespmem:s24], [sflag:$0x8], $0x1000, $0x38;
	[tilespmem:$0x1E880] =	vst v63  }
0x2a7: {  	_ =	swait.ge [sflag:s28], $0x1000  }
0x2a8: {  	s19 =	sld [smem:$0x7F8]  }
0x2a9: {  	[sflag:s28] =	ssyncset.done $0x0  }
0x2aa: {  	[sflag:s28] =	ssyncadd.s32 $0xFFFFF000  }
0x2ab: {  	[spmem:s19] =	stream.linear.scatter [tilespmem:s24], [sflag:$0x8], $0x1000, $0x38;
	[tilespmem:$0x1E880] =	vst v63  }
0x2ac: {  	_ =	swait.ge [sflag:s28], $0x1000  }
0x2ad: {  	s20 =	sld [smem:$0x7F9]  }
0x2ae: {  	[sflag:s28] =	ssyncset.done $0x0  }
0x2af: {  	[sflag:s28] =	ssyncadd.s32 $0xFFFFF000  }
0x2b0: {  	[spmem:s20] =	stream.linear.scatter [tilespmem:s24], [sflag:$0x8], $0x1000, $0x38;
	[tilespmem:$0x1E880] =	vst v63  }
0x2b1: {  	_ =	swait.ge [sflag:s28], $0x1000  }
0x2b2: {  	s21 =	sld [smem:$0x7FA]  }
0x2b3: {  	[sflag:s28] =	ssyncset.done $0x0  }
0x2b4: {  	[sflag:s28] =	ssyncadd.s32 $0xFFFFF000  }
0x2b5: {  	[spmem:s21] =	stream.linear.scatter [tilespmem:s24], [sflag:$0x8], $0x1000, $0x38;
	[tilespmem:$0x1E880] =	vst v63  }
0x2b6: {  	_ =	swait.ge [sflag:s28], $0x1000  }
0x2b7: {  	[sflag:s28] =	ssyncset.done $0x0  }
0x2b8: {  	[sflag:s28] =	ssyncadd.s32 $0xFFFFF000  }
0x2b9: {  	s2 =	simm.s32 $0x0;
	s10 =	simm.s32 $0x0;
	[bflag:$0x0] =	sbarrier.arrive $0xFFFF  }
.LBB2_12:
0x2ba: {  	s19 =	smul.u32 $0xA50, s10;
	s20 =	rddreg [dreg:$0xe]  }
0x2bb: {  	s21 =	sld [smem:$0x7E6]  }
0x2bc: {  	s19 =	sadd.s32 s19, s20  }
0x2bd: {  	s19 =	sshrl.u32 s19, $0x3  }
0x2be: {  	s20 =	sadd.s32 s21, s19  }
0x2bf: {  	[tilespmem:s29], [sflag:$0x8] =	stream.linear.gather [hbm4b:s20+s2], $0xA50, $0x38;
	[tilespmem:$0x1E880] =	vst v63  }
0x2c0: {  	_ =	swait.ge [sflag:s28], $0xA50  }
0x2c1: {  	[sflag:s28] =	ssyncset.done $0x0  }
0x2c2: {  	s19 =	sadd.s32 s22, s19;
	[sflag:s28] =	ssyncadd.s32 $0xFFFFF5B0  }
0x2c3: {  	[tilespmem:s30], [sflag:$0x8] =	stream.linear.gather [hbm4b:s19+s2], $0xA50, $0x38;
	[tilespmem:$0x1E880] =	vst v63  }
0x2c4: {  	_ =	swait.ge [sflag:s28], $0xA50  }
0x2c5: {  	[sflag:s28] =	ssyncset.done $0x0  }
0x2c6: {  	[sflag:s28] =	ssyncadd.s32 $0xFFFFF5B0  }
0x2c7: {  	[tilespmem:s0], [sflag:$0x1] =	stream.indirect.gather [hbm4b:s12+s31], $0x80, s29, s31, $0xb8;
	[tilespmem:$0x1E880] =	vst v63  }
0x2c8: {  	_ = 	snop  }
0x2c9: {  	[tilespmem:s4], [sflag:$0x2] =	stream.indirect.gather [hbm4b:s12+s31], $0x80, s3, s31, $0xb8;
	[tilespmem:$0x1E880] =	vst v63  }
0x2ca: {  	_ = 	snop  }
0x2cb: {  	[tilespmem:s6], [sflag:$0x3] =	stream.indirect.gather [hbm4b:s12+s31], $0x80, s5, s31, $0xb8;
	[tilespmem:$0x1E880] =	vst v63  }
0x2cc: {  	_ =	swait.ge [sflag:s7], $0x2800  }
0x2cd: {  	[sflag:s7] =	ssyncset.done $0x0  }
0x2ce: {  	[sflag:s7] =	ssyncadd.s32 $0xFFFFD800  }
0x2cf: {  	[spmem:s15] =	stream.indirect.scatter.add.f32 [tilespmem:s0], [sflag:$0x4], $0x80, s30, s31, $0xb8;
	[tilespmem:$0x1E880] =	vst v63  }
0x2d0: {  	_ =	swait.ge [sflag:s9], $0x2800  }
0x2d1: {  	[sflag:s9] =	ssyncset.done $0x0  }
0x2d2: {  	[sflag:s9] =	ssyncadd.s32 $0xFFFFD800  }
0x2d3: {  	[tilespmem:s0], [sflag:$0x1] =	stream.indirect.gather [hbm4b:s12+s31], $0x80, s11, s31, $0xb8;
	[tilespmem:$0x1E880] =	vst v63  }
0x2d4: {  	_ =	swait.ge [sflag:s13], $0x2800  }
0x2d5: {  	[sflag:s13] =	ssyncset.done $0x0  }
0x2d6: {  	[sflag:s13] =	ssyncadd.s32 $0xFFFFD800  }
0x2d7: {  	[spmem:s15] =	stream.indirect.scatter.add.f32 [tilespmem:s4], [sflag:$0x5], $0x80, s14, s31, $0xb8;
	[tilespmem:$0x1E880] =	vst v63  }
0x2d8: {  	_ =	swait.ge [sflag:s16], $0x2800  }
0x2d9: {  	[sflag:s16] =	ssyncset.done $0x0  }
0x2da: {  	[sflag:s16] =	ssyncadd.s32 $0xFFFFD800  }
0x2db: {  	[tilespmem:s4], [sflag:$0x2] =	stream.indirect.gather [hbm4b:s12+s31], $0x80, s18, s31, $0xb8;
	[tilespmem:$0x1E880] =	vst v63  }
0x2dc: {  	_ =	swait.ge [sflag:s25], $0x2800  }
0x2dd: {  	[sflag:s25] =	ssyncset.done $0x0  }
0x2de: {  	[sflag:s25] =	ssyncadd.s32 $0xFFFFD800  }
0x2df: {  	[spmem:s15] =	stream.indirect.scatter.add.f32 [tilespmem:s6], [sflag:$0x6], $0x80, s26, s31, $0xb8;
	[tilespmem:$0x1E880] =	vst v63  }
0x2e0: {  	_ =	swait.ge [sflag:s23], $0x2800  }
0x2e1: {  	[sflag:s23] =	ssyncset.done $0x0  }
0x2e2: {  	s21 =	simm.s32 $0x14410;
	[sflag:s23] =	ssyncadd.s32 $0xFFFFD800  }
0x2e3: {  	[tilespmem:s6], [sflag:$0x3] =	stream.indirect.gather [hbm4b:s12+s31], $0x80, s21, s31, $0xb8;
	[tilespmem:$0x1E880] =	vst v63  }
0x2e4: {  	_ =	swait.ge [sflag:s7], $0x2800  }
0x2e5: {  	[sflag:s7] =	ssyncset.done $0x0  }
0x2e6: {  	s20 =	simm.s32 $0x150F0;
	[sflag:s7] =	ssyncadd.s32 $0xFFFFD800  }
0x2e7: {  	[spmem:s15] =	stream.indirect.scatter.add.f32 [tilespmem:s0], [sflag:$0x4], $0x80, s20, s31, $0xb8;
	[tilespmem:$0x1E880] =	vst v63  }
0x2e8: {  	_ =	swait.ge [sflag:s9], $0x2800  }
0x2e9: {  	[sflag:s9] =	ssyncset.done $0x0  }
0x2ea: {  	s21 =	simm.s32 $0x14460;
	[sflag:s9] =	ssyncadd.s32 $0xFFFFD800  }
0x2eb: {  	[tilespmem:s0], [sflag:$0x1] =	stream.indirect.gather [hbm4b:s12+s31], $0x80, s21, s31, $0xb8;
	[tilespmem:$0x1E880] =	vst v63  }
0x2ec: {  	_ =	swait.ge [sflag:s13], $0x2800  }
0x2ed: {  	[sflag:s13] =	ssyncset.done $0x0  }
0x2ee: {  	s20 =	simm.s32 $0x15140;
	[sflag:s13] =	ssyncadd.s32 $0xFFFFD800  }
0x2ef: {  	[spmem:s15] =	stream.indirect.scatter.add.f32 [tilespmem:s4], [sflag:$0x5], $0x80, s20, s31, $0xb8;
	[tilespmem:$0x1E880] =	vst v63  }
0x2f0: {  	_ =	swait.ge [sflag:s16], $0x2800  }
0x2f1: {  	[sflag:s16] =	ssyncset.done $0x0  }
0x2f2: {  	s21 =	simm.s32 $0x144B0;
	[sflag:s16] =	ssyncadd.s32 $0xFFFFD800  }
0x2f3: {  	[tilespmem:s4], [sflag:$0x2] =	stream.indirect.gather [hbm4b:s12+s31], $0x80, s21, s31, $0xb8;
	[tilespmem:$0x1E880] =	vst v63  }
0x2f4: {  	_ =	swait.ge [sflag:s25], $0x2800  }
0x2f5: {  	[sflag:s25] =	ssyncset.done $0x0  }
0x2f6: {  	s19 =	simm.s32 $0x3C0;
	s20 =	simm.s32 $0x15190;
	[sflag:s25] =	ssyncadd.s32 $0xFFFFD800  }
.LBB2_13:
0x2f7: {  	[spmem:s15] =	stream.indirect.scatter.add.f32 [tilespmem:s6], [sflag:$0x6], $0x80, s20, s31, $0xb8;
	[tilespmem:$0x1E880] =	vst v63  }
0x2f8: {  	s20 =	smov.u32 s19;
	s19 =	sadd.s32 $0x3C0, s19;
	_ =	swait.ge [sflag:s23], $0x2800  }
0x2f9: {  	s20 =	sshra.s32 s20, $0x2;
	p0 =	sne.s32 s19, $0x21C0;
	[sflag:s23] =	ssyncset.done $0x0  }
0x2fa: {  	s21 =	sadd.s32 $0x14410, s20;
	[sflag:s23] =	ssyncadd.s32 $0xFFFFD800  }
0x2fb: {  	[tilespmem:s6], [sflag:$0x3] =	stream.indirect.gather [hbm4b:s12+s31], $0x80, s21, s31, $0xb8;
	[tilespmem:$0x1E880] =	vst v63  }
0x2fc: {  	_ =	swait.ge [sflag:s7], $0x2800  }
0x2fd: {  	[sflag:s7] =	ssyncset.done $0x0  }
0x2fe: {  	s21 =	sadd.s32 $0x150F0, s20;
	[sflag:s7] =	ssyncadd.s32 $0xFFFFD800  }
0x2ff: {  	[spmem:s15] =	stream.indirect.scatter.add.f32 [tilespmem:s0], [sflag:$0x4], $0x80, s21, s31, $0xb8;
	[tilespmem:$0x1E880] =	vst v63  }
0x300: {  	_ =	swait.ge [sflag:s9], $0x2800  }
0x301: {  	[sflag:s9] =	ssyncset.done $0x0  }
0x302: {  	s21 =	sadd.s32 $0x14460, s20;
	[sflag:s9] =	ssyncadd.s32 $0xFFFFD800  }
0x303: {  	[tilespmem:s0], [sflag:$0x1] =	stream.indirect.gather [hbm4b:s12+s31], $0x80, s21, s31, $0xb8;
	[tilespmem:$0x1E880] =	vst v63  }
0x304: {  	_ =	swait.ge [sflag:s13], $0x2800  }
0x305: {  	[sflag:s13] =	ssyncset.done $0x0  }
0x306: {  	s21 =	sadd.s32 $0x15140, s20;
	[sflag:s13] =	ssyncadd.s32 $0xFFFFD800  }
0x307: {  	[spmem:s15] =	stream.indirect.scatter.add.f32 [tilespmem:s4], [sflag:$0x5], $0x80, s21, s31, $0xb8;
	[tilespmem:$0x1E880] =	vst v63  }
0x308: {  	_ =	swait.ge [sflag:s16], $0x2800  }
0x309: {  	[sflag:s16] =	ssyncset.done $0x0  }
.Ltmp5:
0x30a: {  	s21 =	sadd.s32 $0x144B0, s20;
	[sflag:s16] =	ssyncadd.s32 $0xFFFFD800;
	(pc) =	sbr.rel @p0 .LBB2_13-.Ltmp5, $4  }
0x30b: {  	[tilespmem:s4], [sflag:$0x2] =	stream.indirect.gather [hbm4b:s12+s31], $0x80, s21, s31, $0xb8;
	[tilespmem:$0x1E880] =	vst v63  }
0x30c: {  	_ =	swait.ge [sflag:s25], $0x2800  }
0x30d: {  	[sflag:s25] =	ssyncset.done $0x0  }
0x30e: {  	s20 =	sadd.s32 $0x15190, s20;
	[sflag:s25] =	ssyncadd.s32 $0xFFFFD800  }
0x30f: {  	[spmem:s15] =	stream.indirect.scatter.add.f32 [tilespmem:s6], [sflag:$0x6], $0x80, s20, s31, $0xb8;
	[tilespmem:$0x1E880] =	vst v63  }
0x310: {  	_ =	swait.ge [sflag:s23], $0x2800  }
0x311: {  	s19 =	sshra.s32 s19, $0x2;
	[sflag:s23] =	ssyncset.done $0x0  }
0x312: {  	s21 =	sadd.s32 $0x14410, s19;
	[sflag:s23] =	ssyncadd.s32 $0xFFFFD800  }
0x313: {  	[tilespmem:s6], [sflag:$0x3] =	stream.indirect.gather [hbm4b:s12+s31], $0x80, s21, s31, $0xb8;
	[tilespmem:$0x1E880] =	vst v63  }
0x314: {  	_ =	swait.ge [sflag:s7], $0x2800  }
0x315: {  	[sflag:s7] =	ssyncset.done $0x0  }
0x316: {  	s21 =	sadd.s32 $0x150F0, s19;
	[sflag:s7] =	ssyncadd.s32 $0xFFFFD800  }
0x317: {  	[spmem:s15] =	stream.indirect.scatter.add.f32 [tilespmem:s0], [sflag:$0x4], $0x80, s21, s31, $0xb8;
	[tilespmem:$0x1E880] =	vst v63  }
0x318: {  	_ =	swait.ge [sflag:s13], $0x2800  }
0x319: {  	[sflag:s13] =	ssyncset.done $0x0  }
0x31a: {  	s21 =	sadd.s32 $0x15140, s19;
	[sflag:s13] =	ssyncadd.s32 $0xFFFFD800  }
0x31b: {  	[spmem:s15] =	stream.indirect.scatter.add.f32 [tilespmem:s4], [sflag:$0x5], $0x80, s21, s31, $0xb8;
	[tilespmem:$0x1E880] =	vst v63  }
0x31c: {  	_ =	swait.ge [sflag:s25], $0x2800  }
0x31d: {  	[sflag:s25] =	ssyncset.done $0x0  }
0x31e: {  	s19 =	sadd.s32 $0x15190, s19;
	[sflag:s25] =	ssyncadd.s32 $0xFFFFD800  }
0x31f: {  	[spmem:s15] =	stream.indirect.scatter.add.f32 [tilespmem:s6], [sflag:$0x6], $0x80, s19, s31, $0xb8;
	[tilespmem:$0x1E880] =	vst v63  }
0x320: {  	_ =	swait.ge [sflag:s9], $0x2800  }
0x321: {  	[sflag:s9] =	ssyncset.done $0x0  }
0x322: {  	s10 =	sadd.s32 $0x1, s10;
	[sflag:s9] =	ssyncadd.s32 $0xFFFFD800  }
0x323: {  	p0 =	sne.s32 s10, $0x3;
	_ =	swait.ge [sflag:s16], $0x2800  }
.Ltmp6:
0x324: {  	[sflag:s16] =	ssyncset.done $0x0;
	(pc) =	sbr.rel @p0 .LBB2_12-.Ltmp6, $4  }
0x325: {  	[sflag:s16] =	ssyncadd.s32 $0xFFFFD800  }
0x326: {  	_ =	swait.ge [sflag:s23], $0x2800  }
0x327: {  	[sflag:s23] =	ssyncset.done $0x0  }
0x328: {  	[sflag:s23] =	ssyncadd.s32 $0xFFFFD800  }
0x329: {  	[bflag:$0x0] =	sbarrier.arrive $0xFFFF  }
0x32a: {  	s19 =	sld [smem:$0x7FB];
	_ =	sdelay $0x2  }
0x32b: {  	[tilespmem:s24], [sflag:$0x8] =	stream.linear.gather [spmem:s19], $0x1000, $0x38;
	[tilespmem:$0x1E880] =	vst v63  }
0x32c: {  	_ =	swait.ge [sflag:s28], $0x1000  }
0x32d: {  	[sflag:s28] =	ssyncset.done $0x0  }
0x32e: {  	s2 =	simm.s32 $0x0;
	s10 =	rddreg [dreg:$0x1c];
	[sflag:s28] =	ssyncadd.s32 $0xFFFFF000  }
0x32f: {  	[hbm4b:s10+s2] =	stream.linear.scatter [tilespmem:s24], [sflag:$0x8], $0x1000, $0x38;
	[tilespmem:$0x1E880] =	vst v63  }
0x330: {  	_ =	swait.ge [sflag:s28], $0x1000  }
0x331: {  	s20 =	sld [smem:$0x7FC]  }
0x332: {  	[sflag:s28] =	ssyncset.done $0x0  }
0x333: {  	[sflag:s28] =	ssyncadd.s32 $0xFFFFF000  }
0x334: {  	[tilespmem:s24], [sflag:$0x8] =	stream.linear.gather [spmem:s20], $0x1000, $0x38;
	[tilespmem:$0x1E880] =	vst v63  }
0x335: {  	_ =	swait.ge [sflag:s28], $0x1000  }
0x336: {  	[sflag:s28] =	ssyncset.done $0x0  }
0x337: {  	s21 =	rddreg [dreg:$0x1d];
	[sflag:s28] =	ssyncadd.s32 $0xFFFFF000  }
0x338: {  	[hbm4b:s21+s2] =	stream.linear.scatter [tilespmem:s24], [sflag:$0x8], $0x1000, $0x38;
	[tilespmem:$0x1E880] =	vst v63  }
0x339: {  	_ =	swait.ge [sflag:s28], $0x1000  }
0x33a: {  	s21 =	sld [smem:$0x7FD]  }
0x33b: {  	[sflag:s28] =	ssyncset.done $0x0  }
0x33c: {  	[sflag:s28] =	ssyncadd.s32 $0xFFFFF000  }
0x33d: {  	[tilespmem:s24], [sflag:$0x8] =	stream.linear.gather [spmem:s21], $0x1000, $0x38;
	[tilespmem:$0x1E880] =	vst v63  }
0x33e: {  	_ =	swait.ge [sflag:s28], $0x1000  }
0x33f: {  	[sflag:s28] =	ssyncset.done $0x0  }
0x340: {  	s10 =	rddreg [dreg:$0x1e];
	[sflag:s28] =	ssyncadd.s32 $0xFFFFF000  }
0x341: {  	[hbm4b:s10+s2] =	stream.linear.scatter [tilespmem:s24], [sflag:$0x8], $0x1000, $0x38;
	[tilespmem:$0x1E880] =	vst v63  }
0x342: {  	_ =	swait.ge [sflag:s28], $0x1000  }
0x343: {  	s10 =	sld [smem:$0x7EA]  }
0x344: {  	[sflag:s28] =	ssyncset.done $0x0  }
0x345: {  	[sflag:s28] =	ssyncadd.s32 $0xFFFFF000  }
0x346: {  	[tilespmem:s24], [sflag:$0x8] =	stream.linear.gather [spmem:s10], $0x1000, $0x38;
	[tilespmem:$0x1E880] =	vst v63  }
0x347: {  	_ =	swait.ge [sflag:s28], $0x1000  }
0x348: {  	[sflag:s28] =	ssyncset.done $0x0  }
0x349: {  	s10 =	rddreg [dreg:$0x1f];
	[sflag:s28] =	ssyncadd.s32 $0xFFFFF000  }
0x34a: {  	[hbm4b:s10+s2] =	stream.linear.scatter [tilespmem:s24], [sflag:$0x8], $0x1000, $0x38;
	[tilespmem:$0x1E880] =	vst v63  }
0x34b: {  	_ =	swait.ge [sflag:s28], $0x1000  }
0x34c: {  	s10 =	sld [smem:$0x7EB]  }
0x34d: {  	[sflag:s28] =	ssyncset.done $0x0  }
0x34e: {  	[sflag:s28] =	ssyncadd.s32 $0xFFFFF000  }
0x34f: {  	[tilespmem:s24], [sflag:$0x8] =	stream.linear.gather [spmem:s10], $0x1000, $0x38;
	[tilespmem:$0x1E880] =	vst v63  }
0x350: {  	_ =	swait.ge [sflag:s28], $0x1000  }
0x351: {  	s10 =	sld [smem:$0x7D4]  }
0x352: {  	[sflag:s28] =	ssyncset.done $0x0  }
0x353: {  	[sflag:s28] =	ssyncadd.s32 $0xFFFFF000  }
0x354: {  	[hbm4b:s10+s2] =	stream.linear.scatter [tilespmem:s24], [sflag:$0x8], $0x1000, $0x38;
	[tilespmem:$0x1E880] =	vst v63  }
0x355: {  	_ =	swait.ge [sflag:s28], $0x1000  }
0x356: {  	s10 =	sld [smem:$0x7EC]  }
0x357: {  	[sflag:s28] =	ssyncset.done $0x0  }
0x358: {  	[sflag:s28] =	ssyncadd.s32 $0xFFFFF000  }
0x359: {  	[tilespmem:s24], [sflag:$0x8] =	stream.linear.gather [spmem:s10], $0x1000, $0x38;
	[tilespmem:$0x1E880] =	vst v63  }
0x35a: {  	_ =	swait.ge [sflag:s28], $0x1000  }
0x35b: {  	s10 =	sld [smem:$0x7D5]  }
0x35c: {  	[sflag:s28] =	ssyncset.done $0x0  }
0x35d: {  	[sflag:s28] =	ssyncadd.s32 $0xFFFFF000  }
0x35e: {  	[hbm4b:s10+s2] =	stream.linear.scatter [tilespmem:s24], [sflag:$0x8], $0x1000, $0x38;
	[tilespmem:$0x1E880] =	vst v63  }
0x35f: {  	_ =	swait.ge [sflag:s28], $0x1000  }
0x360: {  	s10 =	sld [smem:$0x7ED]  }
0x361: {  	[sflag:s28] =	ssyncset.done $0x0  }
0x362: {  	[sflag:s28] =	ssyncadd.s32 $0xFFFFF000  }
0x363: {  	[tilespmem:s24], [sflag:$0x8] =	stream.linear.gather [spmem:s10], $0x1000, $0x38;
	[tilespmem:$0x1E880] =	vst v63  }
0x364: {  	_ =	swait.ge [sflag:s28], $0x1000  }
0x365: {  	s10 =	sld [smem:$0x7D6]  }
0x366: {  	[sflag:s28] =	ssyncset.done $0x0  }
0x367: {  	[sflag:s28] =	ssyncadd.s32 $0xFFFFF000  }
0x368: {  	[hbm4b:s10+s2] =	stream.linear.scatter [tilespmem:s24], [sflag:$0x8], $0x1000, $0x38;
	[tilespmem:$0x1E880] =	vst v63  }
0x369: {  	_ =	swait.ge [sflag:s28], $0x1000  }
0x36a: {  	s10 =	sld [smem:$0x7EE]  }
0x36b: {  	[sflag:s28] =	ssyncset.done $0x0  }
0x36c: {  	[sflag:s28] =	ssyncadd.s32 $0xFFFFF000  }
0x36d: {  	[tilespmem:s24], [sflag:$0x8] =	stream.linear.gather [spmem:s10], $0x1000, $0x38;
	[tilespmem:$0x1E880] =	vst v63  }
0x36e: {  	_ =	swait.ge [sflag:s28], $0x1000  }
0x36f: {  	s10 =	sld [smem:$0x7D7]  }
0x370: {  	[sflag:s28] =	ssyncset.done $0x0  }
0x371: {  	[sflag:s28] =	ssyncadd.s32 $0xFFFFF000  }
0x372: {  	[hbm4b:s10+s2] =	stream.linear.scatter [tilespmem:s24], [sflag:$0x8], $0x1000, $0x38;
	[tilespmem:$0x1E880] =	vst v63  }
0x373: {  	_ =	swait.ge [sflag:s28], $0x1000  }
0x374: {  	s10 =	sld [smem:$0x7EF]  }
0x375: {  	[sflag:s28] =	ssyncset.done $0x0  }
0x376: {  	[sflag:s28] =	ssyncadd.s32 $0xFFFFF000  }
0x377: {  	[tilespmem:s24], [sflag:$0x8] =	stream.linear.gather [spmem:s10], $0x1000, $0x38;
	[tilespmem:$0x1E880] =	vst v63  }
0x378: {  	_ =	swait.ge [sflag:s28], $0x1000  }
0x379: {  	s10 =	sld [smem:$0x7D8]  }
0x37a: {  	[sflag:s28] =	ssyncset.done $0x0  }
0x37b: {  	[sflag:s28] =	ssyncadd.s32 $0xFFFFF000  }
0x37c: {  	[hbm4b:s10+s2] =	stream.linear.scatter [tilespmem:s24], [sflag:$0x8], $0x1000, $0x38;
	[tilespmem:$0x1E880] =	vst v63  }
0x37d: {  	_ =	swait.ge [sflag:s28], $0x1000  }
0x37e: {  	s10 =	sld [smem:$0x7F0]  }
0x37f: {  	[sflag:s28] =	ssyncset.done $0x0  }
0x380: {  	[sflag:s28] =	ssyncadd.s32 $0xFFFFF000  }
0x381: {  	[tilespmem:s24], [sflag:$0x8] =	stream.linear.gather [spmem:s10], $0x1000, $0x38;
	[tilespmem:$0x1E880] =	vst v63  }
0x382: {  	_ =	swait.ge [sflag:s28], $0x1000  }
0x383: {  	s10 =	sld [smem:$0x7D9]  }
0x384: {  	[sflag:s28] =	ssyncset.done $0x0  }
0x385: {  	[sflag:s28] =	ssyncadd.s32 $0xFFFFF000  }
0x386: {  	[hbm4b:s10+s2] =	stream.linear.scatter [tilespmem:s24], [sflag:$0x8], $0x1000, $0x38;
	[tilespmem:$0x1E880] =	vst v63  }
0x387: {  	_ =	swait.ge [sflag:s28], $0x1000  }
0x388: {  	s10 =	sld [smem:$0x7F1]  }
0x389: {  	[sflag:s28] =	ssyncset.done $0x0  }
0x38a: {  	[sflag:s28] =	ssyncadd.s32 $0xFFFFF000  }
0x38b: {  	[tilespmem:s24], [sflag:$0x8] =	stream.linear.gather [spmem:s10], $0x1000, $0x38;
	[tilespmem:$0x1E880] =	vst v63  }
0x38c: {  	_ =	swait.ge [sflag:s28], $0x1000  }
0x38d: {  	s10 =	sld [smem:$0x7DA]  }
0x38e: {  	[sflag:s28] =	ssyncset.done $0x0  }
0x38f: {  	[sflag:s28] =	ssyncadd.s32 $0xFFFFF000  }
0x390: {  	[hbm4b:s10+s2] =	stream.linear.scatter [tilespmem:s24], [sflag:$0x8], $0x1000, $0x38;
	[tilespmem:$0x1E880] =	vst v63  }
0x391: {  	_ =	swait.ge [sflag:s28], $0x1000  }
0x392: {  	s10 =	sld [smem:$0x7F2]  }
0x393: {  	[sflag:s28] =	ssyncset.done $0x0  }
0x394: {  	[sflag:s28] =	ssyncadd.s32 $0xFFFFF000  }
0x395: {  	[tilespmem:s24], [sflag:$0x8] =	stream.linear.gather [spmem:s10], $0x1000, $0x38;
	[tilespmem:$0x1E880] =	vst v63  }
0x396: {  	_ =	swait.ge [sflag:s28], $0x1000  }
0x397: {  	s10 =	sld [smem:$0x7DB]  }
0x398: {  	[sflag:s28] =	ssyncset.done $0x0  }
0x399: {  	[sflag:s28] =	ssyncadd.s32 $0xFFFFF000  }
0x39a: {  	[hbm4b:s10+s2] =	stream.linear.scatter [tilespmem:s24], [sflag:$0x8], $0x1000, $0x38;
	[tilespmem:$0x1E880] =	vst v63  }
0x39b: {  	_ =	swait.ge [sflag:s28], $0x1000  }
0x39c: {  	s10 =	sld [smem:$0x7F3]  }
0x39d: {  	[sflag:s28] =	ssyncset.done $0x0  }
0x39e: {  	[sflag:s28] =	ssyncadd.s32 $0xFFFFF000  }
0x39f: {  	[tilespmem:s24], [sflag:$0x8] =	stream.linear.gather [spmem:s10], $0x1000, $0x38;
	[tilespmem:$0x1E880] =	vst v63  }
0x3a0: {  	_ =	swait.ge [sflag:s28], $0x1000  }
0x3a1: {  	s10 =	sld [smem:$0x7DC]  }
0x3a2: {  	[sflag:s28] =	ssyncset.done $0x0  }
0x3a3: {  	[sflag:s28] =	ssyncadd.s32 $0xFFFFF000  }
0x3a4: {  	[hbm4b:s10+s2] =	stream.linear.scatter [tilespmem:s24], [sflag:$0x8], $0x1000, $0x38;
	[tilespmem:$0x1E880] =	vst v63  }
0x3a5: {  	_ =	swait.ge [sflag:s28], $0x1000  }
0x3a6: {  	s10 =	sld [smem:$0x7F4]  }
0x3a7: {  	[sflag:s28] =	ssyncset.done $0x0  }
0x3a8: {  	[sflag:s28] =	ssyncadd.s32 $0xFFFFF000  }
0x3a9: {  	[tilespmem:s24], [sflag:$0x8] =	stream.linear.gather [spmem:s10], $0x1000, $0x38;
	[tilespmem:$0x1E880] =	vst v63  }
0x3aa: {  	_ =	swait.ge [sflag:s28], $0x1000  }
0x3ab: {  	s10 =	sld [smem:$0x7DD]  }
0x3ac: {  	[sflag:s28] =	ssyncset.done $0x0  }
0x3ad: {  	[sflag:s28] =	ssyncadd.s32 $0xFFFFF000  }
0x3ae: {  	[hbm4b:s10+s2] =	stream.linear.scatter [tilespmem:s24], [sflag:$0x8], $0x1000, $0x38;
	[tilespmem:$0x1E880] =	vst v63  }
0x3af: {  	_ =	swait.ge [sflag:s28], $0x1000  }
0x3b0: {  	s10 =	sld [smem:$0x7F5]  }
0x3b1: {  	[sflag:s28] =	ssyncset.done $0x0  }
0x3b2: {  	[sflag:s28] =	ssyncadd.s32 $0xFFFFF000  }
0x3b3: {  	[tilespmem:s24], [sflag:$0x8] =	stream.linear.gather [spmem:s10], $0x1000, $0x38;
	[tilespmem:$0x1E880] =	vst v63  }
0x3b4: {  	_ =	swait.ge [sflag:s28], $0x1000  }
0x3b5: {  	s10 =	sld [smem:$0x7DE]  }
0x3b6: {  	[sflag:s28] =	ssyncset.done $0x0  }
0x3b7: {  	[sflag:s28] =	ssyncadd.s32 $0xFFFFF000  }
0x3b8: {  	[hbm4b:s10+s2] =	stream.linear.scatter [tilespmem:s24], [sflag:$0x8], $0x1000, $0x38;
	[tilespmem:$0x1E880] =	vst v63  }
0x3b9: {  	_ =	swait.ge [sflag:s28], $0x1000  }
0x3ba: {  	s10 =	sld [smem:$0x7F6]  }
0x3bb: {  	[sflag:s28] =	ssyncset.done $0x0  }
0x3bc: {  	[sflag:s28] =	ssyncadd.s32 $0xFFFFF000  }
0x3bd: {  	[tilespmem:s24], [sflag:$0x8] =	stream.linear.gather [spmem:s10], $0x1000, $0x38;
	[tilespmem:$0x1E880] =	vst v63  }
0x3be: {  	_ =	swait.ge [sflag:s28], $0x1000  }
0x3bf: {  	s10 =	sld [smem:$0x7DF]  }
0x3c0: {  	[sflag:s28] =	ssyncset.done $0x0  }
0x3c1: {  	[sflag:s28] =	ssyncadd.s32 $0xFFFFF000  }
0x3c2: {  	[hbm4b:s10+s2] =	stream.linear.scatter [tilespmem:s24], [sflag:$0x8], $0x1000, $0x38;
	[tilespmem:$0x1E880] =	vst v63  }
0x3c3: {  	_ =	swait.ge [sflag:s28], $0x1000  }
0x3c4: {  	s10 =	sld [smem:$0x7F7]  }
0x3c5: {  	[sflag:s28] =	ssyncset.done $0x0  }
0x3c6: {  	[sflag:s28] =	ssyncadd.s32 $0xFFFFF000  }
0x3c7: {  	[tilespmem:s24], [sflag:$0x8] =	stream.linear.gather [spmem:s10], $0x1000, $0x38;
	[tilespmem:$0x1E880] =	vst v63  }
0x3c8: {  	_ =	swait.ge [sflag:s28], $0x1000  }
0x3c9: {  	s10 =	sld [smem:$0x7E0]  }
0x3ca: {  	[sflag:s28] =	ssyncset.done $0x0  }
0x3cb: {  	[sflag:s28] =	ssyncadd.s32 $0xFFFFF000  }
0x3cc: {  	[hbm4b:s10+s2] =	stream.linear.scatter [tilespmem:s24], [sflag:$0x8], $0x1000, $0x38;
	[tilespmem:$0x1E880] =	vst v63  }
0x3cd: {  	_ =	swait.ge [sflag:s28], $0x1000  }
0x3ce: {  	s10 =	sld [smem:$0x7F8]  }
0x3cf: {  	[sflag:s28] =	ssyncset.done $0x0  }
0x3d0: {  	[sflag:s28] =	ssyncadd.s32 $0xFFFFF000  }
0x3d1: {  	[tilespmem:s24], [sflag:$0x8] =	stream.linear.gather [spmem:s10], $0x1000, $0x38;
	[tilespmem:$0x1E880] =	vst v63  }
0x3d2: {  	_ =	swait.ge [sflag:s28], $0x1000  }
0x3d3: {  	s10 =	sld [smem:$0x7E1]  }
0x3d4: {  	[sflag:s28] =	ssyncset.done $0x0  }
0x3d5: {  	[sflag:s28] =	ssyncadd.s32 $0xFFFFF000  }
0x3d6: {  	[hbm4b:s10+s2] =	stream.linear.scatter [tilespmem:s24], [sflag:$0x8], $0x1000, $0x38;
	[tilespmem:$0x1E880] =	vst v63  }
0x3d7: {  	_ =	swait.ge [sflag:s28], $0x1000  }
0x3d8: {  	s10 =	sld [smem:$0x7F9]  }
0x3d9: {  	[sflag:s28] =	ssyncset.done $0x0  }
0x3da: {  	[sflag:s28] =	ssyncadd.s32 $0xFFFFF000  }
0x3db: {  	[tilespmem:s24], [sflag:$0x8] =	stream.linear.gather [spmem:s10], $0x1000, $0x38;
	[tilespmem:$0x1E880] =	vst v63  }
0x3dc: {  	_ =	swait.ge [sflag:s28], $0x1000  }
0x3dd: {  	s10 =	sld [smem:$0x7E2]  }
0x3de: {  	[sflag:s28] =	ssyncset.done $0x0  }
0x3df: {  	[sflag:s28] =	ssyncadd.s32 $0xFFFFF000  }
0x3e0: {  	[hbm4b:s10+s2] =	stream.linear.scatter [tilespmem:s24], [sflag:$0x8], $0x1000, $0x38;
	[tilespmem:$0x1E880] =	vst v63  }
0x3e1: {  	_ =	swait.ge [sflag:s28], $0x1000  }
0x3e2: {  	s10 =	sld [smem:$0x7FA]  }
0x3e3: {  	[sflag:s28] =	ssyncset.done $0x0  }
0x3e4: {  	[sflag:s28] =	ssyncadd.s32 $0xFFFFF000  }
0x3e5: {  	[tilespmem:s24], [sflag:$0x8] =	stream.linear.gather [spmem:s10], $0x1000, $0x38;
	[tilespmem:$0x1E880] =	vst v63  }
0x3e6: {  	_ =	swait.ge [sflag:s28], $0x1000  }
0x3e7: {  	s10 =	sld [smem:$0x7E3]  }
0x3e8: {  	[sflag:s28] =	ssyncset.done $0x0  }
0x3e9: {  	[sflag:s28] =	ssyncadd.s32 $0xFFFFF000  }
0x3ea: {  	[hbm4b:s10+s2] =	stream.linear.scatter [tilespmem:s24], [sflag:$0x8], $0x1000, $0x38;
	[tilespmem:$0x1E880] =	vst v63  }
0x3eb: {  	_ =	swait.ge [sflag:s28], $0x1000  }
0x3ec: {  	s2 =	sld [smem:$0x7D3];
	_ =	sdelay $0x2  }
0x3ed: {  	s10 =	sadd.s32 $0x1, s2;
	s2 =	sld [smem:$0x7E9];
	_ =	sdelay $0x2  }
0x3ee: {  	p0 =	sne.s32 s10, s2  }
.Ltmp7:
0x3ef: {  	_ = 	snop;
	(pc) =	sbr.rel @p0 .LBB2_1-.Ltmp7, $3  }
0x3f0: {  	_ =	sdelay $0x1  }
0x3f1: {  	[sflag:s28] =	ssyncset.done $0x0  }
0x3f2: {  	[sflag:s28] =	ssyncadd.s32 $0xFFFFF000  }
0x3f3: {  	_ =	sfence.sel $0x180000  }
0x3f4: {  	[bflag:$0x0] =	sbarrier.arrive $0xFFFF  }
0x3f5: {  	_ =	strace $0x90000047  }
0x3f6: {  	s0 =	stileid.u32;
	[bflag:$0x2] =	sbarrier.arrive $0xFFFF  }
0x3f7: {  	p0 =	sne.s32 s0, $0x0;
	s0 =	rddreg [dreg:$0x5]  }
0x3f8: {  	s0 =	sadd.s32 @!p0 $0x100000, s0  }
0x3f9: {  	[sflag:s0] =	ssyncadd.tile.s32 @!p0 $0x1;
	_ =	shalt  }
.Lfunc_end2:
_tile_overlayer_lowered:
.L_overlay_start_2:
0x3fa: {  	(tag) =	ssettag $0x2  }
0x3fb: {  	s0 =	rddreg [dreg:$0x0];
	s2 =	stileid.u32  }
0x3fc: {  	s1 =	rddreg [dreg:$0x1];
	p0 =	sne.s32 s2, $0x0  }
0x3fd: {  	s3 =	rddreg [dreg:$0x2];
	[bflag:$0x3] =	sbarrier.arrive $0xFFFF;
	s2 =	simm.s32 @!p0 $0x1C08  }
0x3fe: {  	[timem:s3], [sflag:s2] =	dma.local @!p0 [hbm:s0], s1  }
0x3ff: {  	s0 =	simm.s32 @!p0 $0x8  }
0x400: {  	_ =	swait.ge @!p0 [sflag:s0], s1  }
0x401: {  	s1 =	ssub.s32 @!p0 $0x0, s1;
	[sflag:s0] =	ssyncset.done @!p0 $0x0  }
0x402: {  	[sflag:s0] =	ssyncadd.s32 @!p0 s1  }
0x403: {  	[bflag:$0x3] =	sbarrier.arrive $0xFFFF  }
0x404: {  	_ =	shalt  }

</sc_bundles>
